<compile_context>
chip_gen: v7x
topology: tpu7x:2x2x1
jax: 0.10.2.dev20260603
libtpu: 0.0.44.dev20260713+nightly
codegen_flags: <defaults>
</compile_context>

<pallas_src>
import functools

import jax
import jax.numpy as jnp
from jax import lax
from jax.experimental import pallas as pl
from jax.experimental.pallas import tpu as pltpu
from jax.experimental.pallas import tpu_sc as plsc

N = 10000
E = 320000
BB = 80
RPT = 632
RPT_LAST = N - 15 * RPT

_f32 = jnp.float32



def _k1_body(x_ref, w_ref, p64_ref, ts_ref, td_ref, init_ref, m_ref):
    y = jnp.dot(x_ref[...], w_ref[...], preferred_element_type=_f32)
    h1 = y[:, :64]
    a_s = y[:, 64:72]
    a_d = y[:, 72:80]
    m = jnp.maximum(jnp.max(a_s, axis=0) + jnp.max(a_d, axis=0), 0.0)
    p64 = p64_ref[...]
    v = a_s + a_d
    ex = jnp.exp(jnp.maximum(v, 0.2 * v) - m[None, :])
    exx = jnp.dot(ex, p64, preferred_element_type=_f32)
    adx = jnp.dot(a_d, p64, preferred_element_type=_f32)
    init = jnp.concatenate([h1 * exx, exx], axis=1)
    ts_ref[...] = jnp.concatenate(
        [h1, jnp.dot(a_s, p64, preferred_element_type=_f32)], axis=1)
    td_ref[...] = jnp.concatenate([adx, adx], axis=1)
    init_ref[...] = jnp.concatenate([init, jnp.zeros_like(init)], axis=0)
    mx = jnp.dot(m.reshape(1, 8), p64, preferred_element_type=_f32)
    m_ref[...] = jnp.concatenate([mx, mx], axis=1)


def _k3a_body(acc_ref, b1_ref, w2_ref, t1_ref, p128_ref,
              h2_ref, aa_ref, m8_ref, m_ref):
    a = acc_ref[...]
    acc = a[:N] + a[N:]
    num = acc[:, :64]
    den = jnp.dot(acc[:, 64:128], t1_ref[...], preferred_element_type=_f32)
    o1 = num / (den + 1e-16) + b1_ref[...]
    h = jnp.where(o1 > 0, o1, jnp.exp(jnp.minimum(o1, 0.0)) - 1.0)
    y = jnp.dot(h, w2_ref[...], preferred_element_type=_f32)
    a_s = y[:, 128:136]
    a_d = y[:, 136:144]
    m = jnp.maximum(jnp.max(a_s, axis=0) + jnp.max(a_d, axis=0), 0.0)
    h2_ref[...] = y[:, :128]
    aa_ref[...] = jnp.concatenate([a_s, a_d], axis=1)
    m8_ref[...] = m.reshape(1, 8)
    m_ref[...] = jnp.dot(m.reshape(1, 8), p128_ref[...],
                         preferred_element_type=_f32)


_K3B_R = 2000


def _k3b_body(h2_ref, aa_ref, m8_ref, p128_ref, ts_ref, td_ref, init_ref):
    half_hi = pl.program_id(0) >= 5
    h2 = h2_ref[...]
    a_s = aa_ref[:, :8]
    a_d = aa_ref[:, 8:]
    p128 = p128_ref[...]
    v = a_s + a_d
    ex = jnp.exp(jnp.maximum(v, 0.2 * v) - m8_ref[...])
    exx = jnp.dot(ex, p128, preferred_element_type=_f32)
    asx = jnp.dot(a_s, p128, preferred_element_type=_f32)
    adx = jnp.dot(a_d, p128, preferred_element_type=_f32)
    hexx = h2 * exx

    def pick(z):
        return jnp.where(half_hi, z[:, 64:], z[:, :64])
    ts_ref[...] = jnp.concatenate([pick(h2), pick(asx)], axis=1)
    td_ref[...] = jnp.concatenate([pick(adx), pick(adx)], axis=1)
    init_ref[...] = jnp.concatenate([pick(hexx), pick(exx)], axis=1)


def _k5_body(acc_ref, b2_ref, q_ref, o_ref):
    a = acc_ref[...]
    lo = a[:N]
    hi = a[N:]
    o = jnp.concatenate([lo[:, :64] / (lo[:, 64:] + 1e-16),
                         hi[:, :64] / (hi[:, 64:] + 1e-16)], axis=1)
    o = jnp.dot(o, q_ref[...], preferred_element_type=_f32) * 0.125 + b2_ref[...]
    mx = jnp.max(o, axis=1, keepdims=True)
    e = o - mx
    lse = jnp.log(jnp.sum(jnp.exp(e), axis=1, keepdims=True))
    o_ref[...] = e - lse


def _tc_call(body, out_shapes, *args):
    return pl.pallas_call(
        body,
        out_shape=[jax.ShapeDtypeStruct(s, _f32) for s in out_shapes],
    )(*args)



def _edge_body(split, ts_hbm, td_hbm, eint_hbm, init_hbm,
               m_hbm, out_hbm,
               iraw0, iraw1, igs0, igd0, isc0, igs1, igd1, isc1,
               sb0, db0, sb1, db1, mbuf, acc,
               si0, si1, sg0, sg1):
    cid = lax.axis_index("c")
    sid = lax.axis_index("s")
    r0 = sid * RPT
    if split:
        ept = E // 16
        tbl_off = cid * N
        cb = sid * (ept // BB)
    else:
        ept = E // 32
        tbl_off = None
        cb = (cid * 16 + sid) * (ept // BB)
    nchunk = ept // BB

    @pl.when(sid != 15)
    def _():
        pltpu.sync_copy(init_hbm.at[pl.ds(cid * N + r0, RPT)],
                        acc.at[pl.ds(r0, RPT)])

    @pl.when(sid == 15)
    def _():
        pltpu.sync_copy(init_hbm.at[pl.ds(cid * N + r0, RPT_LAST)],
                        acc.at[pl.ds(r0, RPT_LAST)])

    plsc.subcore_barrier()

    pltpu.sync_copy(m_hbm.at[pl.ds(cid * 64, 64)], mbuf)
    mvec = [mbuf[pl.ds(16 * j, 16)] for j in range(4)]

    def idx_slice(i):
        return eint_hbm.at[pl.ds((cb + i) * (2 * BB), 2 * BB)]

    def build(iraw, igs, igd, isc):
        for g in range(BB // 16):
            so = pl.ds(16 * g, 16)
            s = iraw[so]
            d = iraw[pl.ds(BB + 16 * g, 16)]
            isc[so] = d
            if tbl_off is None:
                igs[so] = s
                igd[so] = d
            else:
                igs[so] = s + tbl_off
                igd[so] = d + tbl_off

    def start_gathers(igs, igd, sb, db, sg):
        pltpu.async_copy(ts_hbm.at[igs], sb, sg)
        pltpu.async_copy(td_hbm.at[igd], db, sg)

    def wait_gathers(igs, igd, sb, db, sg):
        pltpu.make_async_copy(ts_hbm.at[igs], sb, sg).wait()
        pltpu.make_async_copy(td_hbm.at[igd], db, sg).wait()

    def compute(sb, db):
        def quad(p, c):
            for u in range(4):
                b = 4 * p + u
                for j in range(4):
                    v = sb[b, pl.ds(64 + 16 * j, 16)] + db[b, pl.ds(16 * j, 16)]
                    e = jnp.exp(jnp.maximum(v, 0.2 * v) - mvec[j])
                    sb[b, pl.ds(64 + 16 * j, 16)] = e
                    sb[b, pl.ds(16 * j, 16)] = sb[b, pl.ds(16 * j, 16)] * e
            return c
        lax.fori_loop(0, BB // 4, quad, 0)

    buf0 = (iraw0, igs0, igd0, isc0, sb0, db0, si0, sg0)
    buf1 = (iraw1, igs1, igd1, isc1, sb1, db1, si1, sg1)

    def body(i, cur, nxt):
        iraw_c, igs_c, igd_c, isc_c, sb_c, db_c, si_c, sg_c = cur
        iraw_n, igs_n, igd_n, isc_n, sb_n, db_n, si_n, sg_n = nxt

        @pl.when(i + 1 < nchunk)
        def _():
            pltpu.make_async_copy(idx_slice(i + 1), iraw_n, si_n).wait()
            build(iraw_n, igs_n, igd_n, isc_n)

            @pl.when(i + 2 < nchunk)
            def _():
                pltpu.async_copy(idx_slice(i + 2), iraw_c, si_c)
            start_gathers(igs_n, igd_n, sb_n, db_n, sg_n)
        wait_gathers(igs_c, igd_c, sb_c, db_c, sg_c)
        compute(sb_c, db_c)
        pltpu.sync_copy(sb_c, acc.at[isc_c], add=True)

    pltpu.sync_copy(idx_slice(0), iraw0)
    build(iraw0, igs0, igd0, isc0)
    pltpu.async_copy(idx_slice(1), iraw1, si1)
    start_gathers(igs0, igd0, sb0, db0, sg0)

    def pairs(p, c):
        body(2 * p, buf0, buf1)
        body(2 * p + 1, buf1, buf0)
        return c
    lax.fori_loop(0, nchunk // 2, pairs, 0)
    if nchunk % 2 == 1:
        body(jnp.int32(nchunk - 1), buf0, buf1)

    plsc.subcore_barrier()

    @pl.when(sid != 15)
    def _():
        pltpu.sync_copy(acc.at[pl.ds(r0, RPT)],
                        out_hbm.at[pl.ds(cid * N + r0, RPT)])

    @pl.when(sid == 15)
    def _():
        pltpu.sync_copy(acc.at[pl.ds(r0, RPT_LAST)],
                        out_hbm.at[pl.ds(cid * N + r0, RPT_LAST)])


def _edge_layer(split, ts, td, eint, init, m):
    mesh = plsc.VectorSubcoreMesh(core_axis_name="c", subcore_axis_name="s")
    kern = functools.partial(
        pl.kernel,
        out_type=jax.ShapeDtypeStruct((2 * N, 128), _f32),
        mesh=mesh,
        scratch_types=[
            pltpu.VMEM((2 * BB,), jnp.int32),
            pltpu.VMEM((2 * BB,), jnp.int32),
            pltpu.VMEM((BB,), jnp.int32),
            pltpu.VMEM((BB,), jnp.int32),
            pltpu.VMEM((BB,), jnp.int32),
            pltpu.VMEM((BB,), jnp.int32),
            pltpu.VMEM((BB,), jnp.int32),
            pltpu.VMEM((BB,), jnp.int32),
            pltpu.VMEM((BB, 128), _f32),
            pltpu.VMEM((BB, 128), _f32),
            pltpu.VMEM((BB, 128), _f32),
            pltpu.VMEM((BB, 128), _f32),
            pltpu.VMEM((64,), _f32),
            pltpu.VMEM_SHARED((N, 128), _f32),
            pltpu.SemaphoreType.DMA,
            pltpu.SemaphoreType.DMA,
            pltpu.SemaphoreType.DMA,
            pltpu.SemaphoreType.DMA,
        ],
    )(functools.partial(_edge_body, split))
    return kern(ts, td, eint, init, m)



def kernel(x, edge_index, W1, att_src1, att_dst1, b1, W2, att_src2, att_dst2, b2):
    ws1 = jnp.einsum("dhc,hc->dh", W1.reshape(128, 8, 8), att_src1)
    wd1 = jnp.einsum("dhc,hc->dh", W1.reshape(128, 8, 8), att_dst1)
    ws2 = jnp.einsum("dhc,hc->dh", W2.reshape(64, 8, 16), att_src2)
    wd2 = jnp.einsum("dhc,hc->dh", W2.reshape(64, 8, 16), att_dst2)
    wcat1 = jnp.concatenate([W1, ws1, wd1], axis=1)
    wcat2 = jnp.concatenate([W2, ws2, wd2], axis=1)
    p64 = jnp.repeat(jnp.eye(8, dtype=_f32), 8, axis=1)
    p128 = jnp.repeat(jnp.eye(8, dtype=_f32), 16, axis=1)
    t1 = jnp.kron(jnp.eye(8, dtype=_f32), jnp.full((8, 8), 0.125, _f32))
    q = jnp.tile(jnp.eye(16, dtype=_f32), (8, 1))
    eint = jnp.concatenate(
        [edge_index[0].reshape(-1, BB), edge_index[1].reshape(-1, BB)],
        axis=1).reshape(-1)

    ts1, td1, init1, m1 = _tc_call(
        _k1_body, [(N, 128), (N, 128), (2 * N, 128), (1, 128)],
        x, wcat1, p64)
    acc1 = _edge_layer(False, ts1, td1, eint, init1, m1.reshape(128))

    h2, aa2, m8, m2 = _tc_call(
        _k3a_body, [(N, 128), (N, 16), (1, 8), (1, 128)],
        acc1, b1.reshape(1, 64), wcat2, t1, p128)
    r = _K3B_R
    ts2, td2, init2 = pl.pallas_call(
        _k3b_body,
        grid=(10,),
        in_specs=[
            pl.BlockSpec((r, 128), lambda i: (i % 5, 0)),
            pl.BlockSpec((r, 16), lambda i: (i % 5, 0)),
            pl.BlockSpec((1, 8), lambda i: (0, 0)),
            pl.BlockSpec((8, 128), lambda i: (0, 0)),
        ],
        out_specs=[
            pl.BlockSpec((r, 128), lambda i: (i, 0)),
            pl.BlockSpec((r, 128), lambda i: (i, 0)),
            pl.BlockSpec((r, 128), lambda i: (i, 0)),
        ],
        out_shape=[jax.ShapeDtypeStruct((2 * N, 128), _f32)] * 3,
    )(h2, aa2, m8, p128)
    acc2 = _edge_layer(True, ts2, td2, eint, init2, m2.reshape(128))

    (out,) = _tc_call(_k5_body, [(N, 16)], acc2, b2.reshape(1, 16), q)
    return out

# --- scband reference (transcript-rebuilt; emitter-appended) ---
"""Pipeline reference for scband-sc-gat4multitasking-40106404610233 (READ-ONLY COPY).

The authoritative reference and input builder live on the scoring server;
editing this copy changes nothing except your own understanding.
"""

import jax, jax.numpy as jnp
import numpy as np

N = 10000
E = 320000
DIN = 128
DOUT = 16


def setup_inputs(seed: int = 0) -> dict:
    key = jax.random.key(seed)
    ks = jax.random.split(key, 12)
    x = jax.random.normal(ks[0], (N, DIN), dtype=jnp.float32)
    edge_index = jax.random.randint(ks[1], (2, E), 0, N, dtype=jnp.int32)
    # gat1: in=128, heads=8, out_per_head=8, concat=True -> 64
    W1 = jax.random.normal(ks[2], (DIN, 64), dtype=jnp.float32) * 0.1
    att_src1 = jax.random.normal(ks[3], (8, 8), dtype=jnp.float32) * 0.1
    att_dst1 = jax.random.normal(ks[4], (8, 8), dtype=jnp.float32) * 0.1
    b1 = jnp.zeros((64,), dtype=jnp.float32)
    # gat2: in=64, heads=8, out_per_head=16, concat=False (mean) -> 16
    W2 = jax.random.normal(ks[5], (64, 8 * DOUT), dtype=jnp.float32) * 0.1
    att_src2 = jax.random.normal(ks[6], (8, DOUT), dtype=jnp.float32) * 0.1
    att_dst2 = jax.random.normal(ks[7], (8, DOUT), dtype=jnp.float32) * 0.1
    b2 = jnp.zeros((DOUT,), dtype=jnp.float32)
    return {"x": x, "edge_index": edge_index, "W1": W1, "att_src1": att_src1,
            "att_dst1": att_dst1, "b1": b1, "W2": W2, "att_src2": att_src2,
            "att_dst2": att_dst2, "b2": b2}


def gat_layer(x, edge_index, W, a_s, a_d, b, H, C, concat, slope=0.2):
    n = x.shape[0]
    sl = jnp.arange(n, dtype=edge_index.dtype)
    src = jnp.concatenate([edge_index[0], sl])  # add self-loops (PyG default)
    dst = jnp.concatenate([edge_index[1], sl])
    h = (x @ W).reshape(n, H, C)
    a_src = (h * a_s[None]).sum(-1)  # [N, H]
    a_dst = (h * a_d[None]).sum(-1)  # [N, H]
    alpha = jax.nn.leaky_relu(a_src[src] + a_dst[dst], slope)  # [E', H]
    amax = jax.ops.segment_max(alpha, dst, num_segments=n)
    ex = jnp.exp(alpha - amax[dst])
    den = jax.ops.segment_sum(ex, dst, num_segments=n)
    coef = ex / (den[dst] + 1e-16)
    out = jax.ops.segment_sum(h[src] * coef[:, :, None], dst, num_segments=n)  # [N,H,C]
    out = out.reshape(n, H * C) if concat else out.mean(axis=1)
    return out + b


def reference(x, edge_index, W1, att_src1, att_dst1, b1, W2, att_src2, att_dst2, b2):
    h = gat_layer(x, edge_index, W1, att_src1, att_dst1, b1, H=8, C=8, concat=True)
    h = jax.nn.elu(h)
    o = gat_layer(h, edge_index, W2, att_src2, att_dst2, b2, H=8, C=DOUT, concat=False)
    return jax.nn.log_softmax(o, axis=1)

if __name__ == "__main__":
    import jax
    _d = setup_inputs()
    print(jax.jit(kernel)(*tuple(_d.values())))

</pallas_src>

<mosaic_0001>
#map = affine_map<(d0, d1) -> (0, 0)>
#map1 = affine_map<(d0, d1) -> (0)>
module attributes {stable_mosaic.version = 14 : i64} {
  func.func @_edge_body(%arg0: i32, %arg1: i32, %arg2: memref<10000x128xf32, #tpu.memory_space<hbm>>, %arg3: memref<10000x128xf32, #tpu.memory_space<hbm>>, %arg4: memref<640000xi32, #tpu.memory_space<hbm>>, %arg5: memref<20000x128xf32, #tpu.memory_space<hbm>>, %arg6: memref<128xf32, #tpu.memory_space<hbm>>, %arg7: memref<20000x128xf32, #tpu.memory_space<hbm>>, %arg8: memref<160xi32, #tpu.memory_space<vmem>>, %arg9: memref<160xi32, #tpu.memory_space<vmem>>, %arg10: memref<80xi32, #tpu.memory_space<vmem>>, %arg11: memref<80xi32, #tpu.memory_space<vmem>>, %arg12: memref<80xi32, #tpu.memory_space<vmem>>, %arg13: memref<80xi32, #tpu.memory_space<vmem>>, %arg14: memref<80xi32, #tpu.memory_space<vmem>>, %arg15: memref<80xi32, #tpu.memory_space<vmem>>, %arg16: memref<80x128xf32, #tpu.memory_space<vmem>>, %arg17: memref<80x128xf32, #tpu.memory_space<vmem>>, %arg18: memref<80x128xf32, #tpu.memory_space<vmem>>, %arg19: memref<80x128xf32, #tpu.memory_space<vmem>>, %arg20: memref<64xf32, #tpu.memory_space<vmem>>, %arg21: memref<10000x128xf32, #tpu.memory_space<vmem_shared>>, %arg22: memref<!tpu.dma_semaphore, #tpu.memory_space<semaphore_mem>>, %arg23: memref<!tpu.dma_semaphore, #tpu.memory_space<semaphore_mem>>, %arg24: memref<!tpu.dma_semaphore, #tpu.memory_space<semaphore_mem>>, %arg25: memref<!tpu.dma_semaphore, #tpu.memory_space<semaphore_mem>>) attributes {dimension_semantics = [#tpu.dimension_semantics<core_parallel>, #tpu.dimension_semantics<subcore_parallel>], iteration_bounds = array<i64: 2, 16>, scalar_prefetch = 0 : i64, scratch_operands = 18 : i64, tpu.core_type = #tpu.core_type<sc_vector_subcore>, window_params = [{transform_indices = #map}, {transform_indices = #map}, {transform_indices = #map1}, {transform_indices = #map}, {transform_indices = #map1}, {transform_indices = #map}]} {
    %mul3A = arith.constant 632 : i32
    %mul3A_0 = arith.muli %arg1, %mul3A : i32
    %mul3A_1 = arith.constant 16 : i32
    %mul3A_2 = arith.muli %arg0, %mul3A_1 : i32
    %add3A = arith.addi %mul3A_2, %arg1 : i32
    %mul3A_3 = arith.constant 125 : i32
    %mul3A_4 = arith.muli %add3A, %mul3A_3 : i32
    %ne3A = arith.constant 15 : i32
    %ne3A_5 = arith.cmpi ne, %arg1, %ne3A : i32
    %convert_element_type3A = arith.extui %ne3A_5 : i1 to i32
    %cond3A = arith.constant 0 : i32
    %cond3A_6 = arith.cmpi ne, %convert_element_type3A, %cond3A : i32
    scf.if %cond3A_6 {
      %mul3A_163 = arith.constant 10000 : i32
      %mul3A_164 = arith.muli %arg0, %mul3A_163 : i32
      %add3A_165 = arith.addi %mul3A_164, %mul3A_0 : i32
      "tpu.region"() ({
        %run_scoped3A = tpu.sem_alloc : memref<!tpu.dma_semaphore, #tpu.memory_space<semaphore_mem>>
        %dma_start3A_166 = arith.constant 0 : i32
        %dma_start3A_167 = tpu.memref_slice %arg21[%mul3A_0, %dma_start3A_166] : memref<10000x128xf32, #tpu.memory_space<vmem_shared>> -> memref<632x128xf32, #tpu.memory_space<vmem_shared>>
        %dma_start3A_168 = arith.constant 0 : i32
        %dma_start3A_169 = tpu.memref_slice %arg5[%add3A_165, %dma_start3A_168] : memref<20000x128xf32, #tpu.memory_space<hbm>> -> memref<632x128xf32, #tpu.memory_space<hbm>>
        tpu.enqueue_dma source(%dma_start3A_169 : memref<632x128xf32, #tpu.memory_space<hbm>>) target(%dma_start3A_167 : memref<632x128xf32, #tpu.memory_space<vmem_shared>>) target_semaphore(%run_scoped3A : memref<!tpu.dma_semaphore, #tpu.memory_space<semaphore_mem>>)
        %dma_wait3A_170 = arith.constant 0 : i32
        %dma_wait3A_171 = tpu.memref_slice %arg21[%mul3A_0, %dma_wait3A_170] : memref<10000x128xf32, #tpu.memory_space<vmem_shared>> -> memref<632x128xf32, #tpu.memory_space<vmem_shared>>
        %dma_wait3A_172 = arith.constant 0 : i32
        %dma_wait3A_173 = tpu.memref_slice %arg5[%add3A_165, %dma_wait3A_172] : memref<20000x128xf32, #tpu.memory_space<hbm>> -> memref<632x128xf32, #tpu.memory_space<hbm>>
        tpu.wait_dma2 semaphore(%run_scoped3A : memref<!tpu.dma_semaphore, #tpu.memory_space<semaphore_mem>>) src(%dma_wait3A_173 : memref<632x128xf32, #tpu.memory_space<hbm>>) dst(%dma_wait3A_171 : memref<632x128xf32, #tpu.memory_space<vmem_shared>>)
        tpu.yield
      }) : () -> ()
    } else {
    }
    %eq3A = arith.constant 15 : i32
    %eq3A_7 = arith.cmpi eq, %arg1, %eq3A : i32
    %convert_element_type3A_8 = arith.extui %eq3A_7 : i1 to i32
    %cond3A_9 = arith.constant 0 : i32
    %cond3A_10 = arith.cmpi ne, %convert_element_type3A_8, %cond3A_9 : i32
    scf.if %cond3A_10 {
      %mul3A_163 = arith.constant 10000 : i32
      %mul3A_164 = arith.muli %arg0, %mul3A_163 : i32
      %add3A_165 = arith.addi %mul3A_164, %mul3A_0 : i32
      "tpu.region"() ({
        %run_scoped3A = tpu.sem_alloc : memref<!tpu.dma_semaphore, #tpu.memory_space<semaphore_mem>>
        %dma_start3A_166 = arith.constant 0 : i32
        %dma_start3A_167 = tpu.memref_slice %arg21[%mul3A_0, %dma_start3A_166] : memref<10000x128xf32, #tpu.memory_space<vmem_shared>> -> memref<520x128xf32, #tpu.memory_space<vmem_shared>>
        %dma_start3A_168 = arith.constant 0 : i32
        %dma_start3A_169 = tpu.memref_slice %arg5[%add3A_165, %dma_start3A_168] : memref<20000x128xf32, #tpu.memory_space<hbm>> -> memref<520x128xf32, #tpu.memory_space<hbm>>
        tpu.enqueue_dma source(%dma_start3A_169 : memref<520x128xf32, #tpu.memory_space<hbm>>) target(%dma_start3A_167 : memref<520x128xf32, #tpu.memory_space<vmem_shared>>) target_semaphore(%run_scoped3A : memref<!tpu.dma_semaphore, #tpu.memory_space<semaphore_mem>>)
        %dma_wait3A_170 = arith.constant 0 : i32
        %dma_wait3A_171 = tpu.memref_slice %arg21[%mul3A_0, %dma_wait3A_170] : memref<10000x128xf32, #tpu.memory_space<vmem_shared>> -> memref<520x128xf32, #tpu.memory_space<vmem_shared>>
        %dma_wait3A_172 = arith.constant 0 : i32
        %dma_wait3A_173 = tpu.memref_slice %arg5[%add3A_165, %dma_wait3A_172] : memref<20000x128xf32, #tpu.memory_space<hbm>> -> memref<520x128xf32, #tpu.memory_space<hbm>>
        tpu.wait_dma2 semaphore(%run_scoped3A : memref<!tpu.dma_semaphore, #tpu.memory_space<semaphore_mem>>) src(%dma_wait3A_173 : memref<520x128xf32, #tpu.memory_space<hbm>>) dst(%dma_wait3A_171 : memref<520x128xf32, #tpu.memory_space<vmem_shared>>)
        tpu.yield
      }) : () -> ()
    } else {
    }
    %barrier3A = arith.constant 0 : index
    tpu.barrier barrier_id(%barrier3A)
    %mul3A_11 = arith.constant 64 : i32
    %mul3A_12 = arith.muli %arg0, %mul3A_11 : i32
    "tpu.region"() ({
      %run_scoped3A = tpu.sem_alloc : memref<!tpu.dma_semaphore, #tpu.memory_space<semaphore_mem>>
      %dma_start3A_163 = tpu.memref_slice %arg6[%mul3A_12] : memref<128xf32, #tpu.memory_space<hbm>> -> memref<64xf32, #tpu.memory_space<hbm>>
      %dma_start3A_164 = tpu.memref_slice %arg6[%mul3A_12] : memref<128xf32, #tpu.memory_space<hbm>> -> memref<64xf32, #tpu.memory_space<hbm>>
      tpu.enqueue_dma source(%dma_start3A_164 : memref<64xf32, #tpu.memory_space<hbm>>) target(%arg20 : memref<64xf32, #tpu.memory_space<vmem>>) target_semaphore(%run_scoped3A : memref<!tpu.dma_semaphore, #tpu.memory_space<semaphore_mem>>)
      %dma_wait3A_165 = tpu.memref_slice %arg6[%mul3A_12] : memref<128xf32, #tpu.memory_space<hbm>> -> memref<64xf32, #tpu.memory_space<hbm>>
      %dma_wait3A_166 = tpu.memref_slice %arg6[%mul3A_12] : memref<128xf32, #tpu.memory_space<hbm>> -> memref<64xf32, #tpu.memory_space<hbm>>
      tpu.wait_dma2 semaphore(%run_scoped3A : memref<!tpu.dma_semaphore, #tpu.memory_space<semaphore_mem>>) src(%dma_wait3A_166 : memref<64xf32, #tpu.memory_space<hbm>>) dst(%arg20 : memref<64xf32, #tpu.memory_space<vmem>>)
      tpu.yield
    }) : () -> ()
    %get3A = arith.constant 0 : index
    %get3A_13 = tpu.vector_load %arg20[%get3A] {strides = array<i32>} : memref<64xf32, #tpu.memory_space<vmem>>, vector<16xf32>,
    %get3A_14 = vector.shape_cast %get3A_13 : vector<16xf32> to vector<16xf32>
    %get3A_15 = arith.constant 16 : index
    %get3A_16 = tpu.vector_load %arg20[%get3A_15] {strides = array<i32>} : memref<64xf32, #tpu.memory_space<vmem>>, vector<16xf32>,
    %get3A_17 = vector.shape_cast %get3A_16 : vector<16xf32> to vector<16xf32>
    %get3A_18 = arith.constant 32 : index
    %get3A_19 = tpu.vector_load %arg20[%get3A_18] {strides = array<i32>} : memref<64xf32, #tpu.memory_space<vmem>>, vector<16xf32>,
    %get3A_20 = vector.shape_cast %get3A_19 : vector<16xf32> to vector<16xf32>
    %get3A_21 = arith.constant 48 : index
    %get3A_22 = tpu.vector_load %arg20[%get3A_21] {strides = array<i32>} : memref<64xf32, #tpu.memory_space<vmem>>, vector<16xf32>,
    %get3A_23 = vector.shape_cast %get3A_22 : vector<16xf32> to vector<16xf32>
    %add3A_24 = arith.constant 0 : i32
    %add3A_25 = arith.addi %mul3A_4, %add3A_24 : i32
    %mul3A_26 = arith.constant 160 : i32
    %mul3A_27 = arith.muli %add3A_25, %mul3A_26 : i32
    "tpu.region"() ({
      %run_scoped3A = tpu.sem_alloc : memref<!tpu.dma_semaphore, #tpu.memory_space<semaphore_mem>>
      %dma_start3A_163 = tpu.memref_slice %arg4[%mul3A_27] : memref<640000xi32, #tpu.memory_space<hbm>> -> memref<160xi32, #tpu.memory_space<hbm>>
      %dma_start3A_164 = tpu.memref_slice %arg4[%mul3A_27] : memref<640000xi32, #tpu.memory_space<hbm>> -> memref<160xi32, #tpu.memory_space<hbm>>
      tpu.enqueue_dma source(%dma_start3A_164 : memref<160xi32, #tpu.memory_space<hbm>>) target(%arg8 : memref<160xi32, #tpu.memory_space<vmem>>) target_semaphore(%run_scoped3A : memref<!tpu.dma_semaphore, #tpu.memory_space<semaphore_mem>>)
      %dma_wait3A_165 = tpu.memref_slice %arg4[%mul3A_27] : memref<640000xi32, #tpu.memory_space<hbm>> -> memref<160xi32, #tpu.memory_space<hbm>>
      %dma_wait3A_166 = tpu.memref_slice %arg4[%mul3A_27] : memref<640000xi32, #tpu.memory_space<hbm>> -> memref<160xi32, #tpu.memory_space<hbm>>
      tpu.wait_dma2 semaphore(%run_scoped3A : memref<!tpu.dma_semaphore, #tpu.memory_space<semaphore_mem>>) src(%dma_wait3A_166 : memref<160xi32, #tpu.memory_space<hbm>>) dst(%arg8 : memref<160xi32, #tpu.memory_space<vmem>>)
      tpu.yield
    }) : () -> ()
    %get3A_28 = arith.constant 0 : index
    %get3A_29 = tpu.vector_load %arg8[%get3A_28] {strides = array<i32>} : memref<160xi32, #tpu.memory_space<vmem>>, vector<16xi32>,
    %get3A_30 = vector.shape_cast %get3A_29 : vector<16xi32> to vector<16xi32>
    %get3A_31 = arith.constant 80 : index
    %get3A_32 = tpu.vector_load %arg8[%get3A_31] {strides = array<i32>} : memref<160xi32, #tpu.memory_space<vmem>>, vector<16xi32>,
    %get3A_33 = vector.shape_cast %get3A_32 : vector<16xi32> to vector<16xi32>
    %swap3A = arith.constant 0 : index
    %swap3A_34 = tpu.vector_load %arg12[%swap3A] {strides = array<i32>} : memref<80xi32, #tpu.memory_space<vmem>>, vector<16xi32>,
    %swap3A_35 = vector.shape_cast %swap3A_34 : vector<16xi32> to vector<16xi32>
    %swap3A_36 = vector.shape_cast %get3A_33 : vector<16xi32> to vector<16xi32>
    tpu.vector_store %arg12[%swap3A], %swap3A_36 {strides = array<i32>} : memref<80xi32, #tpu.memory_space<vmem>>, vector<16xi32>,
    %swap3A_37 = arith.constant 0 : index
    %swap3A_38 = tpu.vector_load %arg10[%swap3A_37] {strides = array<i32>} : memref<80xi32, #tpu.memory_space<vmem>>, vector<16xi32>,
    %swap3A_39 = vector.shape_cast %swap3A_38 : vector<16xi32> to vector<16xi32>
    %swap3A_40 = vector.shape_cast %get3A_30 : vector<16xi32> to vector<16xi32>
    tpu.vector_store %arg10[%swap3A_37], %swap3A_40 {strides = array<i32>} : memref<80xi32, #tpu.memory_space<vmem>>, vector<16xi32>,
    %swap3A_41 = arith.constant 0 : index
    %swap3A_42 = tpu.vector_load %arg11[%swap3A_41] {strides = array<i32>} : memref<80xi32, #tpu.memory_space<vmem>>, vector<16xi32>,
    %swap3A_43 = vector.shape_cast %swap3A_42 : vector<16xi32> to vector<16xi32>
    %swap3A_44 = vector.shape_cast %get3A_33 : vector<16xi32> to vector<16xi32>
    tpu.vector_store %arg11[%swap3A_41], %swap3A_44 {strides = array<i32>} : memref<80xi32, #tpu.memory_space<vmem>>, vector<16xi32>,
    %get3A_45 = arith.constant 16 : index
    %get3A_46 = tpu.vector_load %arg8[%get3A_45] {strides = array<i32>} : memref<160xi32, #tpu.memory_space<vmem>>, vector<16xi32>,
    %get3A_47 = vector.shape_cast %get3A_46 : vector<16xi32> to vector<16xi32>
    %get3A_48 = arith.constant 96 : index
    %get3A_49 = tpu.vector_load %arg8[%get3A_48] {strides = array<i32>} : memref<160xi32, #tpu.memory_space<vmem>>, vector<16xi32>,
    %get3A_50 = vector.shape_cast %get3A_49 : vector<16xi32> to vector<16xi32>
    %swap3A_51 = arith.constant 16 : index
    %swap3A_52 = tpu.vector_load %arg12[%swap3A_51] {strides = array<i32>} : memref<80xi32, #tpu.memory_space<vmem>>, vector<16xi32>,
    %swap3A_53 = vector.shape_cast %swap3A_52 : vector<16xi32> to vector<16xi32>
    %swap3A_54 = vector.shape_cast %get3A_50 : vector<16xi32> to vector<16xi32>
    tpu.vector_store %arg12[%swap3A_51], %swap3A_54 {strides = array<i32>} : memref<80xi32, #tpu.memory_space<vmem>>, vector<16xi32>,
    %swap3A_55 = arith.constant 16 : index
    %swap3A_56 = tpu.vector_load %arg10[%swap3A_55] {strides = array<i32>} : memref<80xi32, #tpu.memory_space<vmem>>, vector<16xi32>,
    %swap3A_57 = vector.shape_cast %swap3A_56 : vector<16xi32> to vector<16xi32>
    %swap3A_58 = vector.shape_cast %get3A_47 : vector<16xi32> to vector<16xi32>
    tpu.vector_store %arg10[%swap3A_55], %swap3A_58 {strides = array<i32>} : memref<80xi32, #tpu.memory_space<vmem>>, vector<16xi32>,
    %swap3A_59 = arith.constant 16 : index
    %swap3A_60 = tpu.vector_load %arg11[%swap3A_59] {strides = array<i32>} : memref<80xi32, #tpu.memory_space<vmem>>, vector<16xi32>,
    %swap3A_61 = vector.shape_cast %swap3A_60 : vector<16xi32> to vector<16xi32>
    %swap3A_62 = vector.shape_cast %get3A_50 : vector<16xi32> to vector<16xi32>
    tpu.vector_store %arg11[%swap3A_59], %swap3A_62 {strides = array<i32>} : memref<80xi32, #tpu.memory_space<vmem>>, vector<16xi32>,
    %get3A_63 = arith.constant 32 : index
    %get3A_64 = tpu.vector_load %arg8[%get3A_63] {strides = array<i32>} : memref<160xi32, #tpu.memory_space<vmem>>, vector<16xi32>,
    %get3A_65 = vector.shape_cast %get3A_64 : vector<16xi32> to vector<16xi32>
    %get3A_66 = arith.constant 112 : index
    %get3A_67 = tpu.vector_load %arg8[%get3A_66] {strides = array<i32>} : memref<160xi32, #tpu.memory_space<vmem>>, vector<16xi32>,
    %get3A_68 = vector.shape_cast %get3A_67 : vector<16xi32> to vector<16xi32>
    %swap3A_69 = arith.constant 32 : index
    %swap3A_70 = tpu.vector_load %arg12[%swap3A_69] {strides = array<i32>} : memref<80xi32, #tpu.memory_space<vmem>>, vector<16xi32>,
    %swap3A_71 = vector.shape_cast %swap3A_70 : vector<16xi32> to vector<16xi32>
    %swap3A_72 = vector.shape_cast %get3A_68 : vector<16xi32> to vector<16xi32>
    tpu.vector_store %arg12[%swap3A_69], %swap3A_72 {strides = array<i32>} : memref<80xi32, #tpu.memory_space<vmem>>, vector<16xi32>,
    %swap3A_73 = arith.constant 32 : index
    %swap3A_74 = tpu.vector_load %arg10[%swap3A_73] {strides = array<i32>} : memref<80xi32, #tpu.memory_space<vmem>>, vector<16xi32>,
    %swap3A_75 = vector.shape_cast %swap3A_74 : vector<16xi32> to vector<16xi32>
    %swap3A_76 = vector.shape_cast %get3A_65 : vector<16xi32> to vector<16xi32>
    tpu.vector_store %arg10[%swap3A_73], %swap3A_76 {strides = array<i32>} : memref<80xi32, #tpu.memory_space<vmem>>, vector<16xi32>,
    %swap3A_77 = arith.constant 32 : index
    %swap3A_78 = tpu.vector_load %arg11[%swap3A_77] {strides = array<i32>} : memref<80xi32, #tpu.memory_space<vmem>>, vector<16xi32>,
    %swap3A_79 = vector.shape_cast %swap3A_78 : vector<16xi32> to vector<16xi32>
    %swap3A_80 = vector.shape_cast %get3A_68 : vector<16xi32> to vector<16xi32>
    tpu.vector_store %arg11[%swap3A_77], %swap3A_80 {strides = array<i32>} : memref<80xi32, #tpu.memory_space<vmem>>, vector<16xi32>,
    %get3A_81 = arith.constant 48 : index
    %get3A_82 = tpu.vector_load %arg8[%get3A_81] {strides = array<i32>} : memref<160xi32, #tpu.memory_space<vmem>>, vector<16xi32>,
    %get3A_83 = vector.shape_cast %get3A_82 : vector<16xi32> to vector<16xi32>
    %get3A_84 = arith.constant 128 : index
    %get3A_85 = tpu.vector_load %arg8[%get3A_84] {strides = array<i32>} : memref<160xi32, #tpu.memory_space<vmem>>, vector<16xi32>,
    %get3A_86 = vector.shape_cast %get3A_85 : vector<16xi32> to vector<16xi32>
    %swap3A_87 = arith.constant 48 : index
    %swap3A_88 = tpu.vector_load %arg12[%swap3A_87] {strides = array<i32>} : memref<80xi32, #tpu.memory_space<vmem>>, vector<16xi32>,
    %swap3A_89 = vector.shape_cast %swap3A_88 : vector<16xi32> to vector<16xi32>
    %swap3A_90 = vector.shape_cast %get3A_86 : vector<16xi32> to vector<16xi32>
    tpu.vector_store %arg12[%swap3A_87], %swap3A_90 {strides = array<i32>} : memref<80xi32, #tpu.memory_space<vmem>>, vector<16xi32>,
    %swap3A_91 = arith.constant 48 : index
    %swap3A_92 = tpu.vector_load %arg10[%swap3A_91] {strides = array<i32>} : memref<80xi32, #tpu.memory_space<vmem>>, vector<16xi32>,
    %swap3A_93 = vector.shape_cast %swap3A_92 : vector<16xi32> to vector<16xi32>
    %swap3A_94 = vector.shape_cast %get3A_83 : vector<16xi32> to vector<16xi32>
    tpu.vector_store %arg10[%swap3A_91], %swap3A_94 {strides = array<i32>} : memref<80xi32, #tpu.memory_space<vmem>>, vector<16xi32>,
    %swap3A_95 = arith.constant 48 : index
    %swap3A_96 = tpu.vector_load %arg11[%swap3A_95] {strides = array<i32>} : memref<80xi32, #tpu.memory_space<vmem>>, vector<16xi32>,
    %swap3A_97 = vector.shape_cast %swap3A_96 : vector<16xi32> to vector<16xi32>
    %swap3A_98 = vector.shape_cast %get3A_86 : vector<16xi32> to vector<16xi32>
    tpu.vector_store %arg11[%swap3A_95], %swap3A_98 {strides = array<i32>} : memref<80xi32, #tpu.memory_space<vmem>>, vector<16xi32>,
    %get3A_99 = arith.constant 64 : index
    %get3A_100 = tpu.vector_load %arg8[%get3A_99] {strides = array<i32>} : memref<160xi32, #tpu.memory_space<vmem>>, vector<16xi32>,
    %get3A_101 = vector.shape_cast %get3A_100 : vector<16xi32> to vector<16xi32>
    %get3A_102 = arith.constant 144 : index
    %get3A_103 = tpu.vector_load %arg8[%get3A_102] {strides = array<i32>} : memref<160xi32, #tpu.memory_space<vmem>>, vector<16xi32>,
    %get3A_104 = vector.shape_cast %get3A_103 : vector<16xi32> to vector<16xi32>
    %swap3A_105 = arith.constant 64 : index
    %swap3A_106 = tpu.vector_load %arg12[%swap3A_105] {strides = array<i32>} : memref<80xi32, #tpu.memory_space<vmem>>, vector<16xi32>,
    %swap3A_107 = vector.shape_cast %swap3A_106 : vector<16xi32> to vector<16xi32>
    %swap3A_108 = vector.shape_cast %get3A_104 : vector<16xi32> to vector<16xi32>
    tpu.vector_store %arg12[%swap3A_105], %swap3A_108 {strides = array<i32>} : memref<80xi32, #tpu.memory_space<vmem>>, vector<16xi32>,
    %swap3A_109 = arith.constant 64 : index
    %swap3A_110 = tpu.vector_load %arg10[%swap3A_109] {strides = array<i32>} : memref<80xi32, #tpu.memory_space<vmem>>, vector<16xi32>,
    %swap3A_111 = vector.shape_cast %swap3A_110 : vector<16xi32> to vector<16xi32>
    %swap3A_112 = vector.shape_cast %get3A_101 : vector<16xi32> to vector<16xi32>
    tpu.vector_store %arg10[%swap3A_109], %swap3A_112 {strides = array<i32>} : memref<80xi32, #tpu.memory_space<vmem>>, vector<16xi32>,
    %swap3A_113 = arith.constant 64 : index
    %swap3A_114 = tpu.vector_load %arg11[%swap3A_113] {strides = array<i32>} : memref<80xi32, #tpu.memory_space<vmem>>, vector<16xi32>,
    %swap3A_115 = vector.shape_cast %swap3A_114 : vector<16xi32> to vector<16xi32>
    %swap3A_116 = vector.shape_cast %get3A_104 : vector<16xi32> to vector<16xi32>
    tpu.vector_store %arg11[%swap3A_113], %swap3A_116 {strides = array<i32>} : memref<80xi32, #tpu.memory_space<vmem>>, vector<16xi32>,
    %add3A_117 = arith.constant 1 : i32
    %add3A_118 = arith.addi %mul3A_4, %add3A_117 : i32
    %mul3A_119 = arith.constant 160 : i32
    %mul3A_120 = arith.muli %add3A_118, %mul3A_119 : i32
    %dma_start3A = tpu.memref_slice %arg4[%mul3A_120] : memref<640000xi32, #tpu.memory_space<hbm>> -> memref<160xi32, #tpu.memory_space<hbm>>
    %dma_start3A_121 = tpu.memref_slice %arg4[%mul3A_120] : memref<640000xi32, #tpu.memory_space<hbm>> -> memref<160xi32, #tpu.memory_space<hbm>>
    tpu.enqueue_dma source(%dma_start3A_121 : memref<160xi32, #tpu.memory_space<hbm>>) target(%arg9 : memref<160xi32, #tpu.memory_space<vmem>>) target_semaphore(%arg23 : memref<!tpu.dma_semaphore, #tpu.memory_space<semaphore_mem>>)
    %dma_start3A_122 = arith.constant 0 : i32
    %dma_start3A_123 = arith.constant 0 : i32
    %dma_start3A_124 = tpu.memref_slice %arg2[%dma_start3A_122, %dma_start3A_123] : memref<10000x128xf32, #tpu.memory_space<hbm>> -> memref<10000x128xf32, #tpu.memory_space<hbm>>
    tpu.enqueue_indirect_dma source(%dma_start3A_124 : memref<10000x128xf32, #tpu.memory_space<hbm>>) target(%arg16 : memref<80x128xf32, #tpu.memory_space<vmem>>) offsets(%arg10 : memref<80xi32, #tpu.memory_space<vmem>>) semaphore(%arg24 : memref<!tpu.dma_semaphore, #tpu.memory_space<semaphore_mem>>)
    %dma_start3A_125 = arith.constant 0 : i32
    %dma_start3A_126 = arith.constant 0 : i32
    %dma_start3A_127 = tpu.memref_slice %arg3[%dma_start3A_125, %dma_start3A_126] : memref<10000x128xf32, #tpu.memory_space<hbm>> -> memref<10000x128xf32, #tpu.memory_space<hbm>>
    tpu.enqueue_indirect_dma source(%dma_start3A_127 : memref<10000x128xf32, #tpu.memory_space<hbm>>) target(%arg17 : memref<80x128xf32, #tpu.memory_space<vmem>>) offsets(%arg11 : memref<80xi32, #tpu.memory_space<vmem>>) semaphore(%arg24 : memref<!tpu.dma_semaphore, #tpu.memory_space<semaphore_mem>>)
    %scan3A = arith.constant 0 : i32
    %scan3A_128 = arith.constant 0 : i32
    %scan3A_129 = arith.constant 62 : i32
    %scan3A_130 = arith.addi %scan3A_128, %scan3A_129 : i32
    %scan3A_131 = arith.constant 1 : i32
    scf.for %scan3A_163 = %scan3A_128 to %scan3A_130 step %scan3A_131  : i32 {
      %mul3A_164 = arith.constant 2 : i32
      %mul3A_165 = arith.muli %mul3A_164, %scan3A_163 : i32
      %add3A_166 = arith.constant 1 : i32
      %add3A_167 = arith.addi %mul3A_165, %add3A_166 : i32
      %lt3A_168 = arith.constant 125 : i32
      %lt3A_169 = arith.cmpi slt, %add3A_167, %lt3A_168 : i32
      %convert_element_type3A_170 = arith.extui %lt3A_169 : i1 to i32
      %cond3A_171 = arith.constant 0 : i32
      %cond3A_172 = arith.cmpi ne, %convert_element_type3A_170, %cond3A_171 : i32
      scf.if %cond3A_172 {
        %add3A_208 = arith.constant 1 : i32
        %add3A_209 = arith.addi %mul3A_165, %add3A_208 : i32
        %add3A_210 = arith.addi %mul3A_4, %add3A_209 : i32
        %mul3A_211 = arith.constant 160 : i32
        %mul3A_212 = arith.muli %add3A_210, %mul3A_211 : i32
        %dma_wait3A_213 = tpu.memref_slice %arg4[%mul3A_212] : memref<640000xi32, #tpu.memory_space<hbm>> -> memref<160xi32, #tpu.memory_space<hbm>>
        %dma_wait3A_214 = tpu.memref_slice %arg4[%mul3A_212] : memref<640000xi32, #tpu.memory_space<hbm>> -> memref<160xi32, #tpu.memory_space<hbm>>
        tpu.wait_dma2 semaphore(%arg23 : memref<!tpu.dma_semaphore, #tpu.memory_space<semaphore_mem>>) src(%dma_wait3A_214 : memref<160xi32, #tpu.memory_space<hbm>>) dst(%arg9 : memref<160xi32, #tpu.memory_space<vmem>>)
        %get3A_215 = arith.constant 0 : index
        %get3A_216 = tpu.vector_load %arg9[%get3A_215] {strides = array<i32>} : memref<160xi32, #tpu.memory_space<vmem>>, vector<16xi32>,
        %get3A_217 = vector.shape_cast %get3A_216 : vector<16xi32> to vector<16xi32>
        %get3A_218 = arith.constant 80 : index
        %get3A_219 = tpu.vector_load %arg9[%get3A_218] {strides = array<i32>} : memref<160xi32, #tpu.memory_space<vmem>>, vector<16xi32>,
        %get3A_220 = vector.shape_cast %get3A_219 : vector<16xi32> to vector<16xi32>
        %swap3A_221 = arith.constant 0 : index
        %swap3A_222 = tpu.vector_load %arg15[%swap3A_221] {strides = array<i32>} : memref<80xi32, #tpu.memory_space<vmem>>, vector<16xi32>,
        %swap3A_223 = vector.shape_cast %swap3A_222 : vector<16xi32> to vector<16xi32>
        %swap3A_224 = vector.shape_cast %get3A_220 : vector<16xi32> to vector<16xi32>
        tpu.vector_store %arg15[%swap3A_221], %swap3A_224 {strides = array<i32>} : memref<80xi32, #tpu.memory_space<vmem>>, vector<16xi32>,
        %swap3A_225 = arith.constant 0 : index
        %swap3A_226 = tpu.vector_load %arg13[%swap3A_225] {strides = array<i32>} : memref<80xi32, #tpu.memory_space<vmem>>, vector<16xi32>,
        %swap3A_227 = vector.shape_cast %swap3A_226 : vector<16xi32> to vector<16xi32>
        %swap3A_228 = vector.shape_cast %get3A_217 : vector<16xi32> to vector<16xi32>
        tpu.vector_store %arg13[%swap3A_225], %swap3A_228 {strides = array<i32>} : memref<80xi32, #tpu.memory_space<vmem>>, vector<16xi32>,
        %swap3A_229 = arith.constant 0 : index
        %swap3A_230 = tpu.vector_load %arg14[%swap3A_229] {strides = array<i32>} : memref<80xi32, #tpu.memory_space<vmem>>, vector<16xi32>,
        %swap3A_231 = vector.shape_cast %swap3A_230 : vector<16xi32> to vector<16xi32>
        %swap3A_232 = vector.shape_cast %get3A_220 : vector<16xi32> to vector<16xi32>
        tpu.vector_store %arg14[%swap3A_229], %swap3A_232 {strides = array<i32>} : memref<80xi32, #tpu.memory_space<vmem>>, vector<16xi32>,
        %get3A_233 = arith.constant 16 : index
        %get3A_234 = tpu.vector_load %arg9[%get3A_233] {strides = array<i32>} : memref<160xi32, #tpu.memory_space<vmem>>, vector<16xi32>,
        %get3A_235 = vector.shape_cast %get3A_234 : vector<16xi32> to vector<16xi32>
        %get3A_236 = arith.constant 96 : index
        %get3A_237 = tpu.vector_load %arg9[%get3A_236] {strides = array<i32>} : memref<160xi32, #tpu.memory_space<vmem>>, vector<16xi32>,
        %get3A_238 = vector.shape_cast %get3A_237 : vector<16xi32> to vector<16xi32>
        %swap3A_239 = arith.constant 16 : index
        %swap3A_240 = tpu.vector_load %arg15[%swap3A_239] {strides = array<i32>} : memref<80xi32, #tpu.memory_space<vmem>>, vector<16xi32>,
        %swap3A_241 = vector.shape_cast %swap3A_240 : vector<16xi32> to vector<16xi32>
        %swap3A_242 = vector.shape_cast %get3A_238 : vector<16xi32> to vector<16xi32>
        tpu.vector_store %arg15[%swap3A_239], %swap3A_242 {strides = array<i32>} : memref<80xi32, #tpu.memory_space<vmem>>, vector<16xi32>,
        %swap3A_243 = arith.constant 16 : index
        %swap3A_244 = tpu.vector_load %arg13[%swap3A_243] {strides = array<i32>} : memref<80xi32, #tpu.memory_space<vmem>>, vector<16xi32>,
        %swap3A_245 = vector.shape_cast %swap3A_244 : vector<16xi32> to vector<16xi32>
        %swap3A_246 = vector.shape_cast %get3A_235 : vector<16xi32> to vector<16xi32>
        tpu.vector_store %arg13[%swap3A_243], %swap3A_246 {strides = array<i32>} : memref<80xi32, #tpu.memory_space<vmem>>, vector<16xi32>,
        %swap3A_247 = arith.constant 16 : index
        %swap3A_248 = tpu.vector_load %arg14[%swap3A_247] {strides = array<i32>} : memref<80xi32, #tpu.memory_space<vmem>>, vector<16xi32>,
        %swap3A_249 = vector.shape_cast %swap3A_248 : vector<16xi32> to vector<16xi32>
        %swap3A_250 = vector.shape_cast %get3A_238 : vector<16xi32> to vector<16xi32>
        tpu.vector_store %arg14[%swap3A_247], %swap3A_250 {strides = array<i32>} : memref<80xi32, #tpu.memory_space<vmem>>, vector<16xi32>,
        %get3A_251 = arith.constant 32 : index
        %get3A_252 = tpu.vector_load %arg9[%get3A_251] {strides = array<i32>} : memref<160xi32, #tpu.memory_space<vmem>>, vector<16xi32>,
        %get3A_253 = vector.shape_cast %get3A_252 : vector<16xi32> to vector<16xi32>
        %get3A_254 = arith.constant 112 : index
        %get3A_255 = tpu.vector_load %arg9[%get3A_254] {strides = array<i32>} : memref<160xi32, #tpu.memory_space<vmem>>, vector<16xi32>,
        %get3A_256 = vector.shape_cast %get3A_255 : vector<16xi32> to vector<16xi32>
        %swap3A_257 = arith.constant 32 : index
        %swap3A_258 = tpu.vector_load %arg15[%swap3A_257] {strides = array<i32>} : memref<80xi32, #tpu.memory_space<vmem>>, vector<16xi32>,
        %swap3A_259 = vector.shape_cast %swap3A_258 : vector<16xi32> to vector<16xi32>
        %swap3A_260 = vector.shape_cast %get3A_256 : vector<16xi32> to vector<16xi32>
        tpu.vector_store %arg15[%swap3A_257], %swap3A_260 {strides = array<i32>} : memref<80xi32, #tpu.memory_space<vmem>>, vector<16xi32>,
        %swap3A_261 = arith.constant 32 : index
        %swap3A_262 = tpu.vector_load %arg13[%swap3A_261] {strides = array<i32>} : memref<80xi32, #tpu.memory_space<vmem>>, vector<16xi32>,
        %swap3A_263 = vector.shape_cast %swap3A_262 : vector<16xi32> to vector<16xi32>
        %swap3A_264 = vector.shape_cast %get3A_253 : vector<16xi32> to vector<16xi32>
        tpu.vector_store %arg13[%swap3A_261], %swap3A_264 {strides = array<i32>} : memref<80xi32, #tpu.memory_space<vmem>>, vector<16xi32>,
        %swap3A_265 = arith.constant 32 : index
        %swap3A_266 = tpu.vector_load %arg14[%swap3A_265] {strides = array<i32>} : memref<80xi32, #tpu.memory_space<vmem>>, vector<16xi32>,
        %swap3A_267 = vector.shape_cast %swap3A_266 : vector<16xi32> to vector<16xi32>
        %swap3A_268 = vector.shape_cast %get3A_256 : vector<16xi32> to vector<16xi32>
        tpu.vector_store %arg14[%swap3A_265], %swap3A_268 {strides = array<i32>} : memref<80xi32, #tpu.memory_space<vmem>>, vector<16xi32>,
        %get3A_269 = arith.constant 48 : index
        %get3A_270 = tpu.vector_load %arg9[%get3A_269] {strides = array<i32>} : memref<160xi32, #tpu.memory_space<vmem>>, vector<16xi32>,
        %get3A_271 = vector.shape_cast %get3A_270 : vector<16xi32> to vector<16xi32>
        %get3A_272 = arith.constant 128 : index
        %get3A_273 = tpu.vector_load %arg9[%get3A_272] {strides = array<i32>} : memref<160xi32, #tpu.memory_space<vmem>>, vector<16xi32>,
        %get3A_274 = vector.shape_cast %get3A_273 : vector<16xi32> to vector<16xi32>
        %swap3A_275 = arith.constant 48 : index
        %swap3A_276 = tpu.vector_load %arg15[%swap3A_275] {strides = array<i32>} : memref<80xi32, #tpu.memory_space<vmem>>, vector<16xi32>,
        %swap3A_277 = vector.shape_cast %swap3A_276 : vector<16xi32> to vector<16xi32>
        %swap3A_278 = vector.shape_cast %get3A_274 : vector<16xi32> to vector<16xi32>
        tpu.vector_store %arg15[%swap3A_275], %swap3A_278 {strides = array<i32>} : memref<80xi32, #tpu.memory_space<vmem>>, vector<16xi32>,
        %swap3A_279 = arith.constant 48 : index
        %swap3A_280 = tpu.vector_load %arg13[%swap3A_279] {strides = array<i32>} : memref<80xi32, #tpu.memory_space<vmem>>, vector<16xi32>,
        %swap3A_281 = vector.shape_cast %swap3A_280 : vector<16xi32> to vector<16xi32>
        %swap3A_282 = vector.shape_cast %get3A_271 : vector<16xi32> to vector<16xi32>
        tpu.vector_store %arg13[%swap3A_279], %swap3A_282 {strides = array<i32>} : memref<80xi32, #tpu.memory_space<vmem>>, vector<16xi32>,
        %swap3A_283 = arith.constant 48 : index
        %swap3A_284 = tpu.vector_load %arg14[%swap3A_283] {strides = array<i32>} : memref<80xi32, #tpu.memory_space<vmem>>, vector<16xi32>,
        %swap3A_285 = vector.shape_cast %swap3A_284 : vector<16xi32> to vector<16xi32>
        %swap3A_286 = vector.shape_cast %get3A_274 : vector<16xi32> to vector<16xi32>
        tpu.vector_store %arg14[%swap3A_283], %swap3A_286 {strides = array<i32>} : memref<80xi32, #tpu.memory_space<vmem>>, vector<16xi32>,
        %get3A_287 = arith.constant 64 : index
        %get3A_288 = tpu.vector_load %arg9[%get3A_287] {strides = array<i32>} : memref<160xi32, #tpu.memory_space<vmem>>, vector<16xi32>,
        %get3A_289 = vector.shape_cast %get3A_288 : vector<16xi32> to vector<16xi32>
        %get3A_290 = arith.constant 144 : index
        %get3A_291 = tpu.vector_load %arg9[%get3A_290] {strides = array<i32>} : memref<160xi32, #tpu.memory_space<vmem>>, vector<16xi32>,
        %get3A_292 = vector.shape_cast %get3A_291 : vector<16xi32> to vector<16xi32>
        %swap3A_293 = arith.constant 64 : index
        %swap3A_294 = tpu.vector_load %arg15[%swap3A_293] {strides = array<i32>} : memref<80xi32, #tpu.memory_space<vmem>>, vector<16xi32>,
        %swap3A_295 = vector.shape_cast %swap3A_294 : vector<16xi32> to vector<16xi32>
        %swap3A_296 = vector.shape_cast %get3A_292 : vector<16xi32> to vector<16xi32>
        tpu.vector_store %arg15[%swap3A_293], %swap3A_296 {strides = array<i32>} : memref<80xi32, #tpu.memory_space<vmem>>, vector<16xi32>,
        %swap3A_297 = arith.constant 64 : index
        %swap3A_298 = tpu.vector_load %arg13[%swap3A_297] {strides = array<i32>} : memref<80xi32, #tpu.memory_space<vmem>>, vector<16xi32>,
        %swap3A_299 = vector.shape_cast %swap3A_298 : vector<16xi32> to vector<16xi32>
        %swap3A_300 = vector.shape_cast %get3A_289 : vector<16xi32> to vector<16xi32>
        tpu.vector_store %arg13[%swap3A_297], %swap3A_300 {strides = array<i32>} : memref<80xi32, #tpu.memory_space<vmem>>, vector<16xi32>,
        %swap3A_301 = arith.constant 64 : index
        %swap3A_302 = tpu.vector_load %arg14[%swap3A_301] {strides = array<i32>} : memref<80xi32, #tpu.memory_space<vmem>>, vector<16xi32>,
        %swap3A_303 = vector.shape_cast %swap3A_302 : vector<16xi32> to vector<16xi32>
        %swap3A_304 = vector.shape_cast %get3A_292 : vector<16xi32> to vector<16xi32>
        tpu.vector_store %arg14[%swap3A_301], %swap3A_304 {strides = array<i32>} : memref<80xi32, #tpu.memory_space<vmem>>, vector<16xi32>,
        %add3A_305 = arith.constant 2 : i32
        %add3A_306 = arith.addi %mul3A_165, %add3A_305 : i32
        %lt3A_307 = arith.constant 125 : i32
        %lt3A_308 = arith.cmpi slt, %add3A_306, %lt3A_307 : i32
        %convert_element_type3A_309 = arith.extui %lt3A_308 : i1 to i32
        %cond3A_310 = arith.constant 0 : i32
        %cond3A_311 = arith.cmpi ne, %convert_element_type3A_309, %cond3A_310 : i32
        scf.if %cond3A_311 {
          %add3A_318 = arith.constant 2 : i32
          %add3A_319 = arith.addi %mul3A_165, %add3A_318 : i32
          %add3A_320 = arith.addi %mul3A_4, %add3A_319 : i32
          %mul3A_321 = arith.constant 160 : i32
          %mul3A_322 = arith.muli %add3A_320, %mul3A_321 : i32
          %dma_start3A_323 = tpu.memref_slice %arg4[%mul3A_322] : memref<640000xi32, #tpu.memory_space<hbm>> -> memref<160xi32, #tpu.memory_space<hbm>>
          %dma_start3A_324 = tpu.memref_slice %arg4[%mul3A_322] : memref<640000xi32, #tpu.memory_space<hbm>> -> memref<160xi32, #tpu.memory_space<hbm>>
          tpu.enqueue_dma source(%dma_start3A_324 : memref<160xi32, #tpu.memory_space<hbm>>) target(%arg8 : memref<160xi32, #tpu.memory_space<vmem>>) target_semaphore(%arg22 : memref<!tpu.dma_semaphore, #tpu.memory_space<semaphore_mem>>)
        } else {
        }
        %dma_start3A_312 = arith.constant 0 : i32
        %dma_start3A_313 = arith.constant 0 : i32
        %dma_start3A_314 = tpu.memref_slice %arg2[%dma_start3A_312, %dma_start3A_313] : memref<10000x128xf32, #tpu.memory_space<hbm>> -> memref<10000x128xf32, #tpu.memory_space<hbm>>
        tpu.enqueue_indirect_dma source(%dma_start3A_314 : memref<10000x128xf32, #tpu.memory_space<hbm>>) target(%arg18 : memref<80x128xf32, #tpu.memory_space<vmem>>) offsets(%arg13 : memref<80xi32, #tpu.memory_space<vmem>>) semaphore(%arg25 : memref<!tpu.dma_semaphore, #tpu.memory_space<semaphore_mem>>)
        %dma_start3A_315 = arith.constant 0 : i32
        %dma_start3A_316 = arith.constant 0 : i32
        %dma_start3A_317 = tpu.memref_slice %arg3[%dma_start3A_315, %dma_start3A_316] : memref<10000x128xf32, #tpu.memory_space<hbm>> -> memref<10000x128xf32, #tpu.memory_space<hbm>>
        tpu.enqueue_indirect_dma source(%dma_start3A_317 : memref<10000x128xf32, #tpu.memory_space<hbm>>) target(%arg19 : memref<80x128xf32, #tpu.memory_space<vmem>>) offsets(%arg14 : memref<80xi32, #tpu.memory_space<vmem>>) semaphore(%arg25 : memref<!tpu.dma_semaphore, #tpu.memory_space<semaphore_mem>>)
      } else {
      }
      %dma_wait3A_173 = arith.constant 0 : i32
      %dma_wait3A_174 = arith.constant 0 : i32
      %dma_wait3A_175 = tpu.memref_slice %arg2[%dma_wait3A_173, %dma_wait3A_174] : memref<10000x128xf32, #tpu.memory_space<hbm>> -> memref<10000x128xf32, #tpu.memory_space<hbm>>
      tpu.wait_indirect_dma semaphore(%arg24 : memref<!tpu.dma_semaphore, #tpu.memory_space<semaphore_mem>>) src(%dma_wait3A_175 : memref<10000x128xf32, #tpu.memory_space<hbm>>) dst(%arg16 : memref<80x128xf32, #tpu.memory_space<vmem>>)
      %dma_wait3A_176 = arith.constant 0 : i32
      %dma_wait3A_177 = arith.constant 0 : i32
      %dma_wait3A_178 = tpu.memref_slice %arg3[%dma_wait3A_176, %dma_wait3A_177] : memref<10000x128xf32, #tpu.memory_space<hbm>> -> memref<10000x128xf32, #tpu.memory_space<hbm>>
      tpu.wait_indirect_dma semaphore(%arg24 : memref<!tpu.dma_semaphore, #tpu.memory_space<semaphore_mem>>) src(%dma_wait3A_178 : memref<10000x128xf32, #tpu.memory_space<hbm>>) dst(%arg17 : memref<80x128xf32, #tpu.memory_space<vmem>>)
      %scan3A_179 = arith.constant 0 : i32
      %scan3A_180 = arith.constant 0 : i32
      %scan3A_181 = arith.constant 20 : i32
      %scan3A_182 = arith.addi %scan3A_180, %scan3A_181 : i32
      %scan3A_183 = arith.constant 1 : i32
      scf.for %scan3A_208 = %scan3A_180 to %scan3A_182 step %scan3A_183  : i32 {
        %mul3A_209 = arith.constant 4 : i32
        %mul3A_210 = arith.muli %mul3A_209, %scan3A_208 : i32
        %add3A_211 = arith.constant 0 : i32
        %add3A_212 = arith.addi %mul3A_210, %add3A_211 : i32
        %get3A_213 = arith.index_cast %add3A_212 : i32 to index
        %get3A_214 = arith.constant 64 : index
        %get3A_215 = tpu.vector_load %arg16[%get3A_213, %get3A_214] {strides = array<i32>} : memref<80x128xf32, #tpu.memory_space<vmem>>, vector<1x16xf32>,
        %get3A_216 = vector.shape_cast %get3A_215 : vector<1x16xf32> to vector<16xf32>
        %get3A_217 = arith.index_cast %add3A_212 : i32 to index
        %get3A_218 = arith.constant 0 : index
        %get3A_219 = tpu.vector_load %arg17[%get3A_217, %get3A_218] {strides = array<i32>} : memref<80x128xf32, #tpu.memory_space<vmem>>, vector<1x16xf32>,
        %get3A_220 = vector.shape_cast %get3A_219 : vector<1x16xf32> to vector<16xf32>
        %add3A_221 = arith.addf %get3A_216, %get3A_220 : vector<16xf32>
        %mul3A_222 = arith.constant 2.000000e-01 : f32
        %mul3A_223 = vector.broadcast %mul3A_222 : f32 to vector<16xf32>
        %mul3A_224 = arith.mulf %mul3A_223, %add3A_221 : vector<16xf32>
        %max3A = arith.maximumf %add3A_221, %mul3A_224 : vector<16xf32>
        %sub3A = arith.subf %max3A, %get3A_14 : vector<16xf32>
        %exp3A = math.exp %sub3A : vector<16xf32>
        %swap3A_225 = arith.index_cast %add3A_212 : i32 to index
        %swap3A_226 = arith.constant 64 : index
        %swap3A_227 = tpu.vector_load %arg16[%swap3A_225, %swap3A_226] {strides = array<i32>} : memref<80x128xf32, #tpu.memory_space<vmem>>, vector<1x16xf32>,
        %swap3A_228 = vector.shape_cast %swap3A_227 : vector<1x16xf32> to vector<16xf32>
        %swap3A_229 = vector.shape_cast %exp3A : vector<16xf32> to vector<1x16xf32>
        tpu.vector_store %arg16[%swap3A_225, %swap3A_226], %swap3A_229 {strides = array<i32>} : memref<80x128xf32, #tpu.memory_space<vmem>>, vector<1x16xf32>,
        %get3A_230 = arith.index_cast %add3A_212 : i32 to index
        %get3A_231 = arith.constant 0 : index
        %get3A_232 = tpu.vector_load %arg16[%get3A_230, %get3A_231] {strides = array<i32>} : memref<80x128xf32, #tpu.memory_space<vmem>>, vector<1x16xf32>,
        %get3A_233 = vector.shape_cast %get3A_232 : vector<1x16xf32> to vector<16xf32>
        %mul3A_234 = arith.mulf %get3A_233, %exp3A : vector<16xf32>
        %swap3A_235 = arith.index_cast %add3A_212 : i32 to index
        %swap3A_236 = arith.constant 0 : index
        %swap3A_237 = tpu.vector_load %arg16[%swap3A_235, %swap3A_236] {strides = array<i32>} : memref<80x128xf32, #tpu.memory_space<vmem>>, vector<1x16xf32>,
        %swap3A_238 = vector.shape_cast %swap3A_237 : vector<1x16xf32> to vector<16xf32>
        %swap3A_239 = vector.shape_cast %mul3A_234 : vector<16xf32> to vector<1x16xf32>
        tpu.vector_store %arg16[%swap3A_235, %swap3A_236], %swap3A_239 {strides = array<i32>} : memref<80x128xf32, #tpu.memory_space<vmem>>, vector<1x16xf32>,
        %get3A_240 = arith.index_cast %add3A_212 : i32 to index
        %get3A_241 = arith.constant 80 : index
        %get3A_242 = tpu.vector_load %arg16[%get3A_240, %get3A_241] {strides = array<i32>} : memref<80x128xf32, #tpu.memory_space<vmem>>, vector<1x16xf32>,
        %get3A_243 = vector.shape_cast %get3A_242 : vector<1x16xf32> to vector<16xf32>
        %get3A_244 = arith.index_cast %add3A_212 : i32 to index
        %get3A_245 = arith.constant 16 : index
        %get3A_246 = tpu.vector_load %arg17[%get3A_244, %get3A_245] {strides = array<i32>} : memref<80x128xf32, #tpu.memory_space<vmem>>, vector<1x16xf32>,
        %get3A_247 = vector.shape_cast %get3A_246 : vector<1x16xf32> to vector<16xf32>
        %add3A_248 = arith.addf %get3A_243, %get3A_247 : vector<16xf32>
        %mul3A_249 = arith.constant 2.000000e-01 : f32
        %mul3A_250 = vector.broadcast %mul3A_249 : f32 to vector<16xf32>
        %mul3A_251 = arith.mulf %mul3A_250, %add3A_248 : vector<16xf32>
        %max3A_252 = arith.maximumf %add3A_248, %mul3A_251 : vector<16xf32>
        %sub3A_253 = arith.subf %max3A_252, %get3A_17 : vector<16xf32>
        %exp3A_254 = math.exp %sub3A_253 : vector<16xf32>
        %swap3A_255 = arith.index_cast %add3A_212 : i32 to index
        %swap3A_256 = arith.constant 80 : index
        %swap3A_257 = tpu.vector_load %arg16[%swap3A_255, %swap3A_256] {strides = array<i32>} : memref<80x128xf32, #tpu.memory_space<vmem>>, vector<1x16xf32>,
        %swap3A_258 = vector.shape_cast %swap3A_257 : vector<1x16xf32> to vector<16xf32>
        %swap3A_259 = vector.shape_cast %exp3A_254 : vector<16xf32> to vector<1x16xf32>
        tpu.vector_store %arg16[%swap3A_255, %swap3A_256], %swap3A_259 {strides = array<i32>} : memref<80x128xf32, #tpu.memory_space<vmem>>, vector<1x16xf32>,
        %get3A_260 = arith.index_cast %add3A_212 : i32 to index
        %get3A_261 = arith.constant 16 : index
        %get3A_262 = tpu.vector_load %arg16[%get3A_260, %get3A_261] {strides = array<i32>} : memref<80x128xf32, #tpu.memory_space<vmem>>, vector<1x16xf32>,
        %get3A_263 = vector.shape_cast %get3A_262 : vector<1x16xf32> to vector<16xf32>
        %mul3A_264 = arith.mulf %get3A_263, %exp3A_254 : vector<16xf32>
        %swap3A_265 = arith.index_cast %add3A_212 : i32 to index
        %swap3A_266 = arith.constant 16 : index
        %swap3A_267 = tpu.vector_load %arg16[%swap3A_265, %swap3A_266] {strides = array<i32>} : memref<80x128xf32, #tpu.memory_space<vmem>>, vector<1x16xf32>,
        %swap3A_268 = vector.shape_cast %swap3A_267 : vector<1x16xf32> to vector<16xf32>
        %swap3A_269 = vector.shape_cast %mul3A_264 : vector<16xf32> to vector<1x16xf32>
        tpu.vector_store %arg16[%swap3A_265, %swap3A_266], %swap3A_269 {strides = array<i32>} : memref<80x128xf32, #tpu.memory_space<vmem>>, vector<1x16xf32>,
        %get3A_270 = arith.index_cast %add3A_212 : i32 to index
        %get3A_271 = arith.constant 96 : index
        %get3A_272 = tpu.vector_load %arg16[%get3A_270, %get3A_271] {strides = array<i32>} : memref<80x128xf32, #tpu.memory_space<vmem>>, vector<1x16xf32>,
        %get3A_273 = vector.shape_cast %get3A_272 : vector<1x16xf32> to vector<16xf32>
        %get3A_274 = arith.index_cast %add3A_212 : i32 to index
        %get3A_275 = arith.constant 32 : index
        %get3A_276 = tpu.vector_load %arg17[%get3A_274, %get3A_275] {strides = array<i32>} : memref<80x128xf32, #tpu.memory_space<vmem>>, vector<1x16xf32>,
        %get3A_277 = vector.shape_cast %get3A_276 : vector<1x16xf32> to vector<16xf32>
        %add3A_278 = arith.addf %get3A_273, %get3A_277 : vector<16xf32>
        %mul3A_279 = arith.constant 2.000000e-01 : f32
        %mul3A_280 = vector.broadcast %mul3A_279 : f32 to vector<16xf32>
        %mul3A_281 = arith.mulf %mul3A_280, %add3A_278 : vector<16xf32>
        %max3A_282 = arith.maximumf %add3A_278, %mul3A_281 : vector<16xf32>
        %sub3A_283 = arith.subf %max3A_282, %get3A_20 : vector<16xf32>
        %exp3A_284 = math.exp %sub3A_283 : vector<16xf32>
        %swap3A_285 = arith.index_cast %add3A_212 : i32 to index
        %swap3A_286 = arith.constant 96 : index
        %swap3A_287 = tpu.vector_load %arg16[%swap3A_285, %swap3A_286] {strides = array<i32>} : memref<80x128xf32, #tpu.memory_space<vmem>>, vector<1x16xf32>,
        %swap3A_288 = vector.shape_cast %swap3A_287 : vector<1x16xf32> to vector<16xf32>
        %swap3A_289 = vector.shape_cast %exp3A_284 : vector<16xf32> to vector<1x16xf32>
        tpu.vector_store %arg16[%swap3A_285, %swap3A_286], %swap3A_289 {strides = array<i32>} : memref<80x128xf32, #tpu.memory_space<vmem>>, vector<1x16xf32>,
        %get3A_290 = arith.index_cast %add3A_212 : i32 to index
        %get3A_291 = arith.constant 32 : index
        %get3A_292 = tpu.vector_load %arg16[%get3A_290, %get3A_291] {strides = array<i32>} : memref<80x128xf32, #tpu.memory_space<vmem>>, vector<1x16xf32>,
        %get3A_293 = vector.shape_cast %get3A_292 : vector<1x16xf32> to vector<16xf32>
        %mul3A_294 = arith.mulf %get3A_293, %exp3A_284 : vector<16xf32>
        %swap3A_295 = arith.index_cast %add3A_212 : i32 to index
        %swap3A_296 = arith.constant 32 : index
        %swap3A_297 = tpu.vector_load %arg16[%swap3A_295, %swap3A_296] {strides = array<i32>} : memref<80x128xf32, #tpu.memory_space<vmem>>, vector<1x16xf32>,
        %swap3A_298 = vector.shape_cast %swap3A_297 : vector<1x16xf32> to vector<16xf32>
        %swap3A_299 = vector.shape_cast %mul3A_294 : vector<16xf32> to vector<1x16xf32>
        tpu.vector_store %arg16[%swap3A_295, %swap3A_296], %swap3A_299 {strides = array<i32>} : memref<80x128xf32, #tpu.memory_space<vmem>>, vector<1x16xf32>,
        %get3A_300 = arith.index_cast %add3A_212 : i32 to index
        %get3A_301 = arith.constant 112 : index
        %get3A_302 = tpu.vector_load %arg16[%get3A_300, %get3A_301] {strides = array<i32>} : memref<80x128xf32, #tpu.memory_space<vmem>>, vector<1x16xf32>,
        %get3A_303 = vector.shape_cast %get3A_302 : vector<1x16xf32> to vector<16xf32>
        %get3A_304 = arith.index_cast %add3A_212 : i32 to index
        %get3A_305 = arith.constant 48 : index
        %get3A_306 = tpu.vector_load %arg17[%get3A_304, %get3A_305] {strides = array<i32>} : memref<80x128xf32, #tpu.memory_space<vmem>>, vector<1x16xf32>,
        %get3A_307 = vector.shape_cast %get3A_306 : vector<1x16xf32> to vector<16xf32>
        %add3A_308 = arith.addf %get3A_303, %get3A_307 : vector<16xf32>
        %mul3A_309 = arith.constant 2.000000e-01 : f32
        %mul3A_310 = vector.broadcast %mul3A_309 : f32 to vector<16xf32>
        %mul3A_311 = arith.mulf %mul3A_310, %add3A_308 : vector<16xf32>
        %max3A_312 = arith.maximumf %add3A_308, %mul3A_311 : vector<16xf32>
        %sub3A_313 = arith.subf %max3A_312, %get3A_23 : vector<16xf32>
        %exp3A_314 = math.exp %sub3A_313 : vector<16xf32>
        %swap3A_315 = arith.index_cast %add3A_212 : i32 to index
        %swap3A_316 = arith.constant 112 : index
        %swap3A_317 = tpu.vector_load %arg16[%swap3A_315, %swap3A_316] {strides = array<i32>} : memref<80x128xf32, #tpu.memory_space<vmem>>, vector<1x16xf32>,
        %swap3A_318 = vector.shape_cast %swap3A_317 : vector<1x16xf32> to vector<16xf32>
        %swap3A_319 = vector.shape_cast %exp3A_314 : vector<16xf32> to vector<1x16xf32>
        tpu.vector_store %arg16[%swap3A_315, %swap3A_316], %swap3A_319 {strides = array<i32>} : memref<80x128xf32, #tpu.memory_space<vmem>>, vector<1x16xf32>,
        %get3A_320 = arith.index_cast %add3A_212 : i32 to index
        %get3A_321 = arith.constant 48 : index
        %get3A_322 = tpu.vector_load %arg16[%get3A_320, %get3A_321] {strides = array<i32>} : memref<80x128xf32, #tpu.memory_space<vmem>>, vector<1x16xf32>,
        %get3A_323 = vector.shape_cast %get3A_322 : vector<1x16xf32> to vector<16xf32>
        %mul3A_324 = arith.mulf %get3A_323, %exp3A_314 : vector<16xf32>
        %swap3A_325 = arith.index_cast %add3A_212 : i32 to index
        %swap3A_326 = arith.constant 48 : index
        %swap3A_327 = tpu.vector_load %arg16[%swap3A_325, %swap3A_326] {strides = array<i32>} : memref<80x128xf32, #tpu.memory_space<vmem>>, vector<1x16xf32>,
        %swap3A_328 = vector.shape_cast %swap3A_327 : vector<1x16xf32> to vector<16xf32>
        %swap3A_329 = vector.shape_cast %mul3A_324 : vector<16xf32> to vector<1x16xf32>
        tpu.vector_store %arg16[%swap3A_325, %swap3A_326], %swap3A_329 {strides = array<i32>} : memref<80x128xf32, #tpu.memory_space<vmem>>, vector<1x16xf32>,
        %mul3A_330 = arith.constant 4 : i32
        %mul3A_331 = arith.muli %mul3A_330, %scan3A_208 : i32
        %add3A_332 = arith.constant 1 : i32
        %add3A_333 = arith.addi %mul3A_331, %add3A_332 : i32
        %get3A_334 = arith.index_cast %add3A_333 : i32 to index
        %get3A_335 = arith.constant 64 : index
        %get3A_336 = tpu.vector_load %arg16[%get3A_334, %get3A_335] {strides = array<i32>} : memref<80x128xf32, #tpu.memory_space<vmem>>, vector<1x16xf32>,
        %get3A_337 = vector.shape_cast %get3A_336 : vector<1x16xf32> to vector<16xf32>
        %get3A_338 = arith.index_cast %add3A_333 : i32 to index
        %get3A_339 = arith.constant 0 : index
        %get3A_340 = tpu.vector_load %arg17[%get3A_338, %get3A_339] {strides = array<i32>} : memref<80x128xf32, #tpu.memory_space<vmem>>, vector<1x16xf32>,
        %get3A_341 = vector.shape_cast %get3A_340 : vector<1x16xf32> to vector<16xf32>
        %add3A_342 = arith.addf %get3A_337, %get3A_341 : vector<16xf32>
        %mul3A_343 = arith.constant 2.000000e-01 : f32
        %mul3A_344 = vector.broadcast %mul3A_343 : f32 to vector<16xf32>
        %mul3A_345 = arith.mulf %mul3A_344, %add3A_342 : vector<16xf32>
        %max3A_346 = arith.maximumf %add3A_342, %mul3A_345 : vector<16xf32>
        %sub3A_347 = arith.subf %max3A_346, %get3A_14 : vector<16xf32>
        %exp3A_348 = math.exp %sub3A_347 : vector<16xf32>
        %swap3A_349 = arith.index_cast %add3A_333 : i32 to index
        %swap3A_350 = arith.constant 64 : index
        %swap3A_351 = tpu.vector_load %arg16[%swap3A_349, %swap3A_350] {strides = array<i32>} : memref<80x128xf32, #tpu.memory_space<vmem>>, vector<1x16xf32>,
        %swap3A_352 = vector.shape_cast %swap3A_351 : vector<1x16xf32> to vector<16xf32>
        %swap3A_353 = vector.shape_cast %exp3A_348 : vector<16xf32> to vector<1x16xf32>
        tpu.vector_store %arg16[%swap3A_349, %swap3A_350], %swap3A_353 {strides = array<i32>} : memref<80x128xf32, #tpu.memory_space<vmem>>, vector<1x16xf32>,
        %get3A_354 = arith.index_cast %add3A_333 : i32 to index
        %get3A_355 = arith.constant 0 : index
        %get3A_356 = tpu.vector_load %arg16[%get3A_354, %get3A_355] {strides = array<i32>} : memref<80x128xf32, #tpu.memory_space<vmem>>, vector<1x16xf32>,
        %get3A_357 = vector.shape_cast %get3A_356 : vector<1x16xf32> to vector<16xf32>
        %mul3A_358 = arith.mulf %get3A_357, %exp3A_348 : vector<16xf32>
        %swap3A_359 = arith.index_cast %add3A_333 : i32 to index
        %swap3A_360 = arith.constant 0 : index
        %swap3A_361 = tpu.vector_load %arg16[%swap3A_359, %swap3A_360] {strides = array<i32>} : memref<80x128xf32, #tpu.memory_space<vmem>>, vector<1x16xf32>,
        %swap3A_362 = vector.shape_cast %swap3A_361 : vector<1x16xf32> to vector<16xf32>
        %swap3A_363 = vector.shape_cast %mul3A_358 : vector<16xf32> to vector<1x16xf32>
        tpu.vector_store %arg16[%swap3A_359, %swap3A_360], %swap3A_363 {strides = array<i32>} : memref<80x128xf32, #tpu.memory_space<vmem>>, vector<1x16xf32>,
        %get3A_364 = arith.index_cast %add3A_333 : i32 to index
        %get3A_365 = arith.constant 80 : index
        %get3A_366 = tpu.vector_load %arg16[%get3A_364, %get3A_365] {strides = array<i32>} : memref<80x128xf32, #tpu.memory_space<vmem>>, vector<1x16xf32>,
        %get3A_367 = vector.shape_cast %get3A_366 : vector<1x16xf32> to vector<16xf32>
        %get3A_368 = arith.index_cast %add3A_333 : i32 to index
        %get3A_369 = arith.constant 16 : index
        %get3A_370 = tpu.vector_load %arg17[%get3A_368, %get3A_369] {strides = array<i32>} : memref<80x128xf32, #tpu.memory_space<vmem>>, vector<1x16xf32>,
        %get3A_371 = vector.shape_cast %get3A_370 : vector<1x16xf32> to vector<16xf32>
        %add3A_372 = arith.addf %get3A_367, %get3A_371 : vector<16xf32>
        %mul3A_373 = arith.constant 2.000000e-01 : f32
        %mul3A_374 = vector.broadcast %mul3A_373 : f32 to vector<16xf32>
        %mul3A_375 = arith.mulf %mul3A_374, %add3A_372 : vector<16xf32>
        %max3A_376 = arith.maximumf %add3A_372, %mul3A_375 : vector<16xf32>
        %sub3A_377 = arith.subf %max3A_376, %get3A_17 : vector<16xf32>
        %exp3A_378 = math.exp %sub3A_377 : vector<16xf32>
        %swap3A_379 = arith.index_cast %add3A_333 : i32 to index
        %swap3A_380 = arith.constant 80 : index
        %swap3A_381 = tpu.vector_load %arg16[%swap3A_379, %swap3A_380] {strides = array<i32>} : memref<80x128xf32, #tpu.memory_space<vmem>>, vector<1x16xf32>,
        %swap3A_382 = vector.shape_cast %swap3A_381 : vector<1x16xf32> to vector<16xf32>
        %swap3A_383 = vector.shape_cast %exp3A_378 : vector<16xf32> to vector<1x16xf32>
        tpu.vector_store %arg16[%swap3A_379, %swap3A_380], %swap3A_383 {strides = array<i32>} : memref<80x128xf32, #tpu.memory_space<vmem>>, vector<1x16xf32>,
        %get3A_384 = arith.index_cast %add3A_333 : i32 to index
        %get3A_385 = arith.constant 16 : index
        %get3A_386 = tpu.vector_load %arg16[%get3A_384, %get3A_385] {strides = array<i32>} : memref<80x128xf32, #tpu.memory_space<vmem>>, vector<1x16xf32>,
        %get3A_387 = vector.shape_cast %get3A_386 : vector<1x16xf32> to vector<16xf32>
        %mul3A_388 = arith.mulf %get3A_387, %exp3A_378 : vector<16xf32>
        %swap3A_389 = arith.index_cast %add3A_333 : i32 to index
        %swap3A_390 = arith.constant 16 : index
        %swap3A_391 = tpu.vector_load %arg16[%swap3A_389, %swap3A_390] {strides = array<i32>} : memref<80x128xf32, #tpu.memory_space<vmem>>, vector<1x16xf32>,
        %swap3A_392 = vector.shape_cast %swap3A_391 : vector<1x16xf32> to vector<16xf32>
        %swap3A_393 = vector.shape_cast %mul3A_388 : vector<16xf32> to vector<1x16xf32>
        tpu.vector_store %arg16[%swap3A_389, %swap3A_390], %swap3A_393 {strides = array<i32>} : memref<80x128xf32, #tpu.memory_space<vmem>>, vector<1x16xf32>,
        %get3A_394 = arith.index_cast %add3A_333 : i32 to index
        %get3A_395 = arith.constant 96 : index
        %get3A_396 = tpu.vector_load %arg16[%get3A_394, %get3A_395] {strides = array<i32>} : memref<80x128xf32, #tpu.memory_space<vmem>>, vector<1x16xf32>,
        %get3A_397 = vector.shape_cast %get3A_396 : vector<1x16xf32> to vector<16xf32>
        %get3A_398 = arith.index_cast %add3A_333 : i32 to index
        %get3A_399 = arith.constant 32 : index
        %get3A_400 = tpu.vector_load %arg17[%get3A_398, %get3A_399] {strides = array<i32>} : memref<80x128xf32, #tpu.memory_space<vmem>>, vector<1x16xf32>,
        %get3A_401 = vector.shape_cast %get3A_400 : vector<1x16xf32> to vector<16xf32>
        %add3A_402 = arith.addf %get3A_397, %get3A_401 : vector<16xf32>
        %mul3A_403 = arith.constant 2.000000e-01 : f32
        %mul3A_404 = vector.broadcast %mul3A_403 : f32 to vector<16xf32>
        %mul3A_405 = arith.mulf %mul3A_404, %add3A_402 : vector<16xf32>
        %max3A_406 = arith.maximumf %add3A_402, %mul3A_405 : vector<16xf32>
        %sub3A_407 = arith.subf %max3A_406, %get3A_20 : vector<16xf32>
        %exp3A_408 = math.exp %sub3A_407 : vector<16xf32>
        %swap3A_409 = arith.index_cast %add3A_333 : i32 to index
        %swap3A_410 = arith.constant 96 : index
        %swap3A_411 = tpu.vector_load %arg16[%swap3A_409, %swap3A_410] {strides = array<i32>} : memref<80x128xf32, #tpu.memory_space<vmem>>, vector<1x16xf32>,
        %swap3A_412 = vector.shape_cast %swap3A_411 : vector<1x16xf32> to vector<16xf32>
        %swap3A_413 = vector.shape_cast %exp3A_408 : vector<16xf32> to vector<1x16xf32>
        tpu.vector_store %arg16[%swap3A_409, %swap3A_410], %swap3A_413 {strides = array<i32>} : memref<80x128xf32, #tpu.memory_space<vmem>>, vector<1x16xf32>,
        %get3A_414 = arith.index_cast %add3A_333 : i32 to index
        %get3A_415 = arith.constant 32 : index
        %get3A_416 = tpu.vector_load %arg16[%get3A_414, %get3A_415] {strides = array<i32>} : memref<80x128xf32, #tpu.memory_space<vmem>>, vector<1x16xf32>,
        %get3A_417 = vector.shape_cast %get3A_416 : vector<1x16xf32> to vector<16xf32>
        %mul3A_418 = arith.mulf %get3A_417, %exp3A_408 : vector<16xf32>
        %swap3A_419 = arith.index_cast %add3A_333 : i32 to index
        %swap3A_420 = arith.constant 32 : index
        %swap3A_421 = tpu.vector_load %arg16[%swap3A_419, %swap3A_420] {strides = array<i32>} : memref<80x128xf32, #tpu.memory_space<vmem>>, vector<1x16xf32>,
        %swap3A_422 = vector.shape_cast %swap3A_421 : vector<1x16xf32> to vector<16xf32>
        %swap3A_423 = vector.shape_cast %mul3A_418 : vector<16xf32> to vector<1x16xf32>
        tpu.vector_store %arg16[%swap3A_419, %swap3A_420], %swap3A_423 {strides = array<i32>} : memref<80x128xf32, #tpu.memory_space<vmem>>, vector<1x16xf32>,
        %get3A_424 = arith.index_cast %add3A_333 : i32 to index
        %get3A_425 = arith.constant 112 : index
        %get3A_426 = tpu.vector_load %arg16[%get3A_424, %get3A_425] {strides = array<i32>} : memref<80x128xf32, #tpu.memory_space<vmem>>, vector<1x16xf32>,
        %get3A_427 = vector.shape_cast %get3A_426 : vector<1x16xf32> to vector<16xf32>
        %get3A_428 = arith.index_cast %add3A_333 : i32 to index
        %get3A_429 = arith.constant 48 : index
        %get3A_430 = tpu.vector_load %arg17[%get3A_428, %get3A_429] {strides = array<i32>} : memref<80x128xf32, #tpu.memory_space<vmem>>, vector<1x16xf32>,
        %get3A_431 = vector.shape_cast %get3A_430 : vector<1x16xf32> to vector<16xf32>
        %add3A_432 = arith.addf %get3A_427, %get3A_431 : vector<16xf32>
        %mul3A_433 = arith.constant 2.000000e-01 : f32
        %mul3A_434 = vector.broadcast %mul3A_433 : f32 to vector<16xf32>
        %mul3A_435 = arith.mulf %mul3A_434, %add3A_432 : vector<16xf32>
        %max3A_436 = arith.maximumf %add3A_432, %mul3A_435 : vector<16xf32>
        %sub3A_437 = arith.subf %max3A_436, %get3A_23 : vector<16xf32>
        %exp3A_438 = math.exp %sub3A_437 : vector<16xf32>
        %swap3A_439 = arith.index_cast %add3A_333 : i32 to index
        %swap3A_440 = arith.constant 112 : index
        %swap3A_441 = tpu.vector_load %arg16[%swap3A_439, %swap3A_440] {strides = array<i32>} : memref<80x128xf32, #tpu.memory_space<vmem>>, vector<1x16xf32>,
        %swap3A_442 = vector.shape_cast %swap3A_441 : vector<1x16xf32> to vector<16xf32>
        %swap3A_443 = vector.shape_cast %exp3A_438 : vector<16xf32> to vector<1x16xf32>
        tpu.vector_store %arg16[%swap3A_439, %swap3A_440], %swap3A_443 {strides = array<i32>} : memref<80x128xf32, #tpu.memory_space<vmem>>, vector<1x16xf32>,
        %get3A_444 = arith.index_cast %add3A_333 : i32 to index
        %get3A_445 = arith.constant 48 : index
        %get3A_446 = tpu.vector_load %arg16[%get3A_444, %get3A_445] {strides = array<i32>} : memref<80x128xf32, #tpu.memory_space<vmem>>, vector<1x16xf32>,
        %get3A_447 = vector.shape_cast %get3A_446 : vector<1x16xf32> to vector<16xf32>
        %mul3A_448 = arith.mulf %get3A_447, %exp3A_438 : vector<16xf32>
        %swap3A_449 = arith.index_cast %add3A_333 : i32 to index
        %swap3A_450 = arith.constant 48 : index
        %swap3A_451 = tpu.vector_load %arg16[%swap3A_449, %swap3A_450] {strides = array<i32>} : memref<80x128xf32, #tpu.memory_space<vmem>>, vector<1x16xf32>,
        %swap3A_452 = vector.shape_cast %swap3A_451 : vector<1x16xf32> to vector<16xf32>
        %swap3A_453 = vector.shape_cast %mul3A_448 : vector<16xf32> to vector<1x16xf32>
        tpu.vector_store %arg16[%swap3A_449, %swap3A_450], %swap3A_453 {strides = array<i32>} : memref<80x128xf32, #tpu.memory_space<vmem>>, vector<1x16xf32>,
        %mul3A_454 = arith.constant 4 : i32
        %mul3A_455 = arith.muli %mul3A_454, %scan3A_208 : i32
        %add3A_456 = arith.constant 2 : i32
        %add3A_457 = arith.addi %mul3A_455, %add3A_456 : i32
        %get3A_458 = arith.index_cast %add3A_457 : i32 to index
        %get3A_459 = arith.constant 64 : index
        %get3A_460 = tpu.vector_load %arg16[%get3A_458, %get3A_459] {strides = array<i32>} : memref<80x128xf32, #tpu.memory_space<vmem>>, vector<1x16xf32>,
        %get3A_461 = vector.shape_cast %get3A_460 : vector<1x16xf32> to vector<16xf32>
        %get3A_462 = arith.index_cast %add3A_457 : i32 to index
        %get3A_463 = arith.constant 0 : index
        %get3A_464 = tpu.vector_load %arg17[%get3A_462, %get3A_463] {strides = array<i32>} : memref<80x128xf32, #tpu.memory_space<vmem>>, vector<1x16xf32>,
        %get3A_465 = vector.shape_cast %get3A_464 : vector<1x16xf32> to vector<16xf32>
        %add3A_466 = arith.addf %get3A_461, %get3A_465 : vector<16xf32>
        %mul3A_467 = arith.constant 2.000000e-01 : f32
        %mul3A_468 = vector.broadcast %mul3A_467 : f32 to vector<16xf32>
        %mul3A_469 = arith.mulf %mul3A_468, %add3A_466 : vector<16xf32>
        %max3A_470 = arith.maximumf %add3A_466, %mul3A_469 : vector<16xf32>
        %sub3A_471 = arith.subf %max3A_470, %get3A_14 : vector<16xf32>
        %exp3A_472 = math.exp %sub3A_471 : vector<16xf32>
        %swap3A_473 = arith.index_cast %add3A_457 : i32 to index
        %swap3A_474 = arith.constant 64 : index
        %swap3A_475 = tpu.vector_load %arg16[%swap3A_473, %swap3A_474] {strides = array<i32>} : memref<80x128xf32, #tpu.memory_space<vmem>>, vector<1x16xf32>,
        %swap3A_476 = vector.shape_cast %swap3A_475 : vector<1x16xf32> to vector<16xf32>
        %swap3A_477 = vector.shape_cast %exp3A_472 : vector<16xf32> to vector<1x16xf32>
        tpu.vector_store %arg16[%swap3A_473, %swap3A_474], %swap3A_477 {strides = array<i32>} : memref<80x128xf32, #tpu.memory_space<vmem>>, vector<1x16xf32>,
        %get3A_478 = arith.index_cast %add3A_457 : i32 to index
        %get3A_479 = arith.constant 0 : index
        %get3A_480 = tpu.vector_load %arg16[%get3A_478, %get3A_479] {strides = array<i32>} : memref<80x128xf32, #tpu.memory_space<vmem>>, vector<1x16xf32>,
        %get3A_481 = vector.shape_cast %get3A_480 : vector<1x16xf32> to vector<16xf32>
        %mul3A_482 = arith.mulf %get3A_481, %exp3A_472 : vector<16xf32>
        %swap3A_483 = arith.index_cast %add3A_457 : i32 to index
        %swap3A_484 = arith.constant 0 : index
        %swap3A_485 = tpu.vector_load %arg16[%swap3A_483, %swap3A_484] {strides = array<i32>} : memref<80x128xf32, #tpu.memory_space<vmem>>, vector<1x16xf32>,
        %swap3A_486 = vector.shape_cast %swap3A_485 : vector<1x16xf32> to vector<16xf32>
        %swap3A_487 = vector.shape_cast %mul3A_482 : vector<16xf32> to vector<1x16xf32>
        tpu.vector_store %arg16[%swap3A_483, %swap3A_484], %swap3A_487 {strides = array<i32>} : memref<80x128xf32, #tpu.memory_space<vmem>>, vector<1x16xf32>,
        %get3A_488 = arith.index_cast %add3A_457 : i32 to index
        %get3A_489 = arith.constant 80 : index
        %get3A_490 = tpu.vector_load %arg16[%get3A_488, %get3A_489] {strides = array<i32>} : memref<80x128xf32, #tpu.memory_space<vmem>>, vector<1x16xf32>,
        %get3A_491 = vector.shape_cast %get3A_490 : vector<1x16xf32> to vector<16xf32>
        %get3A_492 = arith.index_cast %add3A_457 : i32 to index
        %get3A_493 = arith.constant 16 : index
        %get3A_494 = tpu.vector_load %arg17[%get3A_492, %get3A_493] {strides = array<i32>} : memref<80x128xf32, #tpu.memory_space<vmem>>, vector<1x16xf32>,
        %get3A_495 = vector.shape_cast %get3A_494 : vector<1x16xf32> to vector<16xf32>
        %add3A_496 = arith.addf %get3A_491, %get3A_495 : vector<16xf32>
        %mul3A_497 = arith.constant 2.000000e-01 : f32
        %mul3A_498 = vector.broadcast %mul3A_497 : f32 to vector<16xf32>
        %mul3A_499 = arith.mulf %mul3A_498, %add3A_496 : vector<16xf32>
        %max3A_500 = arith.maximumf %add3A_496, %mul3A_499 : vector<16xf32>
        %sub3A_501 = arith.subf %max3A_500, %get3A_17 : vector<16xf32>
        %exp3A_502 = math.exp %sub3A_501 : vector<16xf32>
        %swap3A_503 = arith.index_cast %add3A_457 : i32 to index
        %swap3A_504 = arith.constant 80 : index
        %swap3A_505 = tpu.vector_load %arg16[%swap3A_503, %swap3A_504] {strides = array<i32>} : memref<80x128xf32, #tpu.memory_space<vmem>>, vector<1x16xf32>,
        %swap3A_506 = vector.shape_cast %swap3A_505 : vector<1x16xf32> to vector<16xf32>
        %swap3A_507 = vector.shape_cast %exp3A_502 : vector<16xf32> to vector<1x16xf32>
        tpu.vector_store %arg16[%swap3A_503, %swap3A_504], %swap3A_507 {strides = array<i32>} : memref<80x128xf32, #tpu.memory_space<vmem>>, vector<1x16xf32>,
        %get3A_508 = arith.index_cast %add3A_457 : i32 to index
        %get3A_509 = arith.constant 16 : index
        %get3A_510 = tpu.vector_load %arg16[%get3A_508, %get3A_509] {strides = array<i32>} : memref<80x128xf32, #tpu.memory_space<vmem>>, vector<1x16xf32>,
        %get3A_511 = vector.shape_cast %get3A_510 : vector<1x16xf32> to vector<16xf32>
        %mul3A_512 = arith.mulf %get3A_511, %exp3A_502 : vector<16xf32>
        %swap3A_513 = arith.index_cast %add3A_457 : i32 to index
        %swap3A_514 = arith.constant 16 : index
        %swap3A_515 = tpu.vector_load %arg16[%swap3A_513, %swap3A_514] {strides = array<i32>} : memref<80x128xf32, #tpu.memory_space<vmem>>, vector<1x16xf32>,
        %swap3A_516 = vector.shape_cast %swap3A_515 : vector<1x16xf32> to vector<16xf32>
        %swap3A_517 = vector.shape_cast %mul3A_512 : vector<16xf32> to vector<1x16xf32>
        tpu.vector_store %arg16[%swap3A_513, %swap3A_514], %swap3A_517 {strides = array<i32>} : memref<80x128xf32, #tpu.memory_space<vmem>>, vector<1x16xf32>,
        %get3A_518 = arith.index_cast %add3A_457 : i32 to index
        %get3A_519 = arith.constant 96 : index
        %get3A_520 = tpu.vector_load %arg16[%get3A_518, %get3A_519] {strides = array<i32>} : memref<80x128xf32, #tpu.memory_space<vmem>>, vector<1x16xf32>,
        %get3A_521 = vector.shape_cast %get3A_520 : vector<1x16xf32> to vector<16xf32>
        %get3A_522 = arith.index_cast %add3A_457 : i32 to index
        %get3A_523 = arith.constant 32 : index
        %get3A_524 = tpu.vector_load %arg17[%get3A_522, %get3A_523] {strides = array<i32>} : memref<80x128xf32, #tpu.memory_space<vmem>>, vector<1x16xf32>,
        %get3A_525 = vector.shape_cast %get3A_524 : vector<1x16xf32> to vector<16xf32>
        %add3A_526 = arith.addf %get3A_521, %get3A_525 : vector<16xf32>
        %mul3A_527 = arith.constant 2.000000e-01 : f32
        %mul3A_528 = vector.broadcast %mul3A_527 : f32 to vector<16xf32>
        %mul3A_529 = arith.mulf %mul3A_528, %add3A_526 : vector<16xf32>
        %max3A_530 = arith.maximumf %add3A_526, %mul3A_529 : vector<16xf32>
        %sub3A_531 = arith.subf %max3A_530, %get3A_20 : vector<16xf32>
        %exp3A_532 = math.exp %sub3A_531 : vector<16xf32>
        %swap3A_533 = arith.index_cast %add3A_457 : i32 to index
        %swap3A_534 = arith.constant 96 : index
        %swap3A_535 = tpu.vector_load %arg16[%swap3A_533, %swap3A_534] {strides = array<i32>} : memref<80x128xf32, #tpu.memory_space<vmem>>, vector<1x16xf32>,
        %swap3A_536 = vector.shape_cast %swap3A_535 : vector<1x16xf32> to vector<16xf32>
        %swap3A_537 = vector.shape_cast %exp3A_532 : vector<16xf32> to vector<1x16xf32>
        tpu.vector_store %arg16[%swap3A_533, %swap3A_534], %swap3A_537 {strides = array<i32>} : memref<80x128xf32, #tpu.memory_space<vmem>>, vector<1x16xf32>,
        %get3A_538 = arith.index_cast %add3A_457 : i32 to index
        %get3A_539 = arith.constant 32 : index
        %get3A_540 = tpu.vector_load %arg16[%get3A_538, %get3A_539] {strides = array<i32>} : memref<80x128xf32, #tpu.memory_space<vmem>>, vector<1x16xf32>,
        %get3A_541 = vector.shape_cast %get3A_540 : vector<1x16xf32> to vector<16xf32>
        %mul3A_542 = arith.mulf %get3A_541, %exp3A_532 : vector<16xf32>
        %swap3A_543 = arith.index_cast %add3A_457 : i32 to index
        %swap3A_544 = arith.constant 32 : index
        %swap3A_545 = tpu.vector_load %arg16[%swap3A_543, %swap3A_544] {strides = array<i32>} : memref<80x128xf32, #tpu.memory_space<vmem>>, vector<1x16xf32>,
        %swap3A_546 = vector.shape_cast %swap3A_545 : vector<1x16xf32> to vector<16xf32>
        %swap3A_547 = vector.shape_cast %mul3A_542 : vector<16xf32> to vector<1x16xf32>
        tpu.vector_store %arg16[%swap3A_543, %swap3A_544], %swap3A_547 {strides = array<i32>} : memref<80x128xf32, #tpu.memory_space<vmem>>, vector<1x16xf32>,
        %get3A_548 = arith.index_cast %add3A_457 : i32 to index
        %get3A_549 = arith.constant 112 : index
        %get3A_550 = tpu.vector_load %arg16[%get3A_548, %get3A_549] {strides = array<i32>} : memref<80x128xf32, #tpu.memory_space<vmem>>, vector<1x16xf32>,
        %get3A_551 = vector.shape_cast %get3A_550 : vector<1x16xf32> to vector<16xf32>
        %get3A_552 = arith.index_cast %add3A_457 : i32 to index
        %get3A_553 = arith.constant 48 : index
        %get3A_554 = tpu.vector_load %arg17[%get3A_552, %get3A_553] {strides = array<i32>} : memref<80x128xf32, #tpu.memory_space<vmem>>, vector<1x16xf32>,
        %get3A_555 = vector.shape_cast %get3A_554 : vector<1x16xf32> to vector<16xf32>
        %add3A_556 = arith.addf %get3A_551, %get3A_555 : vector<16xf32>
        %mul3A_557 = arith.constant 2.000000e-01 : f32
        %mul3A_558 = vector.broadcast %mul3A_557 : f32 to vector<16xf32>
        %mul3A_559 = arith.mulf %mul3A_558, %add3A_556 : vector<16xf32>
        %max3A_560 = arith.maximumf %add3A_556, %mul3A_559 : vector<16xf32>
        %sub3A_561 = arith.subf %max3A_560, %get3A_23 : vector<16xf32>
        %exp3A_562 = math.exp %sub3A_561 : vector<16xf32>
        %swap3A_563 = arith.index_cast %add3A_457 : i32 to index
        %swap3A_564 = arith.constant 112 : index
        %swap3A_565 = tpu.vector_load %arg16[%swap3A_563, %swap3A_564] {strides = array<i32>} : memref<80x128xf32, #tpu.memory_space<vmem>>, vector<1x16xf32>,
        %swap3A_566 = vector.shape_cast %swap3A_565 : vector<1x16xf32> to vector<16xf32>
        %swap3A_567 = vector.shape_cast %exp3A_562 : vector<16xf32> to vector<1x16xf32>
        tpu.vector_store %arg16[%swap3A_563, %swap3A_564], %swap3A_567 {strides = array<i32>} : memref<80x128xf32, #tpu.memory_space<vmem>>, vector<1x16xf32>,
        %get3A_568 = arith.index_cast %add3A_457 : i32 to index
        %get3A_569 = arith.constant 48 : index
        %get3A_570 = tpu.vector_load %arg16[%get3A_568, %get3A_569] {strides = array<i32>} : memref<80x128xf32, #tpu.memory_space<vmem>>, vector<1x16xf32>,
        %get3A_571 = vector.shape_cast %get3A_570 : vector<1x16xf32> to vector<16xf32>
        %mul3A_572 = arith.mulf %get3A_571, %exp3A_562 : vector<16xf32>
        %swap3A_573 = arith.index_cast %add3A_457 : i32 to index
        %swap3A_574 = arith.constant 48 : index
        %swap3A_575 = tpu.vector_load %arg16[%swap3A_573, %swap3A_574] {strides = array<i32>} : memref<80x128xf32, #tpu.memory_space<vmem>>, vector<1x16xf32>,
        %swap3A_576 = vector.shape_cast %swap3A_575 : vector<1x16xf32> to vector<16xf32>
        %swap3A_577 = vector.shape_cast %mul3A_572 : vector<16xf32> to vector<1x16xf32>
        tpu.vector_store %arg16[%swap3A_573, %swap3A_574], %swap3A_577 {strides = array<i32>} : memref<80x128xf32, #tpu.memory_space<vmem>>, vector<1x16xf32>,
        %mul3A_578 = arith.constant 4 : i32
        %mul3A_579 = arith.muli %mul3A_578, %scan3A_208 : i32
        %add3A_580 = arith.constant 3 : i32
        %add3A_581 = arith.addi %mul3A_579, %add3A_580 : i32
        %get3A_582 = arith.index_cast %add3A_581 : i32 to index
        %get3A_583 = arith.constant 64 : index
        %get3A_584 = tpu.vector_load %arg16[%get3A_582, %get3A_583] {strides = array<i32>} : memref<80x128xf32, #tpu.memory_space<vmem>>, vector<1x16xf32>,
        %get3A_585 = vector.shape_cast %get3A_584 : vector<1x16xf32> to vector<16xf32>
        %get3A_586 = arith.index_cast %add3A_581 : i32 to index
        %get3A_587 = arith.constant 0 : index
        %get3A_588 = tpu.vector_load %arg17[%get3A_586, %get3A_587] {strides = array<i32>} : memref<80x128xf32, #tpu.memory_space<vmem>>, vector<1x16xf32>,
        %get3A_589 = vector.shape_cast %get3A_588 : vector<1x16xf32> to vector<16xf32>
        %add3A_590 = arith.addf %get3A_585, %get3A_589 : vector<16xf32>
        %mul3A_591 = arith.constant 2.000000e-01 : f32
        %mul3A_592 = vector.broadcast %mul3A_591 : f32 to vector<16xf32>
        %mul3A_593 = arith.mulf %mul3A_592, %add3A_590 : vector<16xf32>
        %max3A_594 = arith.maximumf %add3A_590, %mul3A_593 : vector<16xf32>
        %sub3A_595 = arith.subf %max3A_594, %get3A_14 : vector<16xf32>
        %exp3A_596 = math.exp %sub3A_595 : vector<16xf32>
        %swap3A_597 = arith.index_cast %add3A_581 : i32 to index
        %swap3A_598 = arith.constant 64 : index
        %swap3A_599 = tpu.vector_load %arg16[%swap3A_597, %swap3A_598] {strides = array<i32>} : memref<80x128xf32, #tpu.memory_space<vmem>>, vector<1x16xf32>,
        %swap3A_600 = vector.shape_cast %swap3A_599 : vector<1x16xf32> to vector<16xf32>
        %swap3A_601 = vector.shape_cast %exp3A_596 : vector<16xf32> to vector<1x16xf32>
        tpu.vector_store %arg16[%swap3A_597, %swap3A_598], %swap3A_601 {strides = array<i32>} : memref<80x128xf32, #tpu.memory_space<vmem>>, vector<1x16xf32>,
        %get3A_602 = arith.index_cast %add3A_581 : i32 to index
        %get3A_603 = arith.constant 0 : index
        %get3A_604 = tpu.vector_load %arg16[%get3A_602, %get3A_603] {strides = array<i32>} : memref<80x128xf32, #tpu.memory_space<vmem>>, vector<1x16xf32>,
        %get3A_605 = vector.shape_cast %get3A_604 : vector<1x16xf32> to vector<16xf32>
        %mul3A_606 = arith.mulf %get3A_605, %exp3A_596 : vector<16xf32>
        %swap3A_607 = arith.index_cast %add3A_581 : i32 to index
        %swap3A_608 = arith.constant 0 : index
        %swap3A_609 = tpu.vector_load %arg16[%swap3A_607, %swap3A_608] {strides = array<i32>} : memref<80x128xf32, #tpu.memory_space<vmem>>, vector<1x16xf32>,
        %swap3A_610 = vector.shape_cast %swap3A_609 : vector<1x16xf32> to vector<16xf32>
        %swap3A_611 = vector.shape_cast %mul3A_606 : vector<16xf32> to vector<1x16xf32>
        tpu.vector_store %arg16[%swap3A_607, %swap3A_608], %swap3A_611 {strides = array<i32>} : memref<80x128xf32, #tpu.memory_space<vmem>>, vector<1x16xf32>,
        %get3A_612 = arith.index_cast %add3A_581 : i32 to index
        %get3A_613 = arith.constant 80 : index
        %get3A_614 = tpu.vector_load %arg16[%get3A_612, %get3A_613] {strides = array<i32>} : memref<80x128xf32, #tpu.memory_space<vmem>>, vector<1x16xf32>,
        %get3A_615 = vector.shape_cast %get3A_614 : vector<1x16xf32> to vector<16xf32>
        %get3A_616 = arith.index_cast %add3A_581 : i32 to index
        %get3A_617 = arith.constant 16 : index
        %get3A_618 = tpu.vector_load %arg17[%get3A_616, %get3A_617] {strides = array<i32>} : memref<80x128xf32, #tpu.memory_space<vmem>>, vector<1x16xf32>,
        %get3A_619 = vector.shape_cast %get3A_618 : vector<1x16xf32> to vector<16xf32>
        %add3A_620 = arith.addf %get3A_615, %get3A_619 : vector<16xf32>
        %mul3A_621 = arith.constant 2.000000e-01 : f32
        %mul3A_622 = vector.broadcast %mul3A_621 : f32 to vector<16xf32>
        %mul3A_623 = arith.mulf %mul3A_622, %add3A_620 : vector<16xf32>
        %max3A_624 = arith.maximumf %add3A_620, %mul3A_623 : vector<16xf32>
        %sub3A_625 = arith.subf %max3A_624, %get3A_17 : vector<16xf32>
        %exp3A_626 = math.exp %sub3A_625 : vector<16xf32>
        %swap3A_627 = arith.index_cast %add3A_581 : i32 to index
        %swap3A_628 = arith.constant 80 : index
        %swap3A_629 = tpu.vector_load %arg16[%swap3A_627, %swap3A_628] {strides = array<i32>} : memref<80x128xf32, #tpu.memory_space<vmem>>, vector<1x16xf32>,
        %swap3A_630 = vector.shape_cast %swap3A_629 : vector<1x16xf32> to vector<16xf32>
        %swap3A_631 = vector.shape_cast %exp3A_626 : vector<16xf32> to vector<1x16xf32>
        tpu.vector_store %arg16[%swap3A_627, %swap3A_628], %swap3A_631 {strides = array<i32>} : memref<80x128xf32, #tpu.memory_space<vmem>>, vector<1x16xf32>,
        %get3A_632 = arith.index_cast %add3A_581 : i32 to index
        %get3A_633 = arith.constant 16 : index
        %get3A_634 = tpu.vector_load %arg16[%get3A_632, %get3A_633] {strides = array<i32>} : memref<80x128xf32, #tpu.memory_space<vmem>>, vector<1x16xf32>,
        %get3A_635 = vector.shape_cast %get3A_634 : vector<1x16xf32> to vector<16xf32>
        %mul3A_636 = arith.mulf %get3A_635, %exp3A_626 : vector<16xf32>
        %swap3A_637 = arith.index_cast %add3A_581 : i32 to index
        %swap3A_638 = arith.constant 16 : index
        %swap3A_639 = tpu.vector_load %arg16[%swap3A_637, %swap3A_638] {strides = array<i32>} : memref<80x128xf32, #tpu.memory_space<vmem>>, vector<1x16xf32>,
        %swap3A_640 = vector.shape_cast %swap3A_639 : vector<1x16xf32> to vector<16xf32>
        %swap3A_641 = vector.shape_cast %mul3A_636 : vector<16xf32> to vector<1x16xf32>
        tpu.vector_store %arg16[%swap3A_637, %swap3A_638], %swap3A_641 {strides = array<i32>} : memref<80x128xf32, #tpu.memory_space<vmem>>, vector<1x16xf32>,
        %get3A_642 = arith.index_cast %add3A_581 : i32 to index
        %get3A_643 = arith.constant 96 : index
        %get3A_644 = tpu.vector_load %arg16[%get3A_642, %get3A_643] {strides = array<i32>} : memref<80x128xf32, #tpu.memory_space<vmem>>, vector<1x16xf32>,
        %get3A_645 = vector.shape_cast %get3A_644 : vector<1x16xf32> to vector<16xf32>
        %get3A_646 = arith.index_cast %add3A_581 : i32 to index
        %get3A_647 = arith.constant 32 : index
        %get3A_648 = tpu.vector_load %arg17[%get3A_646, %get3A_647] {strides = array<i32>} : memref<80x128xf32, #tpu.memory_space<vmem>>, vector<1x16xf32>,
        %get3A_649 = vector.shape_cast %get3A_648 : vector<1x16xf32> to vector<16xf32>
        %add3A_650 = arith.addf %get3A_645, %get3A_649 : vector<16xf32>
        %mul3A_651 = arith.constant 2.000000e-01 : f32
        %mul3A_652 = vector.broadcast %mul3A_651 : f32 to vector<16xf32>
        %mul3A_653 = arith.mulf %mul3A_652, %add3A_650 : vector<16xf32>
        %max3A_654 = arith.maximumf %add3A_650, %mul3A_653 : vector<16xf32>
        %sub3A_655 = arith.subf %max3A_654, %get3A_20 : vector<16xf32>
        %exp3A_656 = math.exp %sub3A_655 : vector<16xf32>
        %swap3A_657 = arith.index_cast %add3A_581 : i32 to index
        %swap3A_658 = arith.constant 96 : index
        %swap3A_659 = tpu.vector_load %arg16[%swap3A_657, %swap3A_658] {strides = array<i32>} : memref<80x128xf32, #tpu.memory_space<vmem>>, vector<1x16xf32>,
        %swap3A_660 = vector.shape_cast %swap3A_659 : vector<1x16xf32> to vector<16xf32>
        %swap3A_661 = vector.shape_cast %exp3A_656 : vector<16xf32> to vector<1x16xf32>
        tpu.vector_store %arg16[%swap3A_657, %swap3A_658], %swap3A_661 {strides = array<i32>} : memref<80x128xf32, #tpu.memory_space<vmem>>, vector<1x16xf32>,
        %get3A_662 = arith.index_cast %add3A_581 : i32 to index
        %get3A_663 = arith.constant 32 : index
        %get3A_664 = tpu.vector_load %arg16[%get3A_662, %get3A_663] {strides = array<i32>} : memref<80x128xf32, #tpu.memory_space<vmem>>, vector<1x16xf32>,
        %get3A_665 = vector.shape_cast %get3A_664 : vector<1x16xf32> to vector<16xf32>
        %mul3A_666 = arith.mulf %get3A_665, %exp3A_656 : vector<16xf32>
        %swap3A_667 = arith.index_cast %add3A_581 : i32 to index
        %swap3A_668 = arith.constant 32 : index
        %swap3A_669 = tpu.vector_load %arg16[%swap3A_667, %swap3A_668] {strides = array<i32>} : memref<80x128xf32, #tpu.memory_space<vmem>>, vector<1x16xf32>,
        %swap3A_670 = vector.shape_cast %swap3A_669 : vector<1x16xf32> to vector<16xf32>
        %swap3A_671 = vector.shape_cast %mul3A_666 : vector<16xf32> to vector<1x16xf32>
        tpu.vector_store %arg16[%swap3A_667, %swap3A_668], %swap3A_671 {strides = array<i32>} : memref<80x128xf32, #tpu.memory_space<vmem>>, vector<1x16xf32>,
        %get3A_672 = arith.index_cast %add3A_581 : i32 to index
        %get3A_673 = arith.constant 112 : index
        %get3A_674 = tpu.vector_load %arg16[%get3A_672, %get3A_673] {strides = array<i32>} : memref<80x128xf32, #tpu.memory_space<vmem>>, vector<1x16xf32>,
        %get3A_675 = vector.shape_cast %get3A_674 : vector<1x16xf32> to vector<16xf32>
        %get3A_676 = arith.index_cast %add3A_581 : i32 to index
        %get3A_677 = arith.constant 48 : index
        %get3A_678 = tpu.vector_load %arg17[%get3A_676, %get3A_677] {strides = array<i32>} : memref<80x128xf32, #tpu.memory_space<vmem>>, vector<1x16xf32>,
        %get3A_679 = vector.shape_cast %get3A_678 : vector<1x16xf32> to vector<16xf32>
        %add3A_680 = arith.addf %get3A_675, %get3A_679 : vector<16xf32>
        %mul3A_681 = arith.constant 2.000000e-01 : f32
        %mul3A_682 = vector.broadcast %mul3A_681 : f32 to vector<16xf32>
        %mul3A_683 = arith.mulf %mul3A_682, %add3A_680 : vector<16xf32>
        %max3A_684 = arith.maximumf %add3A_680, %mul3A_683 : vector<16xf32>
        %sub3A_685 = arith.subf %max3A_684, %get3A_23 : vector<16xf32>
        %exp3A_686 = math.exp %sub3A_685 : vector<16xf32>
        %swap3A_687 = arith.index_cast %add3A_581 : i32 to index
        %swap3A_688 = arith.constant 112 : index
        %swap3A_689 = tpu.vector_load %arg16[%swap3A_687, %swap3A_688] {strides = array<i32>} : memref<80x128xf32, #tpu.memory_space<vmem>>, vector<1x16xf32>,
        %swap3A_690 = vector.shape_cast %swap3A_689 : vector<1x16xf32> to vector<16xf32>
        %swap3A_691 = vector.shape_cast %exp3A_686 : vector<16xf32> to vector<1x16xf32>
        tpu.vector_store %arg16[%swap3A_687, %swap3A_688], %swap3A_691 {strides = array<i32>} : memref<80x128xf32, #tpu.memory_space<vmem>>, vector<1x16xf32>,
        %get3A_692 = arith.index_cast %add3A_581 : i32 to index
        %get3A_693 = arith.constant 48 : index
        %get3A_694 = tpu.vector_load %arg16[%get3A_692, %get3A_693] {strides = array<i32>} : memref<80x128xf32, #tpu.memory_space<vmem>>, vector<1x16xf32>,
        %get3A_695 = vector.shape_cast %get3A_694 : vector<1x16xf32> to vector<16xf32>
        %mul3A_696 = arith.mulf %get3A_695, %exp3A_686 : vector<16xf32>
        %swap3A_697 = arith.index_cast %add3A_581 : i32 to index
        %swap3A_698 = arith.constant 48 : index
        %swap3A_699 = tpu.vector_load %arg16[%swap3A_697, %swap3A_698] {strides = array<i32>} : memref<80x128xf32, #tpu.memory_space<vmem>>, vector<1x16xf32>,
        %swap3A_700 = vector.shape_cast %swap3A_699 : vector<1x16xf32> to vector<16xf32>
        %swap3A_701 = vector.shape_cast %mul3A_696 : vector<16xf32> to vector<1x16xf32>
        tpu.vector_store %arg16[%swap3A_697, %swap3A_698], %swap3A_701 {strides = array<i32>} : memref<80x128xf32, #tpu.memory_space<vmem>>, vector<1x16xf32>,
      }
      %scan3A_184 = arith.constant 20 : i32
      "tpu.region"() ({
        %run_scoped3A = tpu.sem_alloc : memref<!tpu.dma_semaphore, #tpu.memory_space<semaphore_mem>>
        %dma_start3A_208 = arith.constant 0 : i32
        %dma_start3A_209 = arith.constant 0 : i32
        %dma_start3A_210 = tpu.memref_slice %arg21[%dma_start3A_208, %dma_start3A_209] : memref<10000x128xf32, #tpu.memory_space<vmem_shared>> -> memref<10000x128xf32, #tpu.memory_space<vmem_shared>>
        tpu.enqueue_indirect_dma source(%arg16 : memref<80x128xf32, #tpu.memory_space<vmem>>) target(%dma_start3A_210 : memref<10000x128xf32, #tpu.memory_space<vmem_shared>>) offsets(%arg12 : memref<80xi32, #tpu.memory_space<vmem>>) semaphore(%run_scoped3A : memref<!tpu.dma_semaphore, #tpu.memory_space<semaphore_mem>>) {add = true}
        %dma_wait3A_211 = arith.constant 0 : i32
        %dma_wait3A_212 = arith.constant 0 : i32
        %dma_wait3A_213 = tpu.memref_slice %arg21[%dma_wait3A_211, %dma_wait3A_212] : memref<10000x128xf32, #tpu.memory_space<vmem_shared>> -> memref<10000x128xf32, #tpu.memory_space<vmem_shared>>
        tpu.wait_indirect_dma semaphore(%run_scoped3A : memref<!tpu.dma_semaphore, #tpu.memory_space<semaphore_mem>>) src(%arg16 : memref<80x128xf32, #tpu.memory_space<vmem>>) dst(%dma_wait3A_213 : memref<10000x128xf32, #tpu.memory_space<vmem_shared>>)
        tpu.yield
      }) : () -> ()
      %mul3A_185 = arith.constant 2 : i32
      %mul3A_186 = arith.muli %mul3A_185, %scan3A_163 : i32
      %add3A_187 = arith.constant 1 : i32
      %add3A_188 = arith.addi %mul3A_186, %add3A_187 : i32
      %add3A_189 = arith.constant 1 : i32
      %add3A_190 = arith.addi %add3A_188, %add3A_189 : i32
      %lt3A_191 = arith.constant 125 : i32
      %lt3A_192 = arith.cmpi slt, %add3A_190, %lt3A_191 : i32
      %convert_element_type3A_193 = arith.extui %lt3A_192 : i1 to i32
      %cond3A_194 = arith.constant 0 : i32
      %cond3A_195 = arith.cmpi ne, %convert_element_type3A_193, %cond3A_194 : i32
      scf.if %cond3A_195 {
        %add3A_208 = arith.constant 1 : i32
        %add3A_209 = arith.addi %add3A_188, %add3A_208 : i32
        %add3A_210 = arith.addi %mul3A_4, %add3A_209 : i32
        %mul3A_211 = arith.constant 160 : i32
        %mul3A_212 = arith.muli %add3A_210, %mul3A_211 : i32
        %dma_wait3A_213 = tpu.memref_slice %arg4[%mul3A_212] : memref<640000xi32, #tpu.memory_space<hbm>> -> memref<160xi32, #tpu.memory_space<hbm>>
        %dma_wait3A_214 = tpu.memref_slice %arg4[%mul3A_212] : memref<640000xi32, #tpu.memory_space<hbm>> -> memref<160xi32, #tpu.memory_space<hbm>>
        tpu.wait_dma2 semaphore(%arg22 : memref<!tpu.dma_semaphore, #tpu.memory_space<semaphore_mem>>) src(%dma_wait3A_214 : memref<160xi32, #tpu.memory_space<hbm>>) dst(%arg8 : memref<160xi32, #tpu.memory_space<vmem>>)
        %get3A_215 = arith.constant 0 : index
        %get3A_216 = tpu.vector_load %arg8[%get3A_215] {strides = array<i32>} : memref<160xi32, #tpu.memory_space<vmem>>, vector<16xi32>,
        %get3A_217 = vector.shape_cast %get3A_216 : vector<16xi32> to vector<16xi32>
        %get3A_218 = arith.constant 80 : index
        %get3A_219 = tpu.vector_load %arg8[%get3A_218] {strides = array<i32>} : memref<160xi32, #tpu.memory_space<vmem>>, vector<16xi32>,
        %get3A_220 = vector.shape_cast %get3A_219 : vector<16xi32> to vector<16xi32>
        %swap3A_221 = arith.constant 0 : index
        %swap3A_222 = tpu.vector_load %arg12[%swap3A_221] {strides = array<i32>} : memref<80xi32, #tpu.memory_space<vmem>>, vector<16xi32>,
        %swap3A_223 = vector.shape_cast %swap3A_222 : vector<16xi32> to vector<16xi32>
        %swap3A_224 = vector.shape_cast %get3A_220 : vector<16xi32> to vector<16xi32>
        tpu.vector_store %arg12[%swap3A_221], %swap3A_224 {strides = array<i32>} : memref<80xi32, #tpu.memory_space<vmem>>, vector<16xi32>,
        %swap3A_225 = arith.constant 0 : index
        %swap3A_226 = tpu.vector_load %arg10[%swap3A_225] {strides = array<i32>} : memref<80xi32, #tpu.memory_space<vmem>>, vector<16xi32>,
        %swap3A_227 = vector.shape_cast %swap3A_226 : vector<16xi32> to vector<16xi32>
        %swap3A_228 = vector.shape_cast %get3A_217 : vector<16xi32> to vector<16xi32>
        tpu.vector_store %arg10[%swap3A_225], %swap3A_228 {strides = array<i32>} : memref<80xi32, #tpu.memory_space<vmem>>, vector<16xi32>,
        %swap3A_229 = arith.constant 0 : index
        %swap3A_230 = tpu.vector_load %arg11[%swap3A_229] {strides = array<i32>} : memref<80xi32, #tpu.memory_space<vmem>>, vector<16xi32>,
        %swap3A_231 = vector.shape_cast %swap3A_230 : vector<16xi32> to vector<16xi32>
        %swap3A_232 = vector.shape_cast %get3A_220 : vector<16xi32> to vector<16xi32>
        tpu.vector_store %arg11[%swap3A_229], %swap3A_232 {strides = array<i32>} : memref<80xi32, #tpu.memory_space<vmem>>, vector<16xi32>,
        %get3A_233 = arith.constant 16 : index
        %get3A_234 = tpu.vector_load %arg8[%get3A_233] {strides = array<i32>} : memref<160xi32, #tpu.memory_space<vmem>>, vector<16xi32>,
        %get3A_235 = vector.shape_cast %get3A_234 : vector<16xi32> to vector<16xi32>
        %get3A_236 = arith.constant 96 : index
        %get3A_237 = tpu.vector_load %arg8[%get3A_236] {strides = array<i32>} : memref<160xi32, #tpu.memory_space<vmem>>, vector<16xi32>,
        %get3A_238 = vector.shape_cast %get3A_237 : vector<16xi32> to vector<16xi32>
        %swap3A_239 = arith.constant 16 : index
        %swap3A_240 = tpu.vector_load %arg12[%swap3A_239] {strides = array<i32>} : memref<80xi32, #tpu.memory_space<vmem>>, vector<16xi32>,
        %swap3A_241 = vector.shape_cast %swap3A_240 : vector<16xi32> to vector<16xi32>
        %swap3A_242 = vector.shape_cast %get3A_238 : vector<16xi32> to vector<16xi32>
        tpu.vector_store %arg12[%swap3A_239], %swap3A_242 {strides = array<i32>} : memref<80xi32, #tpu.memory_space<vmem>>, vector<16xi32>,
        %swap3A_243 = arith.constant 16 : index
        %swap3A_244 = tpu.vector_load %arg10[%swap3A_243] {strides = array<i32>} : memref<80xi32, #tpu.memory_space<vmem>>, vector<16xi32>,
        %swap3A_245 = vector.shape_cast %swap3A_244 : vector<16xi32> to vector<16xi32>
        %swap3A_246 = vector.shape_cast %get3A_235 : vector<16xi32> to vector<16xi32>
        tpu.vector_store %arg10[%swap3A_243], %swap3A_246 {strides = array<i32>} : memref<80xi32, #tpu.memory_space<vmem>>, vector<16xi32>,
        %swap3A_247 = arith.constant 16 : index
        %swap3A_248 = tpu.vector_load %arg11[%swap3A_247] {strides = array<i32>} : memref<80xi32, #tpu.memory_space<vmem>>, vector<16xi32>,
        %swap3A_249 = vector.shape_cast %swap3A_248 : vector<16xi32> to vector<16xi32>
        %swap3A_250 = vector.shape_cast %get3A_238 : vector<16xi32> to vector<16xi32>
        tpu.vector_store %arg11[%swap3A_247], %swap3A_250 {strides = array<i32>} : memref<80xi32, #tpu.memory_space<vmem>>, vector<16xi32>,
        %get3A_251 = arith.constant 32 : index
        %get3A_252 = tpu.vector_load %arg8[%get3A_251] {strides = array<i32>} : memref<160xi32, #tpu.memory_space<vmem>>, vector<16xi32>,
        %get3A_253 = vector.shape_cast %get3A_252 : vector<16xi32> to vector<16xi32>
        %get3A_254 = arith.constant 112 : index
        %get3A_255 = tpu.vector_load %arg8[%get3A_254] {strides = array<i32>} : memref<160xi32, #tpu.memory_space<vmem>>, vector<16xi32>,
        %get3A_256 = vector.shape_cast %get3A_255 : vector<16xi32> to vector<16xi32>
        %swap3A_257 = arith.constant 32 : index
        %swap3A_258 = tpu.vector_load %arg12[%swap3A_257] {strides = array<i32>} : memref<80xi32, #tpu.memory_space<vmem>>, vector<16xi32>,
        %swap3A_259 = vector.shape_cast %swap3A_258 : vector<16xi32> to vector<16xi32>
        %swap3A_260 = vector.shape_cast %get3A_256 : vector<16xi32> to vector<16xi32>
        tpu.vector_store %arg12[%swap3A_257], %swap3A_260 {strides = array<i32>} : memref<80xi32, #tpu.memory_space<vmem>>, vector<16xi32>,
        %swap3A_261 = arith.constant 32 : index
        %swap3A_262 = tpu.vector_load %arg10[%swap3A_261] {strides = array<i32>} : memref<80xi32, #tpu.memory_space<vmem>>, vector<16xi32>,
        %swap3A_263 = vector.shape_cast %swap3A_262 : vector<16xi32> to vector<16xi32>
        %swap3A_264 = vector.shape_cast %get3A_253 : vector<16xi32> to vector<16xi32>
        tpu.vector_store %arg10[%swap3A_261], %swap3A_264 {strides = array<i32>} : memref<80xi32, #tpu.memory_space<vmem>>, vector<16xi32>,
        %swap3A_265 = arith.constant 32 : index
        %swap3A_266 = tpu.vector_load %arg11[%swap3A_265] {strides = array<i32>} : memref<80xi32, #tpu.memory_space<vmem>>, vector<16xi32>,
        %swap3A_267 = vector.shape_cast %swap3A_266 : vector<16xi32> to vector<16xi32>
        %swap3A_268 = vector.shape_cast %get3A_256 : vector<16xi32> to vector<16xi32>
        tpu.vector_store %arg11[%swap3A_265], %swap3A_268 {strides = array<i32>} : memref<80xi32, #tpu.memory_space<vmem>>, vector<16xi32>,
        %get3A_269 = arith.constant 48 : index
        %get3A_270 = tpu.vector_load %arg8[%get3A_269] {strides = array<i32>} : memref<160xi32, #tpu.memory_space<vmem>>, vector<16xi32>,
        %get3A_271 = vector.shape_cast %get3A_270 : vector<16xi32> to vector<16xi32>
        %get3A_272 = arith.constant 128 : index
        %get3A_273 = tpu.vector_load %arg8[%get3A_272] {strides = array<i32>} : memref<160xi32, #tpu.memory_space<vmem>>, vector<16xi32>,
        %get3A_274 = vector.shape_cast %get3A_273 : vector<16xi32> to vector<16xi32>
        %swap3A_275 = arith.constant 48 : index
        %swap3A_276 = tpu.vector_load %arg12[%swap3A_275] {strides = array<i32>} : memref<80xi32, #tpu.memory_space<vmem>>, vector<16xi32>,
        %swap3A_277 = vector.shape_cast %swap3A_276 : vector<16xi32> to vector<16xi32>
        %swap3A_278 = vector.shape_cast %get3A_274 : vector<16xi32> to vector<16xi32>
        tpu.vector_store %arg12[%swap3A_275], %swap3A_278 {strides = array<i32>} : memref<80xi32, #tpu.memory_space<vmem>>, vector<16xi32>,
        %swap3A_279 = arith.constant 48 : index
        %swap3A_280 = tpu.vector_load %arg10[%swap3A_279] {strides = array<i32>} : memref<80xi32, #tpu.memory_space<vmem>>, vector<16xi32>,
        %swap3A_281 = vector.shape_cast %swap3A_280 : vector<16xi32> to vector<16xi32>
        %swap3A_282 = vector.shape_cast %get3A_271 : vector<16xi32> to vector<16xi32>
        tpu.vector_store %arg10[%swap3A_279], %swap3A_282 {strides = array<i32>} : memref<80xi32, #tpu.memory_space<vmem>>, vector<16xi32>,
        %swap3A_283 = arith.constant 48 : index
        %swap3A_284 = tpu.vector_load %arg11[%swap3A_283] {strides = array<i32>} : memref<80xi32, #tpu.memory_space<vmem>>, vector<16xi32>,
        %swap3A_285 = vector.shape_cast %swap3A_284 : vector<16xi32> to vector<16xi32>
        %swap3A_286 = vector.shape_cast %get3A_274 : vector<16xi32> to vector<16xi32>
        tpu.vector_store %arg11[%swap3A_283], %swap3A_286 {strides = array<i32>} : memref<80xi32, #tpu.memory_space<vmem>>, vector<16xi32>,
        %get3A_287 = arith.constant 64 : index
        %get3A_288 = tpu.vector_load %arg8[%get3A_287] {strides = array<i32>} : memref<160xi32, #tpu.memory_space<vmem>>, vector<16xi32>,
        %get3A_289 = vector.shape_cast %get3A_288 : vector<16xi32> to vector<16xi32>
        %get3A_290 = arith.constant 144 : index
        %get3A_291 = tpu.vector_load %arg8[%get3A_290] {strides = array<i32>} : memref<160xi32, #tpu.memory_space<vmem>>, vector<16xi32>,
        %get3A_292 = vector.shape_cast %get3A_291 : vector<16xi32> to vector<16xi32>
        %swap3A_293 = arith.constant 64 : index
        %swap3A_294 = tpu.vector_load %arg12[%swap3A_293] {strides = array<i32>} : memref<80xi32, #tpu.memory_space<vmem>>, vector<16xi32>,
        %swap3A_295 = vector.shape_cast %swap3A_294 : vector<16xi32> to vector<16xi32>
        %swap3A_296 = vector.shape_cast %get3A_292 : vector<16xi32> to vector<16xi32>
        tpu.vector_store %arg12[%swap3A_293], %swap3A_296 {strides = array<i32>} : memref<80xi32, #tpu.memory_space<vmem>>, vector<16xi32>,
        %swap3A_297 = arith.constant 64 : index
        %swap3A_298 = tpu.vector_load %arg10[%swap3A_297] {strides = array<i32>} : memref<80xi32, #tpu.memory_space<vmem>>, vector<16xi32>,
        %swap3A_299 = vector.shape_cast %swap3A_298 : vector<16xi32> to vector<16xi32>
        %swap3A_300 = vector.shape_cast %get3A_289 : vector<16xi32> to vector<16xi32>
        tpu.vector_store %arg10[%swap3A_297], %swap3A_300 {strides = array<i32>} : memref<80xi32, #tpu.memory_space<vmem>>, vector<16xi32>,
        %swap3A_301 = arith.constant 64 : index
        %swap3A_302 = tpu.vector_load %arg11[%swap3A_301] {strides = array<i32>} : memref<80xi32, #tpu.memory_space<vmem>>, vector<16xi32>,
        %swap3A_303 = vector.shape_cast %swap3A_302 : vector<16xi32> to vector<16xi32>
        %swap3A_304 = vector.shape_cast %get3A_292 : vector<16xi32> to vector<16xi32>
        tpu.vector_store %arg11[%swap3A_301], %swap3A_304 {strides = array<i32>} : memref<80xi32, #tpu.memory_space<vmem>>, vector<16xi32>,
        %add3A_305 = arith.constant 2 : i32
        %add3A_306 = arith.addi %add3A_188, %add3A_305 : i32
        %lt3A_307 = arith.constant 125 : i32
        %lt3A_308 = arith.cmpi slt, %add3A_306, %lt3A_307 : i32
        %convert_element_type3A_309 = arith.extui %lt3A_308 : i1 to i32
        %cond3A_310 = arith.constant 0 : i32
        %cond3A_311 = arith.cmpi ne, %convert_element_type3A_309, %cond3A_310 : i32
        scf.if %cond3A_311 {
          %add3A_318 = arith.constant 2 : i32
          %add3A_319 = arith.addi %add3A_188, %add3A_318 : i32
          %add3A_320 = arith.addi %mul3A_4, %add3A_319 : i32
          %mul3A_321 = arith.constant 160 : i32
          %mul3A_322 = arith.muli %add3A_320, %mul3A_321 : i32
          %dma_start3A_323 = tpu.memref_slice %arg4[%mul3A_322] : memref<640000xi32, #tpu.memory_space<hbm>> -> memref<160xi32, #tpu.memory_space<hbm>>
          %dma_start3A_324 = tpu.memref_slice %arg4[%mul3A_322] : memref<640000xi32, #tpu.memory_space<hbm>> -> memref<160xi32, #tpu.memory_space<hbm>>
          tpu.enqueue_dma source(%dma_start3A_324 : memref<160xi32, #tpu.memory_space<hbm>>) target(%arg9 : memref<160xi32, #tpu.memory_space<vmem>>) target_semaphore(%arg23 : memref<!tpu.dma_semaphore, #tpu.memory_space<semaphore_mem>>)
        } else {
        }
        %dma_start3A_312 = arith.constant 0 : i32
        %dma_start3A_313 = arith.constant 0 : i32
        %dma_start3A_314 = tpu.memref_slice %arg2[%dma_start3A_312, %dma_start3A_313] : memref<10000x128xf32, #tpu.memory_space<hbm>> -> memref<10000x128xf32, #tpu.memory_space<hbm>>
        tpu.enqueue_indirect_dma source(%dma_start3A_314 : memref<10000x128xf32, #tpu.memory_space<hbm>>) target(%arg16 : memref<80x128xf32, #tpu.memory_space<vmem>>) offsets(%arg10 : memref<80xi32, #tpu.memory_space<vmem>>) semaphore(%arg24 : memref<!tpu.dma_semaphore, #tpu.memory_space<semaphore_mem>>)
        %dma_start3A_315 = arith.constant 0 : i32
        %dma_start3A_316 = arith.constant 0 : i32
        %dma_start3A_317 = tpu.memref_slice %arg3[%dma_start3A_315, %dma_start3A_316] : memref<10000x128xf32, #tpu.memory_space<hbm>> -> memref<10000x128xf32, #tpu.memory_space<hbm>>
        tpu.enqueue_indirect_dma source(%dma_start3A_317 : memref<10000x128xf32, #tpu.memory_space<hbm>>) target(%arg17 : memref<80x128xf32, #tpu.memory_space<vmem>>) offsets(%arg11 : memref<80xi32, #tpu.memory_space<vmem>>) semaphore(%arg24 : memref<!tpu.dma_semaphore, #tpu.memory_space<semaphore_mem>>)
      } else {
      }
      %dma_wait3A_196 = arith.constant 0 : i32
      %dma_wait3A_197 = arith.constant 0 : i32
      %dma_wait3A_198 = tpu.memref_slice %arg2[%dma_wait3A_196, %dma_wait3A_197] : memref<10000x128xf32, #tpu.memory_space<hbm>> -> memref<10000x128xf32, #tpu.memory_space<hbm>>
      tpu.wait_indirect_dma semaphore(%arg25 : memref<!tpu.dma_semaphore, #tpu.memory_space<semaphore_mem>>) src(%dma_wait3A_198 : memref<10000x128xf32, #tpu.memory_space<hbm>>) dst(%arg18 : memref<80x128xf32, #tpu.memory_space<vmem>>)
      %dma_wait3A_199 = arith.constant 0 : i32
      %dma_wait3A_200 = arith.constant 0 : i32
      %dma_wait3A_201 = tpu.memref_slice %arg3[%dma_wait3A_199, %dma_wait3A_200] : memref<10000x128xf32, #tpu.memory_space<hbm>> -> memref<10000x128xf32, #tpu.memory_space<hbm>>
      tpu.wait_indirect_dma semaphore(%arg25 : memref<!tpu.dma_semaphore, #tpu.memory_space<semaphore_mem>>) src(%dma_wait3A_201 : memref<10000x128xf32, #tpu.memory_space<hbm>>) dst(%arg19 : memref<80x128xf32, #tpu.memory_space<vmem>>)
      %scan3A_202 = arith.constant 0 : i32
      %scan3A_203 = arith.constant 0 : i32
      %scan3A_204 = arith.constant 20 : i32
      %scan3A_205 = arith.addi %scan3A_203, %scan3A_204 : i32
      %scan3A_206 = arith.constant 1 : i32
      scf.for %scan3A_208 = %scan3A_203 to %scan3A_205 step %scan3A_206  : i32 {
        %mul3A_209 = arith.constant 4 : i32
        %mul3A_210 = arith.muli %mul3A_209, %scan3A_208 : i32
        %add3A_211 = arith.constant 0 : i32
        %add3A_212 = arith.addi %mul3A_210, %add3A_211 : i32
        %get3A_213 = arith.index_cast %add3A_212 : i32 to index
        %get3A_214 = arith.constant 64 : index
        %get3A_215 = tpu.vector_load %arg18[%get3A_213, %get3A_214] {strides = array<i32>} : memref<80x128xf32, #tpu.memory_space<vmem>>, vector<1x16xf32>,
        %get3A_216 = vector.shape_cast %get3A_215 : vector<1x16xf32> to vector<16xf32>
        %get3A_217 = arith.index_cast %add3A_212 : i32 to index
        %get3A_218 = arith.constant 0 : index
        %get3A_219 = tpu.vector_load %arg19[%get3A_217, %get3A_218] {strides = array<i32>} : memref<80x128xf32, #tpu.memory_space<vmem>>, vector<1x16xf32>,
        %get3A_220 = vector.shape_cast %get3A_219 : vector<1x16xf32> to vector<16xf32>
        %add3A_221 = arith.addf %get3A_216, %get3A_220 : vector<16xf32>
        %mul3A_222 = arith.constant 2.000000e-01 : f32
        %mul3A_223 = vector.broadcast %mul3A_222 : f32 to vector<16xf32>
        %mul3A_224 = arith.mulf %mul3A_223, %add3A_221 : vector<16xf32>
        %max3A = arith.maximumf %add3A_221, %mul3A_224 : vector<16xf32>
        %sub3A = arith.subf %max3A, %get3A_14 : vector<16xf32>
        %exp3A = math.exp %sub3A : vector<16xf32>
        %swap3A_225 = arith.index_cast %add3A_212 : i32 to index
        %swap3A_226 = arith.constant 64 : index
        %swap3A_227 = tpu.vector_load %arg18[%swap3A_225, %swap3A_226] {strides = array<i32>} : memref<80x128xf32, #tpu.memory_space<vmem>>, vector<1x16xf32>,
        %swap3A_228 = vector.shape_cast %swap3A_227 : vector<1x16xf32> to vector<16xf32>
        %swap3A_229 = vector.shape_cast %exp3A : vector<16xf32> to vector<1x16xf32>
        tpu.vector_store %arg18[%swap3A_225, %swap3A_226], %swap3A_229 {strides = array<i32>} : memref<80x128xf32, #tpu.memory_space<vmem>>, vector<1x16xf32>,
        %get3A_230 = arith.index_cast %add3A_212 : i32 to index
        %get3A_231 = arith.constant 0 : index
        %get3A_232 = tpu.vector_load %arg18[%get3A_230, %get3A_231] {strides = array<i32>} : memref<80x128xf32, #tpu.memory_space<vmem>>, vector<1x16xf32>,
        %get3A_233 = vector.shape_cast %get3A_232 : vector<1x16xf32> to vector<16xf32>
        %mul3A_234 = arith.mulf %get3A_233, %exp3A : vector<16xf32>
        %swap3A_235 = arith.index_cast %add3A_212 : i32 to index
        %swap3A_236 = arith.constant 0 : index
        %swap3A_237 = tpu.vector_load %arg18[%swap3A_235, %swap3A_236] {strides = array<i32>} : memref<80x128xf32, #tpu.memory_space<vmem>>, vector<1x16xf32>,
        %swap3A_238 = vector.shape_cast %swap3A_237 : vector<1x16xf32> to vector<16xf32>
        %swap3A_239 = vector.shape_cast %mul3A_234 : vector<16xf32> to vector<1x16xf32>
        tpu.vector_store %arg18[%swap3A_235, %swap3A_236], %swap3A_239 {strides = array<i32>} : memref<80x128xf32, #tpu.memory_space<vmem>>, vector<1x16xf32>,
        %get3A_240 = arith.index_cast %add3A_212 : i32 to index
        %get3A_241 = arith.constant 80 : index
        %get3A_242 = tpu.vector_load %arg18[%get3A_240, %get3A_241] {strides = array<i32>} : memref<80x128xf32, #tpu.memory_space<vmem>>, vector<1x16xf32>,
        %get3A_243 = vector.shape_cast %get3A_242 : vector<1x16xf32> to vector<16xf32>
        %get3A_244 = arith.index_cast %add3A_212 : i32 to index
        %get3A_245 = arith.constant 16 : index
        %get3A_246 = tpu.vector_load %arg19[%get3A_244, %get3A_245] {strides = array<i32>} : memref<80x128xf32, #tpu.memory_space<vmem>>, vector<1x16xf32>,
        %get3A_247 = vector.shape_cast %get3A_246 : vector<1x16xf32> to vector<16xf32>
        %add3A_248 = arith.addf %get3A_243, %get3A_247 : vector<16xf32>
        %mul3A_249 = arith.constant 2.000000e-01 : f32
        %mul3A_250 = vector.broadcast %mul3A_249 : f32 to vector<16xf32>
        %mul3A_251 = arith.mulf %mul3A_250, %add3A_248 : vector<16xf32>
        %max3A_252 = arith.maximumf %add3A_248, %mul3A_251 : vector<16xf32>
        %sub3A_253 = arith.subf %max3A_252, %get3A_17 : vector<16xf32>
        %exp3A_254 = math.exp %sub3A_253 : vector<16xf32>
        %swap3A_255 = arith.index_cast %add3A_212 : i32 to index
        %swap3A_256 = arith.constant 80 : index
        %swap3A_257 = tpu.vector_load %arg18[%swap3A_255, %swap3A_256] {strides = array<i32>} : memref<80x128xf32, #tpu.memory_space<vmem>>, vector<1x16xf32>,
        %swap3A_258 = vector.shape_cast %swap3A_257 : vector<1x16xf32> to vector<16xf32>
        %swap3A_259 = vector.shape_cast %exp3A_254 : vector<16xf32> to vector<1x16xf32>
        tpu.vector_store %arg18[%swap3A_255, %swap3A_256], %swap3A_259 {strides = array<i32>} : memref<80x128xf32, #tpu.memory_space<vmem>>, vector<1x16xf32>,
        %get3A_260 = arith.index_cast %add3A_212 : i32 to index
        %get3A_261 = arith.constant 16 : index
        %get3A_262 = tpu.vector_load %arg18[%get3A_260, %get3A_261] {strides = array<i32>} : memref<80x128xf32, #tpu.memory_space<vmem>>, vector<1x16xf32>,
        %get3A_263 = vector.shape_cast %get3A_262 : vector<1x16xf32> to vector<16xf32>
        %mul3A_264 = arith.mulf %get3A_263, %exp3A_254 : vector<16xf32>
        %swap3A_265 = arith.index_cast %add3A_212 : i32 to index
        %swap3A_266 = arith.constant 16 : index
        %swap3A_267 = tpu.vector_load %arg18[%swap3A_265, %swap3A_266] {strides = array<i32>} : memref<80x128xf32, #tpu.memory_space<vmem>>, vector<1x16xf32>,
        %swap3A_268 = vector.shape_cast %swap3A_267 : vector<1x16xf32> to vector<16xf32>
        %swap3A_269 = vector.shape_cast %mul3A_264 : vector<16xf32> to vector<1x16xf32>
        tpu.vector_store %arg18[%swap3A_265, %swap3A_266], %swap3A_269 {strides = array<i32>} : memref<80x128xf32, #tpu.memory_space<vmem>>, vector<1x16xf32>,
        %get3A_270 = arith.index_cast %add3A_212 : i32 to index
        %get3A_271 = arith.constant 96 : index
        %get3A_272 = tpu.vector_load %arg18[%get3A_270, %get3A_271] {strides = array<i32>} : memref<80x128xf32, #tpu.memory_space<vmem>>, vector<1x16xf32>,
        %get3A_273 = vector.shape_cast %get3A_272 : vector<1x16xf32> to vector<16xf32>
        %get3A_274 = arith.index_cast %add3A_212 : i32 to index
        %get3A_275 = arith.constant 32 : index
        %get3A_276 = tpu.vector_load %arg19[%get3A_274, %get3A_275] {strides = array<i32>} : memref<80x128xf32, #tpu.memory_space<vmem>>, vector<1x16xf32>,
        %get3A_277 = vector.shape_cast %get3A_276 : vector<1x16xf32> to vector<16xf32>
        %add3A_278 = arith.addf %get3A_273, %get3A_277 : vector<16xf32>
        %mul3A_279 = arith.constant 2.000000e-01 : f32
        %mul3A_280 = vector.broadcast %mul3A_279 : f32 to vector<16xf32>
        %mul3A_281 = arith.mulf %mul3A_280, %add3A_278 : vector<16xf32>
        %max3A_282 = arith.maximumf %add3A_278, %mul3A_281 : vector<16xf32>
        %sub3A_283 = arith.subf %max3A_282, %get3A_20 : vector<16xf32>
        %exp3A_284 = math.exp %sub3A_283 : vector<16xf32>
        %swap3A_285 = arith.index_cast %add3A_212 : i32 to index
        %swap3A_286 = arith.constant 96 : index
        %swap3A_287 = tpu.vector_load %arg18[%swap3A_285, %swap3A_286] {strides = array<i32>} : memref<80x128xf32, #tpu.memory_space<vmem>>, vector<1x16xf32>,
        %swap3A_288 = vector.shape_cast %swap3A_287 : vector<1x16xf32> to vector<16xf32>
        %swap3A_289 = vector.shape_cast %exp3A_284 : vector<16xf32> to vector<1x16xf32>
        tpu.vector_store %arg18[%swap3A_285, %swap3A_286], %swap3A_289 {strides = array<i32>} : memref<80x128xf32, #tpu.memory_space<vmem>>, vector<1x16xf32>,
        %get3A_290 = arith.index_cast %add3A_212 : i32 to index
        %get3A_291 = arith.constant 32 : index
        %get3A_292 = tpu.vector_load %arg18[%get3A_290, %get3A_291] {strides = array<i32>} : memref<80x128xf32, #tpu.memory_space<vmem>>, vector<1x16xf32>,
        %get3A_293 = vector.shape_cast %get3A_292 : vector<1x16xf32> to vector<16xf32>
        %mul3A_294 = arith.mulf %get3A_293, %exp3A_284 : vector<16xf32>
        %swap3A_295 = arith.index_cast %add3A_212 : i32 to index
        %swap3A_296 = arith.constant 32 : index
        %swap3A_297 = tpu.vector_load %arg18[%swap3A_295, %swap3A_296] {strides = array<i32>} : memref<80x128xf32, #tpu.memory_space<vmem>>, vector<1x16xf32>,
        %swap3A_298 = vector.shape_cast %swap3A_297 : vector<1x16xf32> to vector<16xf32>
        %swap3A_299 = vector.shape_cast %mul3A_294 : vector<16xf32> to vector<1x16xf32>
        tpu.vector_store %arg18[%swap3A_295, %swap3A_296], %swap3A_299 {strides = array<i32>} : memref<80x128xf32, #tpu.memory_space<vmem>>, vector<1x16xf32>,
        %get3A_300 = arith.index_cast %add3A_212 : i32 to index
        %get3A_301 = arith.constant 112 : index
        %get3A_302 = tpu.vector_load %arg18[%get3A_300, %get3A_301] {strides = array<i32>} : memref<80x128xf32, #tpu.memory_space<vmem>>, vector<1x16xf32>,
        %get3A_303 = vector.shape_cast %get3A_302 : vector<1x16xf32> to vector<16xf32>
        %get3A_304 = arith.index_cast %add3A_212 : i32 to index
        %get3A_305 = arith.constant 48 : index
        %get3A_306 = tpu.vector_load %arg19[%get3A_304, %get3A_305] {strides = array<i32>} : memref<80x128xf32, #tpu.memory_space<vmem>>, vector<1x16xf32>,
        %get3A_307 = vector.shape_cast %get3A_306 : vector<1x16xf32> to vector<16xf32>
        %add3A_308 = arith.addf %get3A_303, %get3A_307 : vector<16xf32>
        %mul3A_309 = arith.constant 2.000000e-01 : f32
        %mul3A_310 = vector.broadcast %mul3A_309 : f32 to vector<16xf32>
        %mul3A_311 = arith.mulf %mul3A_310, %add3A_308 : vector<16xf32>
        %max3A_312 = arith.maximumf %add3A_308, %mul3A_311 : vector<16xf32>
        %sub3A_313 = arith.subf %max3A_312, %get3A_23 : vector<16xf32>
        %exp3A_314 = math.exp %sub3A_313 : vector<16xf32>
        %swap3A_315 = arith.index_cast %add3A_212 : i32 to index
        %swap3A_316 = arith.constant 112 : index
        %swap3A_317 = tpu.vector_load %arg18[%swap3A_315, %swap3A_316] {strides = array<i32>} : memref<80x128xf32, #tpu.memory_space<vmem>>, vector<1x16xf32>,
        %swap3A_318 = vector.shape_cast %swap3A_317 : vector<1x16xf32> to vector<16xf32>
        %swap3A_319 = vector.shape_cast %exp3A_314 : vector<16xf32> to vector<1x16xf32>
        tpu.vector_store %arg18[%swap3A_315, %swap3A_316], %swap3A_319 {strides = array<i32>} : memref<80x128xf32, #tpu.memory_space<vmem>>, vector<1x16xf32>,
        %get3A_320 = arith.index_cast %add3A_212 : i32 to index
        %get3A_321 = arith.constant 48 : index
        %get3A_322 = tpu.vector_load %arg18[%get3A_320, %get3A_321] {strides = array<i32>} : memref<80x128xf32, #tpu.memory_space<vmem>>, vector<1x16xf32>,
        %get3A_323 = vector.shape_cast %get3A_322 : vector<1x16xf32> to vector<16xf32>
        %mul3A_324 = arith.mulf %get3A_323, %exp3A_314 : vector<16xf32>
        %swap3A_325 = arith.index_cast %add3A_212 : i32 to index
        %swap3A_326 = arith.constant 48 : index
        %swap3A_327 = tpu.vector_load %arg18[%swap3A_325, %swap3A_326] {strides = array<i32>} : memref<80x128xf32, #tpu.memory_space<vmem>>, vector<1x16xf32>,
        %swap3A_328 = vector.shape_cast %swap3A_327 : vector<1x16xf32> to vector<16xf32>
        %swap3A_329 = vector.shape_cast %mul3A_324 : vector<16xf32> to vector<1x16xf32>
        tpu.vector_store %arg18[%swap3A_325, %swap3A_326], %swap3A_329 {strides = array<i32>} : memref<80x128xf32, #tpu.memory_space<vmem>>, vector<1x16xf32>,
        %mul3A_330 = arith.constant 4 : i32
        %mul3A_331 = arith.muli %mul3A_330, %scan3A_208 : i32
        %add3A_332 = arith.constant 1 : i32
        %add3A_333 = arith.addi %mul3A_331, %add3A_332 : i32
        %get3A_334 = arith.index_cast %add3A_333 : i32 to index
        %get3A_335 = arith.constant 64 : index
        %get3A_336 = tpu.vector_load %arg18[%get3A_334, %get3A_335] {strides = array<i32>} : memref<80x128xf32, #tpu.memory_space<vmem>>, vector<1x16xf32>,
        %get3A_337 = vector.shape_cast %get3A_336 : vector<1x16xf32> to vector<16xf32>
        %get3A_338 = arith.index_cast %add3A_333 : i32 to index
        %get3A_339 = arith.constant 0 : index
        %get3A_340 = tpu.vector_load %arg19[%get3A_338, %get3A_339] {strides = array<i32>} : memref<80x128xf32, #tpu.memory_space<vmem>>, vector<1x16xf32>,
        %get3A_341 = vector.shape_cast %get3A_340 : vector<1x16xf32> to vector<16xf32>
        %add3A_342 = arith.addf %get3A_337, %get3A_341 : vector<16xf32>
        %mul3A_343 = arith.constant 2.000000e-01 : f32
        %mul3A_344 = vector.broadcast %mul3A_343 : f32 to vector<16xf32>
        %mul3A_345 = arith.mulf %mul3A_344, %add3A_342 : vector<16xf32>
        %max3A_346 = arith.maximumf %add3A_342, %mul3A_345 : vector<16xf32>
        %sub3A_347 = arith.subf %max3A_346, %get3A_14 : vector<16xf32>
        %exp3A_348 = math.exp %sub3A_347 : vector<16xf32>
        %swap3A_349 = arith.index_cast %add3A_333 : i32 to index
        %swap3A_350 = arith.constant 64 : index
        %swap3A_351 = tpu.vector_load %arg18[%swap3A_349, %swap3A_350] {strides = array<i32>} : memref<80x128xf32, #tpu.memory_space<vmem>>, vector<1x16xf32>,
        %swap3A_352 = vector.shape_cast %swap3A_351 : vector<1x16xf32> to vector<16xf32>
        %swap3A_353 = vector.shape_cast %exp3A_348 : vector<16xf32> to vector<1x16xf32>
        tpu.vector_store %arg18[%swap3A_349, %swap3A_350], %swap3A_353 {strides = array<i32>} : memref<80x128xf32, #tpu.memory_space<vmem>>, vector<1x16xf32>,
        %get3A_354 = arith.index_cast %add3A_333 : i32 to index
        %get3A_355 = arith.constant 0 : index
        %get3A_356 = tpu.vector_load %arg18[%get3A_354, %get3A_355] {strides = array<i32>} : memref<80x128xf32, #tpu.memory_space<vmem>>, vector<1x16xf32>,
        %get3A_357 = vector.shape_cast %get3A_356 : vector<1x16xf32> to vector<16xf32>
        %mul3A_358 = arith.mulf %get3A_357, %exp3A_348 : vector<16xf32>
        %swap3A_359 = arith.index_cast %add3A_333 : i32 to index
        %swap3A_360 = arith.constant 0 : index
        %swap3A_361 = tpu.vector_load %arg18[%swap3A_359, %swap3A_360] {strides = array<i32>} : memref<80x128xf32, #tpu.memory_space<vmem>>, vector<1x16xf32>,
        %swap3A_362 = vector.shape_cast %swap3A_361 : vector<1x16xf32> to vector<16xf32>
        %swap3A_363 = vector.shape_cast %mul3A_358 : vector<16xf32> to vector<1x16xf32>
        tpu.vector_store %arg18[%swap3A_359, %swap3A_360], %swap3A_363 {strides = array<i32>} : memref<80x128xf32, #tpu.memory_space<vmem>>, vector<1x16xf32>,
        %get3A_364 = arith.index_cast %add3A_333 : i32 to index
        %get3A_365 = arith.constant 80 : index
        %get3A_366 = tpu.vector_load %arg18[%get3A_364, %get3A_365] {strides = array<i32>} : memref<80x128xf32, #tpu.memory_space<vmem>>, vector<1x16xf32>,
        %get3A_367 = vector.shape_cast %get3A_366 : vector<1x16xf32> to vector<16xf32>
        %get3A_368 = arith.index_cast %add3A_333 : i32 to index
        %get3A_369 = arith.constant 16 : index
        %get3A_370 = tpu.vector_load %arg19[%get3A_368, %get3A_369] {strides = array<i32>} : memref<80x128xf32, #tpu.memory_space<vmem>>, vector<1x16xf32>,
        %get3A_371 = vector.shape_cast %get3A_370 : vector<1x16xf32> to vector<16xf32>
        %add3A_372 = arith.addf %get3A_367, %get3A_371 : vector<16xf32>
        %mul3A_373 = arith.constant 2.000000e-01 : f32
        %mul3A_374 = vector.broadcast %mul3A_373 : f32 to vector<16xf32>
        %mul3A_375 = arith.mulf %mul3A_374, %add3A_372 : vector<16xf32>
        %max3A_376 = arith.maximumf %add3A_372, %mul3A_375 : vector<16xf32>
        %sub3A_377 = arith.subf %max3A_376, %get3A_17 : vector<16xf32>
        %exp3A_378 = math.exp %sub3A_377 : vector<16xf32>
        %swap3A_379 = arith.index_cast %add3A_333 : i32 to index
        %swap3A_380 = arith.constant 80 : index
        %swap3A_381 = tpu.vector_load %arg18[%swap3A_379, %swap3A_380] {strides = array<i32>} : memref<80x128xf32, #tpu.memory_space<vmem>>, vector<1x16xf32>,
        %swap3A_382 = vector.shape_cast %swap3A_381 : vector<1x16xf32> to vector<16xf32>
        %swap3A_383 = vector.shape_cast %exp3A_378 : vector<16xf32> to vector<1x16xf32>
        tpu.vector_store %arg18[%swap3A_379, %swap3A_380], %swap3A_383 {strides = array<i32>} : memref<80x128xf32, #tpu.memory_space<vmem>>, vector<1x16xf32>,
        %get3A_384 = arith.index_cast %add3A_333 : i32 to index
        %get3A_385 = arith.constant 16 : index
        %get3A_386 = tpu.vector_load %arg18[%get3A_384, %get3A_385] {strides = array<i32>} : memref<80x128xf32, #tpu.memory_space<vmem>>, vector<1x16xf32>,
        %get3A_387 = vector.shape_cast %get3A_386 : vector<1x16xf32> to vector<16xf32>
        %mul3A_388 = arith.mulf %get3A_387, %exp3A_378 : vector<16xf32>
        %swap3A_389 = arith.index_cast %add3A_333 : i32 to index
        %swap3A_390 = arith.constant 16 : index
        %swap3A_391 = tpu.vector_load %arg18[%swap3A_389, %swap3A_390] {strides = array<i32>} : memref<80x128xf32, #tpu.memory_space<vmem>>, vector<1x16xf32>,
        %swap3A_392 = vector.shape_cast %swap3A_391 : vector<1x16xf32> to vector<16xf32>
        %swap3A_393 = vector.shape_cast %mul3A_388 : vector<16xf32> to vector<1x16xf32>
        tpu.vector_store %arg18[%swap3A_389, %swap3A_390], %swap3A_393 {strides = array<i32>} : memref<80x128xf32, #tpu.memory_space<vmem>>, vector<1x16xf32>,
        %get3A_394 = arith.index_cast %add3A_333 : i32 to index
        %get3A_395 = arith.constant 96 : index
        %get3A_396 = tpu.vector_load %arg18[%get3A_394, %get3A_395] {strides = array<i32>} : memref<80x128xf32, #tpu.memory_space<vmem>>, vector<1x16xf32>,
        %get3A_397 = vector.shape_cast %get3A_396 : vector<1x16xf32> to vector<16xf32>
        %get3A_398 = arith.index_cast %add3A_333 : i32 to index
        %get3A_399 = arith.constant 32 : index
        %get3A_400 = tpu.vector_load %arg19[%get3A_398, %get3A_399] {strides = array<i32>} : memref<80x128xf32, #tpu.memory_space<vmem>>, vector<1x16xf32>,
        %get3A_401 = vector.shape_cast %get3A_400 : vector<1x16xf32> to vector<16xf32>
        %add3A_402 = arith.addf %get3A_397, %get3A_401 : vector<16xf32>
        %mul3A_403 = arith.constant 2.000000e-01 : f32
        %mul3A_404 = vector.broadcast %mul3A_403 : f32 to vector<16xf32>
        %mul3A_405 = arith.mulf %mul3A_404, %add3A_402 : vector<16xf32>
        %max3A_406 = arith.maximumf %add3A_402, %mul3A_405 : vector<16xf32>
        %sub3A_407 = arith.subf %max3A_406, %get3A_20 : vector<16xf32>
        %exp3A_408 = math.exp %sub3A_407 : vector<16xf32>
        %swap3A_409 = arith.index_cast %add3A_333 : i32 to index
        %swap3A_410 = arith.constant 96 : index
        %swap3A_411 = tpu.vector_load %arg18[%swap3A_409, %swap3A_410] {strides = array<i32>} : memref<80x128xf32, #tpu.memory_space<vmem>>, vector<1x16xf32>,
        %swap3A_412 = vector.shape_cast %swap3A_411 : vector<1x16xf32> to vector<16xf32>
        %swap3A_413 = vector.shape_cast %exp3A_408 : vector<16xf32> to vector<1x16xf32>
        tpu.vector_store %arg18[%swap3A_409, %swap3A_410], %swap3A_413 {strides = array<i32>} : memref<80x128xf32, #tpu.memory_space<vmem>>, vector<1x16xf32>,
        %get3A_414 = arith.index_cast %add3A_333 : i32 to index
        %get3A_415 = arith.constant 32 : index
        %get3A_416 = tpu.vector_load %arg18[%get3A_414, %get3A_415] {strides = array<i32>} : memref<80x128xf32, #tpu.memory_space<vmem>>, vector<1x16xf32>,
        %get3A_417 = vector.shape_cast %get3A_416 : vector<1x16xf32> to vector<16xf32>
        %mul3A_418 = arith.mulf %get3A_417, %exp3A_408 : vector<16xf32>
        %swap3A_419 = arith.index_cast %add3A_333 : i32 to index
        %swap3A_420 = arith.constant 32 : index
        %swap3A_421 = tpu.vector_load %arg18[%swap3A_419, %swap3A_420] {strides = array<i32>} : memref<80x128xf32, #tpu.memory_space<vmem>>, vector<1x16xf32>,
        %swap3A_422 = vector.shape_cast %swap3A_421 : vector<1x16xf32> to vector<16xf32>
        %swap3A_423 = vector.shape_cast %mul3A_418 : vector<16xf32> to vector<1x16xf32>
        tpu.vector_store %arg18[%swap3A_419, %swap3A_420], %swap3A_423 {strides = array<i32>} : memref<80x128xf32, #tpu.memory_space<vmem>>, vector<1x16xf32>,
        %get3A_424 = arith.index_cast %add3A_333 : i32 to index
        %get3A_425 = arith.constant 112 : index
        %get3A_426 = tpu.vector_load %arg18[%get3A_424, %get3A_425] {strides = array<i32>} : memref<80x128xf32, #tpu.memory_space<vmem>>, vector<1x16xf32>,
        %get3A_427 = vector.shape_cast %get3A_426 : vector<1x16xf32> to vector<16xf32>
        %get3A_428 = arith.index_cast %add3A_333 : i32 to index
        %get3A_429 = arith.constant 48 : index
        %get3A_430 = tpu.vector_load %arg19[%get3A_428, %get3A_429] {strides = array<i32>} : memref<80x128xf32, #tpu.memory_space<vmem>>, vector<1x16xf32>,
        %get3A_431 = vector.shape_cast %get3A_430 : vector<1x16xf32> to vector<16xf32>
        %add3A_432 = arith.addf %get3A_427, %get3A_431 : vector<16xf32>
        %mul3A_433 = arith.constant 2.000000e-01 : f32
        %mul3A_434 = vector.broadcast %mul3A_433 : f32 to vector<16xf32>
        %mul3A_435 = arith.mulf %mul3A_434, %add3A_432 : vector<16xf32>
        %max3A_436 = arith.maximumf %add3A_432, %mul3A_435 : vector<16xf32>
        %sub3A_437 = arith.subf %max3A_436, %get3A_23 : vector<16xf32>
        %exp3A_438 = math.exp %sub3A_437 : vector<16xf32>
        %swap3A_439 = arith.index_cast %add3A_333 : i32 to index
        %swap3A_440 = arith.constant 112 : index
        %swap3A_441 = tpu.vector_load %arg18[%swap3A_439, %swap3A_440] {strides = array<i32>} : memref<80x128xf32, #tpu.memory_space<vmem>>, vector<1x16xf32>,
        %swap3A_442 = vector.shape_cast %swap3A_441 : vector<1x16xf32> to vector<16xf32>
        %swap3A_443 = vector.shape_cast %exp3A_438 : vector<16xf32> to vector<1x16xf32>
        tpu.vector_store %arg18[%swap3A_439, %swap3A_440], %swap3A_443 {strides = array<i32>} : memref<80x128xf32, #tpu.memory_space<vmem>>, vector<1x16xf32>,
        %get3A_444 = arith.index_cast %add3A_333 : i32 to index
        %get3A_445 = arith.constant 48 : index
        %get3A_446 = tpu.vector_load %arg18[%get3A_444, %get3A_445] {strides = array<i32>} : memref<80x128xf32, #tpu.memory_space<vmem>>, vector<1x16xf32>,
        %get3A_447 = vector.shape_cast %get3A_446 : vector<1x16xf32> to vector<16xf32>
        %mul3A_448 = arith.mulf %get3A_447, %exp3A_438 : vector<16xf32>
        %swap3A_449 = arith.index_cast %add3A_333 : i32 to index
        %swap3A_450 = arith.constant 48 : index
        %swap3A_451 = tpu.vector_load %arg18[%swap3A_449, %swap3A_450] {strides = array<i32>} : memref<80x128xf32, #tpu.memory_space<vmem>>, vector<1x16xf32>,
        %swap3A_452 = vector.shape_cast %swap3A_451 : vector<1x16xf32> to vector<16xf32>
        %swap3A_453 = vector.shape_cast %mul3A_448 : vector<16xf32> to vector<1x16xf32>
        tpu.vector_store %arg18[%swap3A_449, %swap3A_450], %swap3A_453 {strides = array<i32>} : memref<80x128xf32, #tpu.memory_space<vmem>>, vector<1x16xf32>,
        %mul3A_454 = arith.constant 4 : i32
        %mul3A_455 = arith.muli %mul3A_454, %scan3A_208 : i32
        %add3A_456 = arith.constant 2 : i32
        %add3A_457 = arith.addi %mul3A_455, %add3A_456 : i32
        %get3A_458 = arith.index_cast %add3A_457 : i32 to index
        %get3A_459 = arith.constant 64 : index
        %get3A_460 = tpu.vector_load %arg18[%get3A_458, %get3A_459] {strides = array<i32>} : memref<80x128xf32, #tpu.memory_space<vmem>>, vector<1x16xf32>,
        %get3A_461 = vector.shape_cast %get3A_460 : vector<1x16xf32> to vector<16xf32>
        %get3A_462 = arith.index_cast %add3A_457 : i32 to index
        %get3A_463 = arith.constant 0 : index
        %get3A_464 = tpu.vector_load %arg19[%get3A_462, %get3A_463] {strides = array<i32>} : memref<80x128xf32, #tpu.memory_space<vmem>>, vector<1x16xf32>,
        %get3A_465 = vector.shape_cast %get3A_464 : vector<1x16xf32> to vector<16xf32>
        %add3A_466 = arith.addf %get3A_461, %get3A_465 : vector<16xf32>
        %mul3A_467 = arith.constant 2.000000e-01 : f32
        %mul3A_468 = vector.broadcast %mul3A_467 : f32 to vector<16xf32>
        %mul3A_469 = arith.mulf %mul3A_468, %add3A_466 : vector<16xf32>
        %max3A_470 = arith.maximumf %add3A_466, %mul3A_469 : vector<16xf32>
        %sub3A_471 = arith.subf %max3A_470, %get3A_14 : vector<16xf32>
        %exp3A_472 = math.exp %sub3A_471 : vector<16xf32>
        %swap3A_473 = arith.index_cast %add3A_457 : i32 to index
        %swap3A_474 = arith.constant 64 : index
        %swap3A_475 = tpu.vector_load %arg18[%swap3A_473, %swap3A_474] {strides = array<i32>} : memref<80x128xf32, #tpu.memory_space<vmem>>, vector<1x16xf32>,
        %swap3A_476 = vector.shape_cast %swap3A_475 : vector<1x16xf32> to vector<16xf32>
        %swap3A_477 = vector.shape_cast %exp3A_472 : vector<16xf32> to vector<1x16xf32>
        tpu.vector_store %arg18[%swap3A_473, %swap3A_474], %swap3A_477 {strides = array<i32>} : memref<80x128xf32, #tpu.memory_space<vmem>>, vector<1x16xf32>,
        %get3A_478 = arith.index_cast %add3A_457 : i32 to index
        %get3A_479 = arith.constant 0 : index
        %get3A_480 = tpu.vector_load %arg18[%get3A_478, %get3A_479] {strides = array<i32>} : memref<80x128xf32, #tpu.memory_space<vmem>>, vector<1x16xf32>,
        %get3A_481 = vector.shape_cast %get3A_480 : vector<1x16xf32> to vector<16xf32>
        %mul3A_482 = arith.mulf %get3A_481, %exp3A_472 : vector<16xf32>
        %swap3A_483 = arith.index_cast %add3A_457 : i32 to index
        %swap3A_484 = arith.constant 0 : index
        %swap3A_485 = tpu.vector_load %arg18[%swap3A_483, %swap3A_484] {strides = array<i32>} : memref<80x128xf32, #tpu.memory_space<vmem>>, vector<1x16xf32>,
        %swap3A_486 = vector.shape_cast %swap3A_485 : vector<1x16xf32> to vector<16xf32>
        %swap3A_487 = vector.shape_cast %mul3A_482 : vector<16xf32> to vector<1x16xf32>
        tpu.vector_store %arg18[%swap3A_483, %swap3A_484], %swap3A_487 {strides = array<i32>} : memref<80x128xf32, #tpu.memory_space<vmem>>, vector<1x16xf32>,
        %get3A_488 = arith.index_cast %add3A_457 : i32 to index
        %get3A_489 = arith.constant 80 : index
        %get3A_490 = tpu.vector_load %arg18[%get3A_488, %get3A_489] {strides = array<i32>} : memref<80x128xf32, #tpu.memory_space<vmem>>, vector<1x16xf32>,
        %get3A_491 = vector.shape_cast %get3A_490 : vector<1x16xf32> to vector<16xf32>
        %get3A_492 = arith.index_cast %add3A_457 : i32 to index
        %get3A_493 = arith.constant 16 : index
        %get3A_494 = tpu.vector_load %arg19[%get3A_492, %get3A_493] {strides = array<i32>} : memref<80x128xf32, #tpu.memory_space<vmem>>, vector<1x16xf32>,
        %get3A_495 = vector.shape_cast %get3A_494 : vector<1x16xf32> to vector<16xf32>
        %add3A_496 = arith.addf %get3A_491, %get3A_495 : vector<16xf32>
        %mul3A_497 = arith.constant 2.000000e-01 : f32
        %mul3A_498 = vector.broadcast %mul3A_497 : f32 to vector<16xf32>
        %mul3A_499 = arith.mulf %mul3A_498, %add3A_496 : vector<16xf32>
        %max3A_500 = arith.maximumf %add3A_496, %mul3A_499 : vector<16xf32>
        %sub3A_501 = arith.subf %max3A_500, %get3A_17 : vector<16xf32>
        %exp3A_502 = math.exp %sub3A_501 : vector<16xf32>
        %swap3A_503 = arith.index_cast %add3A_457 : i32 to index
        %swap3A_504 = arith.constant 80 : index
        %swap3A_505 = tpu.vector_load %arg18[%swap3A_503, %swap3A_504] {strides = array<i32>} : memref<80x128xf32, #tpu.memory_space<vmem>>, vector<1x16xf32>,
        %swap3A_506 = vector.shape_cast %swap3A_505 : vector<1x16xf32> to vector<16xf32>
        %swap3A_507 = vector.shape_cast %exp3A_502 : vector<16xf32> to vector<1x16xf32>
        tpu.vector_store %arg18[%swap3A_503, %swap3A_504], %swap3A_507 {strides = array<i32>} : memref<80x128xf32, #tpu.memory_space<vmem>>, vector<1x16xf32>,
        %get3A_508 = arith.index_cast %add3A_457 : i32 to index
        %get3A_509 = arith.constant 16 : index
        %get3A_510 = tpu.vector_load %arg18[%get3A_508, %get3A_509] {strides = array<i32>} : memref<80x128xf32, #tpu.memory_space<vmem>>, vector<1x16xf32>,
        %get3A_511 = vector.shape_cast %get3A_510 : vector<1x16xf32> to vector<16xf32>
        %mul3A_512 = arith.mulf %get3A_511, %exp3A_502 : vector<16xf32>
        %swap3A_513 = arith.index_cast %add3A_457 : i32 to index
        %swap3A_514 = arith.constant 16 : index
        %swap3A_515 = tpu.vector_load %arg18[%swap3A_513, %swap3A_514] {strides = array<i32>} : memref<80x128xf32, #tpu.memory_space<vmem>>, vector<1x16xf32>,
        %swap3A_516 = vector.shape_cast %swap3A_515 : vector<1x16xf32> to vector<16xf32>
        %swap3A_517 = vector.shape_cast %mul3A_512 : vector<16xf32> to vector<1x16xf32>
        tpu.vector_store %arg18[%swap3A_513, %swap3A_514], %swap3A_517 {strides = array<i32>} : memref<80x128xf32, #tpu.memory_space<vmem>>, vector<1x16xf32>,
        %get3A_518 = arith.index_cast %add3A_457 : i32 to index
        %get3A_519 = arith.constant 96 : index
        %get3A_520 = tpu.vector_load %arg18[%get3A_518, %get3A_519] {strides = array<i32>} : memref<80x128xf32, #tpu.memory_space<vmem>>, vector<1x16xf32>,
        %get3A_521 = vector.shape_cast %get3A_520 : vector<1x16xf32> to vector<16xf32>
        %get3A_522 = arith.index_cast %add3A_457 : i32 to index
        %get3A_523 = arith.constant 32 : index
        %get3A_524 = tpu.vector_load %arg19[%get3A_522, %get3A_523] {strides = array<i32>} : memref<80x128xf32, #tpu.memory_space<vmem>>, vector<1x16xf32>,
        %get3A_525 = vector.shape_cast %get3A_524 : vector<1x16xf32> to vector<16xf32>
        %add3A_526 = arith.addf %get3A_521, %get3A_525 : vector<16xf32>
        %mul3A_527 = arith.constant 2.000000e-01 : f32
        %mul3A_528 = vector.broadcast %mul3A_527 : f32 to vector<16xf32>
        %mul3A_529 = arith.mulf %mul3A_528, %add3A_526 : vector<16xf32>
        %max3A_530 = arith.maximumf %add3A_526, %mul3A_529 : vector<16xf32>
        %sub3A_531 = arith.subf %max3A_530, %get3A_20 : vector<16xf32>
        %exp3A_532 = math.exp %sub3A_531 : vector<16xf32>
        %swap3A_533 = arith.index_cast %add3A_457 : i32 to index
        %swap3A_534 = arith.constant 96 : index
        %swap3A_535 = tpu.vector_load %arg18[%swap3A_533, %swap3A_534] {strides = array<i32>} : memref<80x128xf32, #tpu.memory_space<vmem>>, vector<1x16xf32>,
        %swap3A_536 = vector.shape_cast %swap3A_535 : vector<1x16xf32> to vector<16xf32>
        %swap3A_537 = vector.shape_cast %exp3A_532 : vector<16xf32> to vector<1x16xf32>
        tpu.vector_store %arg18[%swap3A_533, %swap3A_534], %swap3A_537 {strides = array<i32>} : memref<80x128xf32, #tpu.memory_space<vmem>>, vector<1x16xf32>,
        %get3A_538 = arith.index_cast %add3A_457 : i32 to index
        %get3A_539 = arith.constant 32 : index
        %get3A_540 = tpu.vector_load %arg18[%get3A_538, %get3A_539] {strides = array<i32>} : memref<80x128xf32, #tpu.memory_space<vmem>>, vector<1x16xf32>,
        %get3A_541 = vector.shape_cast %get3A_540 : vector<1x16xf32> to vector<16xf32>
        %mul3A_542 = arith.mulf %get3A_541, %exp3A_532 : vector<16xf32>
        %swap3A_543 = arith.index_cast %add3A_457 : i32 to index
        %swap3A_544 = arith.constant 32 : index
        %swap3A_545 = tpu.vector_load %arg18[%swap3A_543, %swap3A_544] {strides = array<i32>} : memref<80x128xf32, #tpu.memory_space<vmem>>, vector<1x16xf32>,
        %swap3A_546 = vector.shape_cast %swap3A_545 : vector<1x16xf32> to vector<16xf32>
        %swap3A_547 = vector.shape_cast %mul3A_542 : vector<16xf32> to vector<1x16xf32>
        tpu.vector_store %arg18[%swap3A_543, %swap3A_544], %swap3A_547 {strides = array<i32>} : memref<80x128xf32, #tpu.memory_space<vmem>>, vector<1x16xf32>,
        %get3A_548 = arith.index_cast %add3A_457 : i32 to index
        %get3A_549 = arith.constant 112 : index
        %get3A_550 = tpu.vector_load %arg18[%get3A_548, %get3A_549] {strides = array<i32>} : memref<80x128xf32, #tpu.memory_space<vmem>>, vector<1x16xf32>,
        %get3A_551 = vector.shape_cast %get3A_550 : vector<1x16xf32> to vector<16xf32>
        %get3A_552 = arith.index_cast %add3A_457 : i32 to index
        %get3A_553 = arith.constant 48 : index
        %get3A_554 = tpu.vector_load %arg19[%get3A_552, %get3A_553] {strides = array<i32>} : memref<80x128xf32, #tpu.memory_space<vmem>>, vector<1x16xf32>,
        %get3A_555 = vector.shape_cast %get3A_554 : vector<1x16xf32> to vector<16xf32>
        %add3A_556 = arith.addf %get3A_551, %get3A_555 : vector<16xf32>
        %mul3A_557 = arith.constant 2.000000e-01 : f32
        %mul3A_558 = vector.broadcast %mul3A_557 : f32 to vector<16xf32>
        %mul3A_559 = arith.mulf %mul3A_558, %add3A_556 : vector<16xf32>
        %max3A_560 = arith.maximumf %add3A_556, %mul3A_559 : vector<16xf32>
        %sub3A_561 = arith.subf %max3A_560, %get3A_23 : vector<16xf32>
        %exp3A_562 = math.exp %sub3A_561 : vector<16xf32>
        %swap3A_563 = arith.index_cast %add3A_457 : i32 to index
        %swap3A_564 = arith.constant 112 : index
        %swap3A_565 = tpu.vector_load %arg18[%swap3A_563, %swap3A_564] {strides = array<i32>} : memref<80x128xf32, #tpu.memory_space<vmem>>, vector<1x16xf32>,
        %swap3A_566 = vector.shape_cast %swap3A_565 : vector<1x16xf32> to vector<16xf32>
        %swap3A_567 = vector.shape_cast %exp3A_562 : vector<16xf32> to vector<1x16xf32>
        tpu.vector_store %arg18[%swap3A_563, %swap3A_564], %swap3A_567 {strides = array<i32>} : memref<80x128xf32, #tpu.memory_space<vmem>>, vector<1x16xf32>,
        %get3A_568 = arith.index_cast %add3A_457 : i32 to index
        %get3A_569 = arith.constant 48 : index
        %get3A_570 = tpu.vector_load %arg18[%get3A_568, %get3A_569] {strides = array<i32>} : memref<80x128xf32, #tpu.memory_space<vmem>>, vector<1x16xf32>,
        %get3A_571 = vector.shape_cast %get3A_570 : vector<1x16xf32> to vector<16xf32>
        %mul3A_572 = arith.mulf %get3A_571, %exp3A_562 : vector<16xf32>
        %swap3A_573 = arith.index_cast %add3A_457 : i32 to index
        %swap3A_574 = arith.constant 48 : index
        %swap3A_575 = tpu.vector_load %arg18[%swap3A_573, %swap3A_574] {strides = array<i32>} : memref<80x128xf32, #tpu.memory_space<vmem>>, vector<1x16xf32>,
        %swap3A_576 = vector.shape_cast %swap3A_575 : vector<1x16xf32> to vector<16xf32>
        %swap3A_577 = vector.shape_cast %mul3A_572 : vector<16xf32> to vector<1x16xf32>
        tpu.vector_store %arg18[%swap3A_573, %swap3A_574], %swap3A_577 {strides = array<i32>} : memref<80x128xf32, #tpu.memory_space<vmem>>, vector<1x16xf32>,
        %mul3A_578 = arith.constant 4 : i32
        %mul3A_579 = arith.muli %mul3A_578, %scan3A_208 : i32
        %add3A_580 = arith.constant 3 : i32
        %add3A_581 = arith.addi %mul3A_579, %add3A_580 : i32
        %get3A_582 = arith.index_cast %add3A_581 : i32 to index
        %get3A_583 = arith.constant 64 : index
        %get3A_584 = tpu.vector_load %arg18[%get3A_582, %get3A_583] {strides = array<i32>} : memref<80x128xf32, #tpu.memory_space<vmem>>, vector<1x16xf32>,
        %get3A_585 = vector.shape_cast %get3A_584 : vector<1x16xf32> to vector<16xf32>
        %get3A_586 = arith.index_cast %add3A_581 : i32 to index
        %get3A_587 = arith.constant 0 : index
        %get3A_588 = tpu.vector_load %arg19[%get3A_586, %get3A_587] {strides = array<i32>} : memref<80x128xf32, #tpu.memory_space<vmem>>, vector<1x16xf32>,
        %get3A_589 = vector.shape_cast %get3A_588 : vector<1x16xf32> to vector<16xf32>
        %add3A_590 = arith.addf %get3A_585, %get3A_589 : vector<16xf32>
        %mul3A_591 = arith.constant 2.000000e-01 : f32
        %mul3A_592 = vector.broadcast %mul3A_591 : f32 to vector<16xf32>
        %mul3A_593 = arith.mulf %mul3A_592, %add3A_590 : vector<16xf32>
        %max3A_594 = arith.maximumf %add3A_590, %mul3A_593 : vector<16xf32>
        %sub3A_595 = arith.subf %max3A_594, %get3A_14 : vector<16xf32>
        %exp3A_596 = math.exp %sub3A_595 : vector<16xf32>
        %swap3A_597 = arith.index_cast %add3A_581 : i32 to index
        %swap3A_598 = arith.constant 64 : index
        %swap3A_599 = tpu.vector_load %arg18[%swap3A_597, %swap3A_598] {strides = array<i32>} : memref<80x128xf32, #tpu.memory_space<vmem>>, vector<1x16xf32>,
        %swap3A_600 = vector.shape_cast %swap3A_599 : vector<1x16xf32> to vector<16xf32>
        %swap3A_601 = vector.shape_cast %exp3A_596 : vector<16xf32> to vector<1x16xf32>
        tpu.vector_store %arg18[%swap3A_597, %swap3A_598], %swap3A_601 {strides = array<i32>} : memref<80x128xf32, #tpu.memory_space<vmem>>, vector<1x16xf32>,
        %get3A_602 = arith.index_cast %add3A_581 : i32 to index
        %get3A_603 = arith.constant 0 : index
        %get3A_604 = tpu.vector_load %arg18[%get3A_602, %get3A_603] {strides = array<i32>} : memref<80x128xf32, #tpu.memory_space<vmem>>, vector<1x16xf32>,
        %get3A_605 = vector.shape_cast %get3A_604 : vector<1x16xf32> to vector<16xf32>
        %mul3A_606 = arith.mulf %get3A_605, %exp3A_596 : vector<16xf32>
        %swap3A_607 = arith.index_cast %add3A_581 : i32 to index
        %swap3A_608 = arith.constant 0 : index
        %swap3A_609 = tpu.vector_load %arg18[%swap3A_607, %swap3A_608] {strides = array<i32>} : memref<80x128xf32, #tpu.memory_space<vmem>>, vector<1x16xf32>,
        %swap3A_610 = vector.shape_cast %swap3A_609 : vector<1x16xf32> to vector<16xf32>
        %swap3A_611 = vector.shape_cast %mul3A_606 : vector<16xf32> to vector<1x16xf32>
        tpu.vector_store %arg18[%swap3A_607, %swap3A_608], %swap3A_611 {strides = array<i32>} : memref<80x128xf32, #tpu.memory_space<vmem>>, vector<1x16xf32>,
        %get3A_612 = arith.index_cast %add3A_581 : i32 to index
        %get3A_613 = arith.constant 80 : index
        %get3A_614 = tpu.vector_load %arg18[%get3A_612, %get3A_613] {strides = array<i32>} : memref<80x128xf32, #tpu.memory_space<vmem>>, vector<1x16xf32>,
        %get3A_615 = vector.shape_cast %get3A_614 : vector<1x16xf32> to vector<16xf32>
        %get3A_616 = arith.index_cast %add3A_581 : i32 to index
        %get3A_617 = arith.constant 16 : index
        %get3A_618 = tpu.vector_load %arg19[%get3A_616, %get3A_617] {strides = array<i32>} : memref<80x128xf32, #tpu.memory_space<vmem>>, vector<1x16xf32>,
        %get3A_619 = vector.shape_cast %get3A_618 : vector<1x16xf32> to vector<16xf32>
        %add3A_620 = arith.addf %get3A_615, %get3A_619 : vector<16xf32>
        %mul3A_621 = arith.constant 2.000000e-01 : f32
        %mul3A_622 = vector.broadcast %mul3A_621 : f32 to vector<16xf32>
        %mul3A_623 = arith.mulf %mul3A_622, %add3A_620 : vector<16xf32>
        %max3A_624 = arith.maximumf %add3A_620, %mul3A_623 : vector<16xf32>
        %sub3A_625 = arith.subf %max3A_624, %get3A_17 : vector<16xf32>
        %exp3A_626 = math.exp %sub3A_625 : vector<16xf32>
        %swap3A_627 = arith.index_cast %add3A_581 : i32 to index
        %swap3A_628 = arith.constant 80 : index
        %swap3A_629 = tpu.vector_load %arg18[%swap3A_627, %swap3A_628] {strides = array<i32>} : memref<80x128xf32, #tpu.memory_space<vmem>>, vector<1x16xf32>,
        %swap3A_630 = vector.shape_cast %swap3A_629 : vector<1x16xf32> to vector<16xf32>
        %swap3A_631 = vector.shape_cast %exp3A_626 : vector<16xf32> to vector<1x16xf32>
        tpu.vector_store %arg18[%swap3A_627, %swap3A_628], %swap3A_631 {strides = array<i32>} : memref<80x128xf32, #tpu.memory_space<vmem>>, vector<1x16xf32>,
        %get3A_632 = arith.index_cast %add3A_581 : i32 to index
        %get3A_633 = arith.constant 16 : index
        %get3A_634 = tpu.vector_load %arg18[%get3A_632, %get3A_633] {strides = array<i32>} : memref<80x128xf32, #tpu.memory_space<vmem>>, vector<1x16xf32>,
        %get3A_635 = vector.shape_cast %get3A_634 : vector<1x16xf32> to vector<16xf32>
        %mul3A_636 = arith.mulf %get3A_635, %exp3A_626 : vector<16xf32>
        %swap3A_637 = arith.index_cast %add3A_581 : i32 to index
        %swap3A_638 = arith.constant 16 : index
        %swap3A_639 = tpu.vector_load %arg18[%swap3A_637, %swap3A_638] {strides = array<i32>} : memref<80x128xf32, #tpu.memory_space<vmem>>, vector<1x16xf32>,
        %swap3A_640 = vector.shape_cast %swap3A_639 : vector<1x16xf32> to vector<16xf32>
        %swap3A_641 = vector.shape_cast %mul3A_636 : vector<16xf32> to vector<1x16xf32>
        tpu.vector_store %arg18[%swap3A_637, %swap3A_638], %swap3A_641 {strides = array<i32>} : memref<80x128xf32, #tpu.memory_space<vmem>>, vector<1x16xf32>,
        %get3A_642 = arith.index_cast %add3A_581 : i32 to index
        %get3A_643 = arith.constant 96 : index
        %get3A_644 = tpu.vector_load %arg18[%get3A_642, %get3A_643] {strides = array<i32>} : memref<80x128xf32, #tpu.memory_space<vmem>>, vector<1x16xf32>,
        %get3A_645 = vector.shape_cast %get3A_644 : vector<1x16xf32> to vector<16xf32>
        %get3A_646 = arith.index_cast %add3A_581 : i32 to index
        %get3A_647 = arith.constant 32 : index
        %get3A_648 = tpu.vector_load %arg19[%get3A_646, %get3A_647] {strides = array<i32>} : memref<80x128xf32, #tpu.memory_space<vmem>>, vector<1x16xf32>,
        %get3A_649 = vector.shape_cast %get3A_648 : vector<1x16xf32> to vector<16xf32>
        %add3A_650 = arith.addf %get3A_645, %get3A_649 : vector<16xf32>
        %mul3A_651 = arith.constant 2.000000e-01 : f32
        %mul3A_652 = vector.broadcast %mul3A_651 : f32 to vector<16xf32>
        %mul3A_653 = arith.mulf %mul3A_652, %add3A_650 : vector<16xf32>
        %max3A_654 = arith.maximumf %add3A_650, %mul3A_653 : vector<16xf32>
        %sub3A_655 = arith.subf %max3A_654, %get3A_20 : vector<16xf32>
        %exp3A_656 = math.exp %sub3A_655 : vector<16xf32>
        %swap3A_657 = arith.index_cast %add3A_581 : i32 to index
        %swap3A_658 = arith.constant 96 : index
        %swap3A_659 = tpu.vector_load %arg18[%swap3A_657, %swap3A_658] {strides = array<i32>} : memref<80x128xf32, #tpu.memory_space<vmem>>, vector<1x16xf32>,
        %swap3A_660 = vector.shape_cast %swap3A_659 : vector<1x16xf32> to vector<16xf32>
        %swap3A_661 = vector.shape_cast %exp3A_656 : vector<16xf32> to vector<1x16xf32>
        tpu.vector_store %arg18[%swap3A_657, %swap3A_658], %swap3A_661 {strides = array<i32>} : memref<80x128xf32, #tpu.memory_space<vmem>>, vector<1x16xf32>,
        %get3A_662 = arith.index_cast %add3A_581 : i32 to index
        %get3A_663 = arith.constant 32 : index
        %get3A_664 = tpu.vector_load %arg18[%get3A_662, %get3A_663] {strides = array<i32>} : memref<80x128xf32, #tpu.memory_space<vmem>>, vector<1x16xf32>,
        %get3A_665 = vector.shape_cast %get3A_664 : vector<1x16xf32> to vector<16xf32>
        %mul3A_666 = arith.mulf %get3A_665, %exp3A_656 : vector<16xf32>
        %swap3A_667 = arith.index_cast %add3A_581 : i32 to index
        %swap3A_668 = arith.constant 32 : index
        %swap3A_669 = tpu.vector_load %arg18[%swap3A_667, %swap3A_668] {strides = array<i32>} : memref<80x128xf32, #tpu.memory_space<vmem>>, vector<1x16xf32>,
        %swap3A_670 = vector.shape_cast %swap3A_669 : vector<1x16xf32> to vector<16xf32>
        %swap3A_671 = vector.shape_cast %mul3A_666 : vector<16xf32> to vector<1x16xf32>
        tpu.vector_store %arg18[%swap3A_667, %swap3A_668], %swap3A_671 {strides = array<i32>} : memref<80x128xf32, #tpu.memory_space<vmem>>, vector<1x16xf32>,
        %get3A_672 = arith.index_cast %add3A_581 : i32 to index
        %get3A_673 = arith.constant 112 : index
        %get3A_674 = tpu.vector_load %arg18[%get3A_672, %get3A_673] {strides = array<i32>} : memref<80x128xf32, #tpu.memory_space<vmem>>, vector<1x16xf32>,
        %get3A_675 = vector.shape_cast %get3A_674 : vector<1x16xf32> to vector<16xf32>
        %get3A_676 = arith.index_cast %add3A_581 : i32 to index
        %get3A_677 = arith.constant 48 : index
        %get3A_678 = tpu.vector_load %arg19[%get3A_676, %get3A_677] {strides = array<i32>} : memref<80x128xf32, #tpu.memory_space<vmem>>, vector<1x16xf32>,
        %get3A_679 = vector.shape_cast %get3A_678 : vector<1x16xf32> to vector<16xf32>
        %add3A_680 = arith.addf %get3A_675, %get3A_679 : vector<16xf32>
        %mul3A_681 = arith.constant 2.000000e-01 : f32
        %mul3A_682 = vector.broadcast %mul3A_681 : f32 to vector<16xf32>
        %mul3A_683 = arith.mulf %mul3A_682, %add3A_680 : vector<16xf32>
        %max3A_684 = arith.maximumf %add3A_680, %mul3A_683 : vector<16xf32>
        %sub3A_685 = arith.subf %max3A_684, %get3A_23 : vector<16xf32>
        %exp3A_686 = math.exp %sub3A_685 : vector<16xf32>
        %swap3A_687 = arith.index_cast %add3A_581 : i32 to index
        %swap3A_688 = arith.constant 112 : index
        %swap3A_689 = tpu.vector_load %arg18[%swap3A_687, %swap3A_688] {strides = array<i32>} : memref<80x128xf32, #tpu.memory_space<vmem>>, vector<1x16xf32>,
        %swap3A_690 = vector.shape_cast %swap3A_689 : vector<1x16xf32> to vector<16xf32>
        %swap3A_691 = vector.shape_cast %exp3A_686 : vector<16xf32> to vector<1x16xf32>
        tpu.vector_store %arg18[%swap3A_687, %swap3A_688], %swap3A_691 {strides = array<i32>} : memref<80x128xf32, #tpu.memory_space<vmem>>, vector<1x16xf32>,
        %get3A_692 = arith.index_cast %add3A_581 : i32 to index
        %get3A_693 = arith.constant 48 : index
        %get3A_694 = tpu.vector_load %arg18[%get3A_692, %get3A_693] {strides = array<i32>} : memref<80x128xf32, #tpu.memory_space<vmem>>, vector<1x16xf32>,
        %get3A_695 = vector.shape_cast %get3A_694 : vector<1x16xf32> to vector<16xf32>
        %mul3A_696 = arith.mulf %get3A_695, %exp3A_686 : vector<16xf32>
        %swap3A_697 = arith.index_cast %add3A_581 : i32 to index
        %swap3A_698 = arith.constant 48 : index
        %swap3A_699 = tpu.vector_load %arg18[%swap3A_697, %swap3A_698] {strides = array<i32>} : memref<80x128xf32, #tpu.memory_space<vmem>>, vector<1x16xf32>,
        %swap3A_700 = vector.shape_cast %swap3A_699 : vector<1x16xf32> to vector<16xf32>
        %swap3A_701 = vector.shape_cast %mul3A_696 : vector<16xf32> to vector<1x16xf32>
        tpu.vector_store %arg18[%swap3A_697, %swap3A_698], %swap3A_701 {strides = array<i32>} : memref<80x128xf32, #tpu.memory_space<vmem>>, vector<1x16xf32>,
      }
      %scan3A_207 = arith.constant 20 : i32
      "tpu.region"() ({
        %run_scoped3A = tpu.sem_alloc : memref<!tpu.dma_semaphore, #tpu.memory_space<semaphore_mem>>
        %dma_start3A_208 = arith.constant 0 : i32
        %dma_start3A_209 = arith.constant 0 : i32
        %dma_start3A_210 = tpu.memref_slice %arg21[%dma_start3A_208, %dma_start3A_209] : memref<10000x128xf32, #tpu.memory_space<vmem_shared>> -> memref<10000x128xf32, #tpu.memory_space<vmem_shared>>
        tpu.enqueue_indirect_dma source(%arg18 : memref<80x128xf32, #tpu.memory_space<vmem>>) target(%dma_start3A_210 : memref<10000x128xf32, #tpu.memory_space<vmem_shared>>) offsets(%arg15 : memref<80xi32, #tpu.memory_space<vmem>>) semaphore(%run_scoped3A : memref<!tpu.dma_semaphore, #tpu.memory_space<semaphore_mem>>) {add = true}
        %dma_wait3A_211 = arith.constant 0 : i32
        %dma_wait3A_212 = arith.constant 0 : i32
        %dma_wait3A_213 = tpu.memref_slice %arg21[%dma_wait3A_211, %dma_wait3A_212] : memref<10000x128xf32, #tpu.memory_space<vmem_shared>> -> memref<10000x128xf32, #tpu.memory_space<vmem_shared>>
        tpu.wait_indirect_dma semaphore(%run_scoped3A : memref<!tpu.dma_semaphore, #tpu.memory_space<semaphore_mem>>) src(%arg18 : memref<80x128xf32, #tpu.memory_space<vmem>>) dst(%dma_wait3A_213 : memref<10000x128xf32, #tpu.memory_space<vmem_shared>>)
        tpu.yield
      }) : () -> ()
    }
    %scan3A_132 = arith.constant 62 : i32
    %add3A_133 = arith.constant 124 : i32
    %add3A_134 = arith.constant 1 : i32
    %add3A_135 = arith.addi %add3A_133, %add3A_134 : i32
    %lt3A = arith.constant 125 : i32
    %lt3A_136 = arith.cmpi slt, %add3A_135, %lt3A : i32
    %convert_element_type3A_137 = arith.extui %lt3A_136 : i1 to i32
    %cond3A_138 = arith.constant 124 : i32
    %cond3A_139 = arith.constant 0 : i32
    %cond3A_140 = arith.cmpi ne, %convert_element_type3A_137, %cond3A_139 : i32
    scf.if %cond3A_140 {
      %add3A_163 = arith.constant 1 : i32
      %add3A_164 = arith.addi %cond3A_138, %add3A_163 : i32
      %add3A_165 = arith.addi %mul3A_4, %add3A_164 : i32
      %mul3A_166 = arith.constant 160 : i32
      %mul3A_167 = arith.muli %add3A_165, %mul3A_166 : i32
      %dma_wait3A_168 = tpu.memref_slice %arg4[%mul3A_167] : memref<640000xi32, #tpu.memory_space<hbm>> -> memref<160xi32, #tpu.memory_space<hbm>>
      %dma_wait3A_169 = tpu.memref_slice %arg4[%mul3A_167] : memref<640000xi32, #tpu.memory_space<hbm>> -> memref<160xi32, #tpu.memory_space<hbm>>
      tpu.wait_dma2 semaphore(%arg23 : memref<!tpu.dma_semaphore, #tpu.memory_space<semaphore_mem>>) src(%dma_wait3A_169 : memref<160xi32, #tpu.memory_space<hbm>>) dst(%arg9 : memref<160xi32, #tpu.memory_space<vmem>>)
      %get3A_170 = arith.constant 0 : index
      %get3A_171 = tpu.vector_load %arg9[%get3A_170] {strides = array<i32>} : memref<160xi32, #tpu.memory_space<vmem>>, vector<16xi32>,
      %get3A_172 = vector.shape_cast %get3A_171 : vector<16xi32> to vector<16xi32>
      %get3A_173 = arith.constant 80 : index
      %get3A_174 = tpu.vector_load %arg9[%get3A_173] {strides = array<i32>} : memref<160xi32, #tpu.memory_space<vmem>>, vector<16xi32>,
      %get3A_175 = vector.shape_cast %get3A_174 : vector<16xi32> to vector<16xi32>
      %swap3A_176 = arith.constant 0 : index
      %swap3A_177 = tpu.vector_load %arg15[%swap3A_176] {strides = array<i32>} : memref<80xi32, #tpu.memory_space<vmem>>, vector<16xi32>,
      %swap3A_178 = vector.shape_cast %swap3A_177 : vector<16xi32> to vector<16xi32>
      %swap3A_179 = vector.shape_cast %get3A_175 : vector<16xi32> to vector<16xi32>
      tpu.vector_store %arg15[%swap3A_176], %swap3A_179 {strides = array<i32>} : memref<80xi32, #tpu.memory_space<vmem>>, vector<16xi32>,
      %swap3A_180 = arith.constant 0 : index
      %swap3A_181 = tpu.vector_load %arg13[%swap3A_180] {strides = array<i32>} : memref<80xi32, #tpu.memory_space<vmem>>, vector<16xi32>,
      %swap3A_182 = vector.shape_cast %swap3A_181 : vector<16xi32> to vector<16xi32>
      %swap3A_183 = vector.shape_cast %get3A_172 : vector<16xi32> to vector<16xi32>
      tpu.vector_store %arg13[%swap3A_180], %swap3A_183 {strides = array<i32>} : memref<80xi32, #tpu.memory_space<vmem>>, vector<16xi32>,
      %swap3A_184 = arith.constant 0 : index
      %swap3A_185 = tpu.vector_load %arg14[%swap3A_184] {strides = array<i32>} : memref<80xi32, #tpu.memory_space<vmem>>, vector<16xi32>,
      %swap3A_186 = vector.shape_cast %swap3A_185 : vector<16xi32> to vector<16xi32>
      %swap3A_187 = vector.shape_cast %get3A_175 : vector<16xi32> to vector<16xi32>
      tpu.vector_store %arg14[%swap3A_184], %swap3A_187 {strides = array<i32>} : memref<80xi32, #tpu.memory_space<vmem>>, vector<16xi32>,
      %get3A_188 = arith.constant 16 : index
      %get3A_189 = tpu.vector_load %arg9[%get3A_188] {strides = array<i32>} : memref<160xi32, #tpu.memory_space<vmem>>, vector<16xi32>,
      %get3A_190 = vector.shape_cast %get3A_189 : vector<16xi32> to vector<16xi32>
      %get3A_191 = arith.constant 96 : index
      %get3A_192 = tpu.vector_load %arg9[%get3A_191] {strides = array<i32>} : memref<160xi32, #tpu.memory_space<vmem>>, vector<16xi32>,
      %get3A_193 = vector.shape_cast %get3A_192 : vector<16xi32> to vector<16xi32>
      %swap3A_194 = arith.constant 16 : index
      %swap3A_195 = tpu.vector_load %arg15[%swap3A_194] {strides = array<i32>} : memref<80xi32, #tpu.memory_space<vmem>>, vector<16xi32>,
      %swap3A_196 = vector.shape_cast %swap3A_195 : vector<16xi32> to vector<16xi32>
      %swap3A_197 = vector.shape_cast %get3A_193 : vector<16xi32> to vector<16xi32>
      tpu.vector_store %arg15[%swap3A_194], %swap3A_197 {strides = array<i32>} : memref<80xi32, #tpu.memory_space<vmem>>, vector<16xi32>,
      %swap3A_198 = arith.constant 16 : index
      %swap3A_199 = tpu.vector_load %arg13[%swap3A_198] {strides = array<i32>} : memref<80xi32, #tpu.memory_space<vmem>>, vector<16xi32>,
      %swap3A_200 = vector.shape_cast %swap3A_199 : vector<16xi32> to vector<16xi32>
      %swap3A_201 = vector.shape_cast %get3A_190 : vector<16xi32> to vector<16xi32>
      tpu.vector_store %arg13[%swap3A_198], %swap3A_201 {strides = array<i32>} : memref<80xi32, #tpu.memory_space<vmem>>, vector<16xi32>,
      %swap3A_202 = arith.constant 16 : index
      %swap3A_203 = tpu.vector_load %arg14[%swap3A_202] {strides = array<i32>} : memref<80xi32, #tpu.memory_space<vmem>>, vector<16xi32>,
      %swap3A_204 = vector.shape_cast %swap3A_203 : vector<16xi32> to vector<16xi32>
      %swap3A_205 = vector.shape_cast %get3A_193 : vector<16xi32> to vector<16xi32>
      tpu.vector_store %arg14[%swap3A_202], %swap3A_205 {strides = array<i32>} : memref<80xi32, #tpu.memory_space<vmem>>, vector<16xi32>,
      %get3A_206 = arith.constant 32 : index
      %get3A_207 = tpu.vector_load %arg9[%get3A_206] {strides = array<i32>} : memref<160xi32, #tpu.memory_space<vmem>>, vector<16xi32>,
      %get3A_208 = vector.shape_cast %get3A_207 : vector<16xi32> to vector<16xi32>
      %get3A_209 = arith.constant 112 : index
      %get3A_210 = tpu.vector_load %arg9[%get3A_209] {strides = array<i32>} : memref<160xi32, #tpu.memory_space<vmem>>, vector<16xi32>,
      %get3A_211 = vector.shape_cast %get3A_210 : vector<16xi32> to vector<16xi32>
      %swap3A_212 = arith.constant 32 : index
      %swap3A_213 = tpu.vector_load %arg15[%swap3A_212] {strides = array<i32>} : memref<80xi32, #tpu.memory_space<vmem>>, vector<16xi32>,
      %swap3A_214 = vector.shape_cast %swap3A_213 : vector<16xi32> to vector<16xi32>
      %swap3A_215 = vector.shape_cast %get3A_211 : vector<16xi32> to vector<16xi32>
      tpu.vector_store %arg15[%swap3A_212], %swap3A_215 {strides = array<i32>} : memref<80xi32, #tpu.memory_space<vmem>>, vector<16xi32>,
      %swap3A_216 = arith.constant 32 : index
      %swap3A_217 = tpu.vector_load %arg13[%swap3A_216] {strides = array<i32>} : memref<80xi32, #tpu.memory_space<vmem>>, vector<16xi32>,
      %swap3A_218 = vector.shape_cast %swap3A_217 : vector<16xi32> to vector<16xi32>
      %swap3A_219 = vector.shape_cast %get3A_208 : vector<16xi32> to vector<16xi32>
      tpu.vector_store %arg13[%swap3A_216], %swap3A_219 {strides = array<i32>} : memref<80xi32, #tpu.memory_space<vmem>>, vector<16xi32>,
      %swap3A_220 = arith.constant 32 : index
      %swap3A_221 = tpu.vector_load %arg14[%swap3A_220] {strides = array<i32>} : memref<80xi32, #tpu.memory_space<vmem>>, vector<16xi32>,
      %swap3A_222 = vector.shape_cast %swap3A_221 : vector<16xi32> to vector<16xi32>
      %swap3A_223 = vector.shape_cast %get3A_211 : vector<16xi32> to vector<16xi32>
      tpu.vector_store %arg14[%swap3A_220], %swap3A_223 {strides = array<i32>} : memref<80xi32, #tpu.memory_space<vmem>>, vector<16xi32>,
      %get3A_224 = arith.constant 48 : index
      %get3A_225 = tpu.vector_load %arg9[%get3A_224] {strides = array<i32>} : memref<160xi32, #tpu.memory_space<vmem>>, vector<16xi32>,
      %get3A_226 = vector.shape_cast %get3A_225 : vector<16xi32> to vector<16xi32>
      %get3A_227 = arith.constant 128 : index
      %get3A_228 = tpu.vector_load %arg9[%get3A_227] {strides = array<i32>} : memref<160xi32, #tpu.memory_space<vmem>>, vector<16xi32>,
      %get3A_229 = vector.shape_cast %get3A_228 : vector<16xi32> to vector<16xi32>
      %swap3A_230 = arith.constant 48 : index
      %swap3A_231 = tpu.vector_load %arg15[%swap3A_230] {strides = array<i32>} : memref<80xi32, #tpu.memory_space<vmem>>, vector<16xi32>,
      %swap3A_232 = vector.shape_cast %swap3A_231 : vector<16xi32> to vector<16xi32>
      %swap3A_233 = vector.shape_cast %get3A_229 : vector<16xi32> to vector<16xi32>
      tpu.vector_store %arg15[%swap3A_230], %swap3A_233 {strides = array<i32>} : memref<80xi32, #tpu.memory_space<vmem>>, vector<16xi32>,
      %swap3A_234 = arith.constant 48 : index
      %swap3A_235 = tpu.vector_load %arg13[%swap3A_234] {strides = array<i32>} : memref<80xi32, #tpu.memory_space<vmem>>, vector<16xi32>,
      %swap3A_236 = vector.shape_cast %swap3A_235 : vector<16xi32> to vector<16xi32>
      %swap3A_237 = vector.shape_cast %get3A_226 : vector<16xi32> to vector<16xi32>
      tpu.vector_store %arg13[%swap3A_234], %swap3A_237 {strides = array<i32>} : memref<80xi32, #tpu.memory_space<vmem>>, vector<16xi32>,
      %swap3A_238 = arith.constant 48 : index
      %swap3A_239 = tpu.vector_load %arg14[%swap3A_238] {strides = array<i32>} : memref<80xi32, #tpu.memory_space<vmem>>, vector<16xi32>,
      %swap3A_240 = vector.shape_cast %swap3A_239 : vector<16xi32> to vector<16xi32>
      %swap3A_241 = vector.shape_cast %get3A_229 : vector<16xi32> to vector<16xi32>
      tpu.vector_store %arg14[%swap3A_238], %swap3A_241 {strides = array<i32>} : memref<80xi32, #tpu.memory_space<vmem>>, vector<16xi32>,
      %get3A_242 = arith.constant 64 : index
      %get3A_243 = tpu.vector_load %arg9[%get3A_242] {strides = array<i32>} : memref<160xi32, #tpu.memory_space<vmem>>, vector<16xi32>,
      %get3A_244 = vector.shape_cast %get3A_243 : vector<16xi32> to vector<16xi32>
      %get3A_245 = arith.constant 144 : index
      %get3A_246 = tpu.vector_load %arg9[%get3A_245] {strides = array<i32>} : memref<160xi32, #tpu.memory_space<vmem>>, vector<16xi32>,
      %get3A_247 = vector.shape_cast %get3A_246 : vector<16xi32> to vector<16xi32>
      %swap3A_248 = arith.constant 64 : index
      %swap3A_249 = tpu.vector_load %arg15[%swap3A_248] {strides = array<i32>} : memref<80xi32, #tpu.memory_space<vmem>>, vector<16xi32>,
      %swap3A_250 = vector.shape_cast %swap3A_249 : vector<16xi32> to vector<16xi32>
      %swap3A_251 = vector.shape_cast %get3A_247 : vector<16xi32> to vector<16xi32>
      tpu.vector_store %arg15[%swap3A_248], %swap3A_251 {strides = array<i32>} : memref<80xi32, #tpu.memory_space<vmem>>, vector<16xi32>,
      %swap3A_252 = arith.constant 64 : index
      %swap3A_253 = tpu.vector_load %arg13[%swap3A_252] {strides = array<i32>} : memref<80xi32, #tpu.memory_space<vmem>>, vector<16xi32>,
      %swap3A_254 = vector.shape_cast %swap3A_253 : vector<16xi32> to vector<16xi32>
      %swap3A_255 = vector.shape_cast %get3A_244 : vector<16xi32> to vector<16xi32>
      tpu.vector_store %arg13[%swap3A_252], %swap3A_255 {strides = array<i32>} : memref<80xi32, #tpu.memory_space<vmem>>, vector<16xi32>,
      %swap3A_256 = arith.constant 64 : index
      %swap3A_257 = tpu.vector_load %arg14[%swap3A_256] {strides = array<i32>} : memref<80xi32, #tpu.memory_space<vmem>>, vector<16xi32>,
      %swap3A_258 = vector.shape_cast %swap3A_257 : vector<16xi32> to vector<16xi32>
      %swap3A_259 = vector.shape_cast %get3A_247 : vector<16xi32> to vector<16xi32>
      tpu.vector_store %arg14[%swap3A_256], %swap3A_259 {strides = array<i32>} : memref<80xi32, #tpu.memory_space<vmem>>, vector<16xi32>,
      %add3A_260 = arith.constant 2 : i32
      %add3A_261 = arith.addi %cond3A_138, %add3A_260 : i32
      %lt3A_262 = arith.constant 125 : i32
      %lt3A_263 = arith.cmpi slt, %add3A_261, %lt3A_262 : i32
      %convert_element_type3A_264 = arith.extui %lt3A_263 : i1 to i32
      %cond3A_265 = arith.constant 0 : i32
      %cond3A_266 = arith.cmpi ne, %convert_element_type3A_264, %cond3A_265 : i32
      scf.if %cond3A_266 {
        %add3A_273 = arith.constant 2 : i32
        %add3A_274 = arith.addi %cond3A_138, %add3A_273 : i32
        %add3A_275 = arith.addi %mul3A_4, %add3A_274 : i32
        %mul3A_276 = arith.constant 160 : i32
        %mul3A_277 = arith.muli %add3A_275, %mul3A_276 : i32
        %dma_start3A_278 = tpu.memref_slice %arg4[%mul3A_277] : memref<640000xi32, #tpu.memory_space<hbm>> -> memref<160xi32, #tpu.memory_space<hbm>>
        %dma_start3A_279 = tpu.memref_slice %arg4[%mul3A_277] : memref<640000xi32, #tpu.memory_space<hbm>> -> memref<160xi32, #tpu.memory_space<hbm>>
        tpu.enqueue_dma source(%dma_start3A_279 : memref<160xi32, #tpu.memory_space<hbm>>) target(%arg8 : memref<160xi32, #tpu.memory_space<vmem>>) target_semaphore(%arg22 : memref<!tpu.dma_semaphore, #tpu.memory_space<semaphore_mem>>)
      } else {
      }
      %dma_start3A_267 = arith.constant 0 : i32
      %dma_start3A_268 = arith.constant 0 : i32
      %dma_start3A_269 = tpu.memref_slice %arg2[%dma_start3A_267, %dma_start3A_268] : memref<10000x128xf32, #tpu.memory_space<hbm>> -> memref<10000x128xf32, #tpu.memory_space<hbm>>
      tpu.enqueue_indirect_dma source(%dma_start3A_269 : memref<10000x128xf32, #tpu.memory_space<hbm>>) target(%arg18 : memref<80x128xf32, #tpu.memory_space<vmem>>) offsets(%arg13 : memref<80xi32, #tpu.memory_space<vmem>>) semaphore(%arg25 : memref<!tpu.dma_semaphore, #tpu.memory_space<semaphore_mem>>)
      %dma_start3A_270 = arith.constant 0 : i32
      %dma_start3A_271 = arith.constant 0 : i32
      %dma_start3A_272 = tpu.memref_slice %arg3[%dma_start3A_270, %dma_start3A_271] : memref<10000x128xf32, #tpu.memory_space<hbm>> -> memref<10000x128xf32, #tpu.memory_space<hbm>>
      tpu.enqueue_indirect_dma source(%dma_start3A_272 : memref<10000x128xf32, #tpu.memory_space<hbm>>) target(%arg19 : memref<80x128xf32, #tpu.memory_space<vmem>>) offsets(%arg14 : memref<80xi32, #tpu.memory_space<vmem>>) semaphore(%arg25 : memref<!tpu.dma_semaphore, #tpu.memory_space<semaphore_mem>>)
    } else {
    }
    %dma_wait3A = arith.constant 0 : i32
    %dma_wait3A_141 = arith.constant 0 : i32
    %dma_wait3A_142 = tpu.memref_slice %arg2[%dma_wait3A, %dma_wait3A_141] : memref<10000x128xf32, #tpu.memory_space<hbm>> -> memref<10000x128xf32, #tpu.memory_space<hbm>>
    tpu.wait_indirect_dma semaphore(%arg24 : memref<!tpu.dma_semaphore, #tpu.memory_space<semaphore_mem>>) src(%dma_wait3A_142 : memref<10000x128xf32, #tpu.memory_space<hbm>>) dst(%arg16 : memref<80x128xf32, #tpu.memory_space<vmem>>)
    %dma_wait3A_143 = arith.constant 0 : i32
    %dma_wait3A_144 = arith.constant 0 : i32
    %dma_wait3A_145 = tpu.memref_slice %arg3[%dma_wait3A_143, %dma_wait3A_144] : memref<10000x128xf32, #tpu.memory_space<hbm>> -> memref<10000x128xf32, #tpu.memory_space<hbm>>
    tpu.wait_indirect_dma semaphore(%arg24 : memref<!tpu.dma_semaphore, #tpu.memory_space<semaphore_mem>>) src(%dma_wait3A_145 : memref<10000x128xf32, #tpu.memory_space<hbm>>) dst(%arg17 : memref<80x128xf32, #tpu.memory_space<vmem>>)
    %scan3A_146 = arith.constant 0 : i32
    %scan3A_147 = arith.constant 0 : i32
    %scan3A_148 = arith.constant 20 : i32
    %scan3A_149 = arith.addi %scan3A_147, %scan3A_148 : i32
    %scan3A_150 = arith.constant 1 : i32
    scf.for %scan3A_163 = %scan3A_147 to %scan3A_149 step %scan3A_150  : i32 {
      %mul3A_164 = arith.constant 4 : i32
      %mul3A_165 = arith.muli %mul3A_164, %scan3A_163 : i32
      %add3A_166 = arith.constant 0 : i32
      %add3A_167 = arith.addi %mul3A_165, %add3A_166 : i32
      %get3A_168 = arith.index_cast %add3A_167 : i32 to index
      %get3A_169 = arith.constant 64 : index
      %get3A_170 = tpu.vector_load %arg16[%get3A_168, %get3A_169] {strides = array<i32>} : memref<80x128xf32, #tpu.memory_space<vmem>>, vector<1x16xf32>,
      %get3A_171 = vector.shape_cast %get3A_170 : vector<1x16xf32> to vector<16xf32>
      %get3A_172 = arith.index_cast %add3A_167 : i32 to index
      %get3A_173 = arith.constant 0 : index
      %get3A_174 = tpu.vector_load %arg17[%get3A_172, %get3A_173] {strides = array<i32>} : memref<80x128xf32, #tpu.memory_space<vmem>>, vector<1x16xf32>,
      %get3A_175 = vector.shape_cast %get3A_174 : vector<1x16xf32> to vector<16xf32>
      %add3A_176 = arith.addf %get3A_171, %get3A_175 : vector<16xf32>
      %mul3A_177 = arith.constant 2.000000e-01 : f32
      %mul3A_178 = vector.broadcast %mul3A_177 : f32 to vector<16xf32>
      %mul3A_179 = arith.mulf %mul3A_178, %add3A_176 : vector<16xf32>
      %max3A = arith.maximumf %add3A_176, %mul3A_179 : vector<16xf32>
      %sub3A = arith.subf %max3A, %get3A_14 : vector<16xf32>
      %exp3A = math.exp %sub3A : vector<16xf32>
      %swap3A_180 = arith.index_cast %add3A_167 : i32 to index
      %swap3A_181 = arith.constant 64 : index
      %swap3A_182 = tpu.vector_load %arg16[%swap3A_180, %swap3A_181] {strides = array<i32>} : memref<80x128xf32, #tpu.memory_space<vmem>>, vector<1x16xf32>,
      %swap3A_183 = vector.shape_cast %swap3A_182 : vector<1x16xf32> to vector<16xf32>
      %swap3A_184 = vector.shape_cast %exp3A : vector<16xf32> to vector<1x16xf32>
      tpu.vector_store %arg16[%swap3A_180, %swap3A_181], %swap3A_184 {strides = array<i32>} : memref<80x128xf32, #tpu.memory_space<vmem>>, vector<1x16xf32>,
      %get3A_185 = arith.index_cast %add3A_167 : i32 to index
      %get3A_186 = arith.constant 0 : index
      %get3A_187 = tpu.vector_load %arg16[%get3A_185, %get3A_186] {strides = array<i32>} : memref<80x128xf32, #tpu.memory_space<vmem>>, vector<1x16xf32>,
      %get3A_188 = vector.shape_cast %get3A_187 : vector<1x16xf32> to vector<16xf32>
      %mul3A_189 = arith.mulf %get3A_188, %exp3A : vector<16xf32>
      %swap3A_190 = arith.index_cast %add3A_167 : i32 to index
      %swap3A_191 = arith.constant 0 : index
      %swap3A_192 = tpu.vector_load %arg16[%swap3A_190, %swap3A_191] {strides = array<i32>} : memref<80x128xf32, #tpu.memory_space<vmem>>, vector<1x16xf32>,
      %swap3A_193 = vector.shape_cast %swap3A_192 : vector<1x16xf32> to vector<16xf32>
      %swap3A_194 = vector.shape_cast %mul3A_189 : vector<16xf32> to vector<1x16xf32>
      tpu.vector_store %arg16[%swap3A_190, %swap3A_191], %swap3A_194 {strides = array<i32>} : memref<80x128xf32, #tpu.memory_space<vmem>>, vector<1x16xf32>,
      %get3A_195 = arith.index_cast %add3A_167 : i32 to index
      %get3A_196 = arith.constant 80 : index
      %get3A_197 = tpu.vector_load %arg16[%get3A_195, %get3A_196] {strides = array<i32>} : memref<80x128xf32, #tpu.memory_space<vmem>>, vector<1x16xf32>,
      %get3A_198 = vector.shape_cast %get3A_197 : vector<1x16xf32> to vector<16xf32>
      %get3A_199 = arith.index_cast %add3A_167 : i32 to index
      %get3A_200 = arith.constant 16 : index
      %get3A_201 = tpu.vector_load %arg17[%get3A_199, %get3A_200] {strides = array<i32>} : memref<80x128xf32, #tpu.memory_space<vmem>>, vector<1x16xf32>,
      %get3A_202 = vector.shape_cast %get3A_201 : vector<1x16xf32> to vector<16xf32>
      %add3A_203 = arith.addf %get3A_198, %get3A_202 : vector<16xf32>
      %mul3A_204 = arith.constant 2.000000e-01 : f32
      %mul3A_205 = vector.broadcast %mul3A_204 : f32 to vector<16xf32>
      %mul3A_206 = arith.mulf %mul3A_205, %add3A_203 : vector<16xf32>
      %max3A_207 = arith.maximumf %add3A_203, %mul3A_206 : vector<16xf32>
      %sub3A_208 = arith.subf %max3A_207, %get3A_17 : vector<16xf32>
      %exp3A_209 = math.exp %sub3A_208 : vector<16xf32>
      %swap3A_210 = arith.index_cast %add3A_167 : i32 to index
      %swap3A_211 = arith.constant 80 : index
      %swap3A_212 = tpu.vector_load %arg16[%swap3A_210, %swap3A_211] {strides = array<i32>} : memref<80x128xf32, #tpu.memory_space<vmem>>, vector<1x16xf32>,
      %swap3A_213 = vector.shape_cast %swap3A_212 : vector<1x16xf32> to vector<16xf32>
      %swap3A_214 = vector.shape_cast %exp3A_209 : vector<16xf32> to vector<1x16xf32>
      tpu.vector_store %arg16[%swap3A_210, %swap3A_211], %swap3A_214 {strides = array<i32>} : memref<80x128xf32, #tpu.memory_space<vmem>>, vector<1x16xf32>,
      %get3A_215 = arith.index_cast %add3A_167 : i32 to index
      %get3A_216 = arith.constant 16 : index
      %get3A_217 = tpu.vector_load %arg16[%get3A_215, %get3A_216] {strides = array<i32>} : memref<80x128xf32, #tpu.memory_space<vmem>>, vector<1x16xf32>,
      %get3A_218 = vector.shape_cast %get3A_217 : vector<1x16xf32> to vector<16xf32>
      %mul3A_219 = arith.mulf %get3A_218, %exp3A_209 : vector<16xf32>
      %swap3A_220 = arith.index_cast %add3A_167 : i32 to index
      %swap3A_221 = arith.constant 16 : index
      %swap3A_222 = tpu.vector_load %arg16[%swap3A_220, %swap3A_221] {strides = array<i32>} : memref<80x128xf32, #tpu.memory_space<vmem>>, vector<1x16xf32>,
      %swap3A_223 = vector.shape_cast %swap3A_222 : vector<1x16xf32> to vector<16xf32>
      %swap3A_224 = vector.shape_cast %mul3A_219 : vector<16xf32> to vector<1x16xf32>
      tpu.vector_store %arg16[%swap3A_220, %swap3A_221], %swap3A_224 {strides = array<i32>} : memref<80x128xf32, #tpu.memory_space<vmem>>, vector<1x16xf32>,
      %get3A_225 = arith.index_cast %add3A_167 : i32 to index
      %get3A_226 = arith.constant 96 : index
      %get3A_227 = tpu.vector_load %arg16[%get3A_225, %get3A_226] {strides = array<i32>} : memref<80x128xf32, #tpu.memory_space<vmem>>, vector<1x16xf32>,
      %get3A_228 = vector.shape_cast %get3A_227 : vector<1x16xf32> to vector<16xf32>
      %get3A_229 = arith.index_cast %add3A_167 : i32 to index
      %get3A_230 = arith.constant 32 : index
      %get3A_231 = tpu.vector_load %arg17[%get3A_229, %get3A_230] {strides = array<i32>} : memref<80x128xf32, #tpu.memory_space<vmem>>, vector<1x16xf32>,
      %get3A_232 = vector.shape_cast %get3A_231 : vector<1x16xf32> to vector<16xf32>
      %add3A_233 = arith.addf %get3A_228, %get3A_232 : vector<16xf32>
      %mul3A_234 = arith.constant 2.000000e-01 : f32
      %mul3A_235 = vector.broadcast %mul3A_234 : f32 to vector<16xf32>
      %mul3A_236 = arith.mulf %mul3A_235, %add3A_233 : vector<16xf32>
      %max3A_237 = arith.maximumf %add3A_233, %mul3A_236 : vector<16xf32>
      %sub3A_238 = arith.subf %max3A_237, %get3A_20 : vector<16xf32>
      %exp3A_239 = math.exp %sub3A_238 : vector<16xf32>
      %swap3A_240 = arith.index_cast %add3A_167 : i32 to index
      %swap3A_241 = arith.constant 96 : index
      %swap3A_242 = tpu.vector_load %arg16[%swap3A_240, %swap3A_241] {strides = array<i32>} : memref<80x128xf32, #tpu.memory_space<vmem>>, vector<1x16xf32>,
      %swap3A_243 = vector.shape_cast %swap3A_242 : vector<1x16xf32> to vector<16xf32>
      %swap3A_244 = vector.shape_cast %exp3A_239 : vector<16xf32> to vector<1x16xf32>
      tpu.vector_store %arg16[%swap3A_240, %swap3A_241], %swap3A_244 {strides = array<i32>} : memref<80x128xf32, #tpu.memory_space<vmem>>, vector<1x16xf32>,
      %get3A_245 = arith.index_cast %add3A_167 : i32 to index
      %get3A_246 = arith.constant 32 : index
      %get3A_247 = tpu.vector_load %arg16[%get3A_245, %get3A_246] {strides = array<i32>} : memref<80x128xf32, #tpu.memory_space<vmem>>, vector<1x16xf32>,
      %get3A_248 = vector.shape_cast %get3A_247 : vector<1x16xf32> to vector<16xf32>
      %mul3A_249 = arith.mulf %get3A_248, %exp3A_239 : vector<16xf32>
      %swap3A_250 = arith.index_cast %add3A_167 : i32 to index
      %swap3A_251 = arith.constant 32 : index
      %swap3A_252 = tpu.vector_load %arg16[%swap3A_250, %swap3A_251] {strides = array<i32>} : memref<80x128xf32, #tpu.memory_space<vmem>>, vector<1x16xf32>,
      %swap3A_253 = vector.shape_cast %swap3A_252 : vector<1x16xf32> to vector<16xf32>
      %swap3A_254 = vector.shape_cast %mul3A_249 : vector<16xf32> to vector<1x16xf32>
      tpu.vector_store %arg16[%swap3A_250, %swap3A_251], %swap3A_254 {strides = array<i32>} : memref<80x128xf32, #tpu.memory_space<vmem>>, vector<1x16xf32>,
      %get3A_255 = arith.index_cast %add3A_167 : i32 to index
      %get3A_256 = arith.constant 112 : index
      %get3A_257 = tpu.vector_load %arg16[%get3A_255, %get3A_256] {strides = array<i32>} : memref<80x128xf32, #tpu.memory_space<vmem>>, vector<1x16xf32>,
      %get3A_258 = vector.shape_cast %get3A_257 : vector<1x16xf32> to vector<16xf32>
      %get3A_259 = arith.index_cast %add3A_167 : i32 to index
      %get3A_260 = arith.constant 48 : index
      %get3A_261 = tpu.vector_load %arg17[%get3A_259, %get3A_260] {strides = array<i32>} : memref<80x128xf32, #tpu.memory_space<vmem>>, vector<1x16xf32>,
      %get3A_262 = vector.shape_cast %get3A_261 : vector<1x16xf32> to vector<16xf32>
      %add3A_263 = arith.addf %get3A_258, %get3A_262 : vector<16xf32>
      %mul3A_264 = arith.constant 2.000000e-01 : f32
      %mul3A_265 = vector.broadcast %mul3A_264 : f32 to vector<16xf32>
      %mul3A_266 = arith.mulf %mul3A_265, %add3A_263 : vector<16xf32>
      %max3A_267 = arith.maximumf %add3A_263, %mul3A_266 : vector<16xf32>
      %sub3A_268 = arith.subf %max3A_267, %get3A_23 : vector<16xf32>
      %exp3A_269 = math.exp %sub3A_268 : vector<16xf32>
      %swap3A_270 = arith.index_cast %add3A_167 : i32 to index
      %swap3A_271 = arith.constant 112 : index
      %swap3A_272 = tpu.vector_load %arg16[%swap3A_270, %swap3A_271] {strides = array<i32>} : memref<80x128xf32, #tpu.memory_space<vmem>>, vector<1x16xf32>,
      %swap3A_273 = vector.shape_cast %swap3A_272 : vector<1x16xf32> to vector<16xf32>
      %swap3A_274 = vector.shape_cast %exp3A_269 : vector<16xf32> to vector<1x16xf32>
      tpu.vector_store %arg16[%swap3A_270, %swap3A_271], %swap3A_274 {strides = array<i32>} : memref<80x128xf32, #tpu.memory_space<vmem>>, vector<1x16xf32>,
      %get3A_275 = arith.index_cast %add3A_167 : i32 to index
      %get3A_276 = arith.constant 48 : index
      %get3A_277 = tpu.vector_load %arg16[%get3A_275, %get3A_276] {strides = array<i32>} : memref<80x128xf32, #tpu.memory_space<vmem>>, vector<1x16xf32>,
      %get3A_278 = vector.shape_cast %get3A_277 : vector<1x16xf32> to vector<16xf32>
      %mul3A_279 = arith.mulf %get3A_278, %exp3A_269 : vector<16xf32>
      %swap3A_280 = arith.index_cast %add3A_167 : i32 to index
      %swap3A_281 = arith.constant 48 : index
      %swap3A_282 = tpu.vector_load %arg16[%swap3A_280, %swap3A_281] {strides = array<i32>} : memref<80x128xf32, #tpu.memory_space<vmem>>, vector<1x16xf32>,
      %swap3A_283 = vector.shape_cast %swap3A_282 : vector<1x16xf32> to vector<16xf32>
      %swap3A_284 = vector.shape_cast %mul3A_279 : vector<16xf32> to vector<1x16xf32>
      tpu.vector_store %arg16[%swap3A_280, %swap3A_281], %swap3A_284 {strides = array<i32>} : memref<80x128xf32, #tpu.memory_space<vmem>>, vector<1x16xf32>,
      %mul3A_285 = arith.constant 4 : i32
      %mul3A_286 = arith.muli %mul3A_285, %scan3A_163 : i32
      %add3A_287 = arith.constant 1 : i32
      %add3A_288 = arith.addi %mul3A_286, %add3A_287 : i32
      %get3A_289 = arith.index_cast %add3A_288 : i32 to index
      %get3A_290 = arith.constant 64 : index
      %get3A_291 = tpu.vector_load %arg16[%get3A_289, %get3A_290] {strides = array<i32>} : memref<80x128xf32, #tpu.memory_space<vmem>>, vector<1x16xf32>,
      %get3A_292 = vector.shape_cast %get3A_291 : vector<1x16xf32> to vector<16xf32>
      %get3A_293 = arith.index_cast %add3A_288 : i32 to index
      %get3A_294 = arith.constant 0 : index
      %get3A_295 = tpu.vector_load %arg17[%get3A_293, %get3A_294] {strides = array<i32>} : memref<80x128xf32, #tpu.memory_space<vmem>>, vector<1x16xf32>,
      %get3A_296 = vector.shape_cast %get3A_295 : vector<1x16xf32> to vector<16xf32>
      %add3A_297 = arith.addf %get3A_292, %get3A_296 : vector<16xf32>
      %mul3A_298 = arith.constant 2.000000e-01 : f32
      %mul3A_299 = vector.broadcast %mul3A_298 : f32 to vector<16xf32>
      %mul3A_300 = arith.mulf %mul3A_299, %add3A_297 : vector<16xf32>
      %max3A_301 = arith.maximumf %add3A_297, %mul3A_300 : vector<16xf32>
      %sub3A_302 = arith.subf %max3A_301, %get3A_14 : vector<16xf32>
      %exp3A_303 = math.exp %sub3A_302 : vector<16xf32>
      %swap3A_304 = arith.index_cast %add3A_288 : i32 to index
      %swap3A_305 = arith.constant 64 : index
      %swap3A_306 = tpu.vector_load %arg16[%swap3A_304, %swap3A_305] {strides = array<i32>} : memref<80x128xf32, #tpu.memory_space<vmem>>, vector<1x16xf32>,
      %swap3A_307 = vector.shape_cast %swap3A_306 : vector<1x16xf32> to vector<16xf32>
      %swap3A_308 = vector.shape_cast %exp3A_303 : vector<16xf32> to vector<1x16xf32>
      tpu.vector_store %arg16[%swap3A_304, %swap3A_305], %swap3A_308 {strides = array<i32>} : memref<80x128xf32, #tpu.memory_space<vmem>>, vector<1x16xf32>,
      %get3A_309 = arith.index_cast %add3A_288 : i32 to index
      %get3A_310 = arith.constant 0 : index
      %get3A_311 = tpu.vector_load %arg16[%get3A_309, %get3A_310] {strides = array<i32>} : memref<80x128xf32, #tpu.memory_space<vmem>>, vector<1x16xf32>,
      %get3A_312 = vector.shape_cast %get3A_311 : vector<1x16xf32> to vector<16xf32>
      %mul3A_313 = arith.mulf %get3A_312, %exp3A_303 : vector<16xf32>
      %swap3A_314 = arith.index_cast %add3A_288 : i32 to index
      %swap3A_315 = arith.constant 0 : index
      %swap3A_316 = tpu.vector_load %arg16[%swap3A_314, %swap3A_315] {strides = array<i32>} : memref<80x128xf32, #tpu.memory_space<vmem>>, vector<1x16xf32>,
      %swap3A_317 = vector.shape_cast %swap3A_316 : vector<1x16xf32> to vector<16xf32>
      %swap3A_318 = vector.shape_cast %mul3A_313 : vector<16xf32> to vector<1x16xf32>
      tpu.vector_store %arg16[%swap3A_314, %swap3A_315], %swap3A_318 {strides = array<i32>} : memref<80x128xf32, #tpu.memory_space<vmem>>, vector<1x16xf32>,
      %get3A_319 = arith.index_cast %add3A_288 : i32 to index
      %get3A_320 = arith.constant 80 : index
      %get3A_321 = tpu.vector_load %arg16[%get3A_319, %get3A_320] {strides = array<i32>} : memref<80x128xf32, #tpu.memory_space<vmem>>, vector<1x16xf32>,
      %get3A_322 = vector.shape_cast %get3A_321 : vector<1x16xf32> to vector<16xf32>
      %get3A_323 = arith.index_cast %add3A_288 : i32 to index
      %get3A_324 = arith.constant 16 : index
      %get3A_325 = tpu.vector_load %arg17[%get3A_323, %get3A_324] {strides = array<i32>} : memref<80x128xf32, #tpu.memory_space<vmem>>, vector<1x16xf32>,
      %get3A_326 = vector.shape_cast %get3A_325 : vector<1x16xf32> to vector<16xf32>
      %add3A_327 = arith.addf %get3A_322, %get3A_326 : vector<16xf32>
      %mul3A_328 = arith.constant 2.000000e-01 : f32
      %mul3A_329 = vector.broadcast %mul3A_328 : f32 to vector<16xf32>
      %mul3A_330 = arith.mulf %mul3A_329, %add3A_327 : vector<16xf32>
      %max3A_331 = arith.maximumf %add3A_327, %mul3A_330 : vector<16xf32>
      %sub3A_332 = arith.subf %max3A_331, %get3A_17 : vector<16xf32>
      %exp3A_333 = math.exp %sub3A_332 : vector<16xf32>
      %swap3A_334 = arith.index_cast %add3A_288 : i32 to index
      %swap3A_335 = arith.constant 80 : index
      %swap3A_336 = tpu.vector_load %arg16[%swap3A_334, %swap3A_335] {strides = array<i32>} : memref<80x128xf32, #tpu.memory_space<vmem>>, vector<1x16xf32>,
      %swap3A_337 = vector.shape_cast %swap3A_336 : vector<1x16xf32> to vector<16xf32>
      %swap3A_338 = vector.shape_cast %exp3A_333 : vector<16xf32> to vector<1x16xf32>
      tpu.vector_store %arg16[%swap3A_334, %swap3A_335], %swap3A_338 {strides = array<i32>} : memref<80x128xf32, #tpu.memory_space<vmem>>, vector<1x16xf32>,
      %get3A_339 = arith.index_cast %add3A_288 : i32 to index
      %get3A_340 = arith.constant 16 : index
      %get3A_341 = tpu.vector_load %arg16[%get3A_339, %get3A_340] {strides = array<i32>} : memref<80x128xf32, #tpu.memory_space<vmem>>, vector<1x16xf32>,
      %get3A_342 = vector.shape_cast %get3A_341 : vector<1x16xf32> to vector<16xf32>
      %mul3A_343 = arith.mulf %get3A_342, %exp3A_333 : vector<16xf32>
      %swap3A_344 = arith.index_cast %add3A_288 : i32 to index
      %swap3A_345 = arith.constant 16 : index
      %swap3A_346 = tpu.vector_load %arg16[%swap3A_344, %swap3A_345] {strides = array<i32>} : memref<80x128xf32, #tpu.memory_space<vmem>>, vector<1x16xf32>,
      %swap3A_347 = vector.shape_cast %swap3A_346 : vector<1x16xf32> to vector<16xf32>
      %swap3A_348 = vector.shape_cast %mul3A_343 : vector<16xf32> to vector<1x16xf32>
      tpu.vector_store %arg16[%swap3A_344, %swap3A_345], %swap3A_348 {strides = array<i32>} : memref<80x128xf32, #tpu.memory_space<vmem>>, vector<1x16xf32>,
      %get3A_349 = arith.index_cast %add3A_288 : i32 to index
      %get3A_350 = arith.constant 96 : index
      %get3A_351 = tpu.vector_load %arg16[%get3A_349, %get3A_350] {strides = array<i32>} : memref<80x128xf32, #tpu.memory_space<vmem>>, vector<1x16xf32>,
      %get3A_352 = vector.shape_cast %get3A_351 : vector<1x16xf32> to vector<16xf32>
      %get3A_353 = arith.index_cast %add3A_288 : i32 to index
      %get3A_354 = arith.constant 32 : index
      %get3A_355 = tpu.vector_load %arg17[%get3A_353, %get3A_354] {strides = array<i32>} : memref<80x128xf32, #tpu.memory_space<vmem>>, vector<1x16xf32>,
      %get3A_356 = vector.shape_cast %get3A_355 : vector<1x16xf32> to vector<16xf32>
      %add3A_357 = arith.addf %get3A_352, %get3A_356 : vector<16xf32>
      %mul3A_358 = arith.constant 2.000000e-01 : f32
      %mul3A_359 = vector.broadcast %mul3A_358 : f32 to vector<16xf32>
      %mul3A_360 = arith.mulf %mul3A_359, %add3A_357 : vector<16xf32>
      %max3A_361 = arith.maximumf %add3A_357, %mul3A_360 : vector<16xf32>
      %sub3A_362 = arith.subf %max3A_361, %get3A_20 : vector<16xf32>
      %exp3A_363 = math.exp %sub3A_362 : vector<16xf32>
      %swap3A_364 = arith.index_cast %add3A_288 : i32 to index
      %swap3A_365 = arith.constant 96 : index
      %swap3A_366 = tpu.vector_load %arg16[%swap3A_364, %swap3A_365] {strides = array<i32>} : memref<80x128xf32, #tpu.memory_space<vmem>>, vector<1x16xf32>,
      %swap3A_367 = vector.shape_cast %swap3A_366 : vector<1x16xf32> to vector<16xf32>
      %swap3A_368 = vector.shape_cast %exp3A_363 : vector<16xf32> to vector<1x16xf32>
      tpu.vector_store %arg16[%swap3A_364, %swap3A_365], %swap3A_368 {strides = array<i32>} : memref<80x128xf32, #tpu.memory_space<vmem>>, vector<1x16xf32>,
      %get3A_369 = arith.index_cast %add3A_288 : i32 to index
      %get3A_370 = arith.constant 32 : index
      %get3A_371 = tpu.vector_load %arg16[%get3A_369, %get3A_370] {strides = array<i32>} : memref<80x128xf32, #tpu.memory_space<vmem>>, vector<1x16xf32>,
      %get3A_372 = vector.shape_cast %get3A_371 : vector<1x16xf32> to vector<16xf32>
      %mul3A_373 = arith.mulf %get3A_372, %exp3A_363 : vector<16xf32>
      %swap3A_374 = arith.index_cast %add3A_288 : i32 to index
      %swap3A_375 = arith.constant 32 : index
      %swap3A_376 = tpu.vector_load %arg16[%swap3A_374, %swap3A_375] {strides = array<i32>} : memref<80x128xf32, #tpu.memory_space<vmem>>, vector<1x16xf32>,
      %swap3A_377 = vector.shape_cast %swap3A_376 : vector<1x16xf32> to vector<16xf32>
      %swap3A_378 = vector.shape_cast %mul3A_373 : vector<16xf32> to vector<1x16xf32>
      tpu.vector_store %arg16[%swap3A_374, %swap3A_375], %swap3A_378 {strides = array<i32>} : memref<80x128xf32, #tpu.memory_space<vmem>>, vector<1x16xf32>,
      %get3A_379 = arith.index_cast %add3A_288 : i32 to index
      %get3A_380 = arith.constant 112 : index
      %get3A_381 = tpu.vector_load %arg16[%get3A_379, %get3A_380] {strides = array<i32>} : memref<80x128xf32, #tpu.memory_space<vmem>>, vector<1x16xf32>,
      %get3A_382 = vector.shape_cast %get3A_381 : vector<1x16xf32> to vector<16xf32>
      %get3A_383 = arith.index_cast %add3A_288 : i32 to index
      %get3A_384 = arith.constant 48 : index
      %get3A_385 = tpu.vector_load %arg17[%get3A_383, %get3A_384] {strides = array<i32>} : memref<80x128xf32, #tpu.memory_space<vmem>>, vector<1x16xf32>,
      %get3A_386 = vector.shape_cast %get3A_385 : vector<1x16xf32> to vector<16xf32>
      %add3A_387 = arith.addf %get3A_382, %get3A_386 : vector<16xf32>
      %mul3A_388 = arith.constant 2.000000e-01 : f32
      %mul3A_389 = vector.broadcast %mul3A_388 : f32 to vector<16xf32>
      %mul3A_390 = arith.mulf %mul3A_389, %add3A_387 : vector<16xf32>
      %max3A_391 = arith.maximumf %add3A_387, %mul3A_390 : vector<16xf32>
      %sub3A_392 = arith.subf %max3A_391, %get3A_23 : vector<16xf32>
      %exp3A_393 = math.exp %sub3A_392 : vector<16xf32>
      %swap3A_394 = arith.index_cast %add3A_288 : i32 to index
      %swap3A_395 = arith.constant 112 : index
      %swap3A_396 = tpu.vector_load %arg16[%swap3A_394, %swap3A_395] {strides = array<i32>} : memref<80x128xf32, #tpu.memory_space<vmem>>, vector<1x16xf32>,
      %swap3A_397 = vector.shape_cast %swap3A_396 : vector<1x16xf32> to vector<16xf32>
      %swap3A_398 = vector.shape_cast %exp3A_393 : vector<16xf32> to vector<1x16xf32>
      tpu.vector_store %arg16[%swap3A_394, %swap3A_395], %swap3A_398 {strides = array<i32>} : memref<80x128xf32, #tpu.memory_space<vmem>>, vector<1x16xf32>,
      %get3A_399 = arith.index_cast %add3A_288 : i32 to index
      %get3A_400 = arith.constant 48 : index
      %get3A_401 = tpu.vector_load %arg16[%get3A_399, %get3A_400] {strides = array<i32>} : memref<80x128xf32, #tpu.memory_space<vmem>>, vector<1x16xf32>,
      %get3A_402 = vector.shape_cast %get3A_401 : vector<1x16xf32> to vector<16xf32>
      %mul3A_403 = arith.mulf %get3A_402, %exp3A_393 : vector<16xf32>
      %swap3A_404 = arith.index_cast %add3A_288 : i32 to index
      %swap3A_405 = arith.constant 48 : index
      %swap3A_406 = tpu.vector_load %arg16[%swap3A_404, %swap3A_405] {strides = array<i32>} : memref<80x128xf32, #tpu.memory_space<vmem>>, vector<1x16xf32>,
      %swap3A_407 = vector.shape_cast %swap3A_406 : vector<1x16xf32> to vector<16xf32>
      %swap3A_408 = vector.shape_cast %mul3A_403 : vector<16xf32> to vector<1x16xf32>
      tpu.vector_store %arg16[%swap3A_404, %swap3A_405], %swap3A_408 {strides = array<i32>} : memref<80x128xf32, #tpu.memory_space<vmem>>, vector<1x16xf32>,
      %mul3A_409 = arith.constant 4 : i32
      %mul3A_410 = arith.muli %mul3A_409, %scan3A_163 : i32
      %add3A_411 = arith.constant 2 : i32
      %add3A_412 = arith.addi %mul3A_410, %add3A_411 : i32
      %get3A_413 = arith.index_cast %add3A_412 : i32 to index
      %get3A_414 = arith.constant 64 : index
      %get3A_415 = tpu.vector_load %arg16[%get3A_413, %get3A_414] {strides = array<i32>} : memref<80x128xf32, #tpu.memory_space<vmem>>, vector<1x16xf32>,
      %get3A_416 = vector.shape_cast %get3A_415 : vector<1x16xf32> to vector<16xf32>
      %get3A_417 = arith.index_cast %add3A_412 : i32 to index
      %get3A_418 = arith.constant 0 : index
      %get3A_419 = tpu.vector_load %arg17[%get3A_417, %get3A_418] {strides = array<i32>} : memref<80x128xf32, #tpu.memory_space<vmem>>, vector<1x16xf32>,
      %get3A_420 = vector.shape_cast %get3A_419 : vector<1x16xf32> to vector<16xf32>
      %add3A_421 = arith.addf %get3A_416, %get3A_420 : vector<16xf32>
      %mul3A_422 = arith.constant 2.000000e-01 : f32
      %mul3A_423 = vector.broadcast %mul3A_422 : f32 to vector<16xf32>
      %mul3A_424 = arith.mulf %mul3A_423, %add3A_421 : vector<16xf32>
      %max3A_425 = arith.maximumf %add3A_421, %mul3A_424 : vector<16xf32>
      %sub3A_426 = arith.subf %max3A_425, %get3A_14 : vector<16xf32>
      %exp3A_427 = math.exp %sub3A_426 : vector<16xf32>
      %swap3A_428 = arith.index_cast %add3A_412 : i32 to index
      %swap3A_429 = arith.constant 64 : index
      %swap3A_430 = tpu.vector_load %arg16[%swap3A_428, %swap3A_429] {strides = array<i32>} : memref<80x128xf32, #tpu.memory_space<vmem>>, vector<1x16xf32>,
      %swap3A_431 = vector.shape_cast %swap3A_430 : vector<1x16xf32> to vector<16xf32>
      %swap3A_432 = vector.shape_cast %exp3A_427 : vector<16xf32> to vector<1x16xf32>
      tpu.vector_store %arg16[%swap3A_428, %swap3A_429], %swap3A_432 {strides = array<i32>} : memref<80x128xf32, #tpu.memory_space<vmem>>, vector<1x16xf32>,
      %get3A_433 = arith.index_cast %add3A_412 : i32 to index
      %get3A_434 = arith.constant 0 : index
      %get3A_435 = tpu.vector_load %arg16[%get3A_433, %get3A_434] {strides = array<i32>} : memref<80x128xf32, #tpu.memory_space<vmem>>, vector<1x16xf32>,
      %get3A_436 = vector.shape_cast %get3A_435 : vector<1x16xf32> to vector<16xf32>
      %mul3A_437 = arith.mulf %get3A_436, %exp3A_427 : vector<16xf32>
      %swap3A_438 = arith.index_cast %add3A_412 : i32 to index
      %swap3A_439 = arith.constant 0 : index
      %swap3A_440 = tpu.vector_load %arg16[%swap3A_438, %swap3A_439] {strides = array<i32>} : memref<80x128xf32, #tpu.memory_space<vmem>>, vector<1x16xf32>,
      %swap3A_441 = vector.shape_cast %swap3A_440 : vector<1x16xf32> to vector<16xf32>
      %swap3A_442 = vector.shape_cast %mul3A_437 : vector<16xf32> to vector<1x16xf32>
      tpu.vector_store %arg16[%swap3A_438, %swap3A_439], %swap3A_442 {strides = array<i32>} : memref<80x128xf32, #tpu.memory_space<vmem>>, vector<1x16xf32>,
      %get3A_443 = arith.index_cast %add3A_412 : i32 to index
      %get3A_444 = arith.constant 80 : index
      %get3A_445 = tpu.vector_load %arg16[%get3A_443, %get3A_444] {strides = array<i32>} : memref<80x128xf32, #tpu.memory_space<vmem>>, vector<1x16xf32>,
      %get3A_446 = vector.shape_cast %get3A_445 : vector<1x16xf32> to vector<16xf32>
      %get3A_447 = arith.index_cast %add3A_412 : i32 to index
      %get3A_448 = arith.constant 16 : index
      %get3A_449 = tpu.vector_load %arg17[%get3A_447, %get3A_448] {strides = array<i32>} : memref<80x128xf32, #tpu.memory_space<vmem>>, vector<1x16xf32>,
      %get3A_450 = vector.shape_cast %get3A_449 : vector<1x16xf32> to vector<16xf32>
      %add3A_451 = arith.addf %get3A_446, %get3A_450 : vector<16xf32>
      %mul3A_452 = arith.constant 2.000000e-01 : f32
      %mul3A_453 = vector.broadcast %mul3A_452 : f32 to vector<16xf32>
      %mul3A_454 = arith.mulf %mul3A_453, %add3A_451 : vector<16xf32>
      %max3A_455 = arith.maximumf %add3A_451, %mul3A_454 : vector<16xf32>
      %sub3A_456 = arith.subf %max3A_455, %get3A_17 : vector<16xf32>
      %exp3A_457 = math.exp %sub3A_456 : vector<16xf32>
      %swap3A_458 = arith.index_cast %add3A_412 : i32 to index
      %swap3A_459 = arith.constant 80 : index
      %swap3A_460 = tpu.vector_load %arg16[%swap3A_458, %swap3A_459] {strides = array<i32>} : memref<80x128xf32, #tpu.memory_space<vmem>>, vector<1x16xf32>,
      %swap3A_461 = vector.shape_cast %swap3A_460 : vector<1x16xf32> to vector<16xf32>
      %swap3A_462 = vector.shape_cast %exp3A_457 : vector<16xf32> to vector<1x16xf32>
      tpu.vector_store %arg16[%swap3A_458, %swap3A_459], %swap3A_462 {strides = array<i32>} : memref<80x128xf32, #tpu.memory_space<vmem>>, vector<1x16xf32>,
      %get3A_463 = arith.index_cast %add3A_412 : i32 to index
      %get3A_464 = arith.constant 16 : index
      %get3A_465 = tpu.vector_load %arg16[%get3A_463, %get3A_464] {strides = array<i32>} : memref<80x128xf32, #tpu.memory_space<vmem>>, vector<1x16xf32>,
      %get3A_466 = vector.shape_cast %get3A_465 : vector<1x16xf32> to vector<16xf32>
      %mul3A_467 = arith.mulf %get3A_466, %exp3A_457 : vector<16xf32>
      %swap3A_468 = arith.index_cast %add3A_412 : i32 to index
      %swap3A_469 = arith.constant 16 : index
      %swap3A_470 = tpu.vector_load %arg16[%swap3A_468, %swap3A_469] {strides = array<i32>} : memref<80x128xf32, #tpu.memory_space<vmem>>, vector<1x16xf32>,
      %swap3A_471 = vector.shape_cast %swap3A_470 : vector<1x16xf32> to vector<16xf32>
      %swap3A_472 = vector.shape_cast %mul3A_467 : vector<16xf32> to vector<1x16xf32>
      tpu.vector_store %arg16[%swap3A_468, %swap3A_469], %swap3A_472 {strides = array<i32>} : memref<80x128xf32, #tpu.memory_space<vmem>>, vector<1x16xf32>,
      %get3A_473 = arith.index_cast %add3A_412 : i32 to index
      %get3A_474 = arith.constant 96 : index
      %get3A_475 = tpu.vector_load %arg16[%get3A_473, %get3A_474] {strides = array<i32>} : memref<80x128xf32, #tpu.memory_space<vmem>>, vector<1x16xf32>,
      %get3A_476 = vector.shape_cast %get3A_475 : vector<1x16xf32> to vector<16xf32>
      %get3A_477 = arith.index_cast %add3A_412 : i32 to index
      %get3A_478 = arith.constant 32 : index
      %get3A_479 = tpu.vector_load %arg17[%get3A_477, %get3A_478] {strides = array<i32>} : memref<80x128xf32, #tpu.memory_space<vmem>>, vector<1x16xf32>,
      %get3A_480 = vector.shape_cast %get3A_479 : vector<1x16xf32> to vector<16xf32>
      %add3A_481 = arith.addf %get3A_476, %get3A_480 : vector<16xf32>
      %mul3A_482 = arith.constant 2.000000e-01 : f32
      %mul3A_483 = vector.broadcast %mul3A_482 : f32 to vector<16xf32>
      %mul3A_484 = arith.mulf %mul3A_483, %add3A_481 : vector<16xf32>
      %max3A_485 = arith.maximumf %add3A_481, %mul3A_484 : vector<16xf32>
      %sub3A_486 = arith.subf %max3A_485, %get3A_20 : vector<16xf32>
      %exp3A_487 = math.exp %sub3A_486 : vector<16xf32>
      %swap3A_488 = arith.index_cast %add3A_412 : i32 to index
      %swap3A_489 = arith.constant 96 : index
      %swap3A_490 = tpu.vector_load %arg16[%swap3A_488, %swap3A_489] {strides = array<i32>} : memref<80x128xf32, #tpu.memory_space<vmem>>, vector<1x16xf32>,
      %swap3A_491 = vector.shape_cast %swap3A_490 : vector<1x16xf32> to vector<16xf32>
      %swap3A_492 = vector.shape_cast %exp3A_487 : vector<16xf32> to vector<1x16xf32>
      tpu.vector_store %arg16[%swap3A_488, %swap3A_489], %swap3A_492 {strides = array<i32>} : memref<80x128xf32, #tpu.memory_space<vmem>>, vector<1x16xf32>,
      %get3A_493 = arith.index_cast %add3A_412 : i32 to index
      %get3A_494 = arith.constant 32 : index
      %get3A_495 = tpu.vector_load %arg16[%get3A_493, %get3A_494] {strides = array<i32>} : memref<80x128xf32, #tpu.memory_space<vmem>>, vector<1x16xf32>,
      %get3A_496 = vector.shape_cast %get3A_495 : vector<1x16xf32> to vector<16xf32>
      %mul3A_497 = arith.mulf %get3A_496, %exp3A_487 : vector<16xf32>
      %swap3A_498 = arith.index_cast %add3A_412 : i32 to index
      %swap3A_499 = arith.constant 32 : index
      %swap3A_500 = tpu.vector_load %arg16[%swap3A_498, %swap3A_499] {strides = array<i32>} : memref<80x128xf32, #tpu.memory_space<vmem>>, vector<1x16xf32>,
      %swap3A_501 = vector.shape_cast %swap3A_500 : vector<1x16xf32> to vector<16xf32>
      %swap3A_502 = vector.shape_cast %mul3A_497 : vector<16xf32> to vector<1x16xf32>
      tpu.vector_store %arg16[%swap3A_498, %swap3A_499], %swap3A_502 {strides = array<i32>} : memref<80x128xf32, #tpu.memory_space<vmem>>, vector<1x16xf32>,
      %get3A_503 = arith.index_cast %add3A_412 : i32 to index
      %get3A_504 = arith.constant 112 : index
      %get3A_505 = tpu.vector_load %arg16[%get3A_503, %get3A_504] {strides = array<i32>} : memref<80x128xf32, #tpu.memory_space<vmem>>, vector<1x16xf32>,
      %get3A_506 = vector.shape_cast %get3A_505 : vector<1x16xf32> to vector<16xf32>
      %get3A_507 = arith.index_cast %add3A_412 : i32 to index
      %get3A_508 = arith.constant 48 : index
      %get3A_509 = tpu.vector_load %arg17[%get3A_507, %get3A_508] {strides = array<i32>} : memref<80x128xf32, #tpu.memory_space<vmem>>, vector<1x16xf32>,
      %get3A_510 = vector.shape_cast %get3A_509 : vector<1x16xf32> to vector<16xf32>
      %add3A_511 = arith.addf %get3A_506, %get3A_510 : vector<16xf32>
      %mul3A_512 = arith.constant 2.000000e-01 : f32
      %mul3A_513 = vector.broadcast %mul3A_512 : f32 to vector<16xf32>
      %mul3A_514 = arith.mulf %mul3A_513, %add3A_511 : vector<16xf32>
      %max3A_515 = arith.maximumf %add3A_511, %mul3A_514 : vector<16xf32>
      %sub3A_516 = arith.subf %max3A_515, %get3A_23 : vector<16xf32>
      %exp3A_517 = math.exp %sub3A_516 : vector<16xf32>
      %swap3A_518 = arith.index_cast %add3A_412 : i32 to index
      %swap3A_519 = arith.constant 112 : index
      %swap3A_520 = tpu.vector_load %arg16[%swap3A_518, %swap3A_519] {strides = array<i32>} : memref<80x128xf32, #tpu.memory_space<vmem>>, vector<1x16xf32>,
      %swap3A_521 = vector.shape_cast %swap3A_520 : vector<1x16xf32> to vector<16xf32>
      %swap3A_522 = vector.shape_cast %exp3A_517 : vector<16xf32> to vector<1x16xf32>
      tpu.vector_store %arg16[%swap3A_518, %swap3A_519], %swap3A_522 {strides = array<i32>} : memref<80x128xf32, #tpu.memory_space<vmem>>, vector<1x16xf32>,
      %get3A_523 = arith.index_cast %add3A_412 : i32 to index
      %get3A_524 = arith.constant 48 : index
      %get3A_525 = tpu.vector_load %arg16[%get3A_523, %get3A_524] {strides = array<i32>} : memref<80x128xf32, #tpu.memory_space<vmem>>, vector<1x16xf32>,
      %get3A_526 = vector.shape_cast %get3A_525 : vector<1x16xf32> to vector<16xf32>
      %mul3A_527 = arith.mulf %get3A_526, %exp3A_517 : vector<16xf32>
      %swap3A_528 = arith.index_cast %add3A_412 : i32 to index
      %swap3A_529 = arith.constant 48 : index
      %swap3A_530 = tpu.vector_load %arg16[%swap3A_528, %swap3A_529] {strides = array<i32>} : memref<80x128xf32, #tpu.memory_space<vmem>>, vector<1x16xf32>,
      %swap3A_531 = vector.shape_cast %swap3A_530 : vector<1x16xf32> to vector<16xf32>
      %swap3A_532 = vector.shape_cast %mul3A_527 : vector<16xf32> to vector<1x16xf32>
      tpu.vector_store %arg16[%swap3A_528, %swap3A_529], %swap3A_532 {strides = array<i32>} : memref<80x128xf32, #tpu.memory_space<vmem>>, vector<1x16xf32>,
      %mul3A_533 = arith.constant 4 : i32
      %mul3A_534 = arith.muli %mul3A_533, %scan3A_163 : i32
      %add3A_535 = arith.constant 3 : i32
      %add3A_536 = arith.addi %mul3A_534, %add3A_535 : i32
      %get3A_537 = arith.index_cast %add3A_536 : i32 to index
      %get3A_538 = arith.constant 64 : index
      %get3A_539 = tpu.vector_load %arg16[%get3A_537, %get3A_538] {strides = array<i32>} : memref<80x128xf32, #tpu.memory_space<vmem>>, vector<1x16xf32>,
      %get3A_540 = vector.shape_cast %get3A_539 : vector<1x16xf32> to vector<16xf32>
      %get3A_541 = arith.index_cast %add3A_536 : i32 to index
      %get3A_542 = arith.constant 0 : index
      %get3A_543 = tpu.vector_load %arg17[%get3A_541, %get3A_542] {strides = array<i32>} : memref<80x128xf32, #tpu.memory_space<vmem>>, vector<1x16xf32>,
      %get3A_544 = vector.shape_cast %get3A_543 : vector<1x16xf32> to vector<16xf32>
      %add3A_545 = arith.addf %get3A_540, %get3A_544 : vector<16xf32>
      %mul3A_546 = arith.constant 2.000000e-01 : f32
      %mul3A_547 = vector.broadcast %mul3A_546 : f32 to vector<16xf32>
      %mul3A_548 = arith.mulf %mul3A_547, %add3A_545 : vector<16xf32>
      %max3A_549 = arith.maximumf %add3A_545, %mul3A_548 : vector<16xf32>
      %sub3A_550 = arith.subf %max3A_549, %get3A_14 : vector<16xf32>
      %exp3A_551 = math.exp %sub3A_550 : vector<16xf32>
      %swap3A_552 = arith.index_cast %add3A_536 : i32 to index
      %swap3A_553 = arith.constant 64 : index
      %swap3A_554 = tpu.vector_load %arg16[%swap3A_552, %swap3A_553] {strides = array<i32>} : memref<80x128xf32, #tpu.memory_space<vmem>>, vector<1x16xf32>,
      %swap3A_555 = vector.shape_cast %swap3A_554 : vector<1x16xf32> to vector<16xf32>
      %swap3A_556 = vector.shape_cast %exp3A_551 : vector<16xf32> to vector<1x16xf32>
      tpu.vector_store %arg16[%swap3A_552, %swap3A_553], %swap3A_556 {strides = array<i32>} : memref<80x128xf32, #tpu.memory_space<vmem>>, vector<1x16xf32>,
      %get3A_557 = arith.index_cast %add3A_536 : i32 to index
      %get3A_558 = arith.constant 0 : index
      %get3A_559 = tpu.vector_load %arg16[%get3A_557, %get3A_558] {strides = array<i32>} : memref<80x128xf32, #tpu.memory_space<vmem>>, vector<1x16xf32>,
      %get3A_560 = vector.shape_cast %get3A_559 : vector<1x16xf32> to vector<16xf32>
      %mul3A_561 = arith.mulf %get3A_560, %exp3A_551 : vector<16xf32>
      %swap3A_562 = arith.index_cast %add3A_536 : i32 to index
      %swap3A_563 = arith.constant 0 : index
      %swap3A_564 = tpu.vector_load %arg16[%swap3A_562, %swap3A_563] {strides = array<i32>} : memref<80x128xf32, #tpu.memory_space<vmem>>, vector<1x16xf32>,
      %swap3A_565 = vector.shape_cast %swap3A_564 : vector<1x16xf32> to vector<16xf32>
      %swap3A_566 = vector.shape_cast %mul3A_561 : vector<16xf32> to vector<1x16xf32>
      tpu.vector_store %arg16[%swap3A_562, %swap3A_563], %swap3A_566 {strides = array<i32>} : memref<80x128xf32, #tpu.memory_space<vmem>>, vector<1x16xf32>,
      %get3A_567 = arith.index_cast %add3A_536 : i32 to index
      %get3A_568 = arith.constant 80 : index
      %get3A_569 = tpu.vector_load %arg16[%get3A_567, %get3A_568] {strides = array<i32>} : memref<80x128xf32, #tpu.memory_space<vmem>>, vector<1x16xf32>,
      %get3A_570 = vector.shape_cast %get3A_569 : vector<1x16xf32> to vector<16xf32>
      %get3A_571 = arith.index_cast %add3A_536 : i32 to index
      %get3A_572 = arith.constant 16 : index
      %get3A_573 = tpu.vector_load %arg17[%get3A_571, %get3A_572] {strides = array<i32>} : memref<80x128xf32, #tpu.memory_space<vmem>>, vector<1x16xf32>,
      %get3A_574 = vector.shape_cast %get3A_573 : vector<1x16xf32> to vector<16xf32>
      %add3A_575 = arith.addf %get3A_570, %get3A_574 : vector<16xf32>
      %mul3A_576 = arith.constant 2.000000e-01 : f32
      %mul3A_577 = vector.broadcast %mul3A_576 : f32 to vector<16xf32>
      %mul3A_578 = arith.mulf %mul3A_577, %add3A_575 : vector<16xf32>
      %max3A_579 = arith.maximumf %add3A_575, %mul3A_578 : vector<16xf32>
      %sub3A_580 = arith.subf %max3A_579, %get3A_17 : vector<16xf32>
      %exp3A_581 = math.exp %sub3A_580 : vector<16xf32>
      %swap3A_582 = arith.index_cast %add3A_536 : i32 to index
      %swap3A_583 = arith.constant 80 : index
      %swap3A_584 = tpu.vector_load %arg16[%swap3A_582, %swap3A_583] {strides = array<i32>} : memref<80x128xf32, #tpu.memory_space<vmem>>, vector<1x16xf32>,
      %swap3A_585 = vector.shape_cast %swap3A_584 : vector<1x16xf32> to vector<16xf32>
      %swap3A_586 = vector.shape_cast %exp3A_581 : vector<16xf32> to vector<1x16xf32>
      tpu.vector_store %arg16[%swap3A_582, %swap3A_583], %swap3A_586 {strides = array<i32>} : memref<80x128xf32, #tpu.memory_space<vmem>>, vector<1x16xf32>,
      %get3A_587 = arith.index_cast %add3A_536 : i32 to index
      %get3A_588 = arith.constant 16 : index
      %get3A_589 = tpu.vector_load %arg16[%get3A_587, %get3A_588] {strides = array<i32>} : memref<80x128xf32, #tpu.memory_space<vmem>>, vector<1x16xf32>,
      %get3A_590 = vector.shape_cast %get3A_589 : vector<1x16xf32> to vector<16xf32>
      %mul3A_591 = arith.mulf %get3A_590, %exp3A_581 : vector<16xf32>
      %swap3A_592 = arith.index_cast %add3A_536 : i32 to index
      %swap3A_593 = arith.constant 16 : index
      %swap3A_594 = tpu.vector_load %arg16[%swap3A_592, %swap3A_593] {strides = array<i32>} : memref<80x128xf32, #tpu.memory_space<vmem>>, vector<1x16xf32>,
      %swap3A_595 = vector.shape_cast %swap3A_594 : vector<1x16xf32> to vector<16xf32>
      %swap3A_596 = vector.shape_cast %mul3A_591 : vector<16xf32> to vector<1x16xf32>
      tpu.vector_store %arg16[%swap3A_592, %swap3A_593], %swap3A_596 {strides = array<i32>} : memref<80x128xf32, #tpu.memory_space<vmem>>, vector<1x16xf32>,
      %get3A_597 = arith.index_cast %add3A_536 : i32 to index
      %get3A_598 = arith.constant 96 : index
      %get3A_599 = tpu.vector_load %arg16[%get3A_597, %get3A_598] {strides = array<i32>} : memref<80x128xf32, #tpu.memory_space<vmem>>, vector<1x16xf32>,
      %get3A_600 = vector.shape_cast %get3A_599 : vector<1x16xf32> to vector<16xf32>
      %get3A_601 = arith.index_cast %add3A_536 : i32 to index
      %get3A_602 = arith.constant 32 : index
      %get3A_603 = tpu.vector_load %arg17[%get3A_601, %get3A_602] {strides = array<i32>} : memref<80x128xf32, #tpu.memory_space<vmem>>, vector<1x16xf32>,
      %get3A_604 = vector.shape_cast %get3A_603 : vector<1x16xf32> to vector<16xf32>
      %add3A_605 = arith.addf %get3A_600, %get3A_604 : vector<16xf32>
      %mul3A_606 = arith.constant 2.000000e-01 : f32
      %mul3A_607 = vector.broadcast %mul3A_606 : f32 to vector<16xf32>
      %mul3A_608 = arith.mulf %mul3A_607, %add3A_605 : vector<16xf32>
      %max3A_609 = arith.maximumf %add3A_605, %mul3A_608 : vector<16xf32>
      %sub3A_610 = arith.subf %max3A_609, %get3A_20 : vector<16xf32>
      %exp3A_611 = math.exp %sub3A_610 : vector<16xf32>
      %swap3A_612 = arith.index_cast %add3A_536 : i32 to index
      %swap3A_613 = arith.constant 96 : index
      %swap3A_614 = tpu.vector_load %arg16[%swap3A_612, %swap3A_613] {strides = array<i32>} : memref<80x128xf32, #tpu.memory_space<vmem>>, vector<1x16xf32>,
      %swap3A_615 = vector.shape_cast %swap3A_614 : vector<1x16xf32> to vector<16xf32>
      %swap3A_616 = vector.shape_cast %exp3A_611 : vector<16xf32> to vector<1x16xf32>
      tpu.vector_store %arg16[%swap3A_612, %swap3A_613], %swap3A_616 {strides = array<i32>} : memref<80x128xf32, #tpu.memory_space<vmem>>, vector<1x16xf32>,
      %get3A_617 = arith.index_cast %add3A_536 : i32 to index
      %get3A_618 = arith.constant 32 : index
      %get3A_619 = tpu.vector_load %arg16[%get3A_617, %get3A_618] {strides = array<i32>} : memref<80x128xf32, #tpu.memory_space<vmem>>, vector<1x16xf32>,
      %get3A_620 = vector.shape_cast %get3A_619 : vector<1x16xf32> to vector<16xf32>
      %mul3A_621 = arith.mulf %get3A_620, %exp3A_611 : vector<16xf32>
      %swap3A_622 = arith.index_cast %add3A_536 : i32 to index
      %swap3A_623 = arith.constant 32 : index
      %swap3A_624 = tpu.vector_load %arg16[%swap3A_622, %swap3A_623] {strides = array<i32>} : memref<80x128xf32, #tpu.memory_space<vmem>>, vector<1x16xf32>,
      %swap3A_625 = vector.shape_cast %swap3A_624 : vector<1x16xf32> to vector<16xf32>
      %swap3A_626 = vector.shape_cast %mul3A_621 : vector<16xf32> to vector<1x16xf32>
      tpu.vector_store %arg16[%swap3A_622, %swap3A_623], %swap3A_626 {strides = array<i32>} : memref<80x128xf32, #tpu.memory_space<vmem>>, vector<1x16xf32>,
      %get3A_627 = arith.index_cast %add3A_536 : i32 to index
      %get3A_628 = arith.constant 112 : index
      %get3A_629 = tpu.vector_load %arg16[%get3A_627, %get3A_628] {strides = array<i32>} : memref<80x128xf32, #tpu.memory_space<vmem>>, vector<1x16xf32>,
      %get3A_630 = vector.shape_cast %get3A_629 : vector<1x16xf32> to vector<16xf32>
      %get3A_631 = arith.index_cast %add3A_536 : i32 to index
      %get3A_632 = arith.constant 48 : index
      %get3A_633 = tpu.vector_load %arg17[%get3A_631, %get3A_632] {strides = array<i32>} : memref<80x128xf32, #tpu.memory_space<vmem>>, vector<1x16xf32>,
      %get3A_634 = vector.shape_cast %get3A_633 : vector<1x16xf32> to vector<16xf32>
      %add3A_635 = arith.addf %get3A_630, %get3A_634 : vector<16xf32>
      %mul3A_636 = arith.constant 2.000000e-01 : f32
      %mul3A_637 = vector.broadcast %mul3A_636 : f32 to vector<16xf32>
      %mul3A_638 = arith.mulf %mul3A_637, %add3A_635 : vector<16xf32>
      %max3A_639 = arith.maximumf %add3A_635, %mul3A_638 : vector<16xf32>
      %sub3A_640 = arith.subf %max3A_639, %get3A_23 : vector<16xf32>
      %exp3A_641 = math.exp %sub3A_640 : vector<16xf32>
      %swap3A_642 = arith.index_cast %add3A_536 : i32 to index
      %swap3A_643 = arith.constant 112 : index
      %swap3A_644 = tpu.vector_load %arg16[%swap3A_642, %swap3A_643] {strides = array<i32>} : memref<80x128xf32, #tpu.memory_space<vmem>>, vector<1x16xf32>,
      %swap3A_645 = vector.shape_cast %swap3A_644 : vector<1x16xf32> to vector<16xf32>
      %swap3A_646 = vector.shape_cast %exp3A_641 : vector<16xf32> to vector<1x16xf32>
      tpu.vector_store %arg16[%swap3A_642, %swap3A_643], %swap3A_646 {strides = array<i32>} : memref<80x128xf32, #tpu.memory_space<vmem>>, vector<1x16xf32>,
      %get3A_647 = arith.index_cast %add3A_536 : i32 to index
      %get3A_648 = arith.constant 48 : index
      %get3A_649 = tpu.vector_load %arg16[%get3A_647, %get3A_648] {strides = array<i32>} : memref<80x128xf32, #tpu.memory_space<vmem>>, vector<1x16xf32>,
      %get3A_650 = vector.shape_cast %get3A_649 : vector<1x16xf32> to vector<16xf32>
      %mul3A_651 = arith.mulf %get3A_650, %exp3A_641 : vector<16xf32>
      %swap3A_652 = arith.index_cast %add3A_536 : i32 to index
      %swap3A_653 = arith.constant 48 : index
      %swap3A_654 = tpu.vector_load %arg16[%swap3A_652, %swap3A_653] {strides = array<i32>} : memref<80x128xf32, #tpu.memory_space<vmem>>, vector<1x16xf32>,
      %swap3A_655 = vector.shape_cast %swap3A_654 : vector<1x16xf32> to vector<16xf32>
      %swap3A_656 = vector.shape_cast %mul3A_651 : vector<16xf32> to vector<1x16xf32>
      tpu.vector_store %arg16[%swap3A_652, %swap3A_653], %swap3A_656 {strides = array<i32>} : memref<80x128xf32, #tpu.memory_space<vmem>>, vector<1x16xf32>,
    }
    %scan3A_151 = arith.constant 20 : i32
    "tpu.region"() ({
      %run_scoped3A = tpu.sem_alloc : memref<!tpu.dma_semaphore, #tpu.memory_space<semaphore_mem>>
      %dma_start3A_163 = arith.constant 0 : i32
      %dma_start3A_164 = arith.constant 0 : i32
      %dma_start3A_165 = tpu.memref_slice %arg21[%dma_start3A_163, %dma_start3A_164] : memref<10000x128xf32, #tpu.memory_space<vmem_shared>> -> memref<10000x128xf32, #tpu.memory_space<vmem_shared>>
      tpu.enqueue_indirect_dma source(%arg16 : memref<80x128xf32, #tpu.memory_space<vmem>>) target(%dma_start3A_165 : memref<10000x128xf32, #tpu.memory_space<vmem_shared>>) offsets(%arg12 : memref<80xi32, #tpu.memory_space<vmem>>) semaphore(%run_scoped3A : memref<!tpu.dma_semaphore, #tpu.memory_space<semaphore_mem>>) {add = true}
      %dma_wait3A_166 = arith.constant 0 : i32
      %dma_wait3A_167 = arith.constant 0 : i32
      %dma_wait3A_168 = tpu.memref_slice %arg21[%dma_wait3A_166, %dma_wait3A_167] : memref<10000x128xf32, #tpu.memory_space<vmem_shared>> -> memref<10000x128xf32, #tpu.memory_space<vmem_shared>>
      tpu.wait_indirect_dma semaphore(%run_scoped3A : memref<!tpu.dma_semaphore, #tpu.memory_space<semaphore_mem>>) src(%arg16 : memref<80x128xf32, #tpu.memory_space<vmem>>) dst(%dma_wait3A_168 : memref<10000x128xf32, #tpu.memory_space<vmem_shared>>)
      tpu.yield
    }) : () -> ()
    %barrier3A_152 = arith.constant 0 : index
    tpu.barrier barrier_id(%barrier3A_152)
    %ne3A_153 = arith.constant 15 : i32
    %ne3A_154 = arith.cmpi ne, %arg1, %ne3A_153 : i32
    %convert_element_type3A_155 = arith.extui %ne3A_154 : i1 to i32
    %cond3A_156 = arith.constant 0 : i32
    %cond3A_157 = arith.cmpi ne, %convert_element_type3A_155, %cond3A_156 : i32
    scf.if %cond3A_157 {
      %mul3A_163 = arith.constant 10000 : i32
      %mul3A_164 = arith.muli %arg0, %mul3A_163 : i32
      %add3A_165 = arith.addi %mul3A_164, %mul3A_0 : i32
      "tpu.region"() ({
        %run_scoped3A = tpu.sem_alloc : memref<!tpu.dma_semaphore, #tpu.memory_space<semaphore_mem>>
        %dma_start3A_166 = arith.constant 0 : i32
        %dma_start3A_167 = tpu.memref_slice %arg7[%add3A_165, %dma_start3A_166] : memref<20000x128xf32, #tpu.memory_space<hbm>> -> memref<632x128xf32, #tpu.memory_space<hbm>>
        %dma_start3A_168 = arith.constant 0 : i32
        %dma_start3A_169 = tpu.memref_slice %arg21[%mul3A_0, %dma_start3A_168] : memref<10000x128xf32, #tpu.memory_space<vmem_shared>> -> memref<632x128xf32, #tpu.memory_space<vmem_shared>>
        tpu.enqueue_dma source(%dma_start3A_169 : memref<632x128xf32, #tpu.memory_space<vmem_shared>>) target(%dma_start3A_167 : memref<632x128xf32, #tpu.memory_space<hbm>>) target_semaphore(%run_scoped3A : memref<!tpu.dma_semaphore, #tpu.memory_space<semaphore_mem>>)
        %dma_wait3A_170 = arith.constant 0 : i32
        %dma_wait3A_171 = tpu.memref_slice %arg7[%add3A_165, %dma_wait3A_170] : memref<20000x128xf32, #tpu.memory_space<hbm>> -> memref<632x128xf32, #tpu.memory_space<hbm>>
        %dma_wait3A_172 = arith.constant 0 : i32
        %dma_wait3A_173 = tpu.memref_slice %arg21[%mul3A_0, %dma_wait3A_172] : memref<10000x128xf32, #tpu.memory_space<vmem_shared>> -> memref<632x128xf32, #tpu.memory_space<vmem_shared>>
        tpu.wait_dma2 semaphore(%run_scoped3A : memref<!tpu.dma_semaphore, #tpu.memory_space<semaphore_mem>>) src(%dma_wait3A_173 : memref<632x128xf32, #tpu.memory_space<vmem_shared>>) dst(%dma_wait3A_171 : memref<632x128xf32, #tpu.memory_space<hbm>>)
        tpu.yield
      }) : () -> ()
    } else {
    }
    %eq3A_158 = arith.constant 15 : i32
    %eq3A_159 = arith.cmpi eq, %arg1, %eq3A_158 : i32
    %convert_element_type3A_160 = arith.extui %eq3A_159 : i1 to i32
    %cond3A_161 = arith.constant 0 : i32
    %cond3A_162 = arith.cmpi ne, %convert_element_type3A_160, %cond3A_161 : i32
    scf.if %cond3A_162 {
      %mul3A_163 = arith.constant 10000 : i32
      %mul3A_164 = arith.muli %arg0, %mul3A_163 : i32
      %add3A_165 = arith.addi %mul3A_164, %mul3A_0 : i32
      "tpu.region"() ({
        %run_scoped3A = tpu.sem_alloc : memref<!tpu.dma_semaphore, #tpu.memory_space<semaphore_mem>>
        %dma_start3A_166 = arith.constant 0 : i32
        %dma_start3A_167 = tpu.memref_slice %arg7[%add3A_165, %dma_start3A_166] : memref<20000x128xf32, #tpu.memory_space<hbm>> -> memref<520x128xf32, #tpu.memory_space<hbm>>
        %dma_start3A_168 = arith.constant 0 : i32
        %dma_start3A_169 = tpu.memref_slice %arg21[%mul3A_0, %dma_start3A_168] : memref<10000x128xf32, #tpu.memory_space<vmem_shared>> -> memref<520x128xf32, #tpu.memory_space<vmem_shared>>
        tpu.enqueue_dma source(%dma_start3A_169 : memref<520x128xf32, #tpu.memory_space<vmem_shared>>) target(%dma_start3A_167 : memref<520x128xf32, #tpu.memory_space<hbm>>) target_semaphore(%run_scoped3A : memref<!tpu.dma_semaphore, #tpu.memory_space<semaphore_mem>>)
        %dma_wait3A_170 = arith.constant 0 : i32
        %dma_wait3A_171 = tpu.memref_slice %arg7[%add3A_165, %dma_wait3A_170] : memref<20000x128xf32, #tpu.memory_space<hbm>> -> memref<520x128xf32, #tpu.memory_space<hbm>>
        %dma_wait3A_172 = arith.constant 0 : i32
        %dma_wait3A_173 = tpu.memref_slice %arg21[%mul3A_0, %dma_wait3A_172] : memref<10000x128xf32, #tpu.memory_space<vmem_shared>> -> memref<520x128xf32, #tpu.memory_space<vmem_shared>>
        tpu.wait_dma2 semaphore(%run_scoped3A : memref<!tpu.dma_semaphore, #tpu.memory_space<semaphore_mem>>) src(%dma_wait3A_173 : memref<520x128xf32, #tpu.memory_space<vmem_shared>>) dst(%dma_wait3A_171 : memref<520x128xf32, #tpu.memory_space<hbm>>)
        tpu.yield
      }) : () -> ()
    } else {
    }
    return
  }
}

#map = affine_map<(d0, d1) -> (0, 0)>
#map1 = affine_map<(d0, d1) -> (0)>
module attributes {stable_mosaic.version = 14 : i64} {
  func.func @_edge_body(%arg0: i32, %arg1: i32, %arg2: memref<20000x128xf32, #tpu.memory_space<hbm>>, %arg3: memref<20000x128xf32, #tpu.memory_space<hbm>>, %arg4: memref<640000xi32, #tpu.memory_space<hbm>>, %arg5: memref<20000x128xf32, #tpu.memory_space<hbm>>, %arg6: memref<128xf32, #tpu.memory_space<hbm>>, %arg7: memref<20000x128xf32, #tpu.memory_space<hbm>>, %arg8: memref<160xi32, #tpu.memory_space<vmem>>, %arg9: memref<160xi32, #tpu.memory_space<vmem>>, %arg10: memref<80xi32, #tpu.memory_space<vmem>>, %arg11: memref<80xi32, #tpu.memory_space<vmem>>, %arg12: memref<80xi32, #tpu.memory_space<vmem>>, %arg13: memref<80xi32, #tpu.memory_space<vmem>>, %arg14: memref<80xi32, #tpu.memory_space<vmem>>, %arg15: memref<80xi32, #tpu.memory_space<vmem>>, %arg16: memref<80x128xf32, #tpu.memory_space<vmem>>, %arg17: memref<80x128xf32, #tpu.memory_space<vmem>>, %arg18: memref<80x128xf32, #tpu.memory_space<vmem>>, %arg19: memref<80x128xf32, #tpu.memory_space<vmem>>, %arg20: memref<64xf32, #tpu.memory_space<vmem>>, %arg21: memref<10000x128xf32, #tpu.memory_space<vmem_shared>>, %arg22: memref<!tpu.dma_semaphore, #tpu.memory_space<semaphore_mem>>, %arg23: memref<!tpu.dma_semaphore, #tpu.memory_space<semaphore_mem>>, %arg24: memref<!tpu.dma_semaphore, #tpu.memory_space<semaphore_mem>>, %arg25: memref<!tpu.dma_semaphore, #tpu.memory_space<semaphore_mem>>) attributes {dimension_semantics = [#tpu.dimension_semantics<core_parallel>, #tpu.dimension_semantics<subcore_parallel>], iteration_bounds = array<i64: 2, 16>, scalar_prefetch = 0 : i64, scratch_operands = 18 : i64, tpu.core_type = #tpu.core_type<sc_vector_subcore>, window_params = [{transform_indices = #map}, {transform_indices = #map}, {transform_indices = #map1}, {transform_indices = #map}, {transform_indices = #map1}, {transform_indices = #map}]} {
    %mul3A = arith.constant 632 : i32
    %mul3A_0 = arith.muli %arg1, %mul3A : i32
    %mul3A_1 = arith.constant 10000 : i32
    %mul3A_2 = arith.muli %arg0, %mul3A_1 : i32
    %mul3A_3 = arith.constant 250 : i32
    %mul3A_4 = arith.muli %arg1, %mul3A_3 : i32
    %ne3A = arith.constant 15 : i32
    %ne3A_5 = arith.cmpi ne, %arg1, %ne3A : i32
    %convert_element_type3A = arith.extui %ne3A_5 : i1 to i32
    %cond3A = arith.constant 0 : i32
    %cond3A_6 = arith.cmpi ne, %convert_element_type3A, %cond3A : i32
    scf.if %cond3A_6 {
      %mul3A_163 = arith.constant 10000 : i32
      %mul3A_164 = arith.muli %arg0, %mul3A_163 : i32
      %add3A_165 = arith.addi %mul3A_164, %mul3A_0 : i32
      "tpu.region"() ({
        %run_scoped3A = tpu.sem_alloc : memref<!tpu.dma_semaphore, #tpu.memory_space<semaphore_mem>>
        %dma_start3A_166 = arith.constant 0 : i32
        %dma_start3A_167 = tpu.memref_slice %arg21[%mul3A_0, %dma_start3A_166] : memref<10000x128xf32, #tpu.memory_space<vmem_shared>> -> memref<632x128xf32, #tpu.memory_space<vmem_shared>>
        %dma_start3A_168 = arith.constant 0 : i32
        %dma_start3A_169 = tpu.memref_slice %arg5[%add3A_165, %dma_start3A_168] : memref<20000x128xf32, #tpu.memory_space<hbm>> -> memref<632x128xf32, #tpu.memory_space<hbm>>
        tpu.enqueue_dma source(%dma_start3A_169 : memref<632x128xf32, #tpu.memory_space<hbm>>) target(%dma_start3A_167 : memref<632x128xf32, #tpu.memory_space<vmem_shared>>) target_semaphore(%run_scoped3A : memref<!tpu.dma_semaphore, #tpu.memory_space<semaphore_mem>>)
        %dma_wait3A = arith.constant 0 : i32
        %dma_wait3A_170 = tpu.memref_slice %arg21[%mul3A_0, %dma_wait3A] : memref<10000x128xf32, #tpu.memory_space<vmem_shared>> -> memref<632x128xf32, #tpu.memory_space<vmem_shared>>
        %dma_wait3A_171 = arith.constant 0 : i32
        %dma_wait3A_172 = tpu.memref_slice %arg5[%add3A_165, %dma_wait3A_171] : memref<20000x128xf32, #tpu.memory_space<hbm>> -> memref<632x128xf32, #tpu.memory_space<hbm>>
        tpu.wait_dma2 semaphore(%run_scoped3A : memref<!tpu.dma_semaphore, #tpu.memory_space<semaphore_mem>>) src(%dma_wait3A_172 : memref<632x128xf32, #tpu.memory_space<hbm>>) dst(%dma_wait3A_170 : memref<632x128xf32, #tpu.memory_space<vmem_shared>>)
        tpu.yield
      }) : () -> ()
    } else {
    }
    %eq3A = arith.constant 15 : i32
    %eq3A_7 = arith.cmpi eq, %arg1, %eq3A : i32
    %convert_element_type3A_8 = arith.extui %eq3A_7 : i1 to i32
    %cond3A_9 = arith.constant 0 : i32
    %cond3A_10 = arith.cmpi ne, %convert_element_type3A_8, %cond3A_9 : i32
    scf.if %cond3A_10 {
      %mul3A_163 = arith.constant 10000 : i32
      %mul3A_164 = arith.muli %arg0, %mul3A_163 : i32
      %add3A_165 = arith.addi %mul3A_164, %mul3A_0 : i32
      "tpu.region"() ({
        %run_scoped3A = tpu.sem_alloc : memref<!tpu.dma_semaphore, #tpu.memory_space<semaphore_mem>>
        %dma_start3A_166 = arith.constant 0 : i32
        %dma_start3A_167 = tpu.memref_slice %arg21[%mul3A_0, %dma_start3A_166] : memref<10000x128xf32, #tpu.memory_space<vmem_shared>> -> memref<520x128xf32, #tpu.memory_space<vmem_shared>>
        %dma_start3A_168 = arith.constant 0 : i32
        %dma_start3A_169 = tpu.memref_slice %arg5[%add3A_165, %dma_start3A_168] : memref<20000x128xf32, #tpu.memory_space<hbm>> -> memref<520x128xf32, #tpu.memory_space<hbm>>
        tpu.enqueue_dma source(%dma_start3A_169 : memref<520x128xf32, #tpu.memory_space<hbm>>) target(%dma_start3A_167 : memref<520x128xf32, #tpu.memory_space<vmem_shared>>) target_semaphore(%run_scoped3A : memref<!tpu.dma_semaphore, #tpu.memory_space<semaphore_mem>>)
        %dma_wait3A = arith.constant 0 : i32
        %dma_wait3A_170 = tpu.memref_slice %arg21[%mul3A_0, %dma_wait3A] : memref<10000x128xf32, #tpu.memory_space<vmem_shared>> -> memref<520x128xf32, #tpu.memory_space<vmem_shared>>
        %dma_wait3A_171 = arith.constant 0 : i32
        %dma_wait3A_172 = tpu.memref_slice %arg5[%add3A_165, %dma_wait3A_171] : memref<20000x128xf32, #tpu.memory_space<hbm>> -> memref<520x128xf32, #tpu.memory_space<hbm>>
        tpu.wait_dma2 semaphore(%run_scoped3A : memref<!tpu.dma_semaphore, #tpu.memory_space<semaphore_mem>>) src(%dma_wait3A_172 : memref<520x128xf32, #tpu.memory_space<hbm>>) dst(%dma_wait3A_170 : memref<520x128xf32, #tpu.memory_space<vmem_shared>>)
        tpu.yield
      }) : () -> ()
    } else {
    }
    %barrier3A = arith.constant 0 : index
    tpu.barrier barrier_id(%barrier3A)
    %mul3A_11 = arith.constant 64 : i32
    %mul3A_12 = arith.muli %arg0, %mul3A_11 : i32
    "tpu.region"() ({
      %run_scoped3A = tpu.sem_alloc : memref<!tpu.dma_semaphore, #tpu.memory_space<semaphore_mem>>
      %dma_start3A_163 = tpu.memref_slice %arg6[%mul3A_12] : memref<128xf32, #tpu.memory_space<hbm>> -> memref<64xf32, #tpu.memory_space<hbm>>
      %dma_start3A_164 = tpu.memref_slice %arg6[%mul3A_12] : memref<128xf32, #tpu.memory_space<hbm>> -> memref<64xf32, #tpu.memory_space<hbm>>
      tpu.enqueue_dma source(%dma_start3A_164 : memref<64xf32, #tpu.memory_space<hbm>>) target(%arg20 : memref<64xf32, #tpu.memory_space<vmem>>) target_semaphore(%run_scoped3A : memref<!tpu.dma_semaphore, #tpu.memory_space<semaphore_mem>>)
      %dma_wait3A = tpu.memref_slice %arg6[%mul3A_12] : memref<128xf32, #tpu.memory_space<hbm>> -> memref<64xf32, #tpu.memory_space<hbm>>
      %dma_wait3A_165 = tpu.memref_slice %arg6[%mul3A_12] : memref<128xf32, #tpu.memory_space<hbm>> -> memref<64xf32, #tpu.memory_space<hbm>>
      tpu.wait_dma2 semaphore(%run_scoped3A : memref<!tpu.dma_semaphore, #tpu.memory_space<semaphore_mem>>) src(%dma_wait3A_165 : memref<64xf32, #tpu.memory_space<hbm>>) dst(%arg20 : memref<64xf32, #tpu.memory_space<vmem>>)
      tpu.yield
    }) : () -> ()
    %get3A = arith.constant 0 : index
    %get3A_13 = tpu.vector_load %arg20[%get3A] {strides = array<i32>} : memref<64xf32, #tpu.memory_space<vmem>>, vector<16xf32>,
    %get3A_14 = vector.shape_cast %get3A_13 : vector<16xf32> to vector<16xf32>
    %get3A_15 = arith.constant 16 : index
    %get3A_16 = tpu.vector_load %arg20[%get3A_15] {strides = array<i32>} : memref<64xf32, #tpu.memory_space<vmem>>, vector<16xf32>,
    %get3A_17 = vector.shape_cast %get3A_16 : vector<16xf32> to vector<16xf32>
    %get3A_18 = arith.constant 32 : index
    %get3A_19 = tpu.vector_load %arg20[%get3A_18] {strides = array<i32>} : memref<64xf32, #tpu.memory_space<vmem>>, vector<16xf32>,
    %get3A_20 = vector.shape_cast %get3A_19 : vector<16xf32> to vector<16xf32>
    %get3A_21 = arith.constant 48 : index
    %get3A_22 = tpu.vector_load %arg20[%get3A_21] {strides = array<i32>} : memref<64xf32, #tpu.memory_space<vmem>>, vector<16xf32>,
    %get3A_23 = vector.shape_cast %get3A_22 : vector<16xf32> to vector<16xf32>
    %add3A = arith.constant 0 : i32
    %add3A_24 = arith.addi %mul3A_4, %add3A : i32
    %mul3A_25 = arith.constant 160 : i32
    %mul3A_26 = arith.muli %add3A_24, %mul3A_25 : i32
    "tpu.region"() ({
      %run_scoped3A = tpu.sem_alloc : memref<!tpu.dma_semaphore, #tpu.memory_space<semaphore_mem>>
      %dma_start3A_163 = tpu.memref_slice %arg4[%mul3A_26] : memref<640000xi32, #tpu.memory_space<hbm>> -> memref<160xi32, #tpu.memory_space<hbm>>
      %dma_start3A_164 = tpu.memref_slice %arg4[%mul3A_26] : memref<640000xi32, #tpu.memory_space<hbm>> -> memref<160xi32, #tpu.memory_space<hbm>>
      tpu.enqueue_dma source(%dma_start3A_164 : memref<160xi32, #tpu.memory_space<hbm>>) target(%arg8 : memref<160xi32, #tpu.memory_space<vmem>>) target_semaphore(%run_scoped3A : memref<!tpu.dma_semaphore, #tpu.memory_space<semaphore_mem>>)
      %dma_wait3A = tpu.memref_slice %arg4[%mul3A_26] : memref<640000xi32, #tpu.memory_space<hbm>> -> memref<160xi32, #tpu.memory_space<hbm>>
      %dma_wait3A_165 = tpu.memref_slice %arg4[%mul3A_26] : memref<640000xi32, #tpu.memory_space<hbm>> -> memref<160xi32, #tpu.memory_space<hbm>>
      tpu.wait_dma2 semaphore(%run_scoped3A : memref<!tpu.dma_semaphore, #tpu.memory_space<semaphore_mem>>) src(%dma_wait3A_165 : memref<160xi32, #tpu.memory_space<hbm>>) dst(%arg8 : memref<160xi32, #tpu.memory_space<vmem>>)
      tpu.yield
    }) : () -> ()
    %get3A_27 = arith.constant 0 : index
    %get3A_28 = tpu.vector_load %arg8[%get3A_27] {strides = array<i32>} : memref<160xi32, #tpu.memory_space<vmem>>, vector<16xi32>,
    %get3A_29 = vector.shape_cast %get3A_28 : vector<16xi32> to vector<16xi32>
    %get3A_30 = arith.constant 80 : index
    %get3A_31 = tpu.vector_load %arg8[%get3A_30] {strides = array<i32>} : memref<160xi32, #tpu.memory_space<vmem>>, vector<16xi32>,
    %get3A_32 = vector.shape_cast %get3A_31 : vector<16xi32> to vector<16xi32>
    %swap3A = arith.constant 0 : index
    %swap3A_33 = tpu.vector_load %arg12[%swap3A] {strides = array<i32>} : memref<80xi32, #tpu.memory_space<vmem>>, vector<16xi32>,
    %swap3A_34 = vector.shape_cast %swap3A_33 : vector<16xi32> to vector<16xi32>
    %swap3A_35 = vector.shape_cast %get3A_32 : vector<16xi32> to vector<16xi32>
    tpu.vector_store %arg12[%swap3A], %swap3A_35 {strides = array<i32>} : memref<80xi32, #tpu.memory_space<vmem>>, vector<16xi32>,
    %add3A_36 = vector.broadcast %mul3A_2 : i32 to vector<16xi32>
    %add3A_37 = arith.addi %get3A_29, %add3A_36 : vector<16xi32>
    %swap3A_38 = arith.constant 0 : index
    %swap3A_39 = tpu.vector_load %arg10[%swap3A_38] {strides = array<i32>} : memref<80xi32, #tpu.memory_space<vmem>>, vector<16xi32>,
    %swap3A_40 = vector.shape_cast %swap3A_39 : vector<16xi32> to vector<16xi32>
    %swap3A_41 = vector.shape_cast %add3A_37 : vector<16xi32> to vector<16xi32>
    tpu.vector_store %arg10[%swap3A_38], %swap3A_41 {strides = array<i32>} : memref<80xi32, #tpu.memory_space<vmem>>, vector<16xi32>,
    %add3A_42 = vector.broadcast %mul3A_2 : i32 to vector<16xi32>
    %add3A_43 = arith.addi %get3A_32, %add3A_42 : vector<16xi32>
    %swap3A_44 = arith.constant 0 : index
    %swap3A_45 = tpu.vector_load %arg11[%swap3A_44] {strides = array<i32>} : memref<80xi32, #tpu.memory_space<vmem>>, vector<16xi32>,
    %swap3A_46 = vector.shape_cast %swap3A_45 : vector<16xi32> to vector<16xi32>
    %swap3A_47 = vector.shape_cast %add3A_43 : vector<16xi32> to vector<16xi32>
    tpu.vector_store %arg11[%swap3A_44], %swap3A_47 {strides = array<i32>} : memref<80xi32, #tpu.memory_space<vmem>>, vector<16xi32>,
    %get3A_48 = arith.constant 16 : index
    %get3A_49 = tpu.vector_load %arg8[%get3A_48] {strides = array<i32>} : memref<160xi32, #tpu.memory_space<vmem>>, vector<16xi32>,
    %get3A_50 = vector.shape_cast %get3A_49 : vector<16xi32> to vector<16xi32>
    %get3A_51 = arith.constant 96 : index
    %get3A_52 = tpu.vector_load %arg8[%get3A_51] {strides = array<i32>} : memref<160xi32, #tpu.memory_space<vmem>>, vector<16xi32>,
    %get3A_53 = vector.shape_cast %get3A_52 : vector<16xi32> to vector<16xi32>
    %swap3A_54 = arith.constant 16 : index
    %swap3A_55 = tpu.vector_load %arg12[%swap3A_54] {strides = array<i32>} : memref<80xi32, #tpu.memory_space<vmem>>, vector<16xi32>,
    %swap3A_56 = vector.shape_cast %swap3A_55 : vector<16xi32> to vector<16xi32>
    %swap3A_57 = vector.shape_cast %get3A_53 : vector<16xi32> to vector<16xi32>
    tpu.vector_store %arg12[%swap3A_54], %swap3A_57 {strides = array<i32>} : memref<80xi32, #tpu.memory_space<vmem>>, vector<16xi32>,
    %add3A_58 = vector.broadcast %mul3A_2 : i32 to vector<16xi32>
    %add3A_59 = arith.addi %get3A_50, %add3A_58 : vector<16xi32>
    %swap3A_60 = arith.constant 16 : index
    %swap3A_61 = tpu.vector_load %arg10[%swap3A_60] {strides = array<i32>} : memref<80xi32, #tpu.memory_space<vmem>>, vector<16xi32>,
    %swap3A_62 = vector.shape_cast %swap3A_61 : vector<16xi32> to vector<16xi32>
    %swap3A_63 = vector.shape_cast %add3A_59 : vector<16xi32> to vector<16xi32>
    tpu.vector_store %arg10[%swap3A_60], %swap3A_63 {strides = array<i32>} : memref<80xi32, #tpu.memory_space<vmem>>, vector<16xi32>,
    %add3A_64 = vector.broadcast %mul3A_2 : i32 to vector<16xi32>
    %add3A_65 = arith.addi %get3A_53, %add3A_64 : vector<16xi32>
    %swap3A_66 = arith.constant 16 : index
    %swap3A_67 = tpu.vector_load %arg11[%swap3A_66] {strides = array<i32>} : memref<80xi32, #tpu.memory_space<vmem>>, vector<16xi32>,
    %swap3A_68 = vector.shape_cast %swap3A_67 : vector<16xi32> to vector<16xi32>
    %swap3A_69 = vector.shape_cast %add3A_65 : vector<16xi32> to vector<16xi32>
    tpu.vector_store %arg11[%swap3A_66], %swap3A_69 {strides = array<i32>} : memref<80xi32, #tpu.memory_space<vmem>>, vector<16xi32>,
    %get3A_70 = arith.constant 32 : index
    %get3A_71 = tpu.vector_load %arg8[%get3A_70] {strides = array<i32>} : memref<160xi32, #tpu.memory_space<vmem>>, vector<16xi32>,
    %get3A_72 = vector.shape_cast %get3A_71 : vector<16xi32> to vector<16xi32>
    %get3A_73 = arith.constant 112 : index
    %get3A_74 = tpu.vector_load %arg8[%get3A_73] {strides = array<i32>} : memref<160xi32, #tpu.memory_space<vmem>>, vector<16xi32>,
    %get3A_75 = vector.shape_cast %get3A_74 : vector<16xi32> to vector<16xi32>
    %swap3A_76 = arith.constant 32 : index
    %swap3A_77 = tpu.vector_load %arg12[%swap3A_76] {strides = array<i32>} : memref<80xi32, #tpu.memory_space<vmem>>, vector<16xi32>,
    %swap3A_78 = vector.shape_cast %swap3A_77 : vector<16xi32> to vector<16xi32>
    %swap3A_79 = vector.shape_cast %get3A_75 : vector<16xi32> to vector<16xi32>
    tpu.vector_store %arg12[%swap3A_76], %swap3A_79 {strides = array<i32>} : memref<80xi32, #tpu.memory_space<vmem>>, vector<16xi32>,
    %add3A_80 = vector.broadcast %mul3A_2 : i32 to vector<16xi32>
    %add3A_81 = arith.addi %get3A_72, %add3A_80 : vector<16xi32>
    %swap3A_82 = arith.constant 32 : index
    %swap3A_83 = tpu.vector_load %arg10[%swap3A_82] {strides = array<i32>} : memref<80xi32, #tpu.memory_space<vmem>>, vector<16xi32>,
    %swap3A_84 = vector.shape_cast %swap3A_83 : vector<16xi32> to vector<16xi32>
    %swap3A_85 = vector.shape_cast %add3A_81 : vector<16xi32> to vector<16xi32>
    tpu.vector_store %arg10[%swap3A_82], %swap3A_85 {strides = array<i32>} : memref<80xi32, #tpu.memory_space<vmem>>, vector<16xi32>,
    %add3A_86 = vector.broadcast %mul3A_2 : i32 to vector<16xi32>
    %add3A_87 = arith.addi %get3A_75, %add3A_86 : vector<16xi32>
    %swap3A_88 = arith.constant 32 : index
    %swap3A_89 = tpu.vector_load %arg11[%swap3A_88] {strides = array<i32>} : memref<80xi32, #tpu.memory_space<vmem>>, vector<16xi32>,
    %swap3A_90 = vector.shape_cast %swap3A_89 : vector<16xi32> to vector<16xi32>
    %swap3A_91 = vector.shape_cast %add3A_87 : vector<16xi32> to vector<16xi32>
    tpu.vector_store %arg11[%swap3A_88], %swap3A_91 {strides = array<i32>} : memref<80xi32, #tpu.memory_space<vmem>>, vector<16xi32>,
    %get3A_92 = arith.constant 48 : index
    %get3A_93 = tpu.vector_load %arg8[%get3A_92] {strides = array<i32>} : memref<160xi32, #tpu.memory_space<vmem>>, vector<16xi32>,
    %get3A_94 = vector.shape_cast %get3A_93 : vector<16xi32> to vector<16xi32>
    %get3A_95 = arith.constant 128 : index
    %get3A_96 = tpu.vector_load %arg8[%get3A_95] {strides = array<i32>} : memref<160xi32, #tpu.memory_space<vmem>>, vector<16xi32>,
    %get3A_97 = vector.shape_cast %get3A_96 : vector<16xi32> to vector<16xi32>
    %swap3A_98 = arith.constant 48 : index
    %swap3A_99 = tpu.vector_load %arg12[%swap3A_98] {strides = array<i32>} : memref<80xi32, #tpu.memory_space<vmem>>, vector<16xi32>,
    %swap3A_100 = vector.shape_cast %swap3A_99 : vector<16xi32> to vector<16xi32>
    %swap3A_101 = vector.shape_cast %get3A_97 : vector<16xi32> to vector<16xi32>
    tpu.vector_store %arg12[%swap3A_98], %swap3A_101 {strides = array<i32>} : memref<80xi32, #tpu.memory_space<vmem>>, vector<16xi32>,
    %add3A_102 = vector.broadcast %mul3A_2 : i32 to vector<16xi32>
    %add3A_103 = arith.addi %get3A_94, %add3A_102 : vector<16xi32>
    %swap3A_104 = arith.constant 48 : index
    %swap3A_105 = tpu.vector_load %arg10[%swap3A_104] {strides = array<i32>} : memref<80xi32, #tpu.memory_space<vmem>>, vector<16xi32>,
    %swap3A_106 = vector.shape_cast %swap3A_105 : vector<16xi32> to vector<16xi32>
    %swap3A_107 = vector.shape_cast %add3A_103 : vector<16xi32> to vector<16xi32>
    tpu.vector_store %arg10[%swap3A_104], %swap3A_107 {strides = array<i32>} : memref<80xi32, #tpu.memory_space<vmem>>, vector<16xi32>,
    %add3A_108 = vector.broadcast %mul3A_2 : i32 to vector<16xi32>
    %add3A_109 = arith.addi %get3A_97, %add3A_108 : vector<16xi32>
    %swap3A_110 = arith.constant 48 : index
    %swap3A_111 = tpu.vector_load %arg11[%swap3A_110] {strides = array<i32>} : memref<80xi32, #tpu.memory_space<vmem>>, vector<16xi32>,
    %swap3A_112 = vector.shape_cast %swap3A_111 : vector<16xi32> to vector<16xi32>
    %swap3A_113 = vector.shape_cast %add3A_109 : vector<16xi32> to vector<16xi32>
    tpu.vector_store %arg11[%swap3A_110], %swap3A_113 {strides = array<i32>} : memref<80xi32, #tpu.memory_space<vmem>>, vector<16xi32>,
    %get3A_114 = arith.constant 64 : index
    %get3A_115 = tpu.vector_load %arg8[%get3A_114] {strides = array<i32>} : memref<160xi32, #tpu.memory_space<vmem>>, vector<16xi32>,
    %get3A_116 = vector.shape_cast %get3A_115 : vector<16xi32> to vector<16xi32>
    %get3A_117 = arith.constant 144 : index
    %get3A_118 = tpu.vector_load %arg8[%get3A_117] {strides = array<i32>} : memref<160xi32, #tpu.memory_space<vmem>>, vector<16xi32>,
    %get3A_119 = vector.shape_cast %get3A_118 : vector<16xi32> to vector<16xi32>
    %swap3A_120 = arith.constant 64 : index
    %swap3A_121 = tpu.vector_load %arg12[%swap3A_120] {strides = array<i32>} : memref<80xi32, #tpu.memory_space<vmem>>, vector<16xi32>,
    %swap3A_122 = vector.shape_cast %swap3A_121 : vector<16xi32> to vector<16xi32>
    %swap3A_123 = vector.shape_cast %get3A_119 : vector<16xi32> to vector<16xi32>
    tpu.vector_store %arg12[%swap3A_120], %swap3A_123 {strides = array<i32>} : memref<80xi32, #tpu.memory_space<vmem>>, vector<16xi32>,
    %add3A_124 = vector.broadcast %mul3A_2 : i32 to vector<16xi32>
    %add3A_125 = arith.addi %get3A_116, %add3A_124 : vector<16xi32>
    %swap3A_126 = arith.constant 64 : index
    %swap3A_127 = tpu.vector_load %arg10[%swap3A_126] {strides = array<i32>} : memref<80xi32, #tpu.memory_space<vmem>>, vector<16xi32>,
    %swap3A_128 = vector.shape_cast %swap3A_127 : vector<16xi32> to vector<16xi32>
    %swap3A_129 = vector.shape_cast %add3A_125 : vector<16xi32> to vector<16xi32>
    tpu.vector_store %arg10[%swap3A_126], %swap3A_129 {strides = array<i32>} : memref<80xi32, #tpu.memory_space<vmem>>, vector<16xi32>,
    %add3A_130 = vector.broadcast %mul3A_2 : i32 to vector<16xi32>
    %add3A_131 = arith.addi %get3A_119, %add3A_130 : vector<16xi32>
    %swap3A_132 = arith.constant 64 : index
    %swap3A_133 = tpu.vector_load %arg11[%swap3A_132] {strides = array<i32>} : memref<80xi32, #tpu.memory_space<vmem>>, vector<16xi32>,
    %swap3A_134 = vector.shape_cast %swap3A_133 : vector<16xi32> to vector<16xi32>
    %swap3A_135 = vector.shape_cast %add3A_131 : vector<16xi32> to vector<16xi32>
    tpu.vector_store %arg11[%swap3A_132], %swap3A_135 {strides = array<i32>} : memref<80xi32, #tpu.memory_space<vmem>>, vector<16xi32>,
    %add3A_136 = arith.constant 1 : i32
    %add3A_137 = arith.addi %mul3A_4, %add3A_136 : i32
    %mul3A_138 = arith.constant 160 : i32
    %mul3A_139 = arith.muli %add3A_137, %mul3A_138 : i32
    %dma_start3A = tpu.memref_slice %arg4[%mul3A_139] : memref<640000xi32, #tpu.memory_space<hbm>> -> memref<160xi32, #tpu.memory_space<hbm>>
    %dma_start3A_140 = tpu.memref_slice %arg4[%mul3A_139] : memref<640000xi32, #tpu.memory_space<hbm>> -> memref<160xi32, #tpu.memory_space<hbm>>
    tpu.enqueue_dma source(%dma_start3A_140 : memref<160xi32, #tpu.memory_space<hbm>>) target(%arg9 : memref<160xi32, #tpu.memory_space<vmem>>) target_semaphore(%arg23 : memref<!tpu.dma_semaphore, #tpu.memory_space<semaphore_mem>>)
    %dma_start3A_141 = arith.constant 0 : i32
    %dma_start3A_142 = arith.constant 0 : i32
    %dma_start3A_143 = tpu.memref_slice %arg2[%dma_start3A_141, %dma_start3A_142] : memref<20000x128xf32, #tpu.memory_space<hbm>> -> memref<20000x128xf32, #tpu.memory_space<hbm>>
    tpu.enqueue_indirect_dma source(%dma_start3A_143 : memref<20000x128xf32, #tpu.memory_space<hbm>>) target(%arg16 : memref<80x128xf32, #tpu.memory_space<vmem>>) offsets(%arg10 : memref<80xi32, #tpu.memory_space<vmem>>) semaphore(%arg24 : memref<!tpu.dma_semaphore, #tpu.memory_space<semaphore_mem>>)
    %dma_start3A_144 = arith.constant 0 : i32
    %dma_start3A_145 = arith.constant 0 : i32
    %dma_start3A_146 = tpu.memref_slice %arg3[%dma_start3A_144, %dma_start3A_145] : memref<20000x128xf32, #tpu.memory_space<hbm>> -> memref<20000x128xf32, #tpu.memory_space<hbm>>
    tpu.enqueue_indirect_dma source(%dma_start3A_146 : memref<20000x128xf32, #tpu.memory_space<hbm>>) target(%arg17 : memref<80x128xf32, #tpu.memory_space<vmem>>) offsets(%arg11 : memref<80xi32, #tpu.memory_space<vmem>>) semaphore(%arg24 : memref<!tpu.dma_semaphore, #tpu.memory_space<semaphore_mem>>)
    %scan3A = arith.constant 0 : i32
    %scan3A_147 = arith.constant 0 : i32
    %scan3A_148 = arith.constant 125 : i32
    %scan3A_149 = arith.addi %scan3A_147, %scan3A_148 : i32
    %scan3A_150 = arith.constant 1 : i32
    scf.for %scan3A_163 = %scan3A_147 to %scan3A_149 step %scan3A_150  : i32 {
      %mul3A_164 = arith.constant 2 : i32
      %mul3A_165 = arith.muli %mul3A_164, %scan3A_163 : i32
      %add3A_166 = arith.constant 1 : i32
      %add3A_167 = arith.addi %mul3A_165, %add3A_166 : i32
      %lt3A = arith.constant 250 : i32
      %lt3A_168 = arith.cmpi slt, %add3A_167, %lt3A : i32
      %convert_element_type3A_169 = arith.extui %lt3A_168 : i1 to i32
      %cond3A_170 = arith.constant 0 : i32
      %cond3A_171 = arith.cmpi ne, %convert_element_type3A_169, %cond3A_170 : i32
      scf.if %cond3A_171 {
        %add3A_206 = arith.constant 1 : i32
        %add3A_207 = arith.addi %mul3A_165, %add3A_206 : i32
        %add3A_208 = arith.addi %mul3A_4, %add3A_207 : i32
        %mul3A_209 = arith.constant 160 : i32
        %mul3A_210 = arith.muli %add3A_208, %mul3A_209 : i32
        %dma_wait3A_211 = tpu.memref_slice %arg4[%mul3A_210] : memref<640000xi32, #tpu.memory_space<hbm>> -> memref<160xi32, #tpu.memory_space<hbm>>
        %dma_wait3A_212 = tpu.memref_slice %arg4[%mul3A_210] : memref<640000xi32, #tpu.memory_space<hbm>> -> memref<160xi32, #tpu.memory_space<hbm>>
        tpu.wait_dma2 semaphore(%arg23 : memref<!tpu.dma_semaphore, #tpu.memory_space<semaphore_mem>>) src(%dma_wait3A_212 : memref<160xi32, #tpu.memory_space<hbm>>) dst(%arg9 : memref<160xi32, #tpu.memory_space<vmem>>)
        %get3A_213 = arith.constant 0 : index
        %get3A_214 = tpu.vector_load %arg9[%get3A_213] {strides = array<i32>} : memref<160xi32, #tpu.memory_space<vmem>>, vector<16xi32>,
        %get3A_215 = vector.shape_cast %get3A_214 : vector<16xi32> to vector<16xi32>
        %get3A_216 = arith.constant 80 : index
        %get3A_217 = tpu.vector_load %arg9[%get3A_216] {strides = array<i32>} : memref<160xi32, #tpu.memory_space<vmem>>, vector<16xi32>,
        %get3A_218 = vector.shape_cast %get3A_217 : vector<16xi32> to vector<16xi32>
        %swap3A_219 = arith.constant 0 : index
        %swap3A_220 = tpu.vector_load %arg15[%swap3A_219] {strides = array<i32>} : memref<80xi32, #tpu.memory_space<vmem>>, vector<16xi32>,
        %swap3A_221 = vector.shape_cast %swap3A_220 : vector<16xi32> to vector<16xi32>
        %swap3A_222 = vector.shape_cast %get3A_218 : vector<16xi32> to vector<16xi32>
        tpu.vector_store %arg15[%swap3A_219], %swap3A_222 {strides = array<i32>} : memref<80xi32, #tpu.memory_space<vmem>>, vector<16xi32>,
        %add3A_223 = vector.broadcast %mul3A_2 : i32 to vector<16xi32>
        %add3A_224 = arith.addi %get3A_215, %add3A_223 : vector<16xi32>
        %swap3A_225 = arith.constant 0 : index
        %swap3A_226 = tpu.vector_load %arg13[%swap3A_225] {strides = array<i32>} : memref<80xi32, #tpu.memory_space<vmem>>, vector<16xi32>,
        %swap3A_227 = vector.shape_cast %swap3A_226 : vector<16xi32> to vector<16xi32>
        %swap3A_228 = vector.shape_cast %add3A_224 : vector<16xi32> to vector<16xi32>
        tpu.vector_store %arg13[%swap3A_225], %swap3A_228 {strides = array<i32>} : memref<80xi32, #tpu.memory_space<vmem>>, vector<16xi32>,
        %add3A_229 = vector.broadcast %mul3A_2 : i32 to vector<16xi32>
        %add3A_230 = arith.addi %get3A_218, %add3A_229 : vector<16xi32>
        %swap3A_231 = arith.constant 0 : index
        %swap3A_232 = tpu.vector_load %arg14[%swap3A_231] {strides = array<i32>} : memref<80xi32, #tpu.memory_space<vmem>>, vector<16xi32>,
        %swap3A_233 = vector.shape_cast %swap3A_232 : vector<16xi32> to vector<16xi32>
        %swap3A_234 = vector.shape_cast %add3A_230 : vector<16xi32> to vector<16xi32>
        tpu.vector_store %arg14[%swap3A_231], %swap3A_234 {strides = array<i32>} : memref<80xi32, #tpu.memory_space<vmem>>, vector<16xi32>,
        %get3A_235 = arith.constant 16 : index
        %get3A_236 = tpu.vector_load %arg9[%get3A_235] {strides = array<i32>} : memref<160xi32, #tpu.memory_space<vmem>>, vector<16xi32>,
        %get3A_237 = vector.shape_cast %get3A_236 : vector<16xi32> to vector<16xi32>
        %get3A_238 = arith.constant 96 : index
        %get3A_239 = tpu.vector_load %arg9[%get3A_238] {strides = array<i32>} : memref<160xi32, #tpu.memory_space<vmem>>, vector<16xi32>,
        %get3A_240 = vector.shape_cast %get3A_239 : vector<16xi32> to vector<16xi32>
        %swap3A_241 = arith.constant 16 : index
        %swap3A_242 = tpu.vector_load %arg15[%swap3A_241] {strides = array<i32>} : memref<80xi32, #tpu.memory_space<vmem>>, vector<16xi32>,
        %swap3A_243 = vector.shape_cast %swap3A_242 : vector<16xi32> to vector<16xi32>
        %swap3A_244 = vector.shape_cast %get3A_240 : vector<16xi32> to vector<16xi32>
        tpu.vector_store %arg15[%swap3A_241], %swap3A_244 {strides = array<i32>} : memref<80xi32, #tpu.memory_space<vmem>>, vector<16xi32>,
        %add3A_245 = vector.broadcast %mul3A_2 : i32 to vector<16xi32>
        %add3A_246 = arith.addi %get3A_237, %add3A_245 : vector<16xi32>
        %swap3A_247 = arith.constant 16 : index
        %swap3A_248 = tpu.vector_load %arg13[%swap3A_247] {strides = array<i32>} : memref<80xi32, #tpu.memory_space<vmem>>, vector<16xi32>,
        %swap3A_249 = vector.shape_cast %swap3A_248 : vector<16xi32> to vector<16xi32>
        %swap3A_250 = vector.shape_cast %add3A_246 : vector<16xi32> to vector<16xi32>
        tpu.vector_store %arg13[%swap3A_247], %swap3A_250 {strides = array<i32>} : memref<80xi32, #tpu.memory_space<vmem>>, vector<16xi32>,
        %add3A_251 = vector.broadcast %mul3A_2 : i32 to vector<16xi32>
        %add3A_252 = arith.addi %get3A_240, %add3A_251 : vector<16xi32>
        %swap3A_253 = arith.constant 16 : index
        %swap3A_254 = tpu.vector_load %arg14[%swap3A_253] {strides = array<i32>} : memref<80xi32, #tpu.memory_space<vmem>>, vector<16xi32>,
        %swap3A_255 = vector.shape_cast %swap3A_254 : vector<16xi32> to vector<16xi32>
        %swap3A_256 = vector.shape_cast %add3A_252 : vector<16xi32> to vector<16xi32>
        tpu.vector_store %arg14[%swap3A_253], %swap3A_256 {strides = array<i32>} : memref<80xi32, #tpu.memory_space<vmem>>, vector<16xi32>,
        %get3A_257 = arith.constant 32 : index
        %get3A_258 = tpu.vector_load %arg9[%get3A_257] {strides = array<i32>} : memref<160xi32, #tpu.memory_space<vmem>>, vector<16xi32>,
        %get3A_259 = vector.shape_cast %get3A_258 : vector<16xi32> to vector<16xi32>
        %get3A_260 = arith.constant 112 : index
        %get3A_261 = tpu.vector_load %arg9[%get3A_260] {strides = array<i32>} : memref<160xi32, #tpu.memory_space<vmem>>, vector<16xi32>,
        %get3A_262 = vector.shape_cast %get3A_261 : vector<16xi32> to vector<16xi32>
        %swap3A_263 = arith.constant 32 : index
        %swap3A_264 = tpu.vector_load %arg15[%swap3A_263] {strides = array<i32>} : memref<80xi32, #tpu.memory_space<vmem>>, vector<16xi32>,
        %swap3A_265 = vector.shape_cast %swap3A_264 : vector<16xi32> to vector<16xi32>
        %swap3A_266 = vector.shape_cast %get3A_262 : vector<16xi32> to vector<16xi32>
        tpu.vector_store %arg15[%swap3A_263], %swap3A_266 {strides = array<i32>} : memref<80xi32, #tpu.memory_space<vmem>>, vector<16xi32>,
        %add3A_267 = vector.broadcast %mul3A_2 : i32 to vector<16xi32>
        %add3A_268 = arith.addi %get3A_259, %add3A_267 : vector<16xi32>
        %swap3A_269 = arith.constant 32 : index
        %swap3A_270 = tpu.vector_load %arg13[%swap3A_269] {strides = array<i32>} : memref<80xi32, #tpu.memory_space<vmem>>, vector<16xi32>,
        %swap3A_271 = vector.shape_cast %swap3A_270 : vector<16xi32> to vector<16xi32>
        %swap3A_272 = vector.shape_cast %add3A_268 : vector<16xi32> to vector<16xi32>
        tpu.vector_store %arg13[%swap3A_269], %swap3A_272 {strides = array<i32>} : memref<80xi32, #tpu.memory_space<vmem>>, vector<16xi32>,
        %add3A_273 = vector.broadcast %mul3A_2 : i32 to vector<16xi32>
        %add3A_274 = arith.addi %get3A_262, %add3A_273 : vector<16xi32>
        %swap3A_275 = arith.constant 32 : index
        %swap3A_276 = tpu.vector_load %arg14[%swap3A_275] {strides = array<i32>} : memref<80xi32, #tpu.memory_space<vmem>>, vector<16xi32>,
        %swap3A_277 = vector.shape_cast %swap3A_276 : vector<16xi32> to vector<16xi32>
        %swap3A_278 = vector.shape_cast %add3A_274 : vector<16xi32> to vector<16xi32>
        tpu.vector_store %arg14[%swap3A_275], %swap3A_278 {strides = array<i32>} : memref<80xi32, #tpu.memory_space<vmem>>, vector<16xi32>,
        %get3A_279 = arith.constant 48 : index
        %get3A_280 = tpu.vector_load %arg9[%get3A_279] {strides = array<i32>} : memref<160xi32, #tpu.memory_space<vmem>>, vector<16xi32>,
        %get3A_281 = vector.shape_cast %get3A_280 : vector<16xi32> to vector<16xi32>
        %get3A_282 = arith.constant 128 : index
        %get3A_283 = tpu.vector_load %arg9[%get3A_282] {strides = array<i32>} : memref<160xi32, #tpu.memory_space<vmem>>, vector<16xi32>,
        %get3A_284 = vector.shape_cast %get3A_283 : vector<16xi32> to vector<16xi32>
        %swap3A_285 = arith.constant 48 : index
        %swap3A_286 = tpu.vector_load %arg15[%swap3A_285] {strides = array<i32>} : memref<80xi32, #tpu.memory_space<vmem>>, vector<16xi32>,
        %swap3A_287 = vector.shape_cast %swap3A_286 : vector<16xi32> to vector<16xi32>
        %swap3A_288 = vector.shape_cast %get3A_284 : vector<16xi32> to vector<16xi32>
        tpu.vector_store %arg15[%swap3A_285], %swap3A_288 {strides = array<i32>} : memref<80xi32, #tpu.memory_space<vmem>>, vector<16xi32>,
        %add3A_289 = vector.broadcast %mul3A_2 : i32 to vector<16xi32>
        %add3A_290 = arith.addi %get3A_281, %add3A_289 : vector<16xi32>
        %swap3A_291 = arith.constant 48 : index
        %swap3A_292 = tpu.vector_load %arg13[%swap3A_291] {strides = array<i32>} : memref<80xi32, #tpu.memory_space<vmem>>, vector<16xi32>,
        %swap3A_293 = vector.shape_cast %swap3A_292 : vector<16xi32> to vector<16xi32>
        %swap3A_294 = vector.shape_cast %add3A_290 : vector<16xi32> to vector<16xi32>
        tpu.vector_store %arg13[%swap3A_291], %swap3A_294 {strides = array<i32>} : memref<80xi32, #tpu.memory_space<vmem>>, vector<16xi32>,
        %add3A_295 = vector.broadcast %mul3A_2 : i32 to vector<16xi32>
        %add3A_296 = arith.addi %get3A_284, %add3A_295 : vector<16xi32>
        %swap3A_297 = arith.constant 48 : index
        %swap3A_298 = tpu.vector_load %arg14[%swap3A_297] {strides = array<i32>} : memref<80xi32, #tpu.memory_space<vmem>>, vector<16xi32>,
        %swap3A_299 = vector.shape_cast %swap3A_298 : vector<16xi32> to vector<16xi32>
        %swap3A_300 = vector.shape_cast %add3A_296 : vector<16xi32> to vector<16xi32>
        tpu.vector_store %arg14[%swap3A_297], %swap3A_300 {strides = array<i32>} : memref<80xi32, #tpu.memory_space<vmem>>, vector<16xi32>,
        %get3A_301 = arith.constant 64 : index
        %get3A_302 = tpu.vector_load %arg9[%get3A_301] {strides = array<i32>} : memref<160xi32, #tpu.memory_space<vmem>>, vector<16xi32>,
        %get3A_303 = vector.shape_cast %get3A_302 : vector<16xi32> to vector<16xi32>
        %get3A_304 = arith.constant 144 : index
        %get3A_305 = tpu.vector_load %arg9[%get3A_304] {strides = array<i32>} : memref<160xi32, #tpu.memory_space<vmem>>, vector<16xi32>,
        %get3A_306 = vector.shape_cast %get3A_305 : vector<16xi32> to vector<16xi32>
        %swap3A_307 = arith.constant 64 : index
        %swap3A_308 = tpu.vector_load %arg15[%swap3A_307] {strides = array<i32>} : memref<80xi32, #tpu.memory_space<vmem>>, vector<16xi32>,
        %swap3A_309 = vector.shape_cast %swap3A_308 : vector<16xi32> to vector<16xi32>
        %swap3A_310 = vector.shape_cast %get3A_306 : vector<16xi32> to vector<16xi32>
        tpu.vector_store %arg15[%swap3A_307], %swap3A_310 {strides = array<i32>} : memref<80xi32, #tpu.memory_space<vmem>>, vector<16xi32>,
        %add3A_311 = vector.broadcast %mul3A_2 : i32 to vector<16xi32>
        %add3A_312 = arith.addi %get3A_303, %add3A_311 : vector<16xi32>
        %swap3A_313 = arith.constant 64 : index
        %swap3A_314 = tpu.vector_load %arg13[%swap3A_313] {strides = array<i32>} : memref<80xi32, #tpu.memory_space<vmem>>, vector<16xi32>,
        %swap3A_315 = vector.shape_cast %swap3A_314 : vector<16xi32> to vector<16xi32>
        %swap3A_316 = vector.shape_cast %add3A_312 : vector<16xi32> to vector<16xi32>
        tpu.vector_store %arg13[%swap3A_313], %swap3A_316 {strides = array<i32>} : memref<80xi32, #tpu.memory_space<vmem>>, vector<16xi32>,
        %add3A_317 = vector.broadcast %mul3A_2 : i32 to vector<16xi32>
        %add3A_318 = arith.addi %get3A_306, %add3A_317 : vector<16xi32>
        %swap3A_319 = arith.constant 64 : index
        %swap3A_320 = tpu.vector_load %arg14[%swap3A_319] {strides = array<i32>} : memref<80xi32, #tpu.memory_space<vmem>>, vector<16xi32>,
        %swap3A_321 = vector.shape_cast %swap3A_320 : vector<16xi32> to vector<16xi32>
        %swap3A_322 = vector.shape_cast %add3A_318 : vector<16xi32> to vector<16xi32>
        tpu.vector_store %arg14[%swap3A_319], %swap3A_322 {strides = array<i32>} : memref<80xi32, #tpu.memory_space<vmem>>, vector<16xi32>,
        %add3A_323 = arith.constant 2 : i32
        %add3A_324 = arith.addi %mul3A_165, %add3A_323 : i32
        %lt3A_325 = arith.constant 250 : i32
        %lt3A_326 = arith.cmpi slt, %add3A_324, %lt3A_325 : i32
        %convert_element_type3A_327 = arith.extui %lt3A_326 : i1 to i32
        %cond3A_328 = arith.constant 0 : i32
        %cond3A_329 = arith.cmpi ne, %convert_element_type3A_327, %cond3A_328 : i32
        scf.if %cond3A_329 {
          %add3A_336 = arith.constant 2 : i32
          %add3A_337 = arith.addi %mul3A_165, %add3A_336 : i32
          %add3A_338 = arith.addi %mul3A_4, %add3A_337 : i32
          %mul3A_339 = arith.constant 160 : i32
          %mul3A_340 = arith.muli %add3A_338, %mul3A_339 : i32
          %dma_start3A_341 = tpu.memref_slice %arg4[%mul3A_340] : memref<640000xi32, #tpu.memory_space<hbm>> -> memref<160xi32, #tpu.memory_space<hbm>>
          %dma_start3A_342 = tpu.memref_slice %arg4[%mul3A_340] : memref<640000xi32, #tpu.memory_space<hbm>> -> memref<160xi32, #tpu.memory_space<hbm>>
          tpu.enqueue_dma source(%dma_start3A_342 : memref<160xi32, #tpu.memory_space<hbm>>) target(%arg8 : memref<160xi32, #tpu.memory_space<vmem>>) target_semaphore(%arg22 : memref<!tpu.dma_semaphore, #tpu.memory_space<semaphore_mem>>)
        } else {
        }
        %dma_start3A_330 = arith.constant 0 : i32
        %dma_start3A_331 = arith.constant 0 : i32
        %dma_start3A_332 = tpu.memref_slice %arg2[%dma_start3A_330, %dma_start3A_331] : memref<20000x128xf32, #tpu.memory_space<hbm>> -> memref<20000x128xf32, #tpu.memory_space<hbm>>
        tpu.enqueue_indirect_dma source(%dma_start3A_332 : memref<20000x128xf32, #tpu.memory_space<hbm>>) target(%arg18 : memref<80x128xf32, #tpu.memory_space<vmem>>) offsets(%arg13 : memref<80xi32, #tpu.memory_space<vmem>>) semaphore(%arg25 : memref<!tpu.dma_semaphore, #tpu.memory_space<semaphore_mem>>)
        %dma_start3A_333 = arith.constant 0 : i32
        %dma_start3A_334 = arith.constant 0 : i32
        %dma_start3A_335 = tpu.memref_slice %arg3[%dma_start3A_333, %dma_start3A_334] : memref<20000x128xf32, #tpu.memory_space<hbm>> -> memref<20000x128xf32, #tpu.memory_space<hbm>>
        tpu.enqueue_indirect_dma source(%dma_start3A_335 : memref<20000x128xf32, #tpu.memory_space<hbm>>) target(%arg19 : memref<80x128xf32, #tpu.memory_space<vmem>>) offsets(%arg14 : memref<80xi32, #tpu.memory_space<vmem>>) semaphore(%arg25 : memref<!tpu.dma_semaphore, #tpu.memory_space<semaphore_mem>>)
      } else {
      }
      %dma_wait3A = arith.constant 0 : i32
      %dma_wait3A_172 = arith.constant 0 : i32
      %dma_wait3A_173 = tpu.memref_slice %arg2[%dma_wait3A, %dma_wait3A_172] : memref<20000x128xf32, #tpu.memory_space<hbm>> -> memref<20000x128xf32, #tpu.memory_space<hbm>>
      tpu.wait_indirect_dma semaphore(%arg24 : memref<!tpu.dma_semaphore, #tpu.memory_space<semaphore_mem>>) src(%dma_wait3A_173 : memref<20000x128xf32, #tpu.memory_space<hbm>>) dst(%arg16 : memref<80x128xf32, #tpu.memory_space<vmem>>)
      %dma_wait3A_174 = arith.constant 0 : i32
      %dma_wait3A_175 = arith.constant 0 : i32
      %dma_wait3A_176 = tpu.memref_slice %arg3[%dma_wait3A_174, %dma_wait3A_175] : memref<20000x128xf32, #tpu.memory_space<hbm>> -> memref<20000x128xf32, #tpu.memory_space<hbm>>
      tpu.wait_indirect_dma semaphore(%arg24 : memref<!tpu.dma_semaphore, #tpu.memory_space<semaphore_mem>>) src(%dma_wait3A_176 : memref<20000x128xf32, #tpu.memory_space<hbm>>) dst(%arg17 : memref<80x128xf32, #tpu.memory_space<vmem>>)
      %scan3A_177 = arith.constant 0 : i32
      %scan3A_178 = arith.constant 0 : i32
      %scan3A_179 = arith.constant 20 : i32
      %scan3A_180 = arith.addi %scan3A_178, %scan3A_179 : i32
      %scan3A_181 = arith.constant 1 : i32
      scf.for %scan3A_206 = %scan3A_178 to %scan3A_180 step %scan3A_181  : i32 {
        %mul3A_207 = arith.constant 4 : i32
        %mul3A_208 = arith.muli %mul3A_207, %scan3A_206 : i32
        %add3A_209 = arith.constant 0 : i32
        %add3A_210 = arith.addi %mul3A_208, %add3A_209 : i32
        %get3A_211 = arith.index_cast %add3A_210 : i32 to index
        %get3A_212 = arith.constant 64 : index
        %get3A_213 = tpu.vector_load %arg16[%get3A_211, %get3A_212] {strides = array<i32>} : memref<80x128xf32, #tpu.memory_space<vmem>>, vector<1x16xf32>,
        %get3A_214 = vector.shape_cast %get3A_213 : vector<1x16xf32> to vector<16xf32>
        %get3A_215 = arith.index_cast %add3A_210 : i32 to index
        %get3A_216 = arith.constant 0 : index
        %get3A_217 = tpu.vector_load %arg17[%get3A_215, %get3A_216] {strides = array<i32>} : memref<80x128xf32, #tpu.memory_space<vmem>>, vector<1x16xf32>,
        %get3A_218 = vector.shape_cast %get3A_217 : vector<1x16xf32> to vector<16xf32>
        %add3A_219 = arith.addf %get3A_214, %get3A_218 : vector<16xf32>
        %mul3A_220 = arith.constant 2.000000e-01 : f32
        %mul3A_221 = vector.broadcast %mul3A_220 : f32 to vector<16xf32>
        %mul3A_222 = arith.mulf %mul3A_221, %add3A_219 : vector<16xf32>
        %max3A = arith.maximumf %add3A_219, %mul3A_222 : vector<16xf32>
        %sub3A = arith.subf %max3A, %get3A_14 : vector<16xf32>
        %exp3A = math.exp %sub3A : vector<16xf32>
        %swap3A_223 = arith.index_cast %add3A_210 : i32 to index
        %swap3A_224 = arith.constant 64 : index
        %swap3A_225 = tpu.vector_load %arg16[%swap3A_223, %swap3A_224] {strides = array<i32>} : memref<80x128xf32, #tpu.memory_space<vmem>>, vector<1x16xf32>,
        %swap3A_226 = vector.shape_cast %swap3A_225 : vector<1x16xf32> to vector<16xf32>
        %swap3A_227 = vector.shape_cast %exp3A : vector<16xf32> to vector<1x16xf32>
        tpu.vector_store %arg16[%swap3A_223, %swap3A_224], %swap3A_227 {strides = array<i32>} : memref<80x128xf32, #tpu.memory_space<vmem>>, vector<1x16xf32>,
        %get3A_228 = arith.index_cast %add3A_210 : i32 to index
        %get3A_229 = arith.constant 0 : index
        %get3A_230 = tpu.vector_load %arg16[%get3A_228, %get3A_229] {strides = array<i32>} : memref<80x128xf32, #tpu.memory_space<vmem>>, vector<1x16xf32>,
        %get3A_231 = vector.shape_cast %get3A_230 : vector<1x16xf32> to vector<16xf32>
        %mul3A_232 = arith.mulf %get3A_231, %exp3A : vector<16xf32>
        %swap3A_233 = arith.index_cast %add3A_210 : i32 to index
        %swap3A_234 = arith.constant 0 : index
        %swap3A_235 = tpu.vector_load %arg16[%swap3A_233, %swap3A_234] {strides = array<i32>} : memref<80x128xf32, #tpu.memory_space<vmem>>, vector<1x16xf32>,
        %swap3A_236 = vector.shape_cast %swap3A_235 : vector<1x16xf32> to vector<16xf32>
        %swap3A_237 = vector.shape_cast %mul3A_232 : vector<16xf32> to vector<1x16xf32>
        tpu.vector_store %arg16[%swap3A_233, %swap3A_234], %swap3A_237 {strides = array<i32>} : memref<80x128xf32, #tpu.memory_space<vmem>>, vector<1x16xf32>,
        %get3A_238 = arith.index_cast %add3A_210 : i32 to index
        %get3A_239 = arith.constant 80 : index
        %get3A_240 = tpu.vector_load %arg16[%get3A_238, %get3A_239] {strides = array<i32>} : memref<80x128xf32, #tpu.memory_space<vmem>>, vector<1x16xf32>,
        %get3A_241 = vector.shape_cast %get3A_240 : vector<1x16xf32> to vector<16xf32>
        %get3A_242 = arith.index_cast %add3A_210 : i32 to index
        %get3A_243 = arith.constant 16 : index
        %get3A_244 = tpu.vector_load %arg17[%get3A_242, %get3A_243] {strides = array<i32>} : memref<80x128xf32, #tpu.memory_space<vmem>>, vector<1x16xf32>,
        %get3A_245 = vector.shape_cast %get3A_244 : vector<1x16xf32> to vector<16xf32>
        %add3A_246 = arith.addf %get3A_241, %get3A_245 : vector<16xf32>
        %mul3A_247 = arith.constant 2.000000e-01 : f32
        %mul3A_248 = vector.broadcast %mul3A_247 : f32 to vector<16xf32>
        %mul3A_249 = arith.mulf %mul3A_248, %add3A_246 : vector<16xf32>
        %max3A_250 = arith.maximumf %add3A_246, %mul3A_249 : vector<16xf32>
        %sub3A_251 = arith.subf %max3A_250, %get3A_17 : vector<16xf32>
        %exp3A_252 = math.exp %sub3A_251 : vector<16xf32>
        %swap3A_253 = arith.index_cast %add3A_210 : i32 to index
        %swap3A_254 = arith.constant 80 : index
        %swap3A_255 = tpu.vector_load %arg16[%swap3A_253, %swap3A_254] {strides = array<i32>} : memref<80x128xf32, #tpu.memory_space<vmem>>, vector<1x16xf32>,
        %swap3A_256 = vector.shape_cast %swap3A_255 : vector<1x16xf32> to vector<16xf32>
        %swap3A_257 = vector.shape_cast %exp3A_252 : vector<16xf32> to vector<1x16xf32>
        tpu.vector_store %arg16[%swap3A_253, %swap3A_254], %swap3A_257 {strides = array<i32>} : memref<80x128xf32, #tpu.memory_space<vmem>>, vector<1x16xf32>,
        %get3A_258 = arith.index_cast %add3A_210 : i32 to index
        %get3A_259 = arith.constant 16 : index
        %get3A_260 = tpu.vector_load %arg16[%get3A_258, %get3A_259] {strides = array<i32>} : memref<80x128xf32, #tpu.memory_space<vmem>>, vector<1x16xf32>,
        %get3A_261 = vector.shape_cast %get3A_260 : vector<1x16xf32> to vector<16xf32>
        %mul3A_262 = arith.mulf %get3A_261, %exp3A_252 : vector<16xf32>
        %swap3A_263 = arith.index_cast %add3A_210 : i32 to index
        %swap3A_264 = arith.constant 16 : index
        %swap3A_265 = tpu.vector_load %arg16[%swap3A_263, %swap3A_264] {strides = array<i32>} : memref<80x128xf32, #tpu.memory_space<vmem>>, vector<1x16xf32>,
        %swap3A_266 = vector.shape_cast %swap3A_265 : vector<1x16xf32> to vector<16xf32>
        %swap3A_267 = vector.shape_cast %mul3A_262 : vector<16xf32> to vector<1x16xf32>
        tpu.vector_store %arg16[%swap3A_263, %swap3A_264], %swap3A_267 {strides = array<i32>} : memref<80x128xf32, #tpu.memory_space<vmem>>, vector<1x16xf32>,
        %get3A_268 = arith.index_cast %add3A_210 : i32 to index
        %get3A_269 = arith.constant 96 : index
        %get3A_270 = tpu.vector_load %arg16[%get3A_268, %get3A_269] {strides = array<i32>} : memref<80x128xf32, #tpu.memory_space<vmem>>, vector<1x16xf32>,
        %get3A_271 = vector.shape_cast %get3A_270 : vector<1x16xf32> to vector<16xf32>
        %get3A_272 = arith.index_cast %add3A_210 : i32 to index
        %get3A_273 = arith.constant 32 : index
        %get3A_274 = tpu.vector_load %arg17[%get3A_272, %get3A_273] {strides = array<i32>} : memref<80x128xf32, #tpu.memory_space<vmem>>, vector<1x16xf32>,
        %get3A_275 = vector.shape_cast %get3A_274 : vector<1x16xf32> to vector<16xf32>
        %add3A_276 = arith.addf %get3A_271, %get3A_275 : vector<16xf32>
        %mul3A_277 = arith.constant 2.000000e-01 : f32
        %mul3A_278 = vector.broadcast %mul3A_277 : f32 to vector<16xf32>
        %mul3A_279 = arith.mulf %mul3A_278, %add3A_276 : vector<16xf32>
        %max3A_280 = arith.maximumf %add3A_276, %mul3A_279 : vector<16xf32>
        %sub3A_281 = arith.subf %max3A_280, %get3A_20 : vector<16xf32>
        %exp3A_282 = math.exp %sub3A_281 : vector<16xf32>
        %swap3A_283 = arith.index_cast %add3A_210 : i32 to index
        %swap3A_284 = arith.constant 96 : index
        %swap3A_285 = tpu.vector_load %arg16[%swap3A_283, %swap3A_284] {strides = array<i32>} : memref<80x128xf32, #tpu.memory_space<vmem>>, vector<1x16xf32>,
        %swap3A_286 = vector.shape_cast %swap3A_285 : vector<1x16xf32> to vector<16xf32>
        %swap3A_287 = vector.shape_cast %exp3A_282 : vector<16xf32> to vector<1x16xf32>
        tpu.vector_store %arg16[%swap3A_283, %swap3A_284], %swap3A_287 {strides = array<i32>} : memref<80x128xf32, #tpu.memory_space<vmem>>, vector<1x16xf32>,
        %get3A_288 = arith.index_cast %add3A_210 : i32 to index
        %get3A_289 = arith.constant 32 : index
        %get3A_290 = tpu.vector_load %arg16[%get3A_288, %get3A_289] {strides = array<i32>} : memref<80x128xf32, #tpu.memory_space<vmem>>, vector<1x16xf32>,
        %get3A_291 = vector.shape_cast %get3A_290 : vector<1x16xf32> to vector<16xf32>
        %mul3A_292 = arith.mulf %get3A_291, %exp3A_282 : vector<16xf32>
        %swap3A_293 = arith.index_cast %add3A_210 : i32 to index
        %swap3A_294 = arith.constant 32 : index
        %swap3A_295 = tpu.vector_load %arg16[%swap3A_293, %swap3A_294] {strides = array<i32>} : memref<80x128xf32, #tpu.memory_space<vmem>>, vector<1x16xf32>,
        %swap3A_296 = vector.shape_cast %swap3A_295 : vector<1x16xf32> to vector<16xf32>
        %swap3A_297 = vector.shape_cast %mul3A_292 : vector<16xf32> to vector<1x16xf32>
        tpu.vector_store %arg16[%swap3A_293, %swap3A_294], %swap3A_297 {strides = array<i32>} : memref<80x128xf32, #tpu.memory_space<vmem>>, vector<1x16xf32>,
        %get3A_298 = arith.index_cast %add3A_210 : i32 to index
        %get3A_299 = arith.constant 112 : index
        %get3A_300 = tpu.vector_load %arg16[%get3A_298, %get3A_299] {strides = array<i32>} : memref<80x128xf32, #tpu.memory_space<vmem>>, vector<1x16xf32>,
        %get3A_301 = vector.shape_cast %get3A_300 : vector<1x16xf32> to vector<16xf32>
        %get3A_302 = arith.index_cast %add3A_210 : i32 to index
        %get3A_303 = arith.constant 48 : index
        %get3A_304 = tpu.vector_load %arg17[%get3A_302, %get3A_303] {strides = array<i32>} : memref<80x128xf32, #tpu.memory_space<vmem>>, vector<1x16xf32>,
        %get3A_305 = vector.shape_cast %get3A_304 : vector<1x16xf32> to vector<16xf32>
        %add3A_306 = arith.addf %get3A_301, %get3A_305 : vector<16xf32>
        %mul3A_307 = arith.constant 2.000000e-01 : f32
        %mul3A_308 = vector.broadcast %mul3A_307 : f32 to vector<16xf32>
        %mul3A_309 = arith.mulf %mul3A_308, %add3A_306 : vector<16xf32>
        %max3A_310 = arith.maximumf %add3A_306, %mul3A_309 : vector<16xf32>
        %sub3A_311 = arith.subf %max3A_310, %get3A_23 : vector<16xf32>
        %exp3A_312 = math.exp %sub3A_311 : vector<16xf32>
        %swap3A_313 = arith.index_cast %add3A_210 : i32 to index
        %swap3A_314 = arith.constant 112 : index
        %swap3A_315 = tpu.vector_load %arg16[%swap3A_313, %swap3A_314] {strides = array<i32>} : memref<80x128xf32, #tpu.memory_space<vmem>>, vector<1x16xf32>,
        %swap3A_316 = vector.shape_cast %swap3A_315 : vector<1x16xf32> to vector<16xf32>
        %swap3A_317 = vector.shape_cast %exp3A_312 : vector<16xf32> to vector<1x16xf32>
        tpu.vector_store %arg16[%swap3A_313, %swap3A_314], %swap3A_317 {strides = array<i32>} : memref<80x128xf32, #tpu.memory_space<vmem>>, vector<1x16xf32>,
        %get3A_318 = arith.index_cast %add3A_210 : i32 to index
        %get3A_319 = arith.constant 48 : index
        %get3A_320 = tpu.vector_load %arg16[%get3A_318, %get3A_319] {strides = array<i32>} : memref<80x128xf32, #tpu.memory_space<vmem>>, vector<1x16xf32>,
        %get3A_321 = vector.shape_cast %get3A_320 : vector<1x16xf32> to vector<16xf32>
        %mul3A_322 = arith.mulf %get3A_321, %exp3A_312 : vector<16xf32>
        %swap3A_323 = arith.index_cast %add3A_210 : i32 to index
        %swap3A_324 = arith.constant 48 : index
        %swap3A_325 = tpu.vector_load %arg16[%swap3A_323, %swap3A_324] {strides = array<i32>} : memref<80x128xf32, #tpu.memory_space<vmem>>, vector<1x16xf32>,
        %swap3A_326 = vector.shape_cast %swap3A_325 : vector<1x16xf32> to vector<16xf32>
        %swap3A_327 = vector.shape_cast %mul3A_322 : vector<16xf32> to vector<1x16xf32>
        tpu.vector_store %arg16[%swap3A_323, %swap3A_324], %swap3A_327 {strides = array<i32>} : memref<80x128xf32, #tpu.memory_space<vmem>>, vector<1x16xf32>,
        %mul3A_328 = arith.constant 4 : i32
        %mul3A_329 = arith.muli %mul3A_328, %scan3A_206 : i32
        %add3A_330 = arith.constant 1 : i32
        %add3A_331 = arith.addi %mul3A_329, %add3A_330 : i32
        %get3A_332 = arith.index_cast %add3A_331 : i32 to index
        %get3A_333 = arith.constant 64 : index
        %get3A_334 = tpu.vector_load %arg16[%get3A_332, %get3A_333] {strides = array<i32>} : memref<80x128xf32, #tpu.memory_space<vmem>>, vector<1x16xf32>,
        %get3A_335 = vector.shape_cast %get3A_334 : vector<1x16xf32> to vector<16xf32>
        %get3A_336 = arith.index_cast %add3A_331 : i32 to index
        %get3A_337 = arith.constant 0 : index
        %get3A_338 = tpu.vector_load %arg17[%get3A_336, %get3A_337] {strides = array<i32>} : memref<80x128xf32, #tpu.memory_space<vmem>>, vector<1x16xf32>,
        %get3A_339 = vector.shape_cast %get3A_338 : vector<1x16xf32> to vector<16xf32>
        %add3A_340 = arith.addf %get3A_335, %get3A_339 : vector<16xf32>
        %mul3A_341 = arith.constant 2.000000e-01 : f32
        %mul3A_342 = vector.broadcast %mul3A_341 : f32 to vector<16xf32>
        %mul3A_343 = arith.mulf %mul3A_342, %add3A_340 : vector<16xf32>
        %max3A_344 = arith.maximumf %add3A_340, %mul3A_343 : vector<16xf32>
        %sub3A_345 = arith.subf %max3A_344, %get3A_14 : vector<16xf32>
        %exp3A_346 = math.exp %sub3A_345 : vector<16xf32>
        %swap3A_347 = arith.index_cast %add3A_331 : i32 to index
        %swap3A_348 = arith.constant 64 : index
        %swap3A_349 = tpu.vector_load %arg16[%swap3A_347, %swap3A_348] {strides = array<i32>} : memref<80x128xf32, #tpu.memory_space<vmem>>, vector<1x16xf32>,
        %swap3A_350 = vector.shape_cast %swap3A_349 : vector<1x16xf32> to vector<16xf32>
        %swap3A_351 = vector.shape_cast %exp3A_346 : vector<16xf32> to vector<1x16xf32>
        tpu.vector_store %arg16[%swap3A_347, %swap3A_348], %swap3A_351 {strides = array<i32>} : memref<80x128xf32, #tpu.memory_space<vmem>>, vector<1x16xf32>,
        %get3A_352 = arith.index_cast %add3A_331 : i32 to index
        %get3A_353 = arith.constant 0 : index
        %get3A_354 = tpu.vector_load %arg16[%get3A_352, %get3A_353] {strides = array<i32>} : memref<80x128xf32, #tpu.memory_space<vmem>>, vector<1x16xf32>,
        %get3A_355 = vector.shape_cast %get3A_354 : vector<1x16xf32> to vector<16xf32>
        %mul3A_356 = arith.mulf %get3A_355, %exp3A_346 : vector<16xf32>
        %swap3A_357 = arith.index_cast %add3A_331 : i32 to index
        %swap3A_358 = arith.constant 0 : index
        %swap3A_359 = tpu.vector_load %arg16[%swap3A_357, %swap3A_358] {strides = array<i32>} : memref<80x128xf32, #tpu.memory_space<vmem>>, vector<1x16xf32>,
        %swap3A_360 = vector.shape_cast %swap3A_359 : vector<1x16xf32> to vector<16xf32>
        %swap3A_361 = vector.shape_cast %mul3A_356 : vector<16xf32> to vector<1x16xf32>
        tpu.vector_store %arg16[%swap3A_357, %swap3A_358], %swap3A_361 {strides = array<i32>} : memref<80x128xf32, #tpu.memory_space<vmem>>, vector<1x16xf32>,
        %get3A_362 = arith.index_cast %add3A_331 : i32 to index
        %get3A_363 = arith.constant 80 : index
        %get3A_364 = tpu.vector_load %arg16[%get3A_362, %get3A_363] {strides = array<i32>} : memref<80x128xf32, #tpu.memory_space<vmem>>, vector<1x16xf32>,
        %get3A_365 = vector.shape_cast %get3A_364 : vector<1x16xf32> to vector<16xf32>
        %get3A_366 = arith.index_cast %add3A_331 : i32 to index
        %get3A_367 = arith.constant 16 : index
        %get3A_368 = tpu.vector_load %arg17[%get3A_366, %get3A_367] {strides = array<i32>} : memref<80x128xf32, #tpu.memory_space<vmem>>, vector<1x16xf32>,
        %get3A_369 = vector.shape_cast %get3A_368 : vector<1x16xf32> to vector<16xf32>
        %add3A_370 = arith.addf %get3A_365, %get3A_369 : vector<16xf32>
        %mul3A_371 = arith.constant 2.000000e-01 : f32
        %mul3A_372 = vector.broadcast %mul3A_371 : f32 to vector<16xf32>
        %mul3A_373 = arith.mulf %mul3A_372, %add3A_370 : vector<16xf32>
        %max3A_374 = arith.maximumf %add3A_370, %mul3A_373 : vector<16xf32>
        %sub3A_375 = arith.subf %max3A_374, %get3A_17 : vector<16xf32>
        %exp3A_376 = math.exp %sub3A_375 : vector<16xf32>
        %swap3A_377 = arith.index_cast %add3A_331 : i32 to index
        %swap3A_378 = arith.constant 80 : index
        %swap3A_379 = tpu.vector_load %arg16[%swap3A_377, %swap3A_378] {strides = array<i32>} : memref<80x128xf32, #tpu.memory_space<vmem>>, vector<1x16xf32>,
        %swap3A_380 = vector.shape_cast %swap3A_379 : vector<1x16xf32> to vector<16xf32>
        %swap3A_381 = vector.shape_cast %exp3A_376 : vector<16xf32> to vector<1x16xf32>
        tpu.vector_store %arg16[%swap3A_377, %swap3A_378], %swap3A_381 {strides = array<i32>} : memref<80x128xf32, #tpu.memory_space<vmem>>, vector<1x16xf32>,
        %get3A_382 = arith.index_cast %add3A_331 : i32 to index
        %get3A_383 = arith.constant 16 : index
        %get3A_384 = tpu.vector_load %arg16[%get3A_382, %get3A_383] {strides = array<i32>} : memref<80x128xf32, #tpu.memory_space<vmem>>, vector<1x16xf32>,
        %get3A_385 = vector.shape_cast %get3A_384 : vector<1x16xf32> to vector<16xf32>
        %mul3A_386 = arith.mulf %get3A_385, %exp3A_376 : vector<16xf32>
        %swap3A_387 = arith.index_cast %add3A_331 : i32 to index
        %swap3A_388 = arith.constant 16 : index
        %swap3A_389 = tpu.vector_load %arg16[%swap3A_387, %swap3A_388] {strides = array<i32>} : memref<80x128xf32, #tpu.memory_space<vmem>>, vector<1x16xf32>,
        %swap3A_390 = vector.shape_cast %swap3A_389 : vector<1x16xf32> to vector<16xf32>
        %swap3A_391 = vector.shape_cast %mul3A_386 : vector<16xf32> to vector<1x16xf32>
        tpu.vector_store %arg16[%swap3A_387, %swap3A_388], %swap3A_391 {strides = array<i32>} : memref<80x128xf32, #tpu.memory_space<vmem>>, vector<1x16xf32>,
        %get3A_392 = arith.index_cast %add3A_331 : i32 to index
        %get3A_393 = arith.constant 96 : index
        %get3A_394 = tpu.vector_load %arg16[%get3A_392, %get3A_393] {strides = array<i32>} : memref<80x128xf32, #tpu.memory_space<vmem>>, vector<1x16xf32>,
        %get3A_395 = vector.shape_cast %get3A_394 : vector<1x16xf32> to vector<16xf32>
        %get3A_396 = arith.index_cast %add3A_331 : i32 to index
        %get3A_397 = arith.constant 32 : index
        %get3A_398 = tpu.vector_load %arg17[%get3A_396, %get3A_397] {strides = array<i32>} : memref<80x128xf32, #tpu.memory_space<vmem>>, vector<1x16xf32>,
        %get3A_399 = vector.shape_cast %get3A_398 : vector<1x16xf32> to vector<16xf32>
        %add3A_400 = arith.addf %get3A_395, %get3A_399 : vector<16xf32>
        %mul3A_401 = arith.constant 2.000000e-01 : f32
        %mul3A_402 = vector.broadcast %mul3A_401 : f32 to vector<16xf32>
        %mul3A_403 = arith.mulf %mul3A_402, %add3A_400 : vector<16xf32>
        %max3A_404 = arith.maximumf %add3A_400, %mul3A_403 : vector<16xf32>
        %sub3A_405 = arith.subf %max3A_404, %get3A_20 : vector<16xf32>
        %exp3A_406 = math.exp %sub3A_405 : vector<16xf32>
        %swap3A_407 = arith.index_cast %add3A_331 : i32 to index
        %swap3A_408 = arith.constant 96 : index
        %swap3A_409 = tpu.vector_load %arg16[%swap3A_407, %swap3A_408] {strides = array<i32>} : memref<80x128xf32, #tpu.memory_space<vmem>>, vector<1x16xf32>,
        %swap3A_410 = vector.shape_cast %swap3A_409 : vector<1x16xf32> to vector<16xf32>
        %swap3A_411 = vector.shape_cast %exp3A_406 : vector<16xf32> to vector<1x16xf32>
        tpu.vector_store %arg16[%swap3A_407, %swap3A_408], %swap3A_411 {strides = array<i32>} : memref<80x128xf32, #tpu.memory_space<vmem>>, vector<1x16xf32>,
        %get3A_412 = arith.index_cast %add3A_331 : i32 to index
        %get3A_413 = arith.constant 32 : index
        %get3A_414 = tpu.vector_load %arg16[%get3A_412, %get3A_413] {strides = array<i32>} : memref<80x128xf32, #tpu.memory_space<vmem>>, vector<1x16xf32>,
        %get3A_415 = vector.shape_cast %get3A_414 : vector<1x16xf32> to vector<16xf32>
        %mul3A_416 = arith.mulf %get3A_415, %exp3A_406 : vector<16xf32>
        %swap3A_417 = arith.index_cast %add3A_331 : i32 to index
        %swap3A_418 = arith.constant 32 : index
        %swap3A_419 = tpu.vector_load %arg16[%swap3A_417, %swap3A_418] {strides = array<i32>} : memref<80x128xf32, #tpu.memory_space<vmem>>, vector<1x16xf32>,
        %swap3A_420 = vector.shape_cast %swap3A_419 : vector<1x16xf32> to vector<16xf32>
        %swap3A_421 = vector.shape_cast %mul3A_416 : vector<16xf32> to vector<1x16xf32>
        tpu.vector_store %arg16[%swap3A_417, %swap3A_418], %swap3A_421 {strides = array<i32>} : memref<80x128xf32, #tpu.memory_space<vmem>>, vector<1x16xf32>,
        %get3A_422 = arith.index_cast %add3A_331 : i32 to index
        %get3A_423 = arith.constant 112 : index
        %get3A_424 = tpu.vector_load %arg16[%get3A_422, %get3A_423] {strides = array<i32>} : memref<80x128xf32, #tpu.memory_space<vmem>>, vector<1x16xf32>,
        %get3A_425 = vector.shape_cast %get3A_424 : vector<1x16xf32> to vector<16xf32>
        %get3A_426 = arith.index_cast %add3A_331 : i32 to index
        %get3A_427 = arith.constant 48 : index
        %get3A_428 = tpu.vector_load %arg17[%get3A_426, %get3A_427] {strides = array<i32>} : memref<80x128xf32, #tpu.memory_space<vmem>>, vector<1x16xf32>,
        %get3A_429 = vector.shape_cast %get3A_428 : vector<1x16xf32> to vector<16xf32>
        %add3A_430 = arith.addf %get3A_425, %get3A_429 : vector<16xf32>
        %mul3A_431 = arith.constant 2.000000e-01 : f32
        %mul3A_432 = vector.broadcast %mul3A_431 : f32 to vector<16xf32>
        %mul3A_433 = arith.mulf %mul3A_432, %add3A_430 : vector<16xf32>
        %max3A_434 = arith.maximumf %add3A_430, %mul3A_433 : vector<16xf32>
        %sub3A_435 = arith.subf %max3A_434, %get3A_23 : vector<16xf32>
        %exp3A_436 = math.exp %sub3A_435 : vector<16xf32>
        %swap3A_437 = arith.index_cast %add3A_331 : i32 to index
        %swap3A_438 = arith.constant 112 : index
        %swap3A_439 = tpu.vector_load %arg16[%swap3A_437, %swap3A_438] {strides = array<i32>} : memref<80x128xf32, #tpu.memory_space<vmem>>, vector<1x16xf32>,
        %swap3A_440 = vector.shape_cast %swap3A_439 : vector<1x16xf32> to vector<16xf32>
        %swap3A_441 = vector.shape_cast %exp3A_436 : vector<16xf32> to vector<1x16xf32>
        tpu.vector_store %arg16[%swap3A_437, %swap3A_438], %swap3A_441 {strides = array<i32>} : memref<80x128xf32, #tpu.memory_space<vmem>>, vector<1x16xf32>,
        %get3A_442 = arith.index_cast %add3A_331 : i32 to index
        %get3A_443 = arith.constant 48 : index
        %get3A_444 = tpu.vector_load %arg16[%get3A_442, %get3A_443] {strides = array<i32>} : memref<80x128xf32, #tpu.memory_space<vmem>>, vector<1x16xf32>,
        %get3A_445 = vector.shape_cast %get3A_444 : vector<1x16xf32> to vector<16xf32>
        %mul3A_446 = arith.mulf %get3A_445, %exp3A_436 : vector<16xf32>
        %swap3A_447 = arith.index_cast %add3A_331 : i32 to index
        %swap3A_448 = arith.constant 48 : index
        %swap3A_449 = tpu.vector_load %arg16[%swap3A_447, %swap3A_448] {strides = array<i32>} : memref<80x128xf32, #tpu.memory_space<vmem>>, vector<1x16xf32>,
        %swap3A_450 = vector.shape_cast %swap3A_449 : vector<1x16xf32> to vector<16xf32>
        %swap3A_451 = vector.shape_cast %mul3A_446 : vector<16xf32> to vector<1x16xf32>
        tpu.vector_store %arg16[%swap3A_447, %swap3A_448], %swap3A_451 {strides = array<i32>} : memref<80x128xf32, #tpu.memory_space<vmem>>, vector<1x16xf32>,
        %mul3A_452 = arith.constant 4 : i32
        %mul3A_453 = arith.muli %mul3A_452, %scan3A_206 : i32
        %add3A_454 = arith.constant 2 : i32
        %add3A_455 = arith.addi %mul3A_453, %add3A_454 : i32
        %get3A_456 = arith.index_cast %add3A_455 : i32 to index
        %get3A_457 = arith.constant 64 : index
        %get3A_458 = tpu.vector_load %arg16[%get3A_456, %get3A_457] {strides = array<i32>} : memref<80x128xf32, #tpu.memory_space<vmem>>, vector<1x16xf32>,
        %get3A_459 = vector.shape_cast %get3A_458 : vector<1x16xf32> to vector<16xf32>
        %get3A_460 = arith.index_cast %add3A_455 : i32 to index
        %get3A_461 = arith.constant 0 : index
        %get3A_462 = tpu.vector_load %arg17[%get3A_460, %get3A_461] {strides = array<i32>} : memref<80x128xf32, #tpu.memory_space<vmem>>, vector<1x16xf32>,
        %get3A_463 = vector.shape_cast %get3A_462 : vector<1x16xf32> to vector<16xf32>
        %add3A_464 = arith.addf %get3A_459, %get3A_463 : vector<16xf32>
        %mul3A_465 = arith.constant 2.000000e-01 : f32
        %mul3A_466 = vector.broadcast %mul3A_465 : f32 to vector<16xf32>
        %mul3A_467 = arith.mulf %mul3A_466, %add3A_464 : vector<16xf32>
        %max3A_468 = arith.maximumf %add3A_464, %mul3A_467 : vector<16xf32>
        %sub3A_469 = arith.subf %max3A_468, %get3A_14 : vector<16xf32>
        %exp3A_470 = math.exp %sub3A_469 : vector<16xf32>
        %swap3A_471 = arith.index_cast %add3A_455 : i32 to index
        %swap3A_472 = arith.constant 64 : index
        %swap3A_473 = tpu.vector_load %arg16[%swap3A_471, %swap3A_472] {strides = array<i32>} : memref<80x128xf32, #tpu.memory_space<vmem>>, vector<1x16xf32>,
        %swap3A_474 = vector.shape_cast %swap3A_473 : vector<1x16xf32> to vector<16xf32>
        %swap3A_475 = vector.shape_cast %exp3A_470 : vector<16xf32> to vector<1x16xf32>
        tpu.vector_store %arg16[%swap3A_471, %swap3A_472], %swap3A_475 {strides = array<i32>} : memref<80x128xf32, #tpu.memory_space<vmem>>, vector<1x16xf32>,
        %get3A_476 = arith.index_cast %add3A_455 : i32 to index
        %get3A_477 = arith.constant 0 : index
        %get3A_478 = tpu.vector_load %arg16[%get3A_476, %get3A_477] {strides = array<i32>} : memref<80x128xf32, #tpu.memory_space<vmem>>, vector<1x16xf32>,
        %get3A_479 = vector.shape_cast %get3A_478 : vector<1x16xf32> to vector<16xf32>
        %mul3A_480 = arith.mulf %get3A_479, %exp3A_470 : vector<16xf32>
        %swap3A_481 = arith.index_cast %add3A_455 : i32 to index
        %swap3A_482 = arith.constant 0 : index
        %swap3A_483 = tpu.vector_load %arg16[%swap3A_481, %swap3A_482] {strides = array<i32>} : memref<80x128xf32, #tpu.memory_space<vmem>>, vector<1x16xf32>,
        %swap3A_484 = vector.shape_cast %swap3A_483 : vector<1x16xf32> to vector<16xf32>
        %swap3A_485 = vector.shape_cast %mul3A_480 : vector<16xf32> to vector<1x16xf32>
        tpu.vector_store %arg16[%swap3A_481, %swap3A_482], %swap3A_485 {strides = array<i32>} : memref<80x128xf32, #tpu.memory_space<vmem>>, vector<1x16xf32>,
        %get3A_486 = arith.index_cast %add3A_455 : i32 to index
        %get3A_487 = arith.constant 80 : index
        %get3A_488 = tpu.vector_load %arg16[%get3A_486, %get3A_487] {strides = array<i32>} : memref<80x128xf32, #tpu.memory_space<vmem>>, vector<1x16xf32>,
        %get3A_489 = vector.shape_cast %get3A_488 : vector<1x16xf32> to vector<16xf32>
        %get3A_490 = arith.index_cast %add3A_455 : i32 to index
        %get3A_491 = arith.constant 16 : index
        %get3A_492 = tpu.vector_load %arg17[%get3A_490, %get3A_491] {strides = array<i32>} : memref<80x128xf32, #tpu.memory_space<vmem>>, vector<1x16xf32>,
        %get3A_493 = vector.shape_cast %get3A_492 : vector<1x16xf32> to vector<16xf32>
        %add3A_494 = arith.addf %get3A_489, %get3A_493 : vector<16xf32>
        %mul3A_495 = arith.constant 2.000000e-01 : f32
        %mul3A_496 = vector.broadcast %mul3A_495 : f32 to vector<16xf32>
        %mul3A_497 = arith.mulf %mul3A_496, %add3A_494 : vector<16xf32>
        %max3A_498 = arith.maximumf %add3A_494, %mul3A_497 : vector<16xf32>
        %sub3A_499 = arith.subf %max3A_498, %get3A_17 : vector<16xf32>
        %exp3A_500 = math.exp %sub3A_499 : vector<16xf32>
        %swap3A_501 = arith.index_cast %add3A_455 : i32 to index
        %swap3A_502 = arith.constant 80 : index
        %swap3A_503 = tpu.vector_load %arg16[%swap3A_501, %swap3A_502] {strides = array<i32>} : memref<80x128xf32, #tpu.memory_space<vmem>>, vector<1x16xf32>,
        %swap3A_504 = vector.shape_cast %swap3A_503 : vector<1x16xf32> to vector<16xf32>
        %swap3A_505 = vector.shape_cast %exp3A_500 : vector<16xf32> to vector<1x16xf32>
        tpu.vector_store %arg16[%swap3A_501, %swap3A_502], %swap3A_505 {strides = array<i32>} : memref<80x128xf32, #tpu.memory_space<vmem>>, vector<1x16xf32>,
        %get3A_506 = arith.index_cast %add3A_455 : i32 to index
        %get3A_507 = arith.constant 16 : index
        %get3A_508 = tpu.vector_load %arg16[%get3A_506, %get3A_507] {strides = array<i32>} : memref<80x128xf32, #tpu.memory_space<vmem>>, vector<1x16xf32>,
        %get3A_509 = vector.shape_cast %get3A_508 : vector<1x16xf32> to vector<16xf32>
        %mul3A_510 = arith.mulf %get3A_509, %exp3A_500 : vector<16xf32>
        %swap3A_511 = arith.index_cast %add3A_455 : i32 to index
        %swap3A_512 = arith.constant 16 : index
        %swap3A_513 = tpu.vector_load %arg16[%swap3A_511, %swap3A_512] {strides = array<i32>} : memref<80x128xf32, #tpu.memory_space<vmem>>, vector<1x16xf32>,
        %swap3A_514 = vector.shape_cast %swap3A_513 : vector<1x16xf32> to vector<16xf32>
        %swap3A_515 = vector.shape_cast %mul3A_510 : vector<16xf32> to vector<1x16xf32>
        tpu.vector_store %arg16[%swap3A_511, %swap3A_512], %swap3A_515 {strides = array<i32>} : memref<80x128xf32, #tpu.memory_space<vmem>>, vector<1x16xf32>,
        %get3A_516 = arith.index_cast %add3A_455 : i32 to index
        %get3A_517 = arith.constant 96 : index
        %get3A_518 = tpu.vector_load %arg16[%get3A_516, %get3A_517] {strides = array<i32>} : memref<80x128xf32, #tpu.memory_space<vmem>>, vector<1x16xf32>,
        %get3A_519 = vector.shape_cast %get3A_518 : vector<1x16xf32> to vector<16xf32>
        %get3A_520 = arith.index_cast %add3A_455 : i32 to index
        %get3A_521 = arith.constant 32 : index
        %get3A_522 = tpu.vector_load %arg17[%get3A_520, %get3A_521] {strides = array<i32>} : memref<80x128xf32, #tpu.memory_space<vmem>>, vector<1x16xf32>,
        %get3A_523 = vector.shape_cast %get3A_522 : vector<1x16xf32> to vector<16xf32>
        %add3A_524 = arith.addf %get3A_519, %get3A_523 : vector<16xf32>
        %mul3A_525 = arith.constant 2.000000e-01 : f32
        %mul3A_526 = vector.broadcast %mul3A_525 : f32 to vector<16xf32>
        %mul3A_527 = arith.mulf %mul3A_526, %add3A_524 : vector<16xf32>
        %max3A_528 = arith.maximumf %add3A_524, %mul3A_527 : vector<16xf32>
        %sub3A_529 = arith.subf %max3A_528, %get3A_20 : vector<16xf32>
        %exp3A_530 = math.exp %sub3A_529 : vector<16xf32>
        %swap3A_531 = arith.index_cast %add3A_455 : i32 to index
        %swap3A_532 = arith.constant 96 : index
        %swap3A_533 = tpu.vector_load %arg16[%swap3A_531, %swap3A_532] {strides = array<i32>} : memref<80x128xf32, #tpu.memory_space<vmem>>, vector<1x16xf32>,
        %swap3A_534 = vector.shape_cast %swap3A_533 : vector<1x16xf32> to vector<16xf32>
        %swap3A_535 = vector.shape_cast %exp3A_530 : vector<16xf32> to vector<1x16xf32>
        tpu.vector_store %arg16[%swap3A_531, %swap3A_532], %swap3A_535 {strides = array<i32>} : memref<80x128xf32, #tpu.memory_space<vmem>>, vector<1x16xf32>,
        %get3A_536 = arith.index_cast %add3A_455 : i32 to index
        %get3A_537 = arith.constant 32 : index
        %get3A_538 = tpu.vector_load %arg16[%get3A_536, %get3A_537] {strides = array<i32>} : memref<80x128xf32, #tpu.memory_space<vmem>>, vector<1x16xf32>,
        %get3A_539 = vector.shape_cast %get3A_538 : vector<1x16xf32> to vector<16xf32>
        %mul3A_540 = arith.mulf %get3A_539, %exp3A_530 : vector<16xf32>
        %swap3A_541 = arith.index_cast %add3A_455 : i32 to index
        %swap3A_542 = arith.constant 32 : index
        %swap3A_543 = tpu.vector_load %arg16[%swap3A_541, %swap3A_542] {strides = array<i32>} : memref<80x128xf32, #tpu.memory_space<vmem>>, vector<1x16xf32>,
        %swap3A_544 = vector.shape_cast %swap3A_543 : vector<1x16xf32> to vector<16xf32>
        %swap3A_545 = vector.shape_cast %mul3A_540 : vector<16xf32> to vector<1x16xf32>
        tpu.vector_store %arg16[%swap3A_541, %swap3A_542], %swap3A_545 {strides = array<i32>} : memref<80x128xf32, #tpu.memory_space<vmem>>, vector<1x16xf32>,
        %get3A_546 = arith.index_cast %add3A_455 : i32 to index
        %get3A_547 = arith.constant 112 : index
        %get3A_548 = tpu.vector_load %arg16[%get3A_546, %get3A_547] {strides = array<i32>} : memref<80x128xf32, #tpu.memory_space<vmem>>, vector<1x16xf32>,
        %get3A_549 = vector.shape_cast %get3A_548 : vector<1x16xf32> to vector<16xf32>
        %get3A_550 = arith.index_cast %add3A_455 : i32 to index
        %get3A_551 = arith.constant 48 : index
        %get3A_552 = tpu.vector_load %arg17[%get3A_550, %get3A_551] {strides = array<i32>} : memref<80x128xf32, #tpu.memory_space<vmem>>, vector<1x16xf32>,
        %get3A_553 = vector.shape_cast %get3A_552 : vector<1x16xf32> to vector<16xf32>
        %add3A_554 = arith.addf %get3A_549, %get3A_553 : vector<16xf32>
        %mul3A_555 = arith.constant 2.000000e-01 : f32
        %mul3A_556 = vector.broadcast %mul3A_555 : f32 to vector<16xf32>
        %mul3A_557 = arith.mulf %mul3A_556, %add3A_554 : vector<16xf32>
        %max3A_558 = arith.maximumf %add3A_554, %mul3A_557 : vector<16xf32>
        %sub3A_559 = arith.subf %max3A_558, %get3A_23 : vector<16xf32>
        %exp3A_560 = math.exp %sub3A_559 : vector<16xf32>
        %swap3A_561 = arith.index_cast %add3A_455 : i32 to index
        %swap3A_562 = arith.constant 112 : index
        %swap3A_563 = tpu.vector_load %arg16[%swap3A_561, %swap3A_562] {strides = array<i32>} : memref<80x128xf32, #tpu.memory_space<vmem>>, vector<1x16xf32>,
        %swap3A_564 = vector.shape_cast %swap3A_563 : vector<1x16xf32> to vector<16xf32>
        %swap3A_565 = vector.shape_cast %exp3A_560 : vector<16xf32> to vector<1x16xf32>
        tpu.vector_store %arg16[%swap3A_561, %swap3A_562], %swap3A_565 {strides = array<i32>} : memref<80x128xf32, #tpu.memory_space<vmem>>, vector<1x16xf32>,
        %get3A_566 = arith.index_cast %add3A_455 : i32 to index
        %get3A_567 = arith.constant 48 : index
        %get3A_568 = tpu.vector_load %arg16[%get3A_566, %get3A_567] {strides = array<i32>} : memref<80x128xf32, #tpu.memory_space<vmem>>, vector<1x16xf32>,
        %get3A_569 = vector.shape_cast %get3A_568 : vector<1x16xf32> to vector<16xf32>
        %mul3A_570 = arith.mulf %get3A_569, %exp3A_560 : vector<16xf32>
        %swap3A_571 = arith.index_cast %add3A_455 : i32 to index
        %swap3A_572 = arith.constant 48 : index
        %swap3A_573 = tpu.vector_load %arg16[%swap3A_571, %swap3A_572] {strides = array<i32>} : memref<80x128xf32, #tpu.memory_space<vmem>>, vector<1x16xf32>,
        %swap3A_574 = vector.shape_cast %swap3A_573 : vector<1x16xf32> to vector<16xf32>
        %swap3A_575 = vector.shape_cast %mul3A_570 : vector<16xf32> to vector<1x16xf32>
        tpu.vector_store %arg16[%swap3A_571, %swap3A_572], %swap3A_575 {strides = array<i32>} : memref<80x128xf32, #tpu.memory_space<vmem>>, vector<1x16xf32>,
        %mul3A_576 = arith.constant 4 : i32
        %mul3A_577 = arith.muli %mul3A_576, %scan3A_206 : i32
        %add3A_578 = arith.constant 3 : i32
        %add3A_579 = arith.addi %mul3A_577, %add3A_578 : i32
        %get3A_580 = arith.index_cast %add3A_579 : i32 to index
        %get3A_581 = arith.constant 64 : index
        %get3A_582 = tpu.vector_load %arg16[%get3A_580, %get3A_581] {strides = array<i32>} : memref<80x128xf32, #tpu.memory_space<vmem>>, vector<1x16xf32>,
        %get3A_583 = vector.shape_cast %get3A_582 : vector<1x16xf32> to vector<16xf32>
        %get3A_584 = arith.index_cast %add3A_579 : i32 to index
        %get3A_585 = arith.constant 0 : index
        %get3A_586 = tpu.vector_load %arg17[%get3A_584, %get3A_585] {strides = array<i32>} : memref<80x128xf32, #tpu.memory_space<vmem>>, vector<1x16xf32>,
        %get3A_587 = vector.shape_cast %get3A_586 : vector<1x16xf32> to vector<16xf32>
        %add3A_588 = arith.addf %get3A_583, %get3A_587 : vector<16xf32>
        %mul3A_589 = arith.constant 2.000000e-01 : f32
        %mul3A_590 = vector.broadcast %mul3A_589 : f32 to vector<16xf32>
        %mul3A_591 = arith.mulf %mul3A_590, %add3A_588 : vector<16xf32>
        %max3A_592 = arith.maximumf %add3A_588, %mul3A_591 : vector<16xf32>
        %sub3A_593 = arith.subf %max3A_592, %get3A_14 : vector<16xf32>
        %exp3A_594 = math.exp %sub3A_593 : vector<16xf32>
        %swap3A_595 = arith.index_cast %add3A_579 : i32 to index
        %swap3A_596 = arith.constant 64 : index
        %swap3A_597 = tpu.vector_load %arg16[%swap3A_595, %swap3A_596] {strides = array<i32>} : memref<80x128xf32, #tpu.memory_space<vmem>>, vector<1x16xf32>,
        %swap3A_598 = vector.shape_cast %swap3A_597 : vector<1x16xf32> to vector<16xf32>
        %swap3A_599 = vector.shape_cast %exp3A_594 : vector<16xf32> to vector<1x16xf32>
        tpu.vector_store %arg16[%swap3A_595, %swap3A_596], %swap3A_599 {strides = array<i32>} : memref<80x128xf32, #tpu.memory_space<vmem>>, vector<1x16xf32>,
        %get3A_600 = arith.index_cast %add3A_579 : i32 to index
        %get3A_601 = arith.constant 0 : index
        %get3A_602 = tpu.vector_load %arg16[%get3A_600, %get3A_601] {strides = array<i32>} : memref<80x128xf32, #tpu.memory_space<vmem>>, vector<1x16xf32>,
        %get3A_603 = vector.shape_cast %get3A_602 : vector<1x16xf32> to vector<16xf32>
        %mul3A_604 = arith.mulf %get3A_603, %exp3A_594 : vector<16xf32>
        %swap3A_605 = arith.index_cast %add3A_579 : i32 to index
        %swap3A_606 = arith.constant 0 : index
        %swap3A_607 = tpu.vector_load %arg16[%swap3A_605, %swap3A_606] {strides = array<i32>} : memref<80x128xf32, #tpu.memory_space<vmem>>, vector<1x16xf32>,
        %swap3A_608 = vector.shape_cast %swap3A_607 : vector<1x16xf32> to vector<16xf32>
        %swap3A_609 = vector.shape_cast %mul3A_604 : vector<16xf32> to vector<1x16xf32>
        tpu.vector_store %arg16[%swap3A_605, %swap3A_606], %swap3A_609 {strides = array<i32>} : memref<80x128xf32, #tpu.memory_space<vmem>>, vector<1x16xf32>,
        %get3A_610 = arith.index_cast %add3A_579 : i32 to index
        %get3A_611 = arith.constant 80 : index
        %get3A_612 = tpu.vector_load %arg16[%get3A_610, %get3A_611] {strides = array<i32>} : memref<80x128xf32, #tpu.memory_space<vmem>>, vector<1x16xf32>,
        %get3A_613 = vector.shape_cast %get3A_612 : vector<1x16xf32> to vector<16xf32>
        %get3A_614 = arith.index_cast %add3A_579 : i32 to index
        %get3A_615 = arith.constant 16 : index
        %get3A_616 = tpu.vector_load %arg17[%get3A_614, %get3A_615] {strides = array<i32>} : memref<80x128xf32, #tpu.memory_space<vmem>>, vector<1x16xf32>,
        %get3A_617 = vector.shape_cast %get3A_616 : vector<1x16xf32> to vector<16xf32>
        %add3A_618 = arith.addf %get3A_613, %get3A_617 : vector<16xf32>
        %mul3A_619 = arith.constant 2.000000e-01 : f32
        %mul3A_620 = vector.broadcast %mul3A_619 : f32 to vector<16xf32>
        %mul3A_621 = arith.mulf %mul3A_620, %add3A_618 : vector<16xf32>
        %max3A_622 = arith.maximumf %add3A_618, %mul3A_621 : vector<16xf32>
        %sub3A_623 = arith.subf %max3A_622, %get3A_17 : vector<16xf32>
        %exp3A_624 = math.exp %sub3A_623 : vector<16xf32>
        %swap3A_625 = arith.index_cast %add3A_579 : i32 to index
        %swap3A_626 = arith.constant 80 : index
        %swap3A_627 = tpu.vector_load %arg16[%swap3A_625, %swap3A_626] {strides = array<i32>} : memref<80x128xf32, #tpu.memory_space<vmem>>, vector<1x16xf32>,
        %swap3A_628 = vector.shape_cast %swap3A_627 : vector<1x16xf32> to vector<16xf32>
        %swap3A_629 = vector.shape_cast %exp3A_624 : vector<16xf32> to vector<1x16xf32>
        tpu.vector_store %arg16[%swap3A_625, %swap3A_626], %swap3A_629 {strides = array<i32>} : memref<80x128xf32, #tpu.memory_space<vmem>>, vector<1x16xf32>,
        %get3A_630 = arith.index_cast %add3A_579 : i32 to index
        %get3A_631 = arith.constant 16 : index
        %get3A_632 = tpu.vector_load %arg16[%get3A_630, %get3A_631] {strides = array<i32>} : memref<80x128xf32, #tpu.memory_space<vmem>>, vector<1x16xf32>,
        %get3A_633 = vector.shape_cast %get3A_632 : vector<1x16xf32> to vector<16xf32>
        %mul3A_634 = arith.mulf %get3A_633, %exp3A_624 : vector<16xf32>
        %swap3A_635 = arith.index_cast %add3A_579 : i32 to index
        %swap3A_636 = arith.constant 16 : index
        %swap3A_637 = tpu.vector_load %arg16[%swap3A_635, %swap3A_636] {strides = array<i32>} : memref<80x128xf32, #tpu.memory_space<vmem>>, vector<1x16xf32>,
        %swap3A_638 = vector.shape_cast %swap3A_637 : vector<1x16xf32> to vector<16xf32>
        %swap3A_639 = vector.shape_cast %mul3A_634 : vector<16xf32> to vector<1x16xf32>
        tpu.vector_store %arg16[%swap3A_635, %swap3A_636], %swap3A_639 {strides = array<i32>} : memref<80x128xf32, #tpu.memory_space<vmem>>, vector<1x16xf32>,
        %get3A_640 = arith.index_cast %add3A_579 : i32 to index
        %get3A_641 = arith.constant 96 : index
        %get3A_642 = tpu.vector_load %arg16[%get3A_640, %get3A_641] {strides = array<i32>} : memref<80x128xf32, #tpu.memory_space<vmem>>, vector<1x16xf32>,
        %get3A_643 = vector.shape_cast %get3A_642 : vector<1x16xf32> to vector<16xf32>
        %get3A_644 = arith.index_cast %add3A_579 : i32 to index
        %get3A_645 = arith.constant 32 : index
        %get3A_646 = tpu.vector_load %arg17[%get3A_644, %get3A_645] {strides = array<i32>} : memref<80x128xf32, #tpu.memory_space<vmem>>, vector<1x16xf32>,
        %get3A_647 = vector.shape_cast %get3A_646 : vector<1x16xf32> to vector<16xf32>
        %add3A_648 = arith.addf %get3A_643, %get3A_647 : vector<16xf32>
        %mul3A_649 = arith.constant 2.000000e-01 : f32
        %mul3A_650 = vector.broadcast %mul3A_649 : f32 to vector<16xf32>
        %mul3A_651 = arith.mulf %mul3A_650, %add3A_648 : vector<16xf32>
        %max3A_652 = arith.maximumf %add3A_648, %mul3A_651 : vector<16xf32>
        %sub3A_653 = arith.subf %max3A_652, %get3A_20 : vector<16xf32>
        %exp3A_654 = math.exp %sub3A_653 : vector<16xf32>
        %swap3A_655 = arith.index_cast %add3A_579 : i32 to index
        %swap3A_656 = arith.constant 96 : index
        %swap3A_657 = tpu.vector_load %arg16[%swap3A_655, %swap3A_656] {strides = array<i32>} : memref<80x128xf32, #tpu.memory_space<vmem>>, vector<1x16xf32>,
        %swap3A_658 = vector.shape_cast %swap3A_657 : vector<1x16xf32> to vector<16xf32>
        %swap3A_659 = vector.shape_cast %exp3A_654 : vector<16xf32> to vector<1x16xf32>
        tpu.vector_store %arg16[%swap3A_655, %swap3A_656], %swap3A_659 {strides = array<i32>} : memref<80x128xf32, #tpu.memory_space<vmem>>, vector<1x16xf32>,
        %get3A_660 = arith.index_cast %add3A_579 : i32 to index
        %get3A_661 = arith.constant 32 : index
        %get3A_662 = tpu.vector_load %arg16[%get3A_660, %get3A_661] {strides = array<i32>} : memref<80x128xf32, #tpu.memory_space<vmem>>, vector<1x16xf32>,
        %get3A_663 = vector.shape_cast %get3A_662 : vector<1x16xf32> to vector<16xf32>
        %mul3A_664 = arith.mulf %get3A_663, %exp3A_654 : vector<16xf32>
        %swap3A_665 = arith.index_cast %add3A_579 : i32 to index
        %swap3A_666 = arith.constant 32 : index
        %swap3A_667 = tpu.vector_load %arg16[%swap3A_665, %swap3A_666] {strides = array<i32>} : memref<80x128xf32, #tpu.memory_space<vmem>>, vector<1x16xf32>,
        %swap3A_668 = vector.shape_cast %swap3A_667 : vector<1x16xf32> to vector<16xf32>
        %swap3A_669 = vector.shape_cast %mul3A_664 : vector<16xf32> to vector<1x16xf32>
        tpu.vector_store %arg16[%swap3A_665, %swap3A_666], %swap3A_669 {strides = array<i32>} : memref<80x128xf32, #tpu.memory_space<vmem>>, vector<1x16xf32>,
        %get3A_670 = arith.index_cast %add3A_579 : i32 to index
        %get3A_671 = arith.constant 112 : index
        %get3A_672 = tpu.vector_load %arg16[%get3A_670, %get3A_671] {strides = array<i32>} : memref<80x128xf32, #tpu.memory_space<vmem>>, vector<1x16xf32>,
        %get3A_673 = vector.shape_cast %get3A_672 : vector<1x16xf32> to vector<16xf32>
        %get3A_674 = arith.index_cast %add3A_579 : i32 to index
        %get3A_675 = arith.constant 48 : index
        %get3A_676 = tpu.vector_load %arg17[%get3A_674, %get3A_675] {strides = array<i32>} : memref<80x128xf32, #tpu.memory_space<vmem>>, vector<1x16xf32>,
        %get3A_677 = vector.shape_cast %get3A_676 : vector<1x16xf32> to vector<16xf32>
        %add3A_678 = arith.addf %get3A_673, %get3A_677 : vector<16xf32>
        %mul3A_679 = arith.constant 2.000000e-01 : f32
        %mul3A_680 = vector.broadcast %mul3A_679 : f32 to vector<16xf32>
        %mul3A_681 = arith.mulf %mul3A_680, %add3A_678 : vector<16xf32>
        %max3A_682 = arith.maximumf %add3A_678, %mul3A_681 : vector<16xf32>
        %sub3A_683 = arith.subf %max3A_682, %get3A_23 : vector<16xf32>
        %exp3A_684 = math.exp %sub3A_683 : vector<16xf32>
        %swap3A_685 = arith.index_cast %add3A_579 : i32 to index
        %swap3A_686 = arith.constant 112 : index
        %swap3A_687 = tpu.vector_load %arg16[%swap3A_685, %swap3A_686] {strides = array<i32>} : memref<80x128xf32, #tpu.memory_space<vmem>>, vector<1x16xf32>,
        %swap3A_688 = vector.shape_cast %swap3A_687 : vector<1x16xf32> to vector<16xf32>
        %swap3A_689 = vector.shape_cast %exp3A_684 : vector<16xf32> to vector<1x16xf32>
        tpu.vector_store %arg16[%swap3A_685, %swap3A_686], %swap3A_689 {strides = array<i32>} : memref<80x128xf32, #tpu.memory_space<vmem>>, vector<1x16xf32>,
        %get3A_690 = arith.index_cast %add3A_579 : i32 to index
        %get3A_691 = arith.constant 48 : index
        %get3A_692 = tpu.vector_load %arg16[%get3A_690, %get3A_691] {strides = array<i32>} : memref<80x128xf32, #tpu.memory_space<vmem>>, vector<1x16xf32>,
        %get3A_693 = vector.shape_cast %get3A_692 : vector<1x16xf32> to vector<16xf32>
        %mul3A_694 = arith.mulf %get3A_693, %exp3A_684 : vector<16xf32>
        %swap3A_695 = arith.index_cast %add3A_579 : i32 to index
        %swap3A_696 = arith.constant 48 : index
        %swap3A_697 = tpu.vector_load %arg16[%swap3A_695, %swap3A_696] {strides = array<i32>} : memref<80x128xf32, #tpu.memory_space<vmem>>, vector<1x16xf32>,
        %swap3A_698 = vector.shape_cast %swap3A_697 : vector<1x16xf32> to vector<16xf32>
        %swap3A_699 = vector.shape_cast %mul3A_694 : vector<16xf32> to vector<1x16xf32>
        tpu.vector_store %arg16[%swap3A_695, %swap3A_696], %swap3A_699 {strides = array<i32>} : memref<80x128xf32, #tpu.memory_space<vmem>>, vector<1x16xf32>,
      }
      %scan3A_182 = arith.constant 20 : i32
      "tpu.region"() ({
        %run_scoped3A = tpu.sem_alloc : memref<!tpu.dma_semaphore, #tpu.memory_space<semaphore_mem>>
        %dma_start3A_206 = arith.constant 0 : i32
        %dma_start3A_207 = arith.constant 0 : i32
        %dma_start3A_208 = tpu.memref_slice %arg21[%dma_start3A_206, %dma_start3A_207] : memref<10000x128xf32, #tpu.memory_space<vmem_shared>> -> memref<10000x128xf32, #tpu.memory_space<vmem_shared>>
        tpu.enqueue_indirect_dma source(%arg16 : memref<80x128xf32, #tpu.memory_space<vmem>>) target(%dma_start3A_208 : memref<10000x128xf32, #tpu.memory_space<vmem_shared>>) offsets(%arg12 : memref<80xi32, #tpu.memory_space<vmem>>) semaphore(%run_scoped3A : memref<!tpu.dma_semaphore, #tpu.memory_space<semaphore_mem>>) {add = true}
        %dma_wait3A_209 = arith.constant 0 : i32
        %dma_wait3A_210 = arith.constant 0 : i32
        %dma_wait3A_211 = tpu.memref_slice %arg21[%dma_wait3A_209, %dma_wait3A_210] : memref<10000x128xf32, #tpu.memory_space<vmem_shared>> -> memref<10000x128xf32, #tpu.memory_space<vmem_shared>>
        tpu.wait_indirect_dma semaphore(%run_scoped3A : memref<!tpu.dma_semaphore, #tpu.memory_space<semaphore_mem>>) src(%arg16 : memref<80x128xf32, #tpu.memory_space<vmem>>) dst(%dma_wait3A_211 : memref<10000x128xf32, #tpu.memory_space<vmem_shared>>)
        tpu.yield
      }) : () -> ()
      %mul3A_183 = arith.constant 2 : i32
      %mul3A_184 = arith.muli %mul3A_183, %scan3A_163 : i32
      %add3A_185 = arith.constant 1 : i32
      %add3A_186 = arith.addi %mul3A_184, %add3A_185 : i32
      %add3A_187 = arith.constant 1 : i32
      %add3A_188 = arith.addi %add3A_186, %add3A_187 : i32
      %lt3A_189 = arith.constant 250 : i32
      %lt3A_190 = arith.cmpi slt, %add3A_188, %lt3A_189 : i32
      %convert_element_type3A_191 = arith.extui %lt3A_190 : i1 to i32
      %cond3A_192 = arith.constant 0 : i32
      %cond3A_193 = arith.cmpi ne, %convert_element_type3A_191, %cond3A_192 : i32
      scf.if %cond3A_193 {
        %add3A_206 = arith.constant 1 : i32
        %add3A_207 = arith.addi %add3A_186, %add3A_206 : i32
        %add3A_208 = arith.addi %mul3A_4, %add3A_207 : i32
        %mul3A_209 = arith.constant 160 : i32
        %mul3A_210 = arith.muli %add3A_208, %mul3A_209 : i32
        %dma_wait3A_211 = tpu.memref_slice %arg4[%mul3A_210] : memref<640000xi32, #tpu.memory_space<hbm>> -> memref<160xi32, #tpu.memory_space<hbm>>
        %dma_wait3A_212 = tpu.memref_slice %arg4[%mul3A_210] : memref<640000xi32, #tpu.memory_space<hbm>> -> memref<160xi32, #tpu.memory_space<hbm>>
        tpu.wait_dma2 semaphore(%arg22 : memref<!tpu.dma_semaphore, #tpu.memory_space<semaphore_mem>>) src(%dma_wait3A_212 : memref<160xi32, #tpu.memory_space<hbm>>) dst(%arg8 : memref<160xi32, #tpu.memory_space<vmem>>)
        %get3A_213 = arith.constant 0 : index
        %get3A_214 = tpu.vector_load %arg8[%get3A_213] {strides = array<i32>} : memref<160xi32, #tpu.memory_space<vmem>>, vector<16xi32>,
        %get3A_215 = vector.shape_cast %get3A_214 : vector<16xi32> to vector<16xi32>
        %get3A_216 = arith.constant 80 : index
        %get3A_217 = tpu.vector_load %arg8[%get3A_216] {strides = array<i32>} : memref<160xi32, #tpu.memory_space<vmem>>, vector<16xi32>,
        %get3A_218 = vector.shape_cast %get3A_217 : vector<16xi32> to vector<16xi32>
        %swap3A_219 = arith.constant 0 : index
        %swap3A_220 = tpu.vector_load %arg12[%swap3A_219] {strides = array<i32>} : memref<80xi32, #tpu.memory_space<vmem>>, vector<16xi32>,
        %swap3A_221 = vector.shape_cast %swap3A_220 : vector<16xi32> to vector<16xi32>
        %swap3A_222 = vector.shape_cast %get3A_218 : vector<16xi32> to vector<16xi32>
        tpu.vector_store %arg12[%swap3A_219], %swap3A_222 {strides = array<i32>} : memref<80xi32, #tpu.memory_space<vmem>>, vector<16xi32>,
        %add3A_223 = vector.broadcast %mul3A_2 : i32 to vector<16xi32>
        %add3A_224 = arith.addi %get3A_215, %add3A_223 : vector<16xi32>
        %swap3A_225 = arith.constant 0 : index
        %swap3A_226 = tpu.vector_load %arg10[%swap3A_225] {strides = array<i32>} : memref<80xi32, #tpu.memory_space<vmem>>, vector<16xi32>,
        %swap3A_227 = vector.shape_cast %swap3A_226 : vector<16xi32> to vector<16xi32>
        %swap3A_228 = vector.shape_cast %add3A_224 : vector<16xi32> to vector<16xi32>
        tpu.vector_store %arg10[%swap3A_225], %swap3A_228 {strides = array<i32>} : memref<80xi32, #tpu.memory_space<vmem>>, vector<16xi32>,
        %add3A_229 = vector.broadcast %mul3A_2 : i32 to vector<16xi32>
        %add3A_230 = arith.addi %get3A_218, %add3A_229 : vector<16xi32>
        %swap3A_231 = arith.constant 0 : index
        %swap3A_232 = tpu.vector_load %arg11[%swap3A_231] {strides = array<i32>} : memref<80xi32, #tpu.memory_space<vmem>>, vector<16xi32>,
        %swap3A_233 = vector.shape_cast %swap3A_232 : vector<16xi32> to vector<16xi32>
        %swap3A_234 = vector.shape_cast %add3A_230 : vector<16xi32> to vector<16xi32>
        tpu.vector_store %arg11[%swap3A_231], %swap3A_234 {strides = array<i32>} : memref<80xi32, #tpu.memory_space<vmem>>, vector<16xi32>,
        %get3A_235 = arith.constant 16 : index
        %get3A_236 = tpu.vector_load %arg8[%get3A_235] {strides = array<i32>} : memref<160xi32, #tpu.memory_space<vmem>>, vector<16xi32>,
        %get3A_237 = vector.shape_cast %get3A_236 : vector<16xi32> to vector<16xi32>
        %get3A_238 = arith.constant 96 : index
        %get3A_239 = tpu.vector_load %arg8[%get3A_238] {strides = array<i32>} : memref<160xi32, #tpu.memory_space<vmem>>, vector<16xi32>,
        %get3A_240 = vector.shape_cast %get3A_239 : vector<16xi32> to vector<16xi32>
        %swap3A_241 = arith.constant 16 : index
        %swap3A_242 = tpu.vector_load %arg12[%swap3A_241] {strides = array<i32>} : memref<80xi32, #tpu.memory_space<vmem>>, vector<16xi32>,
        %swap3A_243 = vector.shape_cast %swap3A_242 : vector<16xi32> to vector<16xi32>
        %swap3A_244 = vector.shape_cast %get3A_240 : vector<16xi32> to vector<16xi32>
        tpu.vector_store %arg12[%swap3A_241], %swap3A_244 {strides = array<i32>} : memref<80xi32, #tpu.memory_space<vmem>>, vector<16xi32>,
        %add3A_245 = vector.broadcast %mul3A_2 : i32 to vector<16xi32>
        %add3A_246 = arith.addi %get3A_237, %add3A_245 : vector<16xi32>
        %swap3A_247 = arith.constant 16 : index
        %swap3A_248 = tpu.vector_load %arg10[%swap3A_247] {strides = array<i32>} : memref<80xi32, #tpu.memory_space<vmem>>, vector<16xi32>,
        %swap3A_249 = vector.shape_cast %swap3A_248 : vector<16xi32> to vector<16xi32>
        %swap3A_250 = vector.shape_cast %add3A_246 : vector<16xi32> to vector<16xi32>
        tpu.vector_store %arg10[%swap3A_247], %swap3A_250 {strides = array<i32>} : memref<80xi32, #tpu.memory_space<vmem>>, vector<16xi32>,
        %add3A_251 = vector.broadcast %mul3A_2 : i32 to vector<16xi32>
        %add3A_252 = arith.addi %get3A_240, %add3A_251 : vector<16xi32>
        %swap3A_253 = arith.constant 16 : index
        %swap3A_254 = tpu.vector_load %arg11[%swap3A_253] {strides = array<i32>} : memref<80xi32, #tpu.memory_space<vmem>>, vector<16xi32>,
        %swap3A_255 = vector.shape_cast %swap3A_254 : vector<16xi32> to vector<16xi32>
        %swap3A_256 = vector.shape_cast %add3A_252 : vector<16xi32> to vector<16xi32>
        tpu.vector_store %arg11[%swap3A_253], %swap3A_256 {strides = array<i32>} : memref<80xi32, #tpu.memory_space<vmem>>, vector<16xi32>,
        %get3A_257 = arith.constant 32 : index
        %get3A_258 = tpu.vector_load %arg8[%get3A_257] {strides = array<i32>} : memref<160xi32, #tpu.memory_space<vmem>>, vector<16xi32>,
        %get3A_259 = vector.shape_cast %get3A_258 : vector<16xi32> to vector<16xi32>
        %get3A_260 = arith.constant 112 : index
        %get3A_261 = tpu.vector_load %arg8[%get3A_260] {strides = array<i32>} : memref<160xi32, #tpu.memory_space<vmem>>, vector<16xi32>,
        %get3A_262 = vector.shape_cast %get3A_261 : vector<16xi32> to vector<16xi32>
        %swap3A_263 = arith.constant 32 : index
        %swap3A_264 = tpu.vector_load %arg12[%swap3A_263] {strides = array<i32>} : memref<80xi32, #tpu.memory_space<vmem>>, vector<16xi32>,
        %swap3A_265 = vector.shape_cast %swap3A_264 : vector<16xi32> to vector<16xi32>
        %swap3A_266 = vector.shape_cast %get3A_262 : vector<16xi32> to vector<16xi32>
        tpu.vector_store %arg12[%swap3A_263], %swap3A_266 {strides = array<i32>} : memref<80xi32, #tpu.memory_space<vmem>>, vector<16xi32>,
        %add3A_267 = vector.broadcast %mul3A_2 : i32 to vector<16xi32>
        %add3A_268 = arith.addi %get3A_259, %add3A_267 : vector<16xi32>
        %swap3A_269 = arith.constant 32 : index
        %swap3A_270 = tpu.vector_load %arg10[%swap3A_269] {strides = array<i32>} : memref<80xi32, #tpu.memory_space<vmem>>, vector<16xi32>,
        %swap3A_271 = vector.shape_cast %swap3A_270 : vector<16xi32> to vector<16xi32>
        %swap3A_272 = vector.shape_cast %add3A_268 : vector<16xi32> to vector<16xi32>
        tpu.vector_store %arg10[%swap3A_269], %swap3A_272 {strides = array<i32>} : memref<80xi32, #tpu.memory_space<vmem>>, vector<16xi32>,
        %add3A_273 = vector.broadcast %mul3A_2 : i32 to vector<16xi32>
        %add3A_274 = arith.addi %get3A_262, %add3A_273 : vector<16xi32>
        %swap3A_275 = arith.constant 32 : index
        %swap3A_276 = tpu.vector_load %arg11[%swap3A_275] {strides = array<i32>} : memref<80xi32, #tpu.memory_space<vmem>>, vector<16xi32>,
        %swap3A_277 = vector.shape_cast %swap3A_276 : vector<16xi32> to vector<16xi32>
        %swap3A_278 = vector.shape_cast %add3A_274 : vector<16xi32> to vector<16xi32>
        tpu.vector_store %arg11[%swap3A_275], %swap3A_278 {strides = array<i32>} : memref<80xi32, #tpu.memory_space<vmem>>, vector<16xi32>,
        %get3A_279 = arith.constant 48 : index
        %get3A_280 = tpu.vector_load %arg8[%get3A_279] {strides = array<i32>} : memref<160xi32, #tpu.memory_space<vmem>>, vector<16xi32>,
        %get3A_281 = vector.shape_cast %get3A_280 : vector<16xi32> to vector<16xi32>
        %get3A_282 = arith.constant 128 : index
        %get3A_283 = tpu.vector_load %arg8[%get3A_282] {strides = array<i32>} : memref<160xi32, #tpu.memory_space<vmem>>, vector<16xi32>,
        %get3A_284 = vector.shape_cast %get3A_283 : vector<16xi32> to vector<16xi32>
        %swap3A_285 = arith.constant 48 : index
        %swap3A_286 = tpu.vector_load %arg12[%swap3A_285] {strides = array<i32>} : memref<80xi32, #tpu.memory_space<vmem>>, vector<16xi32>,
        %swap3A_287 = vector.shape_cast %swap3A_286 : vector<16xi32> to vector<16xi32>
        %swap3A_288 = vector.shape_cast %get3A_284 : vector<16xi32> to vector<16xi32>
        tpu.vector_store %arg12[%swap3A_285], %swap3A_288 {strides = array<i32>} : memref<80xi32, #tpu.memory_space<vmem>>, vector<16xi32>,
        %add3A_289 = vector.broadcast %mul3A_2 : i32 to vector<16xi32>
        %add3A_290 = arith.addi %get3A_281, %add3A_289 : vector<16xi32>
        %swap3A_291 = arith.constant 48 : index
        %swap3A_292 = tpu.vector_load %arg10[%swap3A_291] {strides = array<i32>} : memref<80xi32, #tpu.memory_space<vmem>>, vector<16xi32>,
        %swap3A_293 = vector.shape_cast %swap3A_292 : vector<16xi32> to vector<16xi32>
        %swap3A_294 = vector.shape_cast %add3A_290 : vector<16xi32> to vector<16xi32>
        tpu.vector_store %arg10[%swap3A_291], %swap3A_294 {strides = array<i32>} : memref<80xi32, #tpu.memory_space<vmem>>, vector<16xi32>,
        %add3A_295 = vector.broadcast %mul3A_2 : i32 to vector<16xi32>
        %add3A_296 = arith.addi %get3A_284, %add3A_295 : vector<16xi32>
        %swap3A_297 = arith.constant 48 : index
        %swap3A_298 = tpu.vector_load %arg11[%swap3A_297] {strides = array<i32>} : memref<80xi32, #tpu.memory_space<vmem>>, vector<16xi32>,
        %swap3A_299 = vector.shape_cast %swap3A_298 : vector<16xi32> to vector<16xi32>
        %swap3A_300 = vector.shape_cast %add3A_296 : vector<16xi32> to vector<16xi32>
        tpu.vector_store %arg11[%swap3A_297], %swap3A_300 {strides = array<i32>} : memref<80xi32, #tpu.memory_space<vmem>>, vector<16xi32>,
        %get3A_301 = arith.constant 64 : index
        %get3A_302 = tpu.vector_load %arg8[%get3A_301] {strides = array<i32>} : memref<160xi32, #tpu.memory_space<vmem>>, vector<16xi32>,
        %get3A_303 = vector.shape_cast %get3A_302 : vector<16xi32> to vector<16xi32>
        %get3A_304 = arith.constant 144 : index
        %get3A_305 = tpu.vector_load %arg8[%get3A_304] {strides = array<i32>} : memref<160xi32, #tpu.memory_space<vmem>>, vector<16xi32>,
        %get3A_306 = vector.shape_cast %get3A_305 : vector<16xi32> to vector<16xi32>
        %swap3A_307 = arith.constant 64 : index
        %swap3A_308 = tpu.vector_load %arg12[%swap3A_307] {strides = array<i32>} : memref<80xi32, #tpu.memory_space<vmem>>, vector<16xi32>,
        %swap3A_309 = vector.shape_cast %swap3A_308 : vector<16xi32> to vector<16xi32>
        %swap3A_310 = vector.shape_cast %get3A_306 : vector<16xi32> to vector<16xi32>
        tpu.vector_store %arg12[%swap3A_307], %swap3A_310 {strides = array<i32>} : memref<80xi32, #tpu.memory_space<vmem>>, vector<16xi32>,
        %add3A_311 = vector.broadcast %mul3A_2 : i32 to vector<16xi32>
        %add3A_312 = arith.addi %get3A_303, %add3A_311 : vector<16xi32>
        %swap3A_313 = arith.constant 64 : index
        %swap3A_314 = tpu.vector_load %arg10[%swap3A_313] {strides = array<i32>} : memref<80xi32, #tpu.memory_space<vmem>>, vector<16xi32>,
        %swap3A_315 = vector.shape_cast %swap3A_314 : vector<16xi32> to vector<16xi32>
        %swap3A_316 = vector.shape_cast %add3A_312 : vector<16xi32> to vector<16xi32>
        tpu.vector_store %arg10[%swap3A_313], %swap3A_316 {strides = array<i32>} : memref<80xi32, #tpu.memory_space<vmem>>, vector<16xi32>,
        %add3A_317 = vector.broadcast %mul3A_2 : i32 to vector<16xi32>
        %add3A_318 = arith.addi %get3A_306, %add3A_317 : vector<16xi32>
        %swap3A_319 = arith.constant 64 : index
        %swap3A_320 = tpu.vector_load %arg11[%swap3A_319] {strides = array<i32>} : memref<80xi32, #tpu.memory_space<vmem>>, vector<16xi32>,
        %swap3A_321 = vector.shape_cast %swap3A_320 : vector<16xi32> to vector<16xi32>
        %swap3A_322 = vector.shape_cast %add3A_318 : vector<16xi32> to vector<16xi32>
        tpu.vector_store %arg11[%swap3A_319], %swap3A_322 {strides = array<i32>} : memref<80xi32, #tpu.memory_space<vmem>>, vector<16xi32>,
        %add3A_323 = arith.constant 2 : i32
        %add3A_324 = arith.addi %add3A_186, %add3A_323 : i32
        %lt3A_325 = arith.constant 250 : i32
        %lt3A_326 = arith.cmpi slt, %add3A_324, %lt3A_325 : i32
        %convert_element_type3A_327 = arith.extui %lt3A_326 : i1 to i32
        %cond3A_328 = arith.constant 0 : i32
        %cond3A_329 = arith.cmpi ne, %convert_element_type3A_327, %cond3A_328 : i32
        scf.if %cond3A_329 {
          %add3A_336 = arith.constant 2 : i32
          %add3A_337 = arith.addi %add3A_186, %add3A_336 : i32
          %add3A_338 = arith.addi %mul3A_4, %add3A_337 : i32
          %mul3A_339 = arith.constant 160 : i32
          %mul3A_340 = arith.muli %add3A_338, %mul3A_339 : i32
          %dma_start3A_341 = tpu.memref_slice %arg4[%mul3A_340] : memref<640000xi32, #tpu.memory_space<hbm>> -> memref<160xi32, #tpu.memory_space<hbm>>
          %dma_start3A_342 = tpu.memref_slice %arg4[%mul3A_340] : memref<640000xi32, #tpu.memory_space<hbm>> -> memref<160xi32, #tpu.memory_space<hbm>>
          tpu.enqueue_dma source(%dma_start3A_342 : memref<160xi32, #tpu.memory_space<hbm>>) target(%arg9 : memref<160xi32, #tpu.memory_space<vmem>>) target_semaphore(%arg23 : memref<!tpu.dma_semaphore, #tpu.memory_space<semaphore_mem>>)
        } else {
        }
        %dma_start3A_330 = arith.constant 0 : i32
        %dma_start3A_331 = arith.constant 0 : i32
        %dma_start3A_332 = tpu.memref_slice %arg2[%dma_start3A_330, %dma_start3A_331] : memref<20000x128xf32, #tpu.memory_space<hbm>> -> memref<20000x128xf32, #tpu.memory_space<hbm>>
        tpu.enqueue_indirect_dma source(%dma_start3A_332 : memref<20000x128xf32, #tpu.memory_space<hbm>>) target(%arg16 : memref<80x128xf32, #tpu.memory_space<vmem>>) offsets(%arg10 : memref<80xi32, #tpu.memory_space<vmem>>) semaphore(%arg24 : memref<!tpu.dma_semaphore, #tpu.memory_space<semaphore_mem>>)
        %dma_start3A_333 = arith.constant 0 : i32
        %dma_start3A_334 = arith.constant 0 : i32
        %dma_start3A_335 = tpu.memref_slice %arg3[%dma_start3A_333, %dma_start3A_334] : memref<20000x128xf32, #tpu.memory_space<hbm>> -> memref<20000x128xf32, #tpu.memory_space<hbm>>
        tpu.enqueue_indirect_dma source(%dma_start3A_335 : memref<20000x128xf32, #tpu.memory_space<hbm>>) target(%arg17 : memref<80x128xf32, #tpu.memory_space<vmem>>) offsets(%arg11 : memref<80xi32, #tpu.memory_space<vmem>>) semaphore(%arg24 : memref<!tpu.dma_semaphore, #tpu.memory_space<semaphore_mem>>)
      } else {
      }
      %dma_wait3A_194 = arith.constant 0 : i32
      %dma_wait3A_195 = arith.constant 0 : i32
      %dma_wait3A_196 = tpu.memref_slice %arg2[%dma_wait3A_194, %dma_wait3A_195] : memref<20000x128xf32, #tpu.memory_space<hbm>> -> memref<20000x128xf32, #tpu.memory_space<hbm>>
      tpu.wait_indirect_dma semaphore(%arg25 : memref<!tpu.dma_semaphore, #tpu.memory_space<semaphore_mem>>) src(%dma_wait3A_196 : memref<20000x128xf32, #tpu.memory_space<hbm>>) dst(%arg18 : memref<80x128xf32, #tpu.memory_space<vmem>>)
      %dma_wait3A_197 = arith.constant 0 : i32
      %dma_wait3A_198 = arith.constant 0 : i32
      %dma_wait3A_199 = tpu.memref_slice %arg3[%dma_wait3A_197, %dma_wait3A_198] : memref<20000x128xf32, #tpu.memory_space<hbm>> -> memref<20000x128xf32, #tpu.memory_space<hbm>>
      tpu.wait_indirect_dma semaphore(%arg25 : memref<!tpu.dma_semaphore, #tpu.memory_space<semaphore_mem>>) src(%dma_wait3A_199 : memref<20000x128xf32, #tpu.memory_space<hbm>>) dst(%arg19 : memref<80x128xf32, #tpu.memory_space<vmem>>)
      %scan3A_200 = arith.constant 0 : i32
      %scan3A_201 = arith.constant 0 : i32
      %scan3A_202 = arith.constant 20 : i32
      %scan3A_203 = arith.addi %scan3A_201, %scan3A_202 : i32
      %scan3A_204 = arith.constant 1 : i32
      scf.for %scan3A_206 = %scan3A_201 to %scan3A_203 step %scan3A_204  : i32 {
        %mul3A_207 = arith.constant 4 : i32
        %mul3A_208 = arith.muli %mul3A_207, %scan3A_206 : i32
        %add3A_209 = arith.constant 0 : i32
        %add3A_210 = arith.addi %mul3A_208, %add3A_209 : i32
        %get3A_211 = arith.index_cast %add3A_210 : i32 to index
        %get3A_212 = arith.constant 64 : index
        %get3A_213 = tpu.vector_load %arg18[%get3A_211, %get3A_212] {strides = array<i32>} : memref<80x128xf32, #tpu.memory_space<vmem>>, vector<1x16xf32>,
        %get3A_214 = vector.shape_cast %get3A_213 : vector<1x16xf32> to vector<16xf32>
        %get3A_215 = arith.index_cast %add3A_210 : i32 to index
        %get3A_216 = arith.constant 0 : index
        %get3A_217 = tpu.vector_load %arg19[%get3A_215, %get3A_216] {strides = array<i32>} : memref<80x128xf32, #tpu.memory_space<vmem>>, vector<1x16xf32>,
        %get3A_218 = vector.shape_cast %get3A_217 : vector<1x16xf32> to vector<16xf32>
        %add3A_219 = arith.addf %get3A_214, %get3A_218 : vector<16xf32>
        %mul3A_220 = arith.constant 2.000000e-01 : f32
        %mul3A_221 = vector.broadcast %mul3A_220 : f32 to vector<16xf32>
        %mul3A_222 = arith.mulf %mul3A_221, %add3A_219 : vector<16xf32>
        %max3A = arith.maximumf %add3A_219, %mul3A_222 : vector<16xf32>
        %sub3A = arith.subf %max3A, %get3A_14 : vector<16xf32>
        %exp3A = math.exp %sub3A : vector<16xf32>
        %swap3A_223 = arith.index_cast %add3A_210 : i32 to index
        %swap3A_224 = arith.constant 64 : index
        %swap3A_225 = tpu.vector_load %arg18[%swap3A_223, %swap3A_224] {strides = array<i32>} : memref<80x128xf32, #tpu.memory_space<vmem>>, vector<1x16xf32>,
        %swap3A_226 = vector.shape_cast %swap3A_225 : vector<1x16xf32> to vector<16xf32>
        %swap3A_227 = vector.shape_cast %exp3A : vector<16xf32> to vector<1x16xf32>
        tpu.vector_store %arg18[%swap3A_223, %swap3A_224], %swap3A_227 {strides = array<i32>} : memref<80x128xf32, #tpu.memory_space<vmem>>, vector<1x16xf32>,
        %get3A_228 = arith.index_cast %add3A_210 : i32 to index
        %get3A_229 = arith.constant 0 : index
        %get3A_230 = tpu.vector_load %arg18[%get3A_228, %get3A_229] {strides = array<i32>} : memref<80x128xf32, #tpu.memory_space<vmem>>, vector<1x16xf32>,
        %get3A_231 = vector.shape_cast %get3A_230 : vector<1x16xf32> to vector<16xf32>
        %mul3A_232 = arith.mulf %get3A_231, %exp3A : vector<16xf32>
        %swap3A_233 = arith.index_cast %add3A_210 : i32 to index
        %swap3A_234 = arith.constant 0 : index
        %swap3A_235 = tpu.vector_load %arg18[%swap3A_233, %swap3A_234] {strides = array<i32>} : memref<80x128xf32, #tpu.memory_space<vmem>>, vector<1x16xf32>,
        %swap3A_236 = vector.shape_cast %swap3A_235 : vector<1x16xf32> to vector<16xf32>
        %swap3A_237 = vector.shape_cast %mul3A_232 : vector<16xf32> to vector<1x16xf32>
        tpu.vector_store %arg18[%swap3A_233, %swap3A_234], %swap3A_237 {strides = array<i32>} : memref<80x128xf32, #tpu.memory_space<vmem>>, vector<1x16xf32>,
        %get3A_238 = arith.index_cast %add3A_210 : i32 to index
        %get3A_239 = arith.constant 80 : index
        %get3A_240 = tpu.vector_load %arg18[%get3A_238, %get3A_239] {strides = array<i32>} : memref<80x128xf32, #tpu.memory_space<vmem>>, vector<1x16xf32>,
        %get3A_241 = vector.shape_cast %get3A_240 : vector<1x16xf32> to vector<16xf32>
        %get3A_242 = arith.index_cast %add3A_210 : i32 to index
        %get3A_243 = arith.constant 16 : index
        %get3A_244 = tpu.vector_load %arg19[%get3A_242, %get3A_243] {strides = array<i32>} : memref<80x128xf32, #tpu.memory_space<vmem>>, vector<1x16xf32>,
        %get3A_245 = vector.shape_cast %get3A_244 : vector<1x16xf32> to vector<16xf32>
        %add3A_246 = arith.addf %get3A_241, %get3A_245 : vector<16xf32>
        %mul3A_247 = arith.constant 2.000000e-01 : f32
        %mul3A_248 = vector.broadcast %mul3A_247 : f32 to vector<16xf32>
        %mul3A_249 = arith.mulf %mul3A_248, %add3A_246 : vector<16xf32>
        %max3A_250 = arith.maximumf %add3A_246, %mul3A_249 : vector<16xf32>
        %sub3A_251 = arith.subf %max3A_250, %get3A_17 : vector<16xf32>
        %exp3A_252 = math.exp %sub3A_251 : vector<16xf32>
        %swap3A_253 = arith.index_cast %add3A_210 : i32 to index
        %swap3A_254 = arith.constant 80 : index
        %swap3A_255 = tpu.vector_load %arg18[%swap3A_253, %swap3A_254] {strides = array<i32>} : memref<80x128xf32, #tpu.memory_space<vmem>>, vector<1x16xf32>,
        %swap3A_256 = vector.shape_cast %swap3A_255 : vector<1x16xf32> to vector<16xf32>
        %swap3A_257 = vector.shape_cast %exp3A_252 : vector<16xf32> to vector<1x16xf32>
        tpu.vector_store %arg18[%swap3A_253, %swap3A_254], %swap3A_257 {strides = array<i32>} : memref<80x128xf32, #tpu.memory_space<vmem>>, vector<1x16xf32>,
        %get3A_258 = arith.index_cast %add3A_210 : i32 to index
        %get3A_259 = arith.constant 16 : index
        %get3A_260 = tpu.vector_load %arg18[%get3A_258, %get3A_259] {strides = array<i32>} : memref<80x128xf32, #tpu.memory_space<vmem>>, vector<1x16xf32>,
        %get3A_261 = vector.shape_cast %get3A_260 : vector<1x16xf32> to vector<16xf32>
        %mul3A_262 = arith.mulf %get3A_261, %exp3A_252 : vector<16xf32>
        %swap3A_263 = arith.index_cast %add3A_210 : i32 to index
        %swap3A_264 = arith.constant 16 : index
        %swap3A_265 = tpu.vector_load %arg18[%swap3A_263, %swap3A_264] {strides = array<i32>} : memref<80x128xf32, #tpu.memory_space<vmem>>, vector<1x16xf32>,
        %swap3A_266 = vector.shape_cast %swap3A_265 : vector<1x16xf32> to vector<16xf32>
        %swap3A_267 = vector.shape_cast %mul3A_262 : vector<16xf32> to vector<1x16xf32>
        tpu.vector_store %arg18[%swap3A_263, %swap3A_264], %swap3A_267 {strides = array<i32>} : memref<80x128xf32, #tpu.memory_space<vmem>>, vector<1x16xf32>,
        %get3A_268 = arith.index_cast %add3A_210 : i32 to index
        %get3A_269 = arith.constant 96 : index
        %get3A_270 = tpu.vector_load %arg18[%get3A_268, %get3A_269] {strides = array<i32>} : memref<80x128xf32, #tpu.memory_space<vmem>>, vector<1x16xf32>,
        %get3A_271 = vector.shape_cast %get3A_270 : vector<1x16xf32> to vector<16xf32>
        %get3A_272 = arith.index_cast %add3A_210 : i32 to index
        %get3A_273 = arith.constant 32 : index
        %get3A_274 = tpu.vector_load %arg19[%get3A_272, %get3A_273] {strides = array<i32>} : memref<80x128xf32, #tpu.memory_space<vmem>>, vector<1x16xf32>,
        %get3A_275 = vector.shape_cast %get3A_274 : vector<1x16xf32> to vector<16xf32>
        %add3A_276 = arith.addf %get3A_271, %get3A_275 : vector<16xf32>
        %mul3A_277 = arith.constant 2.000000e-01 : f32
        %mul3A_278 = vector.broadcast %mul3A_277 : f32 to vector<16xf32>
        %mul3A_279 = arith.mulf %mul3A_278, %add3A_276 : vector<16xf32>
        %max3A_280 = arith.maximumf %add3A_276, %mul3A_279 : vector<16xf32>
        %sub3A_281 = arith.subf %max3A_280, %get3A_20 : vector<16xf32>
        %exp3A_282 = math.exp %sub3A_281 : vector<16xf32>
        %swap3A_283 = arith.index_cast %add3A_210 : i32 to index
        %swap3A_284 = arith.constant 96 : index
        %swap3A_285 = tpu.vector_load %arg18[%swap3A_283, %swap3A_284] {strides = array<i32>} : memref<80x128xf32, #tpu.memory_space<vmem>>, vector<1x16xf32>,
        %swap3A_286 = vector.shape_cast %swap3A_285 : vector<1x16xf32> to vector<16xf32>
        %swap3A_287 = vector.shape_cast %exp3A_282 : vector<16xf32> to vector<1x16xf32>
        tpu.vector_store %arg18[%swap3A_283, %swap3A_284], %swap3A_287 {strides = array<i32>} : memref<80x128xf32, #tpu.memory_space<vmem>>, vector<1x16xf32>,
        %get3A_288 = arith.index_cast %add3A_210 : i32 to index
        %get3A_289 = arith.constant 32 : index
        %get3A_290 = tpu.vector_load %arg18[%get3A_288, %get3A_289] {strides = array<i32>} : memref<80x128xf32, #tpu.memory_space<vmem>>, vector<1x16xf32>,
        %get3A_291 = vector.shape_cast %get3A_290 : vector<1x16xf32> to vector<16xf32>
        %mul3A_292 = arith.mulf %get3A_291, %exp3A_282 : vector<16xf32>
        %swap3A_293 = arith.index_cast %add3A_210 : i32 to index
        %swap3A_294 = arith.constant 32 : index
        %swap3A_295 = tpu.vector_load %arg18[%swap3A_293, %swap3A_294] {strides = array<i32>} : memref<80x128xf32, #tpu.memory_space<vmem>>, vector<1x16xf32>,
        %swap3A_296 = vector.shape_cast %swap3A_295 : vector<1x16xf32> to vector<16xf32>
        %swap3A_297 = vector.shape_cast %mul3A_292 : vector<16xf32> to vector<1x16xf32>
        tpu.vector_store %arg18[%swap3A_293, %swap3A_294], %swap3A_297 {strides = array<i32>} : memref<80x128xf32, #tpu.memory_space<vmem>>, vector<1x16xf32>,
        %get3A_298 = arith.index_cast %add3A_210 : i32 to index
        %get3A_299 = arith.constant 112 : index
        %get3A_300 = tpu.vector_load %arg18[%get3A_298, %get3A_299] {strides = array<i32>} : memref<80x128xf32, #tpu.memory_space<vmem>>, vector<1x16xf32>,
        %get3A_301 = vector.shape_cast %get3A_300 : vector<1x16xf32> to vector<16xf32>
        %get3A_302 = arith.index_cast %add3A_210 : i32 to index
        %get3A_303 = arith.constant 48 : index
        %get3A_304 = tpu.vector_load %arg19[%get3A_302, %get3A_303] {strides = array<i32>} : memref<80x128xf32, #tpu.memory_space<vmem>>, vector<1x16xf32>,
        %get3A_305 = vector.shape_cast %get3A_304 : vector<1x16xf32> to vector<16xf32>
        %add3A_306 = arith.addf %get3A_301, %get3A_305 : vector<16xf32>
        %mul3A_307 = arith.constant 2.000000e-01 : f32
        %mul3A_308 = vector.broadcast %mul3A_307 : f32 to vector<16xf32>
        %mul3A_309 = arith.mulf %mul3A_308, %add3A_306 : vector<16xf32>
        %max3A_310 = arith.maximumf %add3A_306, %mul3A_309 : vector<16xf32>
        %sub3A_311 = arith.subf %max3A_310, %get3A_23 : vector<16xf32>
        %exp3A_312 = math.exp %sub3A_311 : vector<16xf32>
        %swap3A_313 = arith.index_cast %add3A_210 : i32 to index
        %swap3A_314 = arith.constant 112 : index
        %swap3A_315 = tpu.vector_load %arg18[%swap3A_313, %swap3A_314] {strides = array<i32>} : memref<80x128xf32, #tpu.memory_space<vmem>>, vector<1x16xf32>,
        %swap3A_316 = vector.shape_cast %swap3A_315 : vector<1x16xf32> to vector<16xf32>
        %swap3A_317 = vector.shape_cast %exp3A_312 : vector<16xf32> to vector<1x16xf32>
        tpu.vector_store %arg18[%swap3A_313, %swap3A_314], %swap3A_317 {strides = array<i32>} : memref<80x128xf32, #tpu.memory_space<vmem>>, vector<1x16xf32>,
        %get3A_318 = arith.index_cast %add3A_210 : i32 to index
        %get3A_319 = arith.constant 48 : index
        %get3A_320 = tpu.vector_load %arg18[%get3A_318, %get3A_319] {strides = array<i32>} : memref<80x128xf32, #tpu.memory_space<vmem>>, vector<1x16xf32>,
        %get3A_321 = vector.shape_cast %get3A_320 : vector<1x16xf32> to vector<16xf32>
        %mul3A_322 = arith.mulf %get3A_321, %exp3A_312 : vector<16xf32>
        %swap3A_323 = arith.index_cast %add3A_210 : i32 to index
        %swap3A_324 = arith.constant 48 : index
        %swap3A_325 = tpu.vector_load %arg18[%swap3A_323, %swap3A_324] {strides = array<i32>} : memref<80x128xf32, #tpu.memory_space<vmem>>, vector<1x16xf32>,
        %swap3A_326 = vector.shape_cast %swap3A_325 : vector<1x16xf32> to vector<16xf32>
        %swap3A_327 = vector.shape_cast %mul3A_322 : vector<16xf32> to vector<1x16xf32>
        tpu.vector_store %arg18[%swap3A_323, %swap3A_324], %swap3A_327 {strides = array<i32>} : memref<80x128xf32, #tpu.memory_space<vmem>>, vector<1x16xf32>,
        %mul3A_328 = arith.constant 4 : i32
        %mul3A_329 = arith.muli %mul3A_328, %scan3A_206 : i32
        %add3A_330 = arith.constant 1 : i32
        %add3A_331 = arith.addi %mul3A_329, %add3A_330 : i32
        %get3A_332 = arith.index_cast %add3A_331 : i32 to index
        %get3A_333 = arith.constant 64 : index
        %get3A_334 = tpu.vector_load %arg18[%get3A_332, %get3A_333] {strides = array<i32>} : memref<80x128xf32, #tpu.memory_space<vmem>>, vector<1x16xf32>,
        %get3A_335 = vector.shape_cast %get3A_334 : vector<1x16xf32> to vector<16xf32>
        %get3A_336 = arith.index_cast %add3A_331 : i32 to index
        %get3A_337 = arith.constant 0 : index
        %get3A_338 = tpu.vector_load %arg19[%get3A_336, %get3A_337] {strides = array<i32>} : memref<80x128xf32, #tpu.memory_space<vmem>>, vector<1x16xf32>,
        %get3A_339 = vector.shape_cast %get3A_338 : vector<1x16xf32> to vector<16xf32>
        %add3A_340 = arith.addf %get3A_335, %get3A_339 : vector<16xf32>
        %mul3A_341 = arith.constant 2.000000e-01 : f32
        %mul3A_342 = vector.broadcast %mul3A_341 : f32 to vector<16xf32>
        %mul3A_343 = arith.mulf %mul3A_342, %add3A_340 : vector<16xf32>
        %max3A_344 = arith.maximumf %add3A_340, %mul3A_343 : vector<16xf32>
        %sub3A_345 = arith.subf %max3A_344, %get3A_14 : vector<16xf32>
        %exp3A_346 = math.exp %sub3A_345 : vector<16xf32>
        %swap3A_347 = arith.index_cast %add3A_331 : i32 to index
        %swap3A_348 = arith.constant 64 : index
        %swap3A_349 = tpu.vector_load %arg18[%swap3A_347, %swap3A_348] {strides = array<i32>} : memref<80x128xf32, #tpu.memory_space<vmem>>, vector<1x16xf32>,
        %swap3A_350 = vector.shape_cast %swap3A_349 : vector<1x16xf32> to vector<16xf32>
        %swap3A_351 = vector.shape_cast %exp3A_346 : vector<16xf32> to vector<1x16xf32>
        tpu.vector_store %arg18[%swap3A_347, %swap3A_348], %swap3A_351 {strides = array<i32>} : memref<80x128xf32, #tpu.memory_space<vmem>>, vector<1x16xf32>,
        %get3A_352 = arith.index_cast %add3A_331 : i32 to index
        %get3A_353 = arith.constant 0 : index
        %get3A_354 = tpu.vector_load %arg18[%get3A_352, %get3A_353] {strides = array<i32>} : memref<80x128xf32, #tpu.memory_space<vmem>>, vector<1x16xf32>,
        %get3A_355 = vector.shape_cast %get3A_354 : vector<1x16xf32> to vector<16xf32>
        %mul3A_356 = arith.mulf %get3A_355, %exp3A_346 : vector<16xf32>
        %swap3A_357 = arith.index_cast %add3A_331 : i32 to index
        %swap3A_358 = arith.constant 0 : index
        %swap3A_359 = tpu.vector_load %arg18[%swap3A_357, %swap3A_358] {strides = array<i32>} : memref<80x128xf32, #tpu.memory_space<vmem>>, vector<1x16xf32>,
        %swap3A_360 = vector.shape_cast %swap3A_359 : vector<1x16xf32> to vector<16xf32>
        %swap3A_361 = vector.shape_cast %mul3A_356 : vector<16xf32> to vector<1x16xf32>
        tpu.vector_store %arg18[%swap3A_357, %swap3A_358], %swap3A_361 {strides = array<i32>} : memref<80x128xf32, #tpu.memory_space<vmem>>, vector<1x16xf32>,
        %get3A_362 = arith.index_cast %add3A_331 : i32 to index
        %get3A_363 = arith.constant 80 : index
        %get3A_364 = tpu.vector_load %arg18[%get3A_362, %get3A_363] {strides = array<i32>} : memref<80x128xf32, #tpu.memory_space<vmem>>, vector<1x16xf32>,
        %get3A_365 = vector.shape_cast %get3A_364 : vector<1x16xf32> to vector<16xf32>
        %get3A_366 = arith.index_cast %add3A_331 : i32 to index
        %get3A_367 = arith.constant 16 : index
        %get3A_368 = tpu.vector_load %arg19[%get3A_366, %get3A_367] {strides = array<i32>} : memref<80x128xf32, #tpu.memory_space<vmem>>, vector<1x16xf32>,
        %get3A_369 = vector.shape_cast %get3A_368 : vector<1x16xf32> to vector<16xf32>
        %add3A_370 = arith.addf %get3A_365, %get3A_369 : vector<16xf32>
        %mul3A_371 = arith.constant 2.000000e-01 : f32
        %mul3A_372 = vector.broadcast %mul3A_371 : f32 to vector<16xf32>
        %mul3A_373 = arith.mulf %mul3A_372, %add3A_370 : vector<16xf32>
        %max3A_374 = arith.maximumf %add3A_370, %mul3A_373 : vector<16xf32>
        %sub3A_375 = arith.subf %max3A_374, %get3A_17 : vector<16xf32>
        %exp3A_376 = math.exp %sub3A_375 : vector<16xf32>
        %swap3A_377 = arith.index_cast %add3A_331 : i32 to index
        %swap3A_378 = arith.constant 80 : index
        %swap3A_379 = tpu.vector_load %arg18[%swap3A_377, %swap3A_378] {strides = array<i32>} : memref<80x128xf32, #tpu.memory_space<vmem>>, vector<1x16xf32>,
        %swap3A_380 = vector.shape_cast %swap3A_379 : vector<1x16xf32> to vector<16xf32>
        %swap3A_381 = vector.shape_cast %exp3A_376 : vector<16xf32> to vector<1x16xf32>
        tpu.vector_store %arg18[%swap3A_377, %swap3A_378], %swap3A_381 {strides = array<i32>} : memref<80x128xf32, #tpu.memory_space<vmem>>, vector<1x16xf32>,
        %get3A_382 = arith.index_cast %add3A_331 : i32 to index
        %get3A_383 = arith.constant 16 : index
        %get3A_384 = tpu.vector_load %arg18[%get3A_382, %get3A_383] {strides = array<i32>} : memref<80x128xf32, #tpu.memory_space<vmem>>, vector<1x16xf32>,
        %get3A_385 = vector.shape_cast %get3A_384 : vector<1x16xf32> to vector<16xf32>
        %mul3A_386 = arith.mulf %get3A_385, %exp3A_376 : vector<16xf32>
        %swap3A_387 = arith.index_cast %add3A_331 : i32 to index
        %swap3A_388 = arith.constant 16 : index
        %swap3A_389 = tpu.vector_load %arg18[%swap3A_387, %swap3A_388] {strides = array<i32>} : memref<80x128xf32, #tpu.memory_space<vmem>>, vector<1x16xf32>,
        %swap3A_390 = vector.shape_cast %swap3A_389 : vector<1x16xf32> to vector<16xf32>
        %swap3A_391 = vector.shape_cast %mul3A_386 : vector<16xf32> to vector<1x16xf32>
        tpu.vector_store %arg18[%swap3A_387, %swap3A_388], %swap3A_391 {strides = array<i32>} : memref<80x128xf32, #tpu.memory_space<vmem>>, vector<1x16xf32>,
        %get3A_392 = arith.index_cast %add3A_331 : i32 to index
        %get3A_393 = arith.constant 96 : index
        %get3A_394 = tpu.vector_load %arg18[%get3A_392, %get3A_393] {strides = array<i32>} : memref<80x128xf32, #tpu.memory_space<vmem>>, vector<1x16xf32>,
        %get3A_395 = vector.shape_cast %get3A_394 : vector<1x16xf32> to vector<16xf32>
        %get3A_396 = arith.index_cast %add3A_331 : i32 to index
        %get3A_397 = arith.constant 32 : index
        %get3A_398 = tpu.vector_load %arg19[%get3A_396, %get3A_397] {strides = array<i32>} : memref<80x128xf32, #tpu.memory_space<vmem>>, vector<1x16xf32>,
        %get3A_399 = vector.shape_cast %get3A_398 : vector<1x16xf32> to vector<16xf32>
        %add3A_400 = arith.addf %get3A_395, %get3A_399 : vector<16xf32>
        %mul3A_401 = arith.constant 2.000000e-01 : f32
        %mul3A_402 = vector.broadcast %mul3A_401 : f32 to vector<16xf32>
        %mul3A_403 = arith.mulf %mul3A_402, %add3A_400 : vector<16xf32>
        %max3A_404 = arith.maximumf %add3A_400, %mul3A_403 : vector<16xf32>
        %sub3A_405 = arith.subf %max3A_404, %get3A_20 : vector<16xf32>
        %exp3A_406 = math.exp %sub3A_405 : vector<16xf32>
        %swap3A_407 = arith.index_cast %add3A_331 : i32 to index
        %swap3A_408 = arith.constant 96 : index
        %swap3A_409 = tpu.vector_load %arg18[%swap3A_407, %swap3A_408] {strides = array<i32>} : memref<80x128xf32, #tpu.memory_space<vmem>>, vector<1x16xf32>,
        %swap3A_410 = vector.shape_cast %swap3A_409 : vector<1x16xf32> to vector<16xf32>
        %swap3A_411 = vector.shape_cast %exp3A_406 : vector<16xf32> to vector<1x16xf32>
        tpu.vector_store %arg18[%swap3A_407, %swap3A_408], %swap3A_411 {strides = array<i32>} : memref<80x128xf32, #tpu.memory_space<vmem>>, vector<1x16xf32>,
        %get3A_412 = arith.index_cast %add3A_331 : i32 to index
        %get3A_413 = arith.constant 32 : index
        %get3A_414 = tpu.vector_load %arg18[%get3A_412, %get3A_413] {strides = array<i32>} : memref<80x128xf32, #tpu.memory_space<vmem>>, vector<1x16xf32>,
        %get3A_415 = vector.shape_cast %get3A_414 : vector<1x16xf32> to vector<16xf32>
        %mul3A_416 = arith.mulf %get3A_415, %exp3A_406 : vector<16xf32>
        %swap3A_417 = arith.index_cast %add3A_331 : i32 to index
        %swap3A_418 = arith.constant 32 : index
        %swap3A_419 = tpu.vector_load %arg18[%swap3A_417, %swap3A_418] {strides = array<i32>} : memref<80x128xf32, #tpu.memory_space<vmem>>, vector<1x16xf32>,
        %swap3A_420 = vector.shape_cast %swap3A_419 : vector<1x16xf32> to vector<16xf32>
        %swap3A_421 = vector.shape_cast %mul3A_416 : vector<16xf32> to vector<1x16xf32>
        tpu.vector_store %arg18[%swap3A_417, %swap3A_418], %swap3A_421 {strides = array<i32>} : memref<80x128xf32, #tpu.memory_space<vmem>>, vector<1x16xf32>,
        %get3A_422 = arith.index_cast %add3A_331 : i32 to index
        %get3A_423 = arith.constant 112 : index
        %get3A_424 = tpu.vector_load %arg18[%get3A_422, %get3A_423] {strides = array<i32>} : memref<80x128xf32, #tpu.memory_space<vmem>>, vector<1x16xf32>,
        %get3A_425 = vector.shape_cast %get3A_424 : vector<1x16xf32> to vector<16xf32>
        %get3A_426 = arith.index_cast %add3A_331 : i32 to index
        %get3A_427 = arith.constant 48 : index
        %get3A_428 = tpu.vector_load %arg19[%get3A_426, %get3A_427] {strides = array<i32>} : memref<80x128xf32, #tpu.memory_space<vmem>>, vector<1x16xf32>,
        %get3A_429 = vector.shape_cast %get3A_428 : vector<1x16xf32> to vector<16xf32>
        %add3A_430 = arith.addf %get3A_425, %get3A_429 : vector<16xf32>
        %mul3A_431 = arith.constant 2.000000e-01 : f32
        %mul3A_432 = vector.broadcast %mul3A_431 : f32 to vector<16xf32>
        %mul3A_433 = arith.mulf %mul3A_432, %add3A_430 : vector<16xf32>
        %max3A_434 = arith.maximumf %add3A_430, %mul3A_433 : vector<16xf32>
        %sub3A_435 = arith.subf %max3A_434, %get3A_23 : vector<16xf32>
        %exp3A_436 = math.exp %sub3A_435 : vector<16xf32>
        %swap3A_437 = arith.index_cast %add3A_331 : i32 to index
        %swap3A_438 = arith.constant 112 : index
        %swap3A_439 = tpu.vector_load %arg18[%swap3A_437, %swap3A_438] {strides = array<i32>} : memref<80x128xf32, #tpu.memory_space<vmem>>, vector<1x16xf32>,
        %swap3A_440 = vector.shape_cast %swap3A_439 : vector<1x16xf32> to vector<16xf32>
        %swap3A_441 = vector.shape_cast %exp3A_436 : vector<16xf32> to vector<1x16xf32>
        tpu.vector_store %arg18[%swap3A_437, %swap3A_438], %swap3A_441 {strides = array<i32>} : memref<80x128xf32, #tpu.memory_space<vmem>>, vector<1x16xf32>,
        %get3A_442 = arith.index_cast %add3A_331 : i32 to index
        %get3A_443 = arith.constant 48 : index
        %get3A_444 = tpu.vector_load %arg18[%get3A_442, %get3A_443] {strides = array<i32>} : memref<80x128xf32, #tpu.memory_space<vmem>>, vector<1x16xf32>,
        %get3A_445 = vector.shape_cast %get3A_444 : vector<1x16xf32> to vector<16xf32>
        %mul3A_446 = arith.mulf %get3A_445, %exp3A_436 : vector<16xf32>
        %swap3A_447 = arith.index_cast %add3A_331 : i32 to index
        %swap3A_448 = arith.constant 48 : index
        %swap3A_449 = tpu.vector_load %arg18[%swap3A_447, %swap3A_448] {strides = array<i32>} : memref<80x128xf32, #tpu.memory_space<vmem>>, vector<1x16xf32>,
        %swap3A_450 = vector.shape_cast %swap3A_449 : vector<1x16xf32> to vector<16xf32>
        %swap3A_451 = vector.shape_cast %mul3A_446 : vector<16xf32> to vector<1x16xf32>
        tpu.vector_store %arg18[%swap3A_447, %swap3A_448], %swap3A_451 {strides = array<i32>} : memref<80x128xf32, #tpu.memory_space<vmem>>, vector<1x16xf32>,
        %mul3A_452 = arith.constant 4 : i32
        %mul3A_453 = arith.muli %mul3A_452, %scan3A_206 : i32
        %add3A_454 = arith.constant 2 : i32
        %add3A_455 = arith.addi %mul3A_453, %add3A_454 : i32
        %get3A_456 = arith.index_cast %add3A_455 : i32 to index
        %get3A_457 = arith.constant 64 : index
        %get3A_458 = tpu.vector_load %arg18[%get3A_456, %get3A_457] {strides = array<i32>} : memref<80x128xf32, #tpu.memory_space<vmem>>, vector<1x16xf32>,
        %get3A_459 = vector.shape_cast %get3A_458 : vector<1x16xf32> to vector<16xf32>
        %get3A_460 = arith.index_cast %add3A_455 : i32 to index
        %get3A_461 = arith.constant 0 : index
        %get3A_462 = tpu.vector_load %arg19[%get3A_460, %get3A_461] {strides = array<i32>} : memref<80x128xf32, #tpu.memory_space<vmem>>, vector<1x16xf32>,
        %get3A_463 = vector.shape_cast %get3A_462 : vector<1x16xf32> to vector<16xf32>
        %add3A_464 = arith.addf %get3A_459, %get3A_463 : vector<16xf32>
        %mul3A_465 = arith.constant 2.000000e-01 : f32
        %mul3A_466 = vector.broadcast %mul3A_465 : f32 to vector<16xf32>
        %mul3A_467 = arith.mulf %mul3A_466, %add3A_464 : vector<16xf32>
        %max3A_468 = arith.maximumf %add3A_464, %mul3A_467 : vector<16xf32>
        %sub3A_469 = arith.subf %max3A_468, %get3A_14 : vector<16xf32>
        %exp3A_470 = math.exp %sub3A_469 : vector<16xf32>
        %swap3A_471 = arith.index_cast %add3A_455 : i32 to index
        %swap3A_472 = arith.constant 64 : index
        %swap3A_473 = tpu.vector_load %arg18[%swap3A_471, %swap3A_472] {strides = array<i32>} : memref<80x128xf32, #tpu.memory_space<vmem>>, vector<1x16xf32>,
        %swap3A_474 = vector.shape_cast %swap3A_473 : vector<1x16xf32> to vector<16xf32>
        %swap3A_475 = vector.shape_cast %exp3A_470 : vector<16xf32> to vector<1x16xf32>
        tpu.vector_store %arg18[%swap3A_471, %swap3A_472], %swap3A_475 {strides = array<i32>} : memref<80x128xf32, #tpu.memory_space<vmem>>, vector<1x16xf32>,
        %get3A_476 = arith.index_cast %add3A_455 : i32 to index
        %get3A_477 = arith.constant 0 : index
        %get3A_478 = tpu.vector_load %arg18[%get3A_476, %get3A_477] {strides = array<i32>} : memref<80x128xf32, #tpu.memory_space<vmem>>, vector<1x16xf32>,
        %get3A_479 = vector.shape_cast %get3A_478 : vector<1x16xf32> to vector<16xf32>
        %mul3A_480 = arith.mulf %get3A_479, %exp3A_470 : vector<16xf32>
        %swap3A_481 = arith.index_cast %add3A_455 : i32 to index
        %swap3A_482 = arith.constant 0 : index
        %swap3A_483 = tpu.vector_load %arg18[%swap3A_481, %swap3A_482] {strides = array<i32>} : memref<80x128xf32, #tpu.memory_space<vmem>>, vector<1x16xf32>,
        %swap3A_484 = vector.shape_cast %swap3A_483 : vector<1x16xf32> to vector<16xf32>
        %swap3A_485 = vector.shape_cast %mul3A_480 : vector<16xf32> to vector<1x16xf32>
        tpu.vector_store %arg18[%swap3A_481, %swap3A_482], %swap3A_485 {strides = array<i32>} : memref<80x128xf32, #tpu.memory_space<vmem>>, vector<1x16xf32>,
        %get3A_486 = arith.index_cast %add3A_455 : i32 to index
        %get3A_487 = arith.constant 80 : index
        %get3A_488 = tpu.vector_load %arg18[%get3A_486, %get3A_487] {strides = array<i32>} : memref<80x128xf32, #tpu.memory_space<vmem>>, vector<1x16xf32>,
        %get3A_489 = vector.shape_cast %get3A_488 : vector<1x16xf32> to vector<16xf32>
        %get3A_490 = arith.index_cast %add3A_455 : i32 to index
        %get3A_491 = arith.constant 16 : index
        %get3A_492 = tpu.vector_load %arg19[%get3A_490, %get3A_491] {strides = array<i32>} : memref<80x128xf32, #tpu.memory_space<vmem>>, vector<1x16xf32>,
        %get3A_493 = vector.shape_cast %get3A_492 : vector<1x16xf32> to vector<16xf32>
        %add3A_494 = arith.addf %get3A_489, %get3A_493 : vector<16xf32>
        %mul3A_495 = arith.constant 2.000000e-01 : f32
        %mul3A_496 = vector.broadcast %mul3A_495 : f32 to vector<16xf32>
        %mul3A_497 = arith.mulf %mul3A_496, %add3A_494 : vector<16xf32>
        %max3A_498 = arith.maximumf %add3A_494, %mul3A_497 : vector<16xf32>
        %sub3A_499 = arith.subf %max3A_498, %get3A_17 : vector<16xf32>
        %exp3A_500 = math.exp %sub3A_499 : vector<16xf32>
        %swap3A_501 = arith.index_cast %add3A_455 : i32 to index
        %swap3A_502 = arith.constant 80 : index
        %swap3A_503 = tpu.vector_load %arg18[%swap3A_501, %swap3A_502] {strides = array<i32>} : memref<80x128xf32, #tpu.memory_space<vmem>>, vector<1x16xf32>,
        %swap3A_504 = vector.shape_cast %swap3A_503 : vector<1x16xf32> to vector<16xf32>
        %swap3A_505 = vector.shape_cast %exp3A_500 : vector<16xf32> to vector<1x16xf32>
        tpu.vector_store %arg18[%swap3A_501, %swap3A_502], %swap3A_505 {strides = array<i32>} : memref<80x128xf32, #tpu.memory_space<vmem>>, vector<1x16xf32>,
        %get3A_506 = arith.index_cast %add3A_455 : i32 to index
        %get3A_507 = arith.constant 16 : index
        %get3A_508 = tpu.vector_load %arg18[%get3A_506, %get3A_507] {strides = array<i32>} : memref<80x128xf32, #tpu.memory_space<vmem>>, vector<1x16xf32>,
        %get3A_509 = vector.shape_cast %get3A_508 : vector<1x16xf32> to vector<16xf32>
        %mul3A_510 = arith.mulf %get3A_509, %exp3A_500 : vector<16xf32>
        %swap3A_511 = arith.index_cast %add3A_455 : i32 to index
        %swap3A_512 = arith.constant 16 : index
        %swap3A_513 = tpu.vector_load %arg18[%swap3A_511, %swap3A_512] {strides = array<i32>} : memref<80x128xf32, #tpu.memory_space<vmem>>, vector<1x16xf32>,
        %swap3A_514 = vector.shape_cast %swap3A_513 : vector<1x16xf32> to vector<16xf32>
        %swap3A_515 = vector.shape_cast %mul3A_510 : vector<16xf32> to vector<1x16xf32>
        tpu.vector_store %arg18[%swap3A_511, %swap3A_512], %swap3A_515 {strides = array<i32>} : memref<80x128xf32, #tpu.memory_space<vmem>>, vector<1x16xf32>,
        %get3A_516 = arith.index_cast %add3A_455 : i32 to index
        %get3A_517 = arith.constant 96 : index
        %get3A_518 = tpu.vector_load %arg18[%get3A_516, %get3A_517] {strides = array<i32>} : memref<80x128xf32, #tpu.memory_space<vmem>>, vector<1x16xf32>,
        %get3A_519 = vector.shape_cast %get3A_518 : vector<1x16xf32> to vector<16xf32>
        %get3A_520 = arith.index_cast %add3A_455 : i32 to index
        %get3A_521 = arith.constant 32 : index
        %get3A_522 = tpu.vector_load %arg19[%get3A_520, %get3A_521] {strides = array<i32>} : memref<80x128xf32, #tpu.memory_space<vmem>>, vector<1x16xf32>,
        %get3A_523 = vector.shape_cast %get3A_522 : vector<1x16xf32> to vector<16xf32>
        %add3A_524 = arith.addf %get3A_519, %get3A_523 : vector<16xf32>
        %mul3A_525 = arith.constant 2.000000e-01 : f32
        %mul3A_526 = vector.broadcast %mul3A_525 : f32 to vector<16xf32>
        %mul3A_527 = arith.mulf %mul3A_526, %add3A_524 : vector<16xf32>
        %max3A_528 = arith.maximumf %add3A_524, %mul3A_527 : vector<16xf32>
        %sub3A_529 = arith.subf %max3A_528, %get3A_20 : vector<16xf32>
        %exp3A_530 = math.exp %sub3A_529 : vector<16xf32>
        %swap3A_531 = arith.index_cast %add3A_455 : i32 to index
        %swap3A_532 = arith.constant 96 : index
        %swap3A_533 = tpu.vector_load %arg18[%swap3A_531, %swap3A_532] {strides = array<i32>} : memref<80x128xf32, #tpu.memory_space<vmem>>, vector<1x16xf32>,
        %swap3A_534 = vector.shape_cast %swap3A_533 : vector<1x16xf32> to vector<16xf32>
        %swap3A_535 = vector.shape_cast %exp3A_530 : vector<16xf32> to vector<1x16xf32>
        tpu.vector_store %arg18[%swap3A_531, %swap3A_532], %swap3A_535 {strides = array<i32>} : memref<80x128xf32, #tpu.memory_space<vmem>>, vector<1x16xf32>,
        %get3A_536 = arith.index_cast %add3A_455 : i32 to index
        %get3A_537 = arith.constant 32 : index
        %get3A_538 = tpu.vector_load %arg18[%get3A_536, %get3A_537] {strides = array<i32>} : memref<80x128xf32, #tpu.memory_space<vmem>>, vector<1x16xf32>,
        %get3A_539 = vector.shape_cast %get3A_538 : vector<1x16xf32> to vector<16xf32>
        %mul3A_540 = arith.mulf %get3A_539, %exp3A_530 : vector<16xf32>
        %swap3A_541 = arith.index_cast %add3A_455 : i32 to index
        %swap3A_542 = arith.constant 32 : index
        %swap3A_543 = tpu.vector_load %arg18[%swap3A_541, %swap3A_542] {strides = array<i32>} : memref<80x128xf32, #tpu.memory_space<vmem>>, vector<1x16xf32>,
        %swap3A_544 = vector.shape_cast %swap3A_543 : vector<1x16xf32> to vector<16xf32>
        %swap3A_545 = vector.shape_cast %mul3A_540 : vector<16xf32> to vector<1x16xf32>
        tpu.vector_store %arg18[%swap3A_541, %swap3A_542], %swap3A_545 {strides = array<i32>} : memref<80x128xf32, #tpu.memory_space<vmem>>, vector<1x16xf32>,
        %get3A_546 = arith.index_cast %add3A_455 : i32 to index
        %get3A_547 = arith.constant 112 : index
        %get3A_548 = tpu.vector_load %arg18[%get3A_546, %get3A_547] {strides = array<i32>} : memref<80x128xf32, #tpu.memory_space<vmem>>, vector<1x16xf32>,
        %get3A_549 = vector.shape_cast %get3A_548 : vector<1x16xf32> to vector<16xf32>
        %get3A_550 = arith.index_cast %add3A_455 : i32 to index
        %get3A_551 = arith.constant 48 : index
        %get3A_552 = tpu.vector_load %arg19[%get3A_550, %get3A_551] {strides = array<i32>} : memref<80x128xf32, #tpu.memory_space<vmem>>, vector<1x16xf32>,
        %get3A_553 = vector.shape_cast %get3A_552 : vector<1x16xf32> to vector<16xf32>
        %add3A_554 = arith.addf %get3A_549, %get3A_553 : vector<16xf32>
        %mul3A_555 = arith.constant 2.000000e-01 : f32
        %mul3A_556 = vector.broadcast %mul3A_555 : f32 to vector<16xf32>
        %mul3A_557 = arith.mulf %mul3A_556, %add3A_554 : vector<16xf32>
        %max3A_558 = arith.maximumf %add3A_554, %mul3A_557 : vector<16xf32>
        %sub3A_559 = arith.subf %max3A_558, %get3A_23 : vector<16xf32>
        %exp3A_560 = math.exp %sub3A_559 : vector<16xf32>
        %swap3A_561 = arith.index_cast %add3A_455 : i32 to index
        %swap3A_562 = arith.constant 112 : index
        %swap3A_563 = tpu.vector_load %arg18[%swap3A_561, %swap3A_562] {strides = array<i32>} : memref<80x128xf32, #tpu.memory_space<vmem>>, vector<1x16xf32>,
        %swap3A_564 = vector.shape_cast %swap3A_563 : vector<1x16xf32> to vector<16xf32>
        %swap3A_565 = vector.shape_cast %exp3A_560 : vector<16xf32> to vector<1x16xf32>
        tpu.vector_store %arg18[%swap3A_561, %swap3A_562], %swap3A_565 {strides = array<i32>} : memref<80x128xf32, #tpu.memory_space<vmem>>, vector<1x16xf32>,
        %get3A_566 = arith.index_cast %add3A_455 : i32 to index
        %get3A_567 = arith.constant 48 : index
        %get3A_568 = tpu.vector_load %arg18[%get3A_566, %get3A_567] {strides = array<i32>} : memref<80x128xf32, #tpu.memory_space<vmem>>, vector<1x16xf32>,
        %get3A_569 = vector.shape_cast %get3A_568 : vector<1x16xf32> to vector<16xf32>
        %mul3A_570 = arith.mulf %get3A_569, %exp3A_560 : vector<16xf32>
        %swap3A_571 = arith.index_cast %add3A_455 : i32 to index
        %swap3A_572 = arith.constant 48 : index
        %swap3A_573 = tpu.vector_load %arg18[%swap3A_571, %swap3A_572] {strides = array<i32>} : memref<80x128xf32, #tpu.memory_space<vmem>>, vector<1x16xf32>,
        %swap3A_574 = vector.shape_cast %swap3A_573 : vector<1x16xf32> to vector<16xf32>
        %swap3A_575 = vector.shape_cast %mul3A_570 : vector<16xf32> to vector<1x16xf32>
        tpu.vector_store %arg18[%swap3A_571, %swap3A_572], %swap3A_575 {strides = array<i32>} : memref<80x128xf32, #tpu.memory_space<vmem>>, vector<1x16xf32>,
        %mul3A_576 = arith.constant 4 : i32
        %mul3A_577 = arith.muli %mul3A_576, %scan3A_206 : i32
        %add3A_578 = arith.constant 3 : i32
        %add3A_579 = arith.addi %mul3A_577, %add3A_578 : i32
        %get3A_580 = arith.index_cast %add3A_579 : i32 to index
        %get3A_581 = arith.constant 64 : index
        %get3A_582 = tpu.vector_load %arg18[%get3A_580, %get3A_581] {strides = array<i32>} : memref<80x128xf32, #tpu.memory_space<vmem>>, vector<1x16xf32>,
        %get3A_583 = vector.shape_cast %get3A_582 : vector<1x16xf32> to vector<16xf32>
        %get3A_584 = arith.index_cast %add3A_579 : i32 to index
        %get3A_585 = arith.constant 0 : index
        %get3A_586 = tpu.vector_load %arg19[%get3A_584, %get3A_585] {strides = array<i32>} : memref<80x128xf32, #tpu.memory_space<vmem>>, vector<1x16xf32>,
        %get3A_587 = vector.shape_cast %get3A_586 : vector<1x16xf32> to vector<16xf32>
        %add3A_588 = arith.addf %get3A_583, %get3A_587 : vector<16xf32>
        %mul3A_589 = arith.constant 2.000000e-01 : f32
        %mul3A_590 = vector.broadcast %mul3A_589 : f32 to vector<16xf32>
        %mul3A_591 = arith.mulf %mul3A_590, %add3A_588 : vector<16xf32>
        %max3A_592 = arith.maximumf %add3A_588, %mul3A_591 : vector<16xf32>
        %sub3A_593 = arith.subf %max3A_592, %get3A_14 : vector<16xf32>
        %exp3A_594 = math.exp %sub3A_593 : vector<16xf32>
        %swap3A_595 = arith.index_cast %add3A_579 : i32 to index
        %swap3A_596 = arith.constant 64 : index
        %swap3A_597 = tpu.vector_load %arg18[%swap3A_595, %swap3A_596] {strides = array<i32>} : memref<80x128xf32, #tpu.memory_space<vmem>>, vector<1x16xf32>,
        %swap3A_598 = vector.shape_cast %swap3A_597 : vector<1x16xf32> to vector<16xf32>
        %swap3A_599 = vector.shape_cast %exp3A_594 : vector<16xf32> to vector<1x16xf32>
        tpu.vector_store %arg18[%swap3A_595, %swap3A_596], %swap3A_599 {strides = array<i32>} : memref<80x128xf32, #tpu.memory_space<vmem>>, vector<1x16xf32>,
        %get3A_600 = arith.index_cast %add3A_579 : i32 to index
        %get3A_601 = arith.constant 0 : index
        %get3A_602 = tpu.vector_load %arg18[%get3A_600, %get3A_601] {strides = array<i32>} : memref<80x128xf32, #tpu.memory_space<vmem>>, vector<1x16xf32>,
        %get3A_603 = vector.shape_cast %get3A_602 : vector<1x16xf32> to vector<16xf32>
        %mul3A_604 = arith.mulf %get3A_603, %exp3A_594 : vector<16xf32>
        %swap3A_605 = arith.index_cast %add3A_579 : i32 to index
        %swap3A_606 = arith.constant 0 : index
        %swap3A_607 = tpu.vector_load %arg18[%swap3A_605, %swap3A_606] {strides = array<i32>} : memref<80x128xf32, #tpu.memory_space<vmem>>, vector<1x16xf32>,
        %swap3A_608 = vector.shape_cast %swap3A_607 : vector<1x16xf32> to vector<16xf32>
        %swap3A_609 = vector.shape_cast %mul3A_604 : vector<16xf32> to vector<1x16xf32>
        tpu.vector_store %arg18[%swap3A_605, %swap3A_606], %swap3A_609 {strides = array<i32>} : memref<80x128xf32, #tpu.memory_space<vmem>>, vector<1x16xf32>,
        %get3A_610 = arith.index_cast %add3A_579 : i32 to index
        %get3A_611 = arith.constant 80 : index
        %get3A_612 = tpu.vector_load %arg18[%get3A_610, %get3A_611] {strides = array<i32>} : memref<80x128xf32, #tpu.memory_space<vmem>>, vector<1x16xf32>,
        %get3A_613 = vector.shape_cast %get3A_612 : vector<1x16xf32> to vector<16xf32>
        %get3A_614 = arith.index_cast %add3A_579 : i32 to index
        %get3A_615 = arith.constant 16 : index
        %get3A_616 = tpu.vector_load %arg19[%get3A_614, %get3A_615] {strides = array<i32>} : memref<80x128xf32, #tpu.memory_space<vmem>>, vector<1x16xf32>,
        %get3A_617 = vector.shape_cast %get3A_616 : vector<1x16xf32> to vector<16xf32>
        %add3A_618 = arith.addf %get3A_613, %get3A_617 : vector<16xf32>
        %mul3A_619 = arith.constant 2.000000e-01 : f32
        %mul3A_620 = vector.broadcast %mul3A_619 : f32 to vector<16xf32>
        %mul3A_621 = arith.mulf %mul3A_620, %add3A_618 : vector<16xf32>
        %max3A_622 = arith.maximumf %add3A_618, %mul3A_621 : vector<16xf32>
        %sub3A_623 = arith.subf %max3A_622, %get3A_17 : vector<16xf32>
        %exp3A_624 = math.exp %sub3A_623 : vector<16xf32>
        %swap3A_625 = arith.index_cast %add3A_579 : i32 to index
        %swap3A_626 = arith.constant 80 : index
        %swap3A_627 = tpu.vector_load %arg18[%swap3A_625, %swap3A_626] {strides = array<i32>} : memref<80x128xf32, #tpu.memory_space<vmem>>, vector<1x16xf32>,
        %swap3A_628 = vector.shape_cast %swap3A_627 : vector<1x16xf32> to vector<16xf32>
        %swap3A_629 = vector.shape_cast %exp3A_624 : vector<16xf32> to vector<1x16xf32>
        tpu.vector_store %arg18[%swap3A_625, %swap3A_626], %swap3A_629 {strides = array<i32>} : memref<80x128xf32, #tpu.memory_space<vmem>>, vector<1x16xf32>,
        %get3A_630 = arith.index_cast %add3A_579 : i32 to index
        %get3A_631 = arith.constant 16 : index
        %get3A_632 = tpu.vector_load %arg18[%get3A_630, %get3A_631] {strides = array<i32>} : memref<80x128xf32, #tpu.memory_space<vmem>>, vector<1x16xf32>,
        %get3A_633 = vector.shape_cast %get3A_632 : vector<1x16xf32> to vector<16xf32>
        %mul3A_634 = arith.mulf %get3A_633, %exp3A_624 : vector<16xf32>
        %swap3A_635 = arith.index_cast %add3A_579 : i32 to index
        %swap3A_636 = arith.constant 16 : index
        %swap3A_637 = tpu.vector_load %arg18[%swap3A_635, %swap3A_636] {strides = array<i32>} : memref<80x128xf32, #tpu.memory_space<vmem>>, vector<1x16xf32>,
        %swap3A_638 = vector.shape_cast %swap3A_637 : vector<1x16xf32> to vector<16xf32>
        %swap3A_639 = vector.shape_cast %mul3A_634 : vector<16xf32> to vector<1x16xf32>
        tpu.vector_store %arg18[%swap3A_635, %swap3A_636], %swap3A_639 {strides = array<i32>} : memref<80x128xf32, #tpu.memory_space<vmem>>, vector<1x16xf32>,
        %get3A_640 = arith.index_cast %add3A_579 : i32 to index
        %get3A_641 = arith.constant 96 : index
        %get3A_642 = tpu.vector_load %arg18[%get3A_640, %get3A_641] {strides = array<i32>} : memref<80x128xf32, #tpu.memory_space<vmem>>, vector<1x16xf32>,
        %get3A_643 = vector.shape_cast %get3A_642 : vector<1x16xf32> to vector<16xf32>
        %get3A_644 = arith.index_cast %add3A_579 : i32 to index
        %get3A_645 = arith.constant 32 : index
        %get3A_646 = tpu.vector_load %arg19[%get3A_644, %get3A_645] {strides = array<i32>} : memref<80x128xf32, #tpu.memory_space<vmem>>, vector<1x16xf32>,
        %get3A_647 = vector.shape_cast %get3A_646 : vector<1x16xf32> to vector<16xf32>
        %add3A_648 = arith.addf %get3A_643, %get3A_647 : vector<16xf32>
        %mul3A_649 = arith.constant 2.000000e-01 : f32
        %mul3A_650 = vector.broadcast %mul3A_649 : f32 to vector<16xf32>
        %mul3A_651 = arith.mulf %mul3A_650, %add3A_648 : vector<16xf32>
        %max3A_652 = arith.maximumf %add3A_648, %mul3A_651 : vector<16xf32>
        %sub3A_653 = arith.subf %max3A_652, %get3A_20 : vector<16xf32>
        %exp3A_654 = math.exp %sub3A_653 : vector<16xf32>
        %swap3A_655 = arith.index_cast %add3A_579 : i32 to index
        %swap3A_656 = arith.constant 96 : index
        %swap3A_657 = tpu.vector_load %arg18[%swap3A_655, %swap3A_656] {strides = array<i32>} : memref<80x128xf32, #tpu.memory_space<vmem>>, vector<1x16xf32>,
        %swap3A_658 = vector.shape_cast %swap3A_657 : vector<1x16xf32> to vector<16xf32>
        %swap3A_659 = vector.shape_cast %exp3A_654 : vector<16xf32> to vector<1x16xf32>
        tpu.vector_store %arg18[%swap3A_655, %swap3A_656], %swap3A_659 {strides = array<i32>} : memref<80x128xf32, #tpu.memory_space<vmem>>, vector<1x16xf32>,
        %get3A_660 = arith.index_cast %add3A_579 : i32 to index
        %get3A_661 = arith.constant 32 : index
        %get3A_662 = tpu.vector_load %arg18[%get3A_660, %get3A_661] {strides = array<i32>} : memref<80x128xf32, #tpu.memory_space<vmem>>, vector<1x16xf32>,
        %get3A_663 = vector.shape_cast %get3A_662 : vector<1x16xf32> to vector<16xf32>
        %mul3A_664 = arith.mulf %get3A_663, %exp3A_654 : vector<16xf32>
        %swap3A_665 = arith.index_cast %add3A_579 : i32 to index
        %swap3A_666 = arith.constant 32 : index
        %swap3A_667 = tpu.vector_load %arg18[%swap3A_665, %swap3A_666] {strides = array<i32>} : memref<80x128xf32, #tpu.memory_space<vmem>>, vector<1x16xf32>,
        %swap3A_668 = vector.shape_cast %swap3A_667 : vector<1x16xf32> to vector<16xf32>
        %swap3A_669 = vector.shape_cast %mul3A_664 : vector<16xf32> to vector<1x16xf32>
        tpu.vector_store %arg18[%swap3A_665, %swap3A_666], %swap3A_669 {strides = array<i32>} : memref<80x128xf32, #tpu.memory_space<vmem>>, vector<1x16xf32>,
        %get3A_670 = arith.index_cast %add3A_579 : i32 to index
        %get3A_671 = arith.constant 112 : index
        %get3A_672 = tpu.vector_load %arg18[%get3A_670, %get3A_671] {strides = array<i32>} : memref<80x128xf32, #tpu.memory_space<vmem>>, vector<1x16xf32>,
        %get3A_673 = vector.shape_cast %get3A_672 : vector<1x16xf32> to vector<16xf32>
        %get3A_674 = arith.index_cast %add3A_579 : i32 to index
        %get3A_675 = arith.constant 48 : index
        %get3A_676 = tpu.vector_load %arg19[%get3A_674, %get3A_675] {strides = array<i32>} : memref<80x128xf32, #tpu.memory_space<vmem>>, vector<1x16xf32>,
        %get3A_677 = vector.shape_cast %get3A_676 : vector<1x16xf32> to vector<16xf32>
        %add3A_678 = arith.addf %get3A_673, %get3A_677 : vector<16xf32>
        %mul3A_679 = arith.constant 2.000000e-01 : f32
        %mul3A_680 = vector.broadcast %mul3A_679 : f32 to vector<16xf32>
        %mul3A_681 = arith.mulf %mul3A_680, %add3A_678 : vector<16xf32>
        %max3A_682 = arith.maximumf %add3A_678, %mul3A_681 : vector<16xf32>
        %sub3A_683 = arith.subf %max3A_682, %get3A_23 : vector<16xf32>
        %exp3A_684 = math.exp %sub3A_683 : vector<16xf32>
        %swap3A_685 = arith.index_cast %add3A_579 : i32 to index
        %swap3A_686 = arith.constant 112 : index
        %swap3A_687 = tpu.vector_load %arg18[%swap3A_685, %swap3A_686] {strides = array<i32>} : memref<80x128xf32, #tpu.memory_space<vmem>>, vector<1x16xf32>,
        %swap3A_688 = vector.shape_cast %swap3A_687 : vector<1x16xf32> to vector<16xf32>
        %swap3A_689 = vector.shape_cast %exp3A_684 : vector<16xf32> to vector<1x16xf32>
        tpu.vector_store %arg18[%swap3A_685, %swap3A_686], %swap3A_689 {strides = array<i32>} : memref<80x128xf32, #tpu.memory_space<vmem>>, vector<1x16xf32>,
        %get3A_690 = arith.index_cast %add3A_579 : i32 to index
        %get3A_691 = arith.constant 48 : index
        %get3A_692 = tpu.vector_load %arg18[%get3A_690, %get3A_691] {strides = array<i32>} : memref<80x128xf32, #tpu.memory_space<vmem>>, vector<1x16xf32>,
        %get3A_693 = vector.shape_cast %get3A_692 : vector<1x16xf32> to vector<16xf32>
        %mul3A_694 = arith.mulf %get3A_693, %exp3A_684 : vector<16xf32>
        %swap3A_695 = arith.index_cast %add3A_579 : i32 to index
        %swap3A_696 = arith.constant 48 : index
        %swap3A_697 = tpu.vector_load %arg18[%swap3A_695, %swap3A_696] {strides = array<i32>} : memref<80x128xf32, #tpu.memory_space<vmem>>, vector<1x16xf32>,
        %swap3A_698 = vector.shape_cast %swap3A_697 : vector<1x16xf32> to vector<16xf32>
        %swap3A_699 = vector.shape_cast %mul3A_694 : vector<16xf32> to vector<1x16xf32>
        tpu.vector_store %arg18[%swap3A_695, %swap3A_696], %swap3A_699 {strides = array<i32>} : memref<80x128xf32, #tpu.memory_space<vmem>>, vector<1x16xf32>,
      }
      %scan3A_205 = arith.constant 20 : i32
      "tpu.region"() ({
        %run_scoped3A = tpu.sem_alloc : memref<!tpu.dma_semaphore, #tpu.memory_space<semaphore_mem>>
        %dma_start3A_206 = arith.constant 0 : i32
        %dma_start3A_207 = arith.constant 0 : i32
        %dma_start3A_208 = tpu.memref_slice %arg21[%dma_start3A_206, %dma_start3A_207] : memref<10000x128xf32, #tpu.memory_space<vmem_shared>> -> memref<10000x128xf32, #tpu.memory_space<vmem_shared>>
        tpu.enqueue_indirect_dma source(%arg18 : memref<80x128xf32, #tpu.memory_space<vmem>>) target(%dma_start3A_208 : memref<10000x128xf32, #tpu.memory_space<vmem_shared>>) offsets(%arg15 : memref<80xi32, #tpu.memory_space<vmem>>) semaphore(%run_scoped3A : memref<!tpu.dma_semaphore, #tpu.memory_space<semaphore_mem>>) {add = true}
        %dma_wait3A_209 = arith.constant 0 : i32
        %dma_wait3A_210 = arith.constant 0 : i32
        %dma_wait3A_211 = tpu.memref_slice %arg21[%dma_wait3A_209, %dma_wait3A_210] : memref<10000x128xf32, #tpu.memory_space<vmem_shared>> -> memref<10000x128xf32, #tpu.memory_space<vmem_shared>>
        tpu.wait_indirect_dma semaphore(%run_scoped3A : memref<!tpu.dma_semaphore, #tpu.memory_space<semaphore_mem>>) src(%arg18 : memref<80x128xf32, #tpu.memory_space<vmem>>) dst(%dma_wait3A_211 : memref<10000x128xf32, #tpu.memory_space<vmem_shared>>)
        tpu.yield
      }) : () -> ()
    }
    %scan3A_151 = arith.constant 125 : i32
    %barrier3A_152 = arith.constant 0 : index
    tpu.barrier barrier_id(%barrier3A_152)
    %ne3A_153 = arith.constant 15 : i32
    %ne3A_154 = arith.cmpi ne, %arg1, %ne3A_153 : i32
    %convert_element_type3A_155 = arith.extui %ne3A_154 : i1 to i32
    %cond3A_156 = arith.constant 0 : i32
    %cond3A_157 = arith.cmpi ne, %convert_element_type3A_155, %cond3A_156 : i32
    scf.if %cond3A_157 {
      %mul3A_163 = arith.constant 10000 : i32
      %mul3A_164 = arith.muli %arg0, %mul3A_163 : i32
      %add3A_165 = arith.addi %mul3A_164, %mul3A_0 : i32
      "tpu.region"() ({
        %run_scoped3A = tpu.sem_alloc : memref<!tpu.dma_semaphore, #tpu.memory_space<semaphore_mem>>
        %dma_start3A_166 = arith.constant 0 : i32
        %dma_start3A_167 = tpu.memref_slice %arg7[%add3A_165, %dma_start3A_166] : memref<20000x128xf32, #tpu.memory_space<hbm>> -> memref<632x128xf32, #tpu.memory_space<hbm>>
        %dma_start3A_168 = arith.constant 0 : i32
        %dma_start3A_169 = tpu.memref_slice %arg21[%mul3A_0, %dma_start3A_168] : memref<10000x128xf32, #tpu.memory_space<vmem_shared>> -> memref<632x128xf32, #tpu.memory_space<vmem_shared>>
        tpu.enqueue_dma source(%dma_start3A_169 : memref<632x128xf32, #tpu.memory_space<vmem_shared>>) target(%dma_start3A_167 : memref<632x128xf32, #tpu.memory_space<hbm>>) target_semaphore(%run_scoped3A : memref<!tpu.dma_semaphore, #tpu.memory_space<semaphore_mem>>)
        %dma_wait3A = arith.constant 0 : i32
        %dma_wait3A_170 = tpu.memref_slice %arg7[%add3A_165, %dma_wait3A] : memref<20000x128xf32, #tpu.memory_space<hbm>> -> memref<632x128xf32, #tpu.memory_space<hbm>>
        %dma_wait3A_171 = arith.constant 0 : i32
        %dma_wait3A_172 = tpu.memref_slice %arg21[%mul3A_0, %dma_wait3A_171] : memref<10000x128xf32, #tpu.memory_space<vmem_shared>> -> memref<632x128xf32, #tpu.memory_space<vmem_shared>>
        tpu.wait_dma2 semaphore(%run_scoped3A : memref<!tpu.dma_semaphore, #tpu.memory_space<semaphore_mem>>) src(%dma_wait3A_172 : memref<632x128xf32, #tpu.memory_space<vmem_shared>>) dst(%dma_wait3A_170 : memref<632x128xf32, #tpu.memory_space<hbm>>)
        tpu.yield
      }) : () -> ()
    } else {
    }
    %eq3A_158 = arith.constant 15 : i32
    %eq3A_159 = arith.cmpi eq, %arg1, %eq3A_158 : i32
    %convert_element_type3A_160 = arith.extui %eq3A_159 : i1 to i32
    %cond3A_161 = arith.constant 0 : i32
    %cond3A_162 = arith.cmpi ne, %convert_element_type3A_160, %cond3A_161 : i32
    scf.if %cond3A_162 {
      %mul3A_163 = arith.constant 10000 : i32
      %mul3A_164 = arith.muli %arg0, %mul3A_163 : i32
      %add3A_165 = arith.addi %mul3A_164, %mul3A_0 : i32
      "tpu.region"() ({
        %run_scoped3A = tpu.sem_alloc : memref<!tpu.dma_semaphore, #tpu.memory_space<semaphore_mem>>
        %dma_start3A_166 = arith.constant 0 : i32
        %dma_start3A_167 = tpu.memref_slice %arg7[%add3A_165, %dma_start3A_166] : memref<20000x128xf32, #tpu.memory_space<hbm>> -> memref<520x128xf32, #tpu.memory_space<hbm>>
        %dma_start3A_168 = arith.constant 0 : i32
        %dma_start3A_169 = tpu.memref_slice %arg21[%mul3A_0, %dma_start3A_168] : memref<10000x128xf32, #tpu.memory_space<vmem_shared>> -> memref<520x128xf32, #tpu.memory_space<vmem_shared>>
        tpu.enqueue_dma source(%dma_start3A_169 : memref<520x128xf32, #tpu.memory_space<vmem_shared>>) target(%dma_start3A_167 : memref<520x128xf32, #tpu.memory_space<hbm>>) target_semaphore(%run_scoped3A : memref<!tpu.dma_semaphore, #tpu.memory_space<semaphore_mem>>)
        %dma_wait3A = arith.constant 0 : i32
        %dma_wait3A_170 = tpu.memref_slice %arg7[%add3A_165, %dma_wait3A] : memref<20000x128xf32, #tpu.memory_space<hbm>> -> memref<520x128xf32, #tpu.memory_space<hbm>>
        %dma_wait3A_171 = arith.constant 0 : i32
        %dma_wait3A_172 = tpu.memref_slice %arg21[%mul3A_0, %dma_wait3A_171] : memref<10000x128xf32, #tpu.memory_space<vmem_shared>> -> memref<520x128xf32, #tpu.memory_space<vmem_shared>>
        tpu.wait_dma2 semaphore(%run_scoped3A : memref<!tpu.dma_semaphore, #tpu.memory_space<semaphore_mem>>) src(%dma_wait3A_172 : memref<520x128xf32, #tpu.memory_space<vmem_shared>>) dst(%dma_wait3A_170 : memref<520x128xf32, #tpu.memory_space<hbm>>)
        tpu.yield
      }) : () -> ()
    } else {
    }
    return
  }
}

module attributes {stable_mosaic.version = 14 : i64} {
  func.func @_k1_body(%arg0: memref<10000x128xf32, #tpu.memory_space<vmem>>, %arg1: memref<128x80xf32, #tpu.memory_space<vmem>>, %arg2: memref<8x64xf32, #tpu.memory_space<vmem>>, %arg3: memref<10000x128xf32, #tpu.memory_space<vmem>>, %arg4: memref<10000x128xf32, #tpu.memory_space<vmem>>, %arg5: memref<20000x128xf32, #tpu.memory_space<vmem>>, %arg6: memref<1x128xf32, #tpu.memory_space<vmem>>) attributes {dimension_semantics = [], scalar_prefetch = 0 : i64, scratch_operands = 0 : i64, tpu.core_type = #tpu.core_type<tc>} {
    %get3A = arith.constant 0 : index
    %get3A_0 = arith.constant 0 : index
    %get3A_1 = vector.load %arg0[%get3A, %get3A_0] : memref<10000x128xf32, #tpu.memory_space<vmem>>, vector<10000x128xf32>
    %get3A_2 = arith.constant 0 : index
    %get3A_3 = arith.constant 0 : index
    %get3A_4 = vector.load %arg1[%get3A_2, %get3A_3] : memref<128x80xf32, #tpu.memory_space<vmem>>, vector<128x80xf32>
    %dot_general3A = arith.constant dense<0.000000e+00> : vector<10000x80xf32>
    %dot_general3A_5 = tpu.matmul %get3A_1, %get3A_4, %dot_general3A {dimension_numbers = #tpu.dot_dimension_numbers<[1], [0], [0], [1], [0, 0, 1, 1], [], []>, transpose_lhs_hint = false} : vector<10000x128xf32>, vector<128x80xf32>, vector<10000x80xf32> -> vector<10000x80xf32>
    %slice3A = vector.extract_strided_slice %dot_general3A_5 {offsets = [0, 0], sizes = [10000, 64], strides = [1, 1]} : vector<10000x80xf32> to vector<10000x64xf32>
    %slice3A_6 = vector.extract_strided_slice %dot_general3A_5 {offsets = [0, 64], sizes = [10000, 8], strides = [1, 1]} : vector<10000x80xf32> to vector<10000x8xf32>
    %slice3A_7 = vector.extract_strided_slice %dot_general3A_5 {offsets = [0, 72], sizes = [10000, 8], strides = [1, 1]} : vector<10000x80xf32> to vector<10000x8xf32>
    %reduce_max3A = arith.constant dense<0xFF800000> : vector<8xf32>
    %reduce_max3A_8 = vector.multi_reduction <maximumf>, %slice3A_6, %reduce_max3A [0] : vector<10000x8xf32> to vector<8xf32>
    %reduce_max3A_9 = arith.constant dense<0xFF800000> : vector<8xf32>
    %reduce_max3A_10 = vector.multi_reduction <maximumf>, %slice3A_7, %reduce_max3A_9 [0] : vector<10000x8xf32> to vector<8xf32>
    %add3A = arith.addf %reduce_max3A_8, %reduce_max3A_10 : vector<8xf32>
    %max3A = arith.constant 0.000000e+00 : f32
    %max3A_11 = vector.broadcast %max3A : f32 to vector<8xf32>
    %max3A_12 = arith.maximumf %add3A, %max3A_11 : vector<8xf32>
    %get3A_13 = arith.constant 0 : index
    %get3A_14 = arith.constant 0 : index
    %get3A_15 = vector.load %arg2[%get3A_13, %get3A_14] : memref<8x64xf32, #tpu.memory_space<vmem>>, vector<8x64xf32>
    %add3A_16 = arith.addf %slice3A_6, %slice3A_7 : vector<10000x8xf32>
    %mul3A = arith.constant 2.000000e-01 : f32
    %mul3A_17 = vector.broadcast %mul3A : f32 to vector<10000x8xf32>
    %mul3A_18 = arith.mulf %mul3A_17, %add3A_16 : vector<10000x8xf32>
    %max3A_19 = arith.maximumf %add3A_16, %mul3A_18 : vector<10000x8xf32>
    %broadcast_in_dim3A = vector.shape_cast %max3A_12 : vector<8xf32> to vector<1x8xf32>
    %sub3A = vector.broadcast %broadcast_in_dim3A : vector<1x8xf32> to vector<10000x8xf32>
    %sub3A_20 = arith.subf %max3A_19, %sub3A : vector<10000x8xf32>
    %exp3A = math.exp %sub3A_20 : vector<10000x8xf32>
    %dot_general3A_21 = arith.constant dense<0.000000e+00> : vector<10000x64xf32>
    %dot_general3A_22 = tpu.matmul %exp3A, %get3A_15, %dot_general3A_21 {dimension_numbers = #tpu.dot_dimension_numbers<[1], [0], [0], [1], [0, 0, 1, 1], [], []>, transpose_lhs_hint = false} : vector<10000x8xf32>, vector<8x64xf32>, vector<10000x64xf32> -> vector<10000x64xf32>
    %dot_general3A_23 = arith.constant dense<0.000000e+00> : vector<10000x64xf32>
    %dot_general3A_24 = tpu.matmul %slice3A_7, %get3A_15, %dot_general3A_23 {dimension_numbers = #tpu.dot_dimension_numbers<[1], [0], [0], [1], [0, 0, 1, 1], [], []>, transpose_lhs_hint = false} : vector<10000x8xf32>, vector<8x64xf32>, vector<10000x64xf32> -> vector<10000x64xf32>
    %mul3A_25 = arith.mulf %slice3A, %dot_general3A_22 : vector<10000x64xf32>
    %concatenate3A = tpu.concatenate %mul3A_25, %dot_general3A_22 in 1 : vector<10000x64xf32>, vector<10000x64xf32> -> vector<10000x128xf32>
    %dot_general3A_26 = arith.constant dense<0.000000e+00> : vector<10000x64xf32>
    %dot_general3A_27 = tpu.matmul %slice3A_6, %get3A_15, %dot_general3A_26 {dimension_numbers = #tpu.dot_dimension_numbers<[1], [0], [0], [1], [0, 0, 1, 1], [], []>, transpose_lhs_hint = false} : vector<10000x8xf32>, vector<8x64xf32>, vector<10000x64xf32> -> vector<10000x64xf32>
    %concatenate3A_28 = tpu.concatenate %slice3A, %dot_general3A_27 in 1 : vector<10000x64xf32>, vector<10000x64xf32> -> vector<10000x128xf32>
    %swap3A = arith.constant 0 : index
    %swap3A_29 = arith.constant 0 : index
    %swap3A_30 = vector.load %arg3[%swap3A, %swap3A_29] : memref<10000x128xf32, #tpu.memory_space<vmem>>, vector<10000x128xf32>
    tpu.vector_store %arg3[%swap3A, %swap3A_29], %concatenate3A_28 {strides = array<i32>} : memref<10000x128xf32, #tpu.memory_space<vmem>>, vector<10000x128xf32>,
    %concatenate3A_31 = tpu.concatenate %dot_general3A_24, %dot_general3A_24 in 1 : vector<10000x64xf32>, vector<10000x64xf32> -> vector<10000x128xf32>
    %swap3A_32 = arith.constant 0 : index
    %swap3A_33 = arith.constant 0 : index
    %swap3A_34 = vector.load %arg4[%swap3A_32, %swap3A_33] : memref<10000x128xf32, #tpu.memory_space<vmem>>, vector<10000x128xf32>
    tpu.vector_store %arg4[%swap3A_32, %swap3A_33], %concatenate3A_31 {strides = array<i32>} : memref<10000x128xf32, #tpu.memory_space<vmem>>, vector<10000x128xf32>,
    %broadcast_in_dim3A_35 = arith.constant 0.000000e+00 : f32
    %broadcast_in_dim3A_36 = vector.broadcast %broadcast_in_dim3A_35 : f32 to vector<10000x128xf32>
    %concatenate3A_37 = tpu.concatenate %concatenate3A, %broadcast_in_dim3A_36 in 0 : vector<10000x128xf32>, vector<10000x128xf32> -> vector<20000x128xf32>
    %swap3A_38 = arith.constant 0 : index
    %swap3A_39 = arith.constant 0 : index
    %swap3A_40 = vector.load %arg5[%swap3A_38, %swap3A_39] : memref<20000x128xf32, #tpu.memory_space<vmem>>, vector<20000x128xf32>
    tpu.vector_store %arg5[%swap3A_38, %swap3A_39], %concatenate3A_37 {strides = array<i32>} : memref<20000x128xf32, #tpu.memory_space<vmem>>, vector<20000x128xf32>,
    %reshape3A = vector.shape_cast %max3A_12 : vector<8xf32> to vector<1x8xf32>
    %dot_general3A_41 = arith.constant dense<0.000000e+00> : vector<1x64xf32>
    %dot_general3A_42 = tpu.matmul %reshape3A, %get3A_15, %dot_general3A_41 {dimension_numbers = #tpu.dot_dimension_numbers<[1], [0], [0], [1], [0, 0, 1, 1], [], []>, transpose_lhs_hint = false} : vector<1x8xf32>, vector<8x64xf32>, vector<1x64xf32> -> vector<1x64xf32>
    %concatenate3A_43 = tpu.concatenate %dot_general3A_42, %dot_general3A_42 in 1 : vector<1x64xf32>, vector<1x64xf32> -> vector<1x128xf32>
    %swap3A_44 = arith.constant 0 : index
    %swap3A_45 = arith.constant 0 : index
    %swap3A_46 = vector.load %arg6[%swap3A_44, %swap3A_45] : memref<1x128xf32, #tpu.memory_space<vmem>>, vector<1x128xf32>
    tpu.vector_store %arg6[%swap3A_44, %swap3A_45], %concatenate3A_43 {strides = array<i32>} : memref<1x128xf32, #tpu.memory_space<vmem>>, vector<1x128xf32>,
    return
  }
}

module attributes {stable_mosaic.version = 14 : i64} {
  func.func @_k3a_body(%arg0: memref<20000x128xf32, #tpu.memory_space<vmem>>, %arg1: memref<1x64xf32, #tpu.memory_space<vmem>>, %arg2: memref<64x144xf32, #tpu.memory_space<vmem>>, %arg3: memref<64x64xf32, #tpu.memory_space<vmem>>, %arg4: memref<8x128xf32, #tpu.memory_space<vmem>>, %arg5: memref<10000x128xf32, #tpu.memory_space<vmem>>, %arg6: memref<10000x16xf32, #tpu.memory_space<vmem>>, %arg7: memref<1x8xf32, #tpu.memory_space<vmem>>, %arg8: memref<1x128xf32, #tpu.memory_space<vmem>>) attributes {dimension_semantics = [], scalar_prefetch = 0 : i64, scratch_operands = 0 : i64, tpu.core_type = #tpu.core_type<tc>} {
    %get3A = arith.constant 0 : index
    %get3A_0 = arith.constant 0 : index
    %get3A_1 = vector.load %arg0[%get3A, %get3A_0] : memref<20000x128xf32, #tpu.memory_space<vmem>>, vector<20000x128xf32>
    %slice3A = vector.extract_strided_slice %get3A_1 {offsets = [0, 0], sizes = [10000, 128], strides = [1, 1]} : vector<20000x128xf32> to vector<10000x128xf32>
    %slice3A_2 = vector.extract_strided_slice %get3A_1 {offsets = [10000, 0], sizes = [10000, 128], strides = [1, 1]} : vector<20000x128xf32> to vector<10000x128xf32>
    %add3A = arith.addf %slice3A, %slice3A_2 : vector<10000x128xf32>
    %slice3A_3 = vector.extract_strided_slice %add3A {offsets = [0, 0], sizes = [10000, 64], strides = [1, 1]} : vector<10000x128xf32> to vector<10000x64xf32>
    %slice3A_4 = vector.extract_strided_slice %add3A {offsets = [0, 64], sizes = [10000, 64], strides = [1, 1]} : vector<10000x128xf32> to vector<10000x64xf32>
    %get3A_5 = arith.constant 0 : index
    %get3A_6 = arith.constant 0 : index
    %get3A_7 = vector.load %arg3[%get3A_5, %get3A_6] : memref<64x64xf32, #tpu.memory_space<vmem>>, vector<64x64xf32>
    %dot_general3A = arith.constant dense<0.000000e+00> : vector<10000x64xf32>
    %dot_general3A_8 = tpu.matmul %slice3A_4, %get3A_7, %dot_general3A {dimension_numbers = #tpu.dot_dimension_numbers<[1], [0], [0], [1], [0, 0, 1, 1], [], []>, transpose_lhs_hint = false} : vector<10000x64xf32>, vector<64x64xf32>, vector<10000x64xf32> -> vector<10000x64xf32>
    %add3A_9 = arith.constant 1.000000e-16 : f32
    %add3A_10 = vector.broadcast %add3A_9 : f32 to vector<10000x64xf32>
    %add3A_11 = arith.addf %dot_general3A_8, %add3A_10 : vector<10000x64xf32>
    %div3A = arith.divf %slice3A_3, %add3A_11 : vector<10000x64xf32>
    %get3A_12 = arith.constant 0 : index
    %get3A_13 = arith.constant 0 : index
    %get3A_14 = vector.load %arg1[%get3A_12, %get3A_13] : memref<1x64xf32, #tpu.memory_space<vmem>>, vector<1x64xf32>
    %add3A_15 = vector.broadcast %get3A_14 : vector<1x64xf32> to vector<10000x64xf32>
    %add3A_16 = arith.addf %div3A, %add3A_15 : vector<10000x64xf32>
    %gt3A = arith.constant 0.000000e+00 : f32
    %gt3A_17 = vector.broadcast %gt3A : f32 to vector<10000x64xf32>
    %gt3A_18 = arith.cmpf ogt, %add3A_16, %gt3A_17 : vector<10000x64xf32>
    %min3A = arith.constant 0.000000e+00 : f32
    %min3A_19 = vector.broadcast %min3A : f32 to vector<10000x64xf32>
    %min3A_20 = arith.minimumf %add3A_16, %min3A_19 : vector<10000x64xf32>
    %exp3A = math.exp %min3A_20 : vector<10000x64xf32>
    %sub3A = arith.constant 1.000000e+00 : f32
    %sub3A_21 = vector.broadcast %sub3A : f32 to vector<10000x64xf32>
    %sub3A_22 = arith.subf %exp3A, %sub3A_21 : vector<10000x64xf32>
    %select_n3A = arith.select %gt3A_18, %add3A_16, %sub3A_22 : vector<10000x64xi1>, vector<10000x64xf32>
    %get3A_23 = arith.constant 0 : index
    %get3A_24 = arith.constant 0 : index
    %get3A_25 = vector.load %arg2[%get3A_23, %get3A_24] : memref<64x144xf32, #tpu.memory_space<vmem>>, vector<64x144xf32>
    %dot_general3A_26 = arith.constant dense<0.000000e+00> : vector<10000x144xf32>
    %dot_general3A_27 = tpu.matmul %select_n3A, %get3A_25, %dot_general3A_26 {dimension_numbers = #tpu.dot_dimension_numbers<[1], [0], [0], [1], [0, 0, 1, 1], [], []>, transpose_lhs_hint = false} : vector<10000x64xf32>, vector<64x144xf32>, vector<10000x144xf32> -> vector<10000x144xf32>
    %slice3A_28 = vector.extract_strided_slice %dot_general3A_27 {offsets = [0, 128], sizes = [10000, 8], strides = [1, 1]} : vector<10000x144xf32> to vector<10000x8xf32>
    %slice3A_29 = vector.extract_strided_slice %dot_general3A_27 {offsets = [0, 136], sizes = [10000, 8], strides = [1, 1]} : vector<10000x144xf32> to vector<10000x8xf32>
    %reduce_max3A = arith.constant dense<0xFF800000> : vector<8xf32>
    %reduce_max3A_30 = vector.multi_reduction <maximumf>, %slice3A_28, %reduce_max3A [0] : vector<10000x8xf32> to vector<8xf32>
    %reduce_max3A_31 = arith.constant dense<0xFF800000> : vector<8xf32>
    %reduce_max3A_32 = vector.multi_reduction <maximumf>, %slice3A_29, %reduce_max3A_31 [0] : vector<10000x8xf32> to vector<8xf32>
    %add3A_33 = arith.addf %reduce_max3A_30, %reduce_max3A_32 : vector<8xf32>
    %max3A = arith.constant 0.000000e+00 : f32
    %max3A_34 = vector.broadcast %max3A : f32 to vector<8xf32>
    %max3A_35 = arith.maximumf %add3A_33, %max3A_34 : vector<8xf32>
    %slice3A_36 = vector.extract_strided_slice %dot_general3A_27 {offsets = [0, 0], sizes = [10000, 128], strides = [1, 1]} : vector<10000x144xf32> to vector<10000x128xf32>
    %swap3A = arith.constant 0 : index
    %swap3A_37 = arith.constant 0 : index
    %swap3A_38 = vector.load %arg5[%swap3A, %swap3A_37] : memref<10000x128xf32, #tpu.memory_space<vmem>>, vector<10000x128xf32>
    tpu.vector_store %arg5[%swap3A, %swap3A_37], %slice3A_36 {strides = array<i32>} : memref<10000x128xf32, #tpu.memory_space<vmem>>, vector<10000x128xf32>,
    %concatenate3A = tpu.concatenate %slice3A_28, %slice3A_29 in 1 : vector<10000x8xf32>, vector<10000x8xf32> -> vector<10000x16xf32>
    %swap3A_39 = arith.constant 0 : index
    %swap3A_40 = arith.constant 0 : index
    %swap3A_41 = vector.load %arg6[%swap3A_39, %swap3A_40] : memref<10000x16xf32, #tpu.memory_space<vmem>>, vector<10000x16xf32>
    tpu.vector_store %arg6[%swap3A_39, %swap3A_40], %concatenate3A {strides = array<i32>} : memref<10000x16xf32, #tpu.memory_space<vmem>>, vector<10000x16xf32>,
    %reshape3A = vector.shape_cast %max3A_35 : vector<8xf32> to vector<1x8xf32>
    %swap3A_42 = arith.constant 0 : index
    %swap3A_43 = arith.constant 0 : index
    %swap3A_44 = vector.load %arg7[%swap3A_42, %swap3A_43] : memref<1x8xf32, #tpu.memory_space<vmem>>, vector<1x8xf32>
    tpu.vector_store %arg7[%swap3A_42, %swap3A_43], %reshape3A {strides = array<i32>} : memref<1x8xf32, #tpu.memory_space<vmem>>, vector<1x8xf32>,
    %reshape3A_45 = vector.shape_cast %max3A_35 : vector<8xf32> to vector<1x8xf32>
    %get3A_46 = arith.constant 0 : index
    %get3A_47 = arith.constant 0 : index
    %get3A_48 = vector.load %arg4[%get3A_46, %get3A_47] : memref<8x128xf32, #tpu.memory_space<vmem>>, vector<8x128xf32>
    %dot_general3A_49 = arith.constant dense<0.000000e+00> : vector<1x128xf32>
    %dot_general3A_50 = tpu.matmul %reshape3A_45, %get3A_48, %dot_general3A_49 {dimension_numbers = #tpu.dot_dimension_numbers<[1], [0], [0], [1], [0, 0, 1, 1], [], []>, transpose_lhs_hint = false} : vector<1x8xf32>, vector<8x128xf32>, vector<1x128xf32> -> vector<1x128xf32>
    %swap3A_51 = arith.constant 0 : index
    %swap3A_52 = arith.constant 0 : index
    %swap3A_53 = vector.load %arg8[%swap3A_51, %swap3A_52] : memref<1x128xf32, #tpu.memory_space<vmem>>, vector<1x128xf32>
    tpu.vector_store %arg8[%swap3A_51, %swap3A_52], %dot_general3A_50 {strides = array<i32>} : memref<1x128xf32, #tpu.memory_space<vmem>>, vector<1x128xf32>,
    return
  }
}

module attributes {stable_mosaic.version = 14 : i64} {
  func.func @_k3b_body(%arg0: i32, %arg1: memref<2000x128xf32, #tpu.memory_space<vmem>>, %arg2: memref<2000x16xf32, #tpu.memory_space<vmem>>, %arg3: memref<1x8xf32, #tpu.memory_space<vmem>>, %arg4: memref<8x128xf32, #tpu.memory_space<vmem>>, %arg5: memref<2000x128xf32, #tpu.memory_space<vmem>>, %arg6: memref<2000x128xf32, #tpu.memory_space<vmem>>, %arg7: memref<2000x128xf32, #tpu.memory_space<vmem>>) attributes {dimension_semantics = [#tpu.dimension_semantics<arbitrary>], iteration_bounds = array<i64: 10>, scalar_prefetch = 0 : i64, scratch_operands = 0 : i64, tpu.core_type = #tpu.core_type<tc>, window_params = [{transform_indices = @transform_0, window_bounds = array<i64: 2000, 128>}, {transform_indices = @transform_1, window_bounds = array<i64: 2000, 16>}, {pipeline_mode = #tpu.pipeline_mode<synchronous>, transform_indices = @transform_2, window_bounds = array<i64: 1, 8>}, {pipeline_mode = #tpu.pipeline_mode<synchronous>, transform_indices = @transform_3, window_bounds = array<i64: 8, 128>}, {transform_indices = @transform_4, window_bounds = array<i64: 2000, 128>}, {transform_indices = @transform_5, window_bounds = array<i64: 2000, 128>}, {transform_indices = @transform_6, window_bounds = array<i64: 2000, 128>}]} {
    %ge3A = arith.constant 5 : i32
    %ge3A_0 = arith.cmpi sge, %arg0, %ge3A : i32
    %get3A = arith.constant 0 : index
    %get3A_1 = arith.constant 0 : index
    %get3A_2 = vector.load %arg1[%get3A, %get3A_1] : memref<2000x128xf32, #tpu.memory_space<vmem>>, vector<2000x128xf32>
    %get3A_3 = arith.constant 0 : index
    %get3A_4 = arith.constant 0 : index
    %get3A_5 = vector.load %arg2[%get3A_3, %get3A_4] : memref<2000x16xf32, #tpu.memory_space<vmem>>, vector<2000x8xf32>
    %get3A_6 = arith.constant 0 : index
    %get3A_7 = arith.constant 8 : index
    %get3A_8 = vector.load %arg2[%get3A_6, %get3A_7] : memref<2000x16xf32, #tpu.memory_space<vmem>>, vector<2000x8xf32>
    %get3A_9 = arith.constant 0 : index
    %get3A_10 = arith.constant 0 : index
    %get3A_11 = vector.load %arg4[%get3A_9, %get3A_10] : memref<8x128xf32, #tpu.memory_space<vmem>>, vector<8x128xf32>
    %add3A = arith.addf %get3A_5, %get3A_8 : vector<2000x8xf32>
    %mul3A = arith.constant 2.000000e-01 : f32
    %mul3A_12 = vector.broadcast %mul3A : f32 to vector<2000x8xf32>
    %mul3A_13 = arith.mulf %mul3A_12, %add3A : vector<2000x8xf32>
    %max3A = arith.maximumf %add3A, %mul3A_13 : vector<2000x8xf32>
    %get3A_14 = arith.constant 0 : index
    %get3A_15 = arith.constant 0 : index
    %get3A_16 = vector.load %arg3[%get3A_14, %get3A_15] : memref<1x8xf32, #tpu.memory_space<vmem>>, vector<1x8xf32>
    %sub3A = vector.broadcast %get3A_16 : vector<1x8xf32> to vector<2000x8xf32>
    %sub3A_17 = arith.subf %max3A, %sub3A : vector<2000x8xf32>
    %exp3A = math.exp %sub3A_17 : vector<2000x8xf32>
    %dot_general3A = arith.constant dense<0.000000e+00> : vector<2000x128xf32>
    %dot_general3A_18 = tpu.matmul %exp3A, %get3A_11, %dot_general3A {dimension_numbers = #tpu.dot_dimension_numbers<[1], [0], [0], [1], [0, 0, 1, 1], [], []>, transpose_lhs_hint = false} : vector<2000x8xf32>, vector<8x128xf32>, vector<2000x128xf32> -> vector<2000x128xf32>
    %dot_general3A_19 = arith.constant dense<0.000000e+00> : vector<2000x128xf32>
    %dot_general3A_20 = tpu.matmul %get3A_5, %get3A_11, %dot_general3A_19 {dimension_numbers = #tpu.dot_dimension_numbers<[1], [0], [0], [1], [0, 0, 1, 1], [], []>, transpose_lhs_hint = false} : vector<2000x8xf32>, vector<8x128xf32>, vector<2000x128xf32> -> vector<2000x128xf32>
    %dot_general3A_21 = arith.constant dense<0.000000e+00> : vector<2000x128xf32>
    %dot_general3A_22 = tpu.matmul %get3A_8, %get3A_11, %dot_general3A_21 {dimension_numbers = #tpu.dot_dimension_numbers<[1], [0], [0], [1], [0, 0, 1, 1], [], []>, transpose_lhs_hint = false} : vector<2000x8xf32>, vector<8x128xf32>, vector<2000x128xf32> -> vector<2000x128xf32>
    %mul3A_23 = arith.mulf %get3A_2, %dot_general3A_18 : vector<2000x128xf32>
    %slice3A = vector.extract_strided_slice %get3A_2 {offsets = [0, 64], sizes = [2000, 64], strides = [1, 1]} : vector<2000x128xf32> to vector<2000x64xf32>
    %slice3A_24 = vector.extract_strided_slice %get3A_2 {offsets = [0, 0], sizes = [2000, 64], strides = [1, 1]} : vector<2000x128xf32> to vector<2000x64xf32>
    %select_n3A = arith.select %ge3A_0, %slice3A, %slice3A_24 : vector<2000x64xf32>
    %slice3A_25 = vector.extract_strided_slice %dot_general3A_20 {offsets = [0, 64], sizes = [2000, 64], strides = [1, 1]} : vector<2000x128xf32> to vector<2000x64xf32>
    %slice3A_26 = vector.extract_strided_slice %dot_general3A_20 {offsets = [0, 0], sizes = [2000, 64], strides = [1, 1]} : vector<2000x128xf32> to vector<2000x64xf32>
    %select_n3A_27 = arith.select %ge3A_0, %slice3A_25, %slice3A_26 : vector<2000x64xf32>
    %concatenate3A = tpu.concatenate %select_n3A, %select_n3A_27 in 1 : vector<2000x64xf32>, vector<2000x64xf32> -> vector<2000x128xf32>
    %swap3A = arith.constant 0 : index
    %swap3A_28 = arith.constant 0 : index
    %swap3A_29 = vector.load %arg5[%swap3A, %swap3A_28] : memref<2000x128xf32, #tpu.memory_space<vmem>>, vector<2000x128xf32>
    tpu.vector_store %arg5[%swap3A, %swap3A_28], %concatenate3A {strides = array<i32>} : memref<2000x128xf32, #tpu.memory_space<vmem>>, vector<2000x128xf32>,
    %slice3A_30 = vector.extract_strided_slice %dot_general3A_22 {offsets = [0, 64], sizes = [2000, 64], strides = [1, 1]} : vector<2000x128xf32> to vector<2000x64xf32>
    %slice3A_31 = vector.extract_strided_slice %dot_general3A_22 {offsets = [0, 0], sizes = [2000, 64], strides = [1, 1]} : vector<2000x128xf32> to vector<2000x64xf32>
    %select_n3A_32 = arith.select %ge3A_0, %slice3A_30, %slice3A_31 : vector<2000x64xf32>
    %slice3A_33 = vector.extract_strided_slice %dot_general3A_22 {offsets = [0, 64], sizes = [2000, 64], strides = [1, 1]} : vector<2000x128xf32> to vector<2000x64xf32>
    %slice3A_34 = vector.extract_strided_slice %dot_general3A_22 {offsets = [0, 0], sizes = [2000, 64], strides = [1, 1]} : vector<2000x128xf32> to vector<2000x64xf32>
    %select_n3A_35 = arith.select %ge3A_0, %slice3A_33, %slice3A_34 : vector<2000x64xf32>
    %concatenate3A_36 = tpu.concatenate %select_n3A_32, %select_n3A_35 in 1 : vector<2000x64xf32>, vector<2000x64xf32> -> vector<2000x128xf32>
    %swap3A_37 = arith.constant 0 : index
    %swap3A_38 = arith.constant 0 : index
    %swap3A_39 = vector.load %arg6[%swap3A_37, %swap3A_38] : memref<2000x128xf32, #tpu.memory_space<vmem>>, vector<2000x128xf32>
    tpu.vector_store %arg6[%swap3A_37, %swap3A_38], %concatenate3A_36 {strides = array<i32>} : memref<2000x128xf32, #tpu.memory_space<vmem>>, vector<2000x128xf32>,
    %slice3A_40 = vector.extract_strided_slice %mul3A_23 {offsets = [0, 64], sizes = [2000, 64], strides = [1, 1]} : vector<2000x128xf32> to vector<2000x64xf32>
    %slice3A_41 = vector.extract_strided_slice %mul3A_23 {offsets = [0, 0], sizes = [2000, 64], strides = [1, 1]} : vector<2000x128xf32> to vector<2000x64xf32>
    %select_n3A_42 = arith.select %ge3A_0, %slice3A_40, %slice3A_41 : vector<2000x64xf32>
    %slice3A_43 = vector.extract_strided_slice %dot_general3A_18 {offsets = [0, 64], sizes = [2000, 64], strides = [1, 1]} : vector<2000x128xf32> to vector<2000x64xf32>
    %slice3A_44 = vector.extract_strided_slice %dot_general3A_18 {offsets = [0, 0], sizes = [2000, 64], strides = [1, 1]} : vector<2000x128xf32> to vector<2000x64xf32>
    %select_n3A_45 = arith.select %ge3A_0, %slice3A_43, %slice3A_44 : vector<2000x64xf32>
    %concatenate3A_46 = tpu.concatenate %select_n3A_42, %select_n3A_45 in 1 : vector<2000x64xf32>, vector<2000x64xf32> -> vector<2000x128xf32>
    %swap3A_47 = arith.constant 0 : index
    %swap3A_48 = arith.constant 0 : index
    %swap3A_49 = vector.load %arg7[%swap3A_47, %swap3A_48] : memref<2000x128xf32, #tpu.memory_space<vmem>>, vector<2000x128xf32>
    tpu.vector_store %arg7[%swap3A_47, %swap3A_48], %concatenate3A_46 {strides = array<i32>} : memref<2000x128xf32, #tpu.memory_space<vmem>>, vector<2000x128xf32>,
    return
  }
  func.func @transform_0(%arg0: i32) -> (i32, i32) {
    %jit3A = arith.constant 5 : i32
    %eq3A = arith.constant 0 : i32
    %eq3A_0 = arith.cmpi eq, %jit3A, %eq3A : i32
    %jit3A_1 = arith.constant 1 : i32
    %select_n3A = arith.select %eq3A_0, %jit3A_1, %jit3A : i32
    %rem3A = arith.remsi %arg0, %select_n3A : i32
    %ne3A = arith.constant 0 : i32
    %ne3A_2 = arith.cmpi ne, %rem3A, %ne3A : i32
    %lt3A = arith.constant 0 : i32
    %lt3A_3 = arith.cmpi slt, %rem3A, %lt3A : i32
    %lt3A_4 = arith.constant 0 : i32
    %lt3A_5 = arith.cmpi slt, %select_n3A, %lt3A_4 : i32
    %ne3A_6 = arith.xori %lt3A_3, %lt3A_5 : i1
    %and3A = arith.andi %ne3A_6, %ne3A_2 : i1
    %add3A = arith.addi %rem3A, %select_n3A : i32
    %select_n3A_7 = arith.select %and3A, %add3A, %rem3A : i32
    %c0_i32 = arith.constant 0 : i32
    %c0_i32_8 = arith.constant 0 : i32
    return %select_n3A_7, %c0_i32 : i32, i32
  }
  func.func @transform_1(%arg0: i32) -> (i32, i32) {
    %jit3A = arith.constant 5 : i32
    %eq3A = arith.constant 0 : i32
    %eq3A_0 = arith.cmpi eq, %jit3A, %eq3A : i32
    %jit3A_1 = arith.constant 1 : i32
    %select_n3A = arith.select %eq3A_0, %jit3A_1, %jit3A : i32
    %rem3A = arith.remsi %arg0, %select_n3A : i32
    %ne3A = arith.constant 0 : i32
    %ne3A_2 = arith.cmpi ne, %rem3A, %ne3A : i32
    %lt3A = arith.constant 0 : i32
    %lt3A_3 = arith.cmpi slt, %rem3A, %lt3A : i32
    %lt3A_4 = arith.constant 0 : i32
    %lt3A_5 = arith.cmpi slt, %select_n3A, %lt3A_4 : i32
    %ne3A_6 = arith.xori %lt3A_3, %lt3A_5 : i1
    %and3A = arith.andi %ne3A_6, %ne3A_2 : i1
    %add3A = arith.addi %rem3A, %select_n3A : i32
    %select_n3A_7 = arith.select %and3A, %add3A, %rem3A : i32
    %c0_i32 = arith.constant 0 : i32
    %c0_i32_8 = arith.constant 0 : i32
    return %select_n3A_7, %c0_i32 : i32, i32
  }
  func.func @transform_2(%arg0: i32) -> (i32, i32) {
    %c0_i32 = arith.constant 0 : i32
    %c0_i32_0 = arith.constant 0 : i32
    %c0_i32_1 = arith.constant 0 : i32
    return %c0_i32, %c0_i32_0 : i32, i32
  }
  func.func @transform_3(%arg0: i32) -> (i32, i32) {
    %c0_i32 = arith.constant 0 : i32
    %c0_i32_0 = arith.constant 0 : i32
    %c0_i32_1 = arith.constant 0 : i32
    return %c0_i32, %c0_i32_0 : i32, i32
  }
  func.func @transform_4(%arg0: i32) -> (i32, i32) {
    %c0_i32 = arith.constant 0 : i32
    %c0_i32_0 = arith.constant 0 : i32
    return %arg0, %c0_i32 : i32, i32
  }
  func.func @transform_5(%arg0: i32) -> (i32, i32) {
    %c0_i32 = arith.constant 0 : i32
    %c0_i32_0 = arith.constant 0 : i32
    return %arg0, %c0_i32 : i32, i32
  }
  func.func @transform_6(%arg0: i32) -> (i32, i32) {
    %c0_i32 = arith.constant 0 : i32
    %c0_i32_0 = arith.constant 0 : i32
    return %arg0, %c0_i32 : i32, i32
  }
}

module attributes {stable_mosaic.version = 14 : i64} {
  func.func @_k5_body(%arg0: memref<20000x128xf32, #tpu.memory_space<vmem>>, %arg1: memref<1x16xf32, #tpu.memory_space<vmem>>, %arg2: memref<128x16xf32, #tpu.memory_space<vmem>>, %arg3: memref<10000x16xf32, #tpu.memory_space<vmem>>) attributes {dimension_semantics = [], scalar_prefetch = 0 : i64, scratch_operands = 0 : i64, tpu.core_type = #tpu.core_type<tc>} {
    %get3A = arith.constant 0 : index
    %get3A_0 = arith.constant 0 : index
    %get3A_1 = vector.load %arg0[%get3A, %get3A_0] : memref<20000x128xf32, #tpu.memory_space<vmem>>, vector<20000x128xf32>
    %slice3A = vector.extract_strided_slice %get3A_1 {offsets = [0, 0], sizes = [10000, 128], strides = [1, 1]} : vector<20000x128xf32> to vector<10000x128xf32>
    %slice3A_2 = vector.extract_strided_slice %get3A_1 {offsets = [10000, 0], sizes = [10000, 128], strides = [1, 1]} : vector<20000x128xf32> to vector<10000x128xf32>
    %slice3A_3 = vector.extract_strided_slice %slice3A {offsets = [0, 0], sizes = [10000, 64], strides = [1, 1]} : vector<10000x128xf32> to vector<10000x64xf32>
    %slice3A_4 = vector.extract_strided_slice %slice3A {offsets = [0, 64], sizes = [10000, 64], strides = [1, 1]} : vector<10000x128xf32> to vector<10000x64xf32>
    %add3A = arith.constant 1.000000e-16 : f32
    %add3A_5 = vector.broadcast %add3A : f32 to vector<10000x64xf32>
    %add3A_6 = arith.addf %slice3A_4, %add3A_5 : vector<10000x64xf32>
    %div3A = arith.divf %slice3A_3, %add3A_6 : vector<10000x64xf32>
    %slice3A_7 = vector.extract_strided_slice %slice3A_2 {offsets = [0, 0], sizes = [10000, 64], strides = [1, 1]} : vector<10000x128xf32> to vector<10000x64xf32>
    %slice3A_8 = vector.extract_strided_slice %slice3A_2 {offsets = [0, 64], sizes = [10000, 64], strides = [1, 1]} : vector<10000x128xf32> to vector<10000x64xf32>
    %add3A_9 = arith.constant 1.000000e-16 : f32
    %add3A_10 = vector.broadcast %add3A_9 : f32 to vector<10000x64xf32>
    %add3A_11 = arith.addf %slice3A_8, %add3A_10 : vector<10000x64xf32>
    %div3A_12 = arith.divf %slice3A_7, %add3A_11 : vector<10000x64xf32>
    %concatenate3A = tpu.concatenate %div3A, %div3A_12 in 1 : vector<10000x64xf32>, vector<10000x64xf32> -> vector<10000x128xf32>
    %get3A_13 = arith.constant 0 : index
    %get3A_14 = arith.constant 0 : index
    %get3A_15 = vector.load %arg2[%get3A_13, %get3A_14] : memref<128x16xf32, #tpu.memory_space<vmem>>, vector<128x16xf32>
    %dot_general3A = arith.constant dense<0.000000e+00> : vector<10000x16xf32>
    %dot_general3A_16 = tpu.matmul %concatenate3A, %get3A_15, %dot_general3A {dimension_numbers = #tpu.dot_dimension_numbers<[1], [0], [0], [1], [0, 0, 1, 1], [], []>, transpose_lhs_hint = false} : vector<10000x128xf32>, vector<128x16xf32>, vector<10000x16xf32> -> vector<10000x16xf32>
    %mul3A = arith.constant 1.250000e-01 : f32
    %mul3A_17 = vector.broadcast %mul3A : f32 to vector<10000x16xf32>
    %mul3A_18 = arith.mulf %dot_general3A_16, %mul3A_17 : vector<10000x16xf32>
    %get3A_19 = arith.constant 0 : index
    %get3A_20 = arith.constant 0 : index
    %get3A_21 = vector.load %arg1[%get3A_19, %get3A_20] : memref<1x16xf32, #tpu.memory_space<vmem>>, vector<1x16xf32>
    %add3A_22 = vector.broadcast %get3A_21 : vector<1x16xf32> to vector<10000x16xf32>
    %add3A_23 = arith.addf %mul3A_18, %add3A_22 : vector<10000x16xf32>
    %reduce_max3A = arith.constant dense<0xFF800000> : vector<10000xf32>
    %reduce_max3A_24 = vector.multi_reduction <maximumf>, %add3A_23, %reduce_max3A [1] : vector<10000x16xf32> to vector<10000xf32>
    %broadcast_in_dim3A = vector.shape_cast %reduce_max3A_24 : vector<10000xf32> to vector<10000x1xf32>
    %sub3A = vector.broadcast %broadcast_in_dim3A : vector<10000x1xf32> to vector<10000x16xf32>
    %sub3A_25 = arith.subf %add3A_23, %sub3A : vector<10000x16xf32>
    %exp3A = math.exp %sub3A_25 : vector<10000x16xf32>
    %reduce_sum3A = arith.constant dense<0.000000e+00> : vector<10000xf32>
    %reduce_sum3A_26 = vector.multi_reduction <add>, %exp3A, %reduce_sum3A [1] : vector<10000x16xf32> to vector<10000xf32>
    %broadcast_in_dim3A_27 = vector.shape_cast %reduce_sum3A_26 : vector<10000xf32> to vector<10000x1xf32>
    %log3A = math.log %broadcast_in_dim3A_27 : vector<10000x1xf32>
    %sub3A_28 = vector.broadcast %log3A : vector<10000x1xf32> to vector<10000x16xf32>
    %sub3A_29 = arith.subf %sub3A_25, %sub3A_28 : vector<10000x16xf32>
    %swap3A = arith.constant 0 : index
    %swap3A_30 = arith.constant 0 : index
    %swap3A_31 = vector.load %arg3[%swap3A, %swap3A_30] : memref<10000x16xf32, #tpu.memory_space<vmem>>, vector<10000x16xf32>
    tpu.vector_store %arg3[%swap3A, %swap3A_30], %sub3A_29 {strides = array<i32>} : memref<10000x16xf32, #tpu.memory_space<vmem>>, vector<10000x16xf32>,
    return
  }
}

</mosaic_0001>

<sc_bundles>
// kernel: kernel.11.cloned.1.call-start
scs
__scs_entry_jumppad:
0x0: {  	(pc) =	sbr.rel $0x88, $3  }
0x1: {  	(tag) =	ssettag $0x0;
	lr =	simm.s32 $0x1  }
0x2: {  	[smem:$0x3F97] =	sst lr;
	_ =	strace $0xD0000000  }
0x3: {  	_ = 	snop  }
0x4: {  	_ = 	snop  }
0x5: {  	_ = 	snop  }
0x6: {  	_ = 	snop  }
0x7: {  	_ = 	snop  }
__scs_overlays_trampoline_lowered:
0x8: {  	[smem:$0x3FA6] =	sst s0  }
0x9: {  	[smem:$0x3FA7] =	sst s1  }
0xa: {  	[smem:$0x3FA8] =	sst s2  }
0xb: {  	[smem:$0x3FA9] =	sst s3  }
0xc: {  	[smem:$0x3FAA] =	sst s4  }
0xd: {  	[smem:$0x3FAB] =	sst s5  }
0xe: {  	[smem:$0x3FAC] =	sst s6  }
0xf: {  	[smem:$0x3FAD] =	sst s7  }
0x10: {  	[smem:$0x3FAE] =	sst s8  }
0x11: {  	[smem:$0x3FAF] =	sst s9;
	s0 =	simm.s32 @!p0 $0x0  }
0x12: {  	s1 =	sld [smem:$0x3F95];
	s0 =	simm.s32 @p0 $0x1  }
0x13: {  	[smem:$0x3FB0] =	sst s0;
	s0 =	simm.s32 @!p1 $0x0  }
0x14: {  	s2 =	sld [smem:$0x3F94];
	s0 =	simm.s32 @p1 $0x1  }
0x15: {  	[smem:$0x3FB1] =	sst s0;
	s0 =	simm.s32 @!p2 $0x0  }
0x16: {  	s3 =	sld [smem:$0x3FDB];
	s0 =	simm.s32 @p2 $0x1  }
0x17: {  	s4 =	simm.s32 $0x1BF5;
	[smem:$0x3FB3] =	sst s0  }
0x18: {  	s0 =	sld [smem:$0x3F96];
	_ =	swait.ge [sflag:s4], $0x0  }
0x19: {  	s7 =	sld [smem:$0x3F97]  }
0x1a: {  	s8 =	sadd.s32 $0xFFFFE003, lr  }
0x1b: {  	s9 =	sadd.s32 $0xFFFFFEF7, lr;
	s5 =	simm.s32 $0xFFFFFFFF;
	p2 =	slt.u32 s8, $0xFFFFF086  }
0x1c: {  	p1 =	slt.u32 s9, $0xF7A;
	s5 =	simm.s32 @!p2 $0x0  }
0x1d: {  	s5 =	simm.s32 @p1 $0x1;
	p0 =	seq.s32 s7, s2  }
0x1e: {  	s7 =	smul.u32 @!p0 $0xF7A, s2;
	p2 =	seq.s32 @!p0 s5, $0x0  }
0x1f: {  	s9 =	smul.u32 $0xF7A, s1;
	s8 =	simm.s32 @!p0 $0x1BF5;
	p2 =	por !p2, p0  }
0x20: {  	[sflag:s8] =	ssyncset.s32 @!p0 $0xFFFFF086;
	s6 =	sadd.s32 @!p0 s3, s7;
	s7 =	simm.s32 @!p0 $0x108  }
0x21: {  	s3 =	sadd.s32 s3, s9;
	s6 =	sadd.s32 @!p0 $0x88, s6;
	s7 =	simm.s32 @p2 $0x1082  }
0x22: {  	[simem:s7], [sflag:s8] =	dma.local @!p0 [hbm:s6], $0xF7A  }
0x23: {  	s9 =	sor.u32 $0xD0000000, s2;
	s6 =	simm.s32 $0x108;
	_ =	swait.ge @!p0 [sflag:s8], $0x0  }
0x24: {  	s3 =	sadd.s32 $0x88, s3;
	s6 =	simm.s32 @!p1 $0x1082;
	[sflag:s4] =	ssyncset.s32 $0xFFFFF086  }
0x25: {  	[simem:s6], [sflag:s4] =	dma.local [hbm:s3], $0xF7A  }
0x26: {  	[smem:$0x3F97] =	sst s1;
	(tag) =	ssettag s2;
	_ =	strace s9  }
0x27: {  	s1 =	sld [smem:$0x3FA7]  }
0x28: {  	s2 =	sld [smem:$0x3FA8]  }
0x29: {  	s4 =	sld [smem:$0x3FAA]  }
0x2a: {  	p0 =	seq.s32 s5, $0x0;
	s5 =	sld [smem:$0x3FAB]  }
0x2b: {  	s6 =	sld [smem:$0x3FAC]  }
0x2c: {  	s7 =	sld [smem:$0x3FAD]  }
0x2d: {  	s3 =	simm.s32 $0x108;
	s8 =	sld [smem:$0x3FAE]  }
0x2e: {  	s3 =	simm.s32 @!p0 $0x1082;
	s9 =	sld [smem:$0x3FAF]  }
0x2f: {  	lr =	sadd.s32 s0, s3;
	s0 =	sld [smem:$0x3FA6]  }
0x30: {  	s3 =	sld [smem:$0x3FA9]  }
0x31: {  	[smem:$0x3FB2] =	sst s10  }
0x32: {  	s10 =	sld [smem:$0x3FB0];
	_ =	sdelay $0x3  }
0x33: {  	p0 =	seq.s32 s10, $0x1;
	s10 =	sld [smem:$0x3FB2];
	_ =	sdelay $0x3  }
0x34: {  	[smem:$0x3FB2] =	sst s10  }
0x35: {  	s10 =	sld [smem:$0x3FB1];
	_ =	sdelay $0x3  }
0x36: {  	p1 =	seq.s32 s10, $0x1;
	s10 =	sld [smem:$0x3FB2];
	_ =	sdelay $0x3  }
0x37: {  	[smem:$0x3FB2] =	sst s10  }
0x38: {  	s10 =	sld [smem:$0x3FB3]  }
0x39: {  	_ = 	snop;
	(pc) =	sbr.ind lr, $3  }
0x3a: {  	_ = 	snop  }
0x3b: {  	_ = 	snop  }
0x3c: {  	p2 =	seq.s32 s10, $0x1;
	s10 =	sld [smem:$0x3FB2]  }
0x3d: {  	_ =	shalt  }
0x3e: {  	_ =	shalt  }
0x3f: {  	_ =	shalt  }
0x40: {  	_ =	shalt  }
0x41: {  	_ =	shalt  }
0x42: {  	_ =	shalt  }
0x43: {  	_ =	shalt  }
0x44: {  	_ =	shalt  }
0x45: {  	_ =	shalt  }
0x46: {  	_ =	shalt  }
0x47: {  	_ =	shalt  }
0x48: {  	_ =	shalt  }
0x49: {  	_ =	shalt  }
0x4a: {  	_ =	shalt  }
0x4b: {  	_ =	shalt  }
0x4c: {  	_ =	shalt  }
0x4d: {  	_ =	shalt  }
0x4e: {  	_ =	shalt  }
0x4f: {  	_ =	shalt  }
0x50: {  	_ =	shalt  }
0x51: {  	_ =	shalt  }
0x52: {  	_ =	shalt  }
0x53: {  	_ =	shalt  }
0x54: {  	_ =	shalt  }
0x55: {  	_ =	shalt  }
0x56: {  	_ =	shalt  }
0x57: {  	_ =	shalt  }
0x58: {  	_ =	shalt  }
0x59: {  	_ =	shalt  }
0x5a: {  	_ =	shalt  }
0x5b: {  	_ =	shalt  }
0x5c: {  	_ =	shalt  }
0x5d: {  	_ =	shalt  }
0x5e: {  	_ =	shalt  }
0x5f: {  	_ =	shalt  }
0x60: {  	_ =	shalt  }
0x61: {  	_ =	shalt  }
0x62: {  	_ =	shalt  }
0x63: {  	_ =	shalt  }
0x64: {  	_ =	shalt  }
0x65: {  	_ =	shalt  }
0x66: {  	_ =	shalt  }
0x67: {  	_ =	shalt  }
0x68: {  	_ =	shalt  }
0x69: {  	_ =	shalt  }
0x6a: {  	_ =	shalt  }
0x6b: {  	_ =	shalt  }
0x6c: {  	_ =	shalt  }
0x6d: {  	_ =	shalt  }
0x6e: {  	_ =	shalt  }
0x6f: {  	_ =	shalt  }
0x70: {  	_ =	shalt  }
0x71: {  	_ =	shalt  }
0x72: {  	_ =	shalt  }
0x73: {  	_ =	shalt  }
0x74: {  	_ =	shalt  }
0x75: {  	_ =	shalt  }
0x76: {  	_ =	shalt  }
0x77: {  	_ =	shalt  }
0x78: {  	_ =	shalt  }
0x79: {  	_ =	shalt  }
0x7a: {  	_ =	shalt  }
0x7b: {  	_ =	shalt  }
0x7c: {  	_ =	shalt  }
0x7d: {  	_ =	shalt  }
0x7e: {  	_ =	shalt  }
0x7f: {  	_ =	shalt  }
0x80: {  	_ =	shalt  }
0x81: {  	_ =	shalt  }
0x82: {  	_ =	shalt  }
0x83: {  	_ =	shalt  }
0x84: {  	_ =	shalt  }
0x85: {  	_ =	shalt  }
0x86: {  	_ =	shalt  }
0x87: {  	_ =	shalt  }
.Lfunc_end0:
.L_simem_size_0:
called_computation.1_lowered:
.L_overlay_start_0:
0x88: {  	s2 =	sld [smem:$0x3FD9]  }
0x89: {  	s3 =	sld [smem:$0x3FFE];
	_ =	sdelay $0x1  }
0x8a: {  	s1 =	srdreg.scid  }
0x8b: {  	s0 =	sand.u32 $0x1, s1  }
0x8c: {  	s17 =	sshll.u32 s0, $0xA;
	s2 =	sadd.s32 s3, s2  }
0x8d: {  	s2 =	sadd.s32 s2, s17  }
0x8e: {  	[smem:$0x3FBE] =	sst s2  }
0x8f: {  	_ = 	snop  }
0x90: {  	s2 =	sld [smem:$0x3FD0];
	(tm) =	ssettm $0x1  }
0x91: {  	s18 =	sld [smem:$0x3FFB];
	_ =	sdelay $0x3  }
0x92: {  	_ =	strace s18  }
0x93: {  	s3 =	sld [smem:$0x3FFC];
	_ =	sdelay $0x3  }
0x94: {  	_ =	strace s3  }
0x95: {  	s3 =	sld [smem:$0x3FFD];
	_ =	sdelay $0x3  }
0x96: {  	_ =	strace s3  }
0x97: {  	_ =	strace $0x8FFFFFFF  }
0x98: {  	s19 =	sld [smem:$0x3FDB];
	_ =	sdelay $0x1  }
0x99: {  	s4 =	simm.s32 $_scs_section_size  }
0x9a: {  	s5 =	simm.s32 $_size__tile_overlayer_lowered;
	s6 =	simm.s32 $_tile_overlayer_lowered  }
0x9b: {  	s22 =	simm.s32 $0x1BFF;
	s21 =	sshll.u32 s6, $0x1;
	s3 =	sadd.s32 s4, s19  }
0x9c: {  	s7 =	simm.s32 $0x0;
	s20 =	sshll.u32 s5, $0x1;
	s5 =	sadd.s32 s21, s3  }
0x9d: {  	[timem:s7], [sflag:s22] =	dma.local [hbm:s5], s20  }
0x9e: {  	_ =	swait.ge [sflag:s22], s20  }
0x9f: {  	s4 =	ssub.s32 $0x0, s20;
	[sflag:s22] =	ssyncset.done $0x0  }
0xa0: {  	[sflag:s22] =	ssyncadd.s32 s4;
	_ =	sdelay $0x1  }
0xa1: {  	s23 =	simm.s32 $0x1B8B  }
0xa2: {  	_ =	swait.ge [sflag:s23], $0x1  }
0xa3: {  	[sflag:s23] =	ssyncset.done $0x0  }
0xa4: {  	s25 =	simm.s32 $0x1B8E;
	s24 =	sld [smem:$0x3FFE];
	[sflag:s23] =	ssyncadd.s32 $0xFFFFFFFF  }
0xa5: {  	s26 =	simm.s32 $execute0_lowered;
	[smem:$0x3FD2] =	sst s25  }
0xa6: {  	s5 =	sshll.u32 s26, $0x1;
	_ =	strace $0x80000049;
	[dreg:$0x1] =	wrdreg $0xFFFFFFFF  }
0xa7: {  	s28 =	simm.s32 $_size_execute0_lowered;
	s3 =	sadd.s32 s3, s5;
	[dreg:$0x0] =	wrdreg $0x0  }
0xa8: {  	s5 =	sshll.u32 s28, $0x1;
	[dreg:$0x2] =	wrdreg s3  }
0xa9: {  	[dreg:$0x3] =	wrdreg s5  }
0xaa: {  	[dreg:$0x4] =	wrdreg $0xC0  }
0xab: {  	_ =	task [dreg:s7], $0x5FFFF  }
0xac: {  	[dreg:$0x1] =	wrdreg $0xFFFFFFFF  }
0xad: {  	[dreg:$0x0] =	wrdreg $0x60  }
0xae: {  	[dreg:$0x2] =	wrdreg s24  }
0xaf: {  	[dreg:$0x3] =	wrdreg s2  }
0xb0: {  	[dreg:$0x4] =	wrdreg $0xA5800  }
0xb1: {  	[dreg:$0x5] =	wrdreg $0x9  }
0xb2: {  	_ =	task.clear_ibuf [dreg:s7], $0x6FFFF;
	_ =	strace $0x90000049  }
0xb3: {  	s29 =	simm.s32 $0x9;
	_ =	strace $0x8000004B  }
0xb4: {  	_ =	swait.ge [sflag:s29], $0x1  }
0xb5: {  	[sflag:s29] =	ssyncadd.s32 $0xFFFFFFFF  }
0xb6: {  	_ =	strace $0x9000004B  }
0xb7: {  	_ =	sfence  }
0xb8: {  	s30 =	sld [smem:$0x0];
	_ =	sdelay $0x2  }
0xb9: {  	s31 =	sshll.u32 s1, $0xD;
	s1 =	sshrl.u32 s1, $0x2  }
0xba: {  	s3 =	sand.u32 $0x4000, s31;
	s1 =	sadd.s32 s1, s30  }
0xbb: {  	s0 =	sor.u32 s3, s0;
	s1 =	sshll.u32 s1, $0x11  }
0xbc: {  	s0 =	sor.u32 s1, s0  }
0xbd: {  	s0 =	sadd.s32 $0x8F2B, s0  }
0xbe: {  	[sflag:s0] =	ssyncadd.remote.s32 $0x1  }
0xbf: {  	_ =	sfence.sel $0xFFFF  }
0xc0: {  	[dreg:$0x0] =	wrdreg $0xFFFFFFFF;
	(pc) =	sbr.abs _section_cstart, $3  }
0xc1: {  	[dreg:$0x1] =	wrdreg $0xFFFFFFFF  }
0xc2: {  	_ =	task.clear_ibuf [dreg:s7], $0x2FFFF;
	_ =	strace $0x9FFFFFFF  }
0xc3: {  	(tm) =	ssettm $0x7FFFFFFF  }
tec
execute0_lowered:
.L_overlay_start_1:
0x0: {  	(tag) =	ssettag $0x1  }
0x1: {  	s0 =	rddreg [dreg:$0x0]  }
0x2: {  	s3 =	rddreg [dreg:$0x1]  }
0x3: {  	s1 =	rddreg [dreg:$0x2];
	s2 =	simm.s32 $0x0  }
0x4: {  	s7 =	srdreg.scid;
	s18 =	stileid.u32;
	s29 =	simm.s32 $0x2  }
0x5: {  	s30 =	simm.s32 $0x380;
	s31 =	simm.s32 $0x5500;
	s20 =	simm.s32 $0x3  }
0x6: {  	s28 =	simm.s32 $0x0;
	[smem:$0x7FF] =	sst s2;
	s8 =	smul.u32 $0x278, s18  }
0x7: {  	s4 =	sadd.s32 $0xB2800, s0;
	s5 =	sadd.s32 $0x16400, s0;
	s11 =	smul.u32 $0x4F000, s18  }
0x8: {  	s6 =	sadd.s32 $0x2A00, s0;
	s7 =	sand.u32 $0x1, s7;
	s13 =	smul.u32 $0xFA, s18  }
0x9: {  	s9 =	sadd.s32 $0x64600, s0;
	s0 =	sadd.s32 $0x100A00, s0;
	s14 =	smul.u32 $0x9C40, s18  }
0xa: {  	s17 =	sadd.s32 $0x128400, s1;
	s23 =	smul.u32 $0x1388, s18;
	p0 =	seq.s32 s18, $0xF  }
0xb: {  	_ =	strace $0x8000004A;
	s10 =	ssub.s32 $0x2, s7;
	s24 =	smul.u32 $0x2710, s7  }
0xc: {  	s21 =	smul.u32 $0x138800, s7;
	s7 =	sshll.u32 s7, $0x3;
	s17 =	sshrl.u32 @p0 s17, $0x3  }
0xd: {  	s12 =	sshrl.u32 s10, $0x1;
	s11 =	sshrl.u32 s11, $0x2;
	s14 =	sshrl.u32 s14, $0x3  }
0xe: {  	s3 =	sadd.s32 s3, s7;
	s26 =	sadd.s32 s6, s23;
	s23 =	simm.s32 $0x50  }
0xf: {  	s10 =	ssub.s32 s10, s12;
	s11 =	sadd.s32 s11, s1;
	s8 =	sadd.s32 s8, s24  }
0x10: {  	s12 =	sshrl.u32 s21, $0x3;
	[dreg:$0x6] =	wrdreg s3;
	s25 =	sadd.s32 s6, s14  }
0x11: {  	[dreg:$0x7] =	wrdreg s26;
	s21 =	simm.s32 $0x5;
	v0 =	vmov s24;
	s24 =	simm.s32 $0x4  }
0x12: {  	s26 =	simm.s32 $0x480;
	s8 =	sshll.u32 s8, $0x4;
	s22 =	sadd.s32 $0x25080, s12  }
0x13: {  	s3 =	sadd.s32 $0x14, s25;
	s12 =	sadd.s32 $0x2, s13;
	s13 =	sadd.s32 $0x3, s13  }
0x14: {  	s16 =	smax.u32 s10, $0x1;
	s19 =	sshrl.u32 @!p0 s11, $0x3;
	s25 =	simm.s32 $0x500  }
0x15: {  	s15 =	sadd.s32 s9, s8;
	s9 =	sadd.s32 s9, s22;
	[dreg:$0x8] =	wrdreg s3  }
0x16: {  	s14 =	sadd.s32 s0, s8;
	s3 =	simm.s32 $0x7D00;
	[dreg:$0x4] =	wrdreg s15  }
0x17: {  	[dreg:$0x5] =	wrdreg s9;
	s15 =	sadd.s32 s0, s22;
	s0 =	sshll.u32 @!p0 s18, $0x6  }
0x18: {  	s22 =	simm.s32 $0x300;
	s18 =	sor.u32 @!p0 $0x1C05, s0;
	s0 =	simm.s32 $0x400  }
.LBB2_1:
0x19: {  	s7 =	simm.s32 @p0 $0x1FC5;
	s8 =	rddreg [dreg:$0x5]  }
0x1a: {  	[spmem:s17], [sflag:s7] =	dma.local @p0 [hbm:s8], $0x2080  }
0x1b: {  	s7 =	simm.s32 @p0 $0x5  }
0x1c: {  	_ =	swait.ge @p0 [sflag:s7], $0x2080  }
0x1d: {  	[sflag:s7] =	ssyncset.done @p0 $0x0  }
0x1e: {  	[sflag:s7] =	ssyncadd.s32 @p0 $0xFFFFDF80;
	s7 =	rddreg [dreg:$0x4]  }
0x1f: {  	[spmem:s19], [sflag:s18] =	dma.local @!p0 [hbm:s7], $0x2780  }
0x20: {  	s7 =	simm.s32 @!p0 $0x5  }
0x21: {  	_ =	swait.ge @!p0 [sflag:s7], $0x2780  }
0x22: {  	[sflag:s7] =	ssyncset.done @!p0 $0x0  }
0x23: {  	[sflag:s7] =	ssyncadd.s32 @!p0 $0xFFFFD880  }
0x24: {  	[bflag:$0x0] =	sbarrier.arrive $0xFFFF  }
0x25: {  	s11 =	simm.s32 $0xA500;
	s10 =	rddreg [dreg:$0x6]  }
0x26: {  	[tilespmem:s11], [sflag:$0x5] =	stream.linear.gather [hbm4b:s10+s2], $0x40, $0x38;
	[tilespmem:$0x1DE00] =	vst v63  }
0x27: {  	_ =	swait.ge [sflag:s21], $0x40  }
0x28: {  	[sflag:s21] =	ssyncset.done $0x0  }
0x29: {  	[sflag:s21] =	ssyncadd.s32 $0xFFFFFFC0  }
0x2a: {  	v1 =	vld [tilespmem:$0xA500]  }
0x2b: {  	v2 =	vld [tilespmem:$0xA510]  }
0x2c: {  	s9 =	rddreg [dreg:$0x7];
	v3 =	vld [tilespmem:$0xA520]  }
0x2d: {  	v4 =	vld [tilespmem:$0xA530];
	[tilespmem:s2], [sflag:$0x5] =	stream.linear.gather [hbm4b:s9+s2], $0xA0, $0x38  }
0x2e: {  	_ =	swait.ge [sflag:s21], $0xA0  }
0x2f: {  	[sflag:s21] =	ssyncset.done $0x0  }
0x30: {  	[sflag:s21] =	ssyncadd.s32 $0xFFFFFF60  }
0x31: {  	v5 =	vld [tilespmem:$0x0]  }
0x32: {  	v6 =	vld [tilespmem:$0x50]  }
0x33: {  	v8 =	vld [tilespmem:$0x60]  }
0x34: {  	v63 =	vld [tilespmem:$0x90];
	_ =	sdelay $0x1  }
0x35: {  	v7 =	vld [tilespmem:$0x10]  }
0x36: {  	[tilespmem:$0x300] =	vst v6  }
0x37: {  	v9 =	vld [tilespmem:$0x20];
	[tilespmem:$0x310] =	vst v8  }
0x38: {  	v5 =	vadd.s32 v0, v5;
	[tilespmem:$0x340] =	vst v63  }
0x39: {  	[tilespmem:$0x200] =	vst v5;
	v5 =	vadd.s32 v0, v6;
	v6 =	vld [tilespmem:$0x70]  }
0x3a: {  	[tilespmem:$0x280] =	vst v5;
	v5 =	vadd.s32 v0, v7;
	v7 =	vld [tilespmem:$0x30]  }
0x3b: {  	[tilespmem:$0x210] =	vst v5;
	v5 =	vadd.s32 v0, v8  }
0x3c: {  	v61 =	vadd.s32 v0, v9;
	[tilespmem:$0x290] =	vst v5;
	v5 =	vld [tilespmem:$0x80]  }
0x3d: {  	v62 =	vld [tilespmem:$0x40];
	[tilespmem:$0x220] =	vst v61  }
0x3e: {  	[tilespmem:$0x320] =	vst v6;
	v6 =	vadd.s32 v0, v6  }
0x3f: {  	[tilespmem:$0x2A0] =	vst v6;
	v6 =	vadd.s32 v0, v7  }
0x40: {  	[tilespmem:$0x230] =	vst v6  }
0x41: {  	[tilespmem:$0x330] =	vst v5;
	v5 =	vadd.s32 v0, v5  }
0x42: {  	[tilespmem:$0x2B0] =	vst v5;
	v5 =	vadd.s32 v0, v62  }
0x43: {  	[tilespmem:$0x240] =	vst v5;
	v5 =	vadd.s32 v0, v63  }
0x44: {  	s11 =	simm.s32 $0x100;
	s10 =	rddreg [dreg:$0x8];
	[tilespmem:$0x2C0] =	vst v5  }
0x45: {  	[tilespmem:s11], [sflag:$0x2] =	stream.linear.gather [hbm4b:s10+s2], $0xA0, $0x38;
	[tilespmem:$0x1DE00] =	vst v63  }
0x46: {  	s9 =	simm.s32 $0x200  }
0x47: {  	[tilespmem:s25], [sflag:$0x3] =	stream.indirect.gather [hbm4b:s4+s23], $0x80, s9, s23, $0xb8;
	[tilespmem:$0x1DE00] =	vst v63  }
0x48: {  	s7 =	simm.s32 $0x0;
	s10 =	simm.s32 $0x280;
	s11 =	simm.s32 $0x2D00  }
0x49: {  	[tilespmem:s11], [sflag:$0x3] =	stream.indirect.gather [hbm4b:s5+s23], $0x80, s10, s23, $0xb8;
	[tilespmem:$0x1DE00] =	vst v63  }
.LBB2_2:
0x4a: {  	_ =	swait.ge [sflag:s29], $0xA0  }
0x4b: {  	[sflag:s29] =	ssyncset.done $0x0  }
0x4c: {  	[sflag:s29] =	ssyncadd.s32 $0xFFFFFF60  }
0x4d: {  	v5 =	vld [tilespmem:$0x100]  }
0x4e: {  	v6 =	vld [tilespmem:$0x150]  }
0x4f: {  	v8 =	vld [tilespmem:$0x160];
	_ =	sdelay $0x1  }
0x50: {  	v7 =	vld [tilespmem:$0x110];
	_ =	sdelay $0x1  }
0x51: {  	v9 =	vld [tilespmem:$0x120];
	[tilespmem:$0x480] =	vst v6  }
0x52: {  	v5 =	vadd.s32 v0, v5;
	[tilespmem:$0x490] =	vst v8  }
0x53: {  	[tilespmem:$0x380] =	vst v5;
	v5 =	vadd.s32 v0, v6;
	v6 =	vld [tilespmem:$0x170]  }
0x54: {  	[tilespmem:$0x400] =	vst v5;
	v5 =	vadd.s32 v0, v7;
	v7 =	vld [tilespmem:$0x130]  }
0x55: {  	[tilespmem:$0x390] =	vst v5;
	v5 =	vadd.s32 v0, v8;
	v8 =	vld [tilespmem:$0x180]  }
0x56: {  	[tilespmem:$0x410] =	vst v5;
	v5 =	vadd.s32 v0, v9  }
0x57: {  	v9 =	vld [tilespmem:$0x140];
	[tilespmem:$0x3A0] =	vst v5  }
0x58: {  	[tilespmem:$0x4A0] =	vst v6;
	v5 =	vadd.s32 v0, v6  }
0x59: {  	v6 =	vld [tilespmem:$0x190];
	[tilespmem:$0x420] =	vst v5  }
0x5a: {  	v5 =	vadd.s32 v0, v7;
	[tilespmem:$0x4B0] =	vst v8  }
0x5b: {  	s8 =	sshll.u32 s7, $0x1;
	p1 =	seq.s32 s7, $0x7C;
	[tilespmem:$0x3B0] =	vst v5;
	v5 =	vadd.s32 v0, v8  }
0x5c: {  	s9 =	sadd.s32 @!p1 s8, s12;
	[tilespmem:$0x430] =	vst v5;
	v5 =	vadd.s32 v0, v9  }
0x5d: {  	s9 =	smul.u32 @!p1 $0x14, s9;
	[tilespmem:$0x3C0] =	vst v5  }
0x5e: {  	[tilespmem:$0x4C0] =	vst v6;
	v5 =	vadd.s32 v0, v6  }
0x5f: {  	s10 =	simm.s32 @!p1 $0x0;
	s9 =	sadd.s32 @!p1 s6, s9;
	[tilespmem:$0x440] =	vst v5  }
0x60: {  	[tilespmem:s10], [sflag:$0x1] =	stream.linear.gather @!p1 [hbm4b:s9+s10], $0xA0, $0x38;
	[tilespmem:$0x1DE00] =	vst v63  }
0x61: {  	_ = 	snop  }
0x62: {  	[tilespmem:s31], [sflag:$0x4] =	stream.indirect.gather [hbm4b:s4+s23], $0x80, s30, s23, $0xb8;
	[tilespmem:$0x1DE00] =	vst v63  }
0x63: {  	_ = 	snop  }
0x64: {  	[tilespmem:s3], [sflag:$0x4] =	stream.indirect.gather [hbm4b:s5+s23], $0x80, s0, s23, $0xb8;
	[tilespmem:$0x1DE00] =	vst v63  }
0x65: {  	_ =	swait.ge [sflag:s20], $0x2800  }
0x66: {  	[sflag:s20] =	ssyncset.done $0x0  }
0x67: {  	[sflag:s20] =	ssyncadd.s32 $0xFFFFD800  }
0x68: {  	_ =	swait.ge [sflag:s20], $0x2800  }
0x69: {  	[sflag:s20] =	ssyncset.done $0x0  }
0x6a: {  	s9 =	simm.s32 $0x0;
	[sflag:s20] =	ssyncadd.s32 $0xFFFFD800  }
0x6b: {  	v5 =	vld [tilespmem:s9+$0x2D00]  }
0x6c: {  	v6 =	vld [tilespmem:s9+$0x540]  }
0x6d: {  	v7 =	vld [tilespmem:s9+$0x2D10]  }
0x6e: {  	v8 =	vld [tilespmem:s9+$0x2D20]  }
0x6f: {  	v9 =	vld [tilespmem:s9+$0x2D30]  }
0x70: {  	v10 =	vld [tilespmem:s9+$0x2D80]  }
0x71: {  	v11 =	vld [tilespmem:s9+$0x550]  }
0x72: {  	v13 =	vld [tilespmem:s9+$0x560];
	v5 =	vadd.f32 v5, v6  }
0x73: {  	v14 =	vld [tilespmem:s9+$0x570]  }
0x74: {  	v15 =	vld [tilespmem:s9+$0x5D0];
	v12 =	vmul.f32 $2.000000030e-01, v5  }
0x75: {  	v6 =	vld [tilespmem:s9+$0x2D90]  }
0x76: {  	v5 =	vmax.f32 v5, v12;
	v12 =	vld [tilespmem:s9+$0x5C0];
	_ =	sdelay $0x1  }
0x77: {  	v7 =	vadd.f32 v7, v11;
	v5 =	vsub.f32 v5, v1  }
0x78: {  	v18 =	vld [tilespmem:s9+$0x5F0];
	v8 =	vadd.f32 v8, v13  }
0x79: {  	v20 =	vld [tilespmem:s9+$0x660];
	v9 =	vadd.f32 v9, v14;
	v16 =	vmul.f32 $2.000000030e-01, v7;
	v5 =	vmul.f32 $1.442695020e+00, v5  }
0x7a: {  	v11 =	vld [tilespmem:s9+$0x2DA0];
	v17 =	vmul.f32 $2.000000030e-01, v8;
	v6 =	vadd.f32 v6, v15;
	v10 =	vadd.f32 v10, v12  }
0x7b: {  	v13 =	vld [tilespmem:s9+$0x2DB0];
	(erf) = vpow2.f32 v5;
	v5 =	vmax.f32 v7, v16;
	v7 =	vmul.f32 $2.000000030e-01, v9  }
0x7c: {  	v8 =	vmax.f32 v8, v17;
	v17 =	vld [tilespmem:s9+$0x5E0];
	v5 =	vsub.f32 v5, v2;
	v16 =	vmul.f32 $2.000000030e-01, v10  }
0x7d: {  	v14 =	vld [tilespmem:s9+$0x2E00];
	v8 =	vsub.f32 v8, v3;
	v7 =	vmax.f32 v9, v7;
	v9 =	vmul.f32 $2.000000030e-01, v6  }
0x7e: {  	v12 =	vld [tilespmem:s9+$0x2E10];
	v5 =	vmul.f32 $1.442695020e+00, v5;
	v7 =	vsub.f32 v7, v4;
	v10 =	vmax.f32 v10, v16  }
0x7f: {  	v8 =	vmul.f32 $1.442695020e+00, v8;
	v16 =	vld [tilespmem:s9+$0x640];
	v6 =	vmax.f32 v6, v9;
	v10 =	vsub.f32 v10, v1  }
0x80: {  	v9 =	vld [tilespmem:s9+$0x650];
	v19 =	vmul.f32 $1.442695020e+00, v7;
	v7 =	vsub.f32 v6, v2;
	(erf) = vpow2.f32 v5  }
0x81: {  	v15 =	vld [tilespmem:s9+$0x2E20];
	v11 =	vadd.f32 v11, v17;
	(erf) = vpow2.f32 v8  }
0x82: {  	v18 =	vadd.f32 v13, v18;
	v6 =	vld [tilespmem:s9+$0x2E30];
	v5 =	vmul.f32 $1.442695020e+00, v10;
	v17 =	vmul.f32 $1.442695020e+00, v7  }
0x83: {  	v8 =	vld [tilespmem:s9+$0x2EA0];
	(erf) = vpow2.f32 v19;
	v19 =	vmul.f32 $2.000000030e-01, v11  }
0x84: {  	v7 =	vld [tilespmem:s9+$0x2E80];
	v21 =	vadd.f32 v14, v16;
	(erf) = vpow2.f32 v5;
	v5 =	vmul.f32 $2.000000030e-01, v18  }
0x85: {  	v10 =	vld [tilespmem:s9+$0x2E90];
	v13 =	vadd.f32 v12, v9;
	(erf) = vpow2.f32 v17  }
0x86: {  	v11 =	vmax.f32 v11, v19;
	v14 =	vadd.f32 v15, v20;
	v9 =	vld [tilespmem:s9+$0x2EB0];
	v19 =	vmul.f32 $2.000000030e-01, v21  }
0x87: {  	v12 =	vld [tilespmem:s9+$0x670];
	v15 =	vsub.f32 v11, v3;
	v11 =	vmax.f32 v18, v5;
	v16 =	vmul.f32 $2.000000030e-01, v13  }
0x88: {  	s10 =	simm.s32 $0x800;
	v18 =	vmul.f32 $2.000000030e-01, v14;
	v17 =	vsub.f32 v11, v4;
	v11 =	vld [tilespmem:s9+$0x6C0];
	v5 =	vpop (erf);
	v19 =	vmax.f32 v21, v19  }
.LBB2_3:
0x89: {  	p2 =	sne.s32 s10, $0x9800;
	v15 =	vmul.f32 $1.442695020e+00, v15;
	v19 =	vsub.f32 v19, v1;
	v13 =	vmax.f32 v13, v16;
	v16 =	vld [tilespmem:s9+$0x6D0]  }
0x8a: {  	v17 =	vmul.f32 $1.442695020e+00, v17;
	v13 =	vsub.f32 v13, v2;
	v14 =	vmax.f32 v14, v18;
	v18 =	vld [tilespmem:s9+$0x6E0];
	v20 =	vpop (erf)  }
0x8b: {  	s11 =	sshra.s32 s10, $0x2;
	v19 =	vmul.f32 $1.442695020e+00, v19;
	v14 =	vsub.f32 v14, v3;
	v21 =	vld [tilespmem:s9+$0x6F0];
	v22 =	vpop (erf);
	(erf) = vpow2.f32 v15  }
0x8c: {  	v15 =	vld [tilespmem:s11+$0x2D00];
	v13 =	vmul.f32 $1.442695020e+00, v13;
	v12 =	vadd.f32 v6, v12;
	v23 =	vpop (erf);
	(erf) = vpow2.f32 v17  }
0x8d: {  	v6 =	vld [tilespmem:s11+$0x2D10];
	v14 =	vmul.f32 $1.442695020e+00, v14;
	v7 =	vadd.f32 v7, v11;
	v11 =	vpop (erf);
	(erf) = vpow2.f32 v19  }
0x8e: {  	v17 =	vld [tilespmem:s9+$0x500];
	v19 =	vmul.f32 $2.000000030e-01, v12;
	v10 =	vadd.f32 v10, v16;
	v16 =	vpop (erf);
	(erf) = vpow2.f32 v13  }
0x8f: {  	v13 =	vld [tilespmem:s9+$0x510];
	v24 =	vmul.f32 $2.000000030e-01, v7;
	v8 =	vadd.f32 v8, v18;
	(erf) = vpow2.f32 v14  }
0x90: {  	v14 =	vld [tilespmem:s9+$0x530];
	v12 =	vmax.f32 v12, v19;
	v18 =	vmul.f32 $2.000000030e-01, v10;
	v9 =	vadd.f32 v9, v21  }
0x91: {  	v19 =	vld [tilespmem:s9+$0x590];
	v12 =	vsub.f32 v12, v4;
	v7 =	vmax.f32 v7, v24;
	v21 =	vmul.f32 $2.000000030e-01, v8  }
0x92: {  	v24 =	vld [tilespmem:s9+$0x5B0];
	v7 =	vsub.f32 v7, v1;
	v10 =	vmax.f32 v10, v18;
	v26 =	vmul.f32 $2.000000030e-01, v9  }
0x93: {  	v25 =	vld [tilespmem:s9+$0x610];
	v12 =	vmul.f32 $1.442695020e+00, v12;
	v10 =	vsub.f32 v10, v2;
	v8 =	vmax.f32 v8, v21  }
0x94: {  	[tilespmem:s9+$0x540] =	vst v5;
	v21 =	vld [tilespmem:s9+$0x620];
	v7 =	vmul.f32 $1.442695020e+00, v7;
	v8 =	vsub.f32 v8, v3;
	v9 =	vmax.f32 v9, v26;
	v18 =	vpop (erf)  }
0x95: {  	[tilespmem:s9+$0x550] =	vst v20;
	v26 =	vld [tilespmem:s9+$0x600];
	v10 =	vmul.f32 $1.442695020e+00, v10;
	v9 =	vsub.f32 v9, v4;
	v27 =	vpop (erf);
	(erf) = vpow2.f32 v12  }
0x96: {  	[tilespmem:s9+$0x560] =	vst v22;
	v12 =	vld [tilespmem:s9+$0x5A0];
	v8 =	vmul.f32 $1.442695020e+00, v8;
	v28 =	vpop (erf);
	(erf) = vpow2.f32 v7  }
0x97: {  	[tilespmem:s9+$0x570] =	vst v23;
	v7 =	vld [tilespmem:s9+$0x580];
	v9 =	vmul.f32 $1.442695020e+00, v9;
	v29 =	vpop (erf);
	(erf) = vpow2.f32 v10  }
0x98: {  	v10 =	vld [tilespmem:s9+$0x520];
	[tilespmem:s9+$0x5C0] =	vst v11;
	v25 =	vmul.f32 v29, v25;
	v30 =	vpop (erf);
	(erf) = vpow2.f32 v8  }
0x99: {  	[tilespmem:s9+$0x5D0] =	vst v16;
	v8 =	vmul.f32 v30, v21;
	v21 =	vld [tilespmem:s9+$0x630];
	(erf) = vpow2.f32 v9  }
0x9a: {  	v9 =	vmul.f32 v27, v24;
	[tilespmem:s9+$0x5E0] =	vst v18;
	v24 =	vmul.f32 v28, v26;
	v26 =	vld [tilespmem:s9+$0x680]  }
0x9b: {  	v16 =	vmul.f32 v16, v19;
	v12 =	vmul.f32 v18, v12;
	[tilespmem:s9+$0x5F0] =	vst v27;
	v18 =	vld [tilespmem:s9+$0x690]  }
0x9c: {  	v14 =	vmul.f32 v23, v14;
	v7 =	vmul.f32 v11, v7;
	[tilespmem:s9+$0x640] =	vst v28;
	v11 =	vld [tilespmem:s9+$0x6A0]  }
0x9d: {  	v13 =	vmul.f32 v20, v13;
	v19 =	vld [tilespmem:s11+$0x540];
	v10 =	vmul.f32 v22, v10;
	[tilespmem:s9+$0x650] =	vst v29  }
0x9e: {  	v5 =	vmul.f32 v5, v17;
	[tilespmem:s9+$0x660] =	vst v30;
	v17 =	vld [tilespmem:s9+$0x6B0];
	v20 =	vpop (erf)  }
0x9f: {  	v22 =	vld [tilespmem:s11+$0x2D20];
	[tilespmem:s9+$0x670] =	vst v20;
	v20 =	vmul.f32 v20, v21;
	v21 =	vpop (erf)  }
0xa0: {  	v23 =	vld [tilespmem:s11+$0x2D30];
	[tilespmem:s9+$0x6C0] =	vst v21;
	v21 =	vmul.f32 v21, v26;
	v26 =	vpop (erf)  }
0xa1: {  	v27 =	vld [tilespmem:s11+$0x2D80];
	[tilespmem:s9+$0x6D0] =	vst v26;
	v18 =	vmul.f32 v26, v18;
	v26 =	vpop (erf)  }
0xa2: {  	v15 =	vadd.f32 v15, v19;
	v19 =	vld [tilespmem:s11+$0x2D90];
	[tilespmem:s9+$0x6E0] =	vst v26;
	v11 =	vmul.f32 v26, v11;
	v26 =	vpop (erf)  }
0xa3: {  	v28 =	vld [tilespmem:s11+$0x550];
	[tilespmem:s9+$0x6F0] =	vst v26;
	v17 =	vmul.f32 v26, v17  }
0xa4: {  	v26 =	vmul.f32 $2.000000030e-01, v15;
	v29 =	vld [tilespmem:s11+$0x560];
	[tilespmem:s9+$0x6A0] =	vst v11  }
0xa5: {  	v11 =	vld [tilespmem:s11+$0x570];
	[tilespmem:s9+$0x6B0] =	vst v17  }
0xa6: {  	v15 =	vmax.f32 v15, v26;
	v17 =	vld [tilespmem:s11+$0x5C0];
	[tilespmem:s9+$0x690] =	vst v18  }
0xa7: {  	v15 =	vsub.f32 v15, v1;
	v18 =	vld [tilespmem:s11+$0x5D0];
	[tilespmem:s9+$0x680] =	vst v21  }
0xa8: {  	v6 =	vadd.f32 v6, v28;
	v21 =	vld [tilespmem:s11+$0x2DA0];
	[tilespmem:s9+$0x630] =	vst v20  }
0xa9: {  	v15 =	vmul.f32 $1.442695020e+00, v15;
	v20 =	vadd.f32 v22, v29;
	v22 =	vld [tilespmem:s11+$0x2DB0];
	[tilespmem:s9+$0x620] =	vst v8  }
0xaa: {  	v8 =	vmul.f32 $2.000000030e-01, v6;
	v11 =	vadd.f32 v23, v11;
	v23 =	vld [tilespmem:s11+$0x2E00];
	[tilespmem:s9+$0x610] =	vst v25  }
0xab: {  	v25 =	vmul.f32 $2.000000030e-01, v20;
	v17 =	vadd.f32 v27, v17;
	v26 =	vld [tilespmem:s11+$0x2E10];
	(erf) = vpow2.f32 v15;
	[tilespmem:s9+$0x600] =	vst v24  }
0xac: {  	v6 =	vmax.f32 v6, v8;
	v8 =	vmul.f32 $2.000000030e-01, v11;
	v15 =	vadd.f32 v19, v18;
	v18 =	vld [tilespmem:s11+$0x2E20];
	[tilespmem:s9+$0x5B0] =	vst v9  }
0xad: {  	v6 =	vsub.f32 v6, v2;
	v9 =	vmax.f32 v20, v25;
	v19 =	vmul.f32 $2.000000030e-01, v17;
	v20 =	vld [tilespmem:s11+$0x5E0];
	[tilespmem:s9+$0x5A0] =	vst v12  }
0xae: {  	v9 =	vsub.f32 v9, v3;
	v8 =	vmax.f32 v11, v8;
	v11 =	vmul.f32 $2.000000030e-01, v15;
	v12 =	vld [tilespmem:s11+$0x5F0];
	[tilespmem:s9+$0x590] =	vst v16  }
0xaf: {  	v6 =	vmul.f32 $1.442695020e+00, v6;
	v8 =	vsub.f32 v8, v4;
	v16 =	vmax.f32 v17, v19;
	v17 =	vld [tilespmem:s11+$0x640];
	[tilespmem:s9+$0x580] =	vst v7  }
0xb0: {  	v7 =	vmul.f32 $1.442695020e+00, v9;
	v9 =	vsub.f32 v16, v1;
	v11 =	vmax.f32 v15, v11;
	v15 =	vld [tilespmem:s11+$0x650];
	[tilespmem:s9+$0x530] =	vst v14  }
0xb1: {  	v8 =	vmul.f32 $1.442695020e+00, v8;
	v11 =	vsub.f32 v11, v2;
	v14 =	vld [tilespmem:s11+$0x660];
	(erf) = vpow2.f32 v6;
	[tilespmem:s9+$0x520] =	vst v10  }
0xb2: {  	v9 =	vmul.f32 $1.442695020e+00, v9;
	v16 =	vadd.f32 v21, v20;
	v6 =	vld [tilespmem:s11+$0x2E30];
	(erf) = vpow2.f32 v7;
	[tilespmem:s9+$0x510] =	vst v13  }
0xb3: {  	v11 =	vmul.f32 $1.442695020e+00, v11;
	v12 =	vadd.f32 v22, v12;
	v7 =	vld [tilespmem:s11+$0x2E80];
	(erf) = vpow2.f32 v8;
	[tilespmem:s9+$0x500] =	vst v5;
	s9 =	smov.u32 s11  }
.Ltmp0:
0xb4: {  	v19 =	vmul.f32 $2.000000030e-01, v16;
	v20 =	vadd.f32 v23, v17;
	v10 =	vld [tilespmem:s9+$0x2E90];
	v5 =	vpop (erf);
	(erf) = vpow2.f32 v9;
	(pc) =	sbr.rel @p2 .LBB2_3-.Ltmp0, $4  }
0xb5: {  	v17 =	vmul.f32 $2.000000030e-01, v12;
	v13 =	vadd.f32 v26, v15;
	v8 =	vld [tilespmem:s9+$0x2EA0];
	(erf) = vpow2.f32 v11  }
0xb6: {  	v11 =	vmax.f32 v16, v19;
	v19 =	vmul.f32 $2.000000030e-01, v20;
	v14 =	vadd.f32 v18, v14;
	v9 =	vld [tilespmem:s9+$0x2EB0]  }
0xb7: {  	v15 =	vsub.f32 v11, v3;
	v11 =	vmax.f32 v12, v17;
	v16 =	vmul.f32 $2.000000030e-01, v13;
	v12 =	vld [tilespmem:s9+$0x670]  }
0xb8: {  	s10 =	sadd.s32 $0x800, s10;
	v17 =	vsub.f32 v11, v4;
	v19 =	vmax.f32 v20, v19;
	v18 =	vmul.f32 $2.000000030e-01, v14;
	v11 =	vld [tilespmem:s9+$0x6C0]  }
0xb9: {  	v20 =	vld [tilespmem:s9+$0x6D0];
	v19 =	vsub.f32 v19, v1;
	v13 =	vmax.f32 v13, v16  }
0xba: {  	v21 =	vld [tilespmem:s9+$0x6E0];
	v15 =	vmul.f32 $1.442695020e+00, v15;
	v13 =	vsub.f32 v13, v2;
	v14 =	vmax.f32 v14, v18  }
0xbb: {  	v22 =	vld [tilespmem:s9+$0x6F0];
	v17 =	vmul.f32 $1.442695020e+00, v17;
	v19 =	vmul.f32 $1.442695020e+00, v19;
	v14 =	vsub.f32 v14, v3  }
0xbc: {  	v18 =	vpop (erf);
	(erf) = vpow2.f32 v15;
	v13 =	vmul.f32 $1.442695020e+00, v13;
	v6 =	vadd.f32 v6, v12  }
0xbd: {  	v23 =	vld [tilespmem:s9+$0x500];
	(erf) = vpow2.f32 v17;
	v14 =	vmul.f32 $1.442695020e+00, v14;
	v7 =	vadd.f32 v7, v11  }
0xbe: {  	v12 =	vpop (erf);
	(erf) = vpow2.f32 v19;
	v17 =	vmul.f32 $2.000000030e-01, v6  }
0xbf: {  	v10 =	vadd.f32 v10, v20;
	v8 =	vadd.f32 v8, v21;
	v19 =	vmul.f32 $2.000000030e-01, v7  }
0xc0: {  	(erf) = vpow2.f32 v13;
	v9 =	vadd.f32 v9, v22;
	v6 =	vmax.f32 v6, v17  }
0xc1: {  	v17 =	vmul.f32 $2.000000030e-01, v10;
	v7 =	vmax.f32 v7, v19;
	v19 =	vmul.f32 $2.000000030e-01, v8  }
0xc2: {  	[tilespmem:s9+$0x540] =	vst v5;
	v5 =	vmul.f32 v5, v23;
	v13 =	vpop (erf);
	(erf) = vpow2.f32 v14;
	v6 =	vsub.f32 v6, v4  }
0xc3: {  	[tilespmem:s9+$0x550] =	vst v18;
	v7 =	vsub.f32 v7, v1;
	v10 =	vmax.f32 v10, v17;
	v8 =	vmax.f32 v8, v19  }
0xc4: {  	[tilespmem:s9+$0x560] =	vst v12;
	v17 =	vmul.f32 $2.000000030e-01, v9;
	v6 =	vmul.f32 $1.442695020e+00, v6;
	v8 =	vsub.f32 v8, v3  }
0xc5: {  	v27 =	vld [tilespmem:s9+$0x5B0];
	[tilespmem:s9+$0x500] =	vst v5;
	v60 =	vpop (erf);
	v10 =	vsub.f32 v10, v2;
	v7 =	vmul.f32 $1.442695020e+00, v7  }
0xc6: {  	[tilespmem:s9+$0x570] =	vst v13;
	v28 =	vpop (erf);
	(erf) = vpow2.f32 v6;
	v8 =	vmul.f32 $1.442695020e+00, v8  }
0xc7: {  	[tilespmem:s9+$0x5C0] =	vst v60;
	v10 =	vmul.f32 $1.442695020e+00, v10  }
0xc8: {  	v20 =	vld [tilespmem:s9+$0x580];
	[tilespmem:s9+$0x5D0] =	vst v28;
	v9 =	vmax.f32 v9, v17;
	v17 =	vpop (erf);
	(erf) = vpow2.f32 v7  }
0xc9: {  	[tilespmem:s9+$0x5E0] =	vst v17;
	(erf) = vpow2.f32 v10;
	v7 =	vpop (erf)  }
0xca: {  	v24 =	vld [tilespmem:s9+$0x510];
	(erf) = vpow2.f32 v8;
	[tilespmem:s9+$0x5F0] =	vst v7;
	v7 =	vmul.f32 v7, v27;
	v8 =	vpop (erf)  }
0xcb: {  	[tilespmem:s9+$0x640] =	vst v8  }
0xcc: {  	v9 =	vsub.f32 v9, v4;
	v19 =	vpop (erf);
	[tilespmem:s9+$0x5B0] =	vst v7  }
0xcd: {  	v6 =	vld [tilespmem:s9+$0x630];
	v7 =	vmul.f32 v60, v20;
	v30 =	vpop (erf);
	[tilespmem:s9+$0x650] =	vst v19  }
0xce: {  	v9 =	vmul.f32 $1.442695020e+00, v9;
	[tilespmem:s9+$0x660] =	vst v30  }
0xcf: {  	v10 =	vld [tilespmem:s9+$0x680];
	[tilespmem:s9+$0x580] =	vst v7;
	v7 =	vmul.f32 v18, v24;
	v32 =	vpop (erf)  }
0xd0: {  	(erf) = vpow2.f32 v9;
	v9 =	vld [tilespmem:s9+$0x690];
	[tilespmem:s9+$0x670] =	vst v32  }
0xd1: {  	v11 =	vld [tilespmem:s9+$0x600];
	v33 =	vpop (erf);
	[tilespmem:s9+$0x510] =	vst v7  }
0xd2: {  	v14 =	vld [tilespmem:s9+$0x5A0];
	v6 =	vmul.f32 v32, v6;
	[tilespmem:s9+$0x6C0] =	vst v33;
	v34 =	vpop (erf)  }
0xd3: {  	[tilespmem:s9+$0x6D0] =	vst v34  }
0xd4: {  	v29 =	vld [tilespmem:s9+$0x6A0];
	v10 =	vmul.f32 v33, v10;
	v35 =	vpop (erf);
	[tilespmem:s9+$0x630] =	vst v6  }
0xd5: {  	v16 =	vld [tilespmem:s9+$0x610];
	v9 =	vmul.f32 v34, v9;
	[tilespmem:s9+$0x6E0] =	vst v35  }
0xd6: {  	v15 =	vld [tilespmem:s9+$0x620];
	v6 =	vmul.f32 v8, v11;
	[tilespmem:s9+$0x680] =	vst v10  }
0xd7: {  	v26 =	vld [tilespmem:s9+$0x590];
	v8 =	vmul.f32 v17, v14;
	[tilespmem:s9+$0x690] =	vst v9  }
0xd8: {  	v25 =	vld [tilespmem:s9+$0x530];
	[tilespmem:s9+$0x600] =	vst v6  }
0xd9: {  	v31 =	vld [tilespmem:s9+$0x6B0];
	v29 =	vmul.f32 v35, v29;
	v62 =	vpop (erf);
	[tilespmem:s9+$0x5A0] =	vst v8  }
0xda: {  	v61 =	vld [tilespmem:s9+$0x520];
	v10 =	vmul.f32 v19, v16;
	[tilespmem:s9+$0x6F0] =	vst v62  }
0xdb: {  	v9 =	vmul.f32 v30, v15;
	[tilespmem:s9+$0x6A0] =	vst v29  }
0xdc: {  	v6 =	vmul.f32 v28, v26;
	[tilespmem:s9+$0x610] =	vst v10  }
0xdd: {  	v8 =	vmul.f32 v13, v25;
	[tilespmem:s9+$0x620] =	vst v9  }
0xde: {  	v31 =	vmul.f32 v62, v31;
	[tilespmem:s9+$0x590] =	vst v6  }
0xdf: {  	v6 =	vmul.f32 v12, v61;
	[tilespmem:s9+$0x530] =	vst v8  }
0xe0: {  	[tilespmem:s9+$0x6B0] =	vst v31  }
0xe1: {  	[tilespmem:s9+$0x520] =	vst v6  }
0xe2: {  	[spmem:s1] =	stream.indirect.scatter.add.f32 [tilespmem:s25], [sflag:$0x5], $0x80, s22, s23, $0xb8;
	[tilespmem:$0x1DE00] =	vst v63  }
0xe3: {  	_ =	swait.ge [sflag:s21], $0x2800  }
0xe4: {  	[sflag:s21] =	ssyncset.done $0x0  }
0xe5: {  	s9 =	simm.s32 @!p1 $0x1;
	[sflag:s21] =	ssyncadd.s32 $0xFFFFD800  }
0xe6: {  	_ =	swait.ge @!p1 [sflag:s9], $0xA0  }
0xe7: {  	[sflag:s9] =	ssyncset.done @!p1 $0x0  }
0xe8: {  	[sflag:s9] =	ssyncadd.s32 @!p1 $0xFFFFFF60  }
0xe9: {  	v5 =	vld @!p1 [tilespmem:$0x0]  }
0xea: {  	v6 =	vld @!p1 [tilespmem:$0x50]  }
0xeb: {  	v8 =	vld @!p1 [tilespmem:$0x60];
	_ =	sdelay $0x1  }
0xec: {  	v7 =	vld @!p1 [tilespmem:$0x10];
	_ =	sdelay $0x1  }
0xed: {  	v9 =	vld @!p1 [tilespmem:$0x20];
	[tilespmem:$0x300] =	vst @!p1 v6  }
0xee: {  	v5 =	vadd.s32 @!p1 v0, v5;
	[tilespmem:$0x310] =	vst @!p1 v8  }
0xef: {  	[tilespmem:$0x200] =	vst @!p1 v5;
	v5 =	vadd.s32 @!p1 v0, v6;
	v6 =	vld @!p1 [tilespmem:$0x70]  }
0xf0: {  	[tilespmem:$0x280] =	vst @!p1 v5;
	v5 =	vadd.s32 @!p1 v0, v7;
	v7 =	vld @!p1 [tilespmem:$0x30]  }
0xf1: {  	[tilespmem:$0x210] =	vst @!p1 v5;
	v5 =	vadd.s32 @!p1 v0, v8;
	v8 =	vld @!p1 [tilespmem:$0x80]  }
0xf2: {  	[tilespmem:$0x290] =	vst @!p1 v5;
	v5 =	vadd.s32 @!p1 v0, v9  }
0xf3: {  	v9 =	vld @!p1 [tilespmem:$0x40];
	[tilespmem:$0x220] =	vst @!p1 v5  }
0xf4: {  	[tilespmem:$0x320] =	vst @!p1 v6;
	v5 =	vadd.s32 @!p1 v0, v6  }
0xf5: {  	v6 =	vld @!p1 [tilespmem:$0x90];
	[tilespmem:$0x2A0] =	vst @!p1 v5  }
0xf6: {  	v5 =	vadd.s32 @!p1 v0, v7;
	[tilespmem:$0x330] =	vst @!p1 v8  }
0xf7: {  	[tilespmem:$0x230] =	vst @!p1 v5;
	v5 =	vadd.s32 @!p1 v0, v8  }
0xf8: {  	s8 =	sadd.s32 @!p1 s8, s13;
	[tilespmem:$0x2B0] =	vst @!p1 v5;
	v5 =	vadd.s32 @!p1 v0, v9  }
0xf9: {  	s8 =	smul.u32 @!p1 $0x14, s8;
	[tilespmem:$0x240] =	vst @!p1 v5  }
0xfa: {  	[tilespmem:$0x340] =	vst @!p1 v6;
	v5 =	vadd.s32 @!p1 v0, v6  }
0xfb: {  	s10 =	simm.s32 @!p1 $0x100;
	s8 =	sadd.s32 @!p1 s6, s8;
	s9 =	simm.s32 @!p1 $0x0;
	[tilespmem:$0x2C0] =	vst @!p1 v5  }
0xfc: {  	[tilespmem:s10], [sflag:$0x2] =	stream.linear.gather @!p1 [hbm4b:s8+s9], $0xA0, $0x38;
	[tilespmem:$0x1DE00] =	vst v63  }
0xfd: {  	s8 =	simm.s32 @!p1 $0x50;
	s9 =	simm.s32 @!p1 $0x200;
	s10 =	simm.s32 @!p1 $0x500  }
0xfe: {  	[tilespmem:s10], [sflag:$0x3] =	stream.indirect.gather @!p1 [hbm4b:s4+s8], $0x80, s9, s8, $0xb8;
	[tilespmem:$0x1DE00] =	vst v63  }
0xff: {  	s9 =	simm.s32 @!p1 $0x280;
	s10 =	simm.s32 @!p1 $0x2D00  }
0x100: {  	[tilespmem:s10], [sflag:$0x3] =	stream.indirect.gather @!p1 [hbm4b:s5+s8], $0x80, s9, s8, $0xb8;
	[tilespmem:$0x1DE00] =	vst v63  }
0x101: {  	_ =	swait.ge [sflag:s24], $0x2800  }
0x102: {  	[sflag:s24] =	ssyncset.done $0x0  }
0x103: {  	[sflag:s24] =	ssyncadd.s32 $0xFFFFD800  }
0x104: {  	_ =	swait.ge [sflag:s24], $0x2800  }
0x105: {  	[sflag:s24] =	ssyncset.done $0x0  }
0x106: {  	s8 =	simm.s32 $0x0;
	[sflag:s24] =	ssyncadd.s32 $0xFFFFD800  }
0x107: {  	v5 =	vld [tilespmem:s8+$0x7D00]  }
0x108: {  	v6 =	vld [tilespmem:s8+$0x5540]  }
0x109: {  	v7 =	vld [tilespmem:s8+$0x7D10]  }
0x10a: {  	v8 =	vld [tilespmem:s8+$0x7D20]  }
0x10b: {  	v9 =	vld [tilespmem:s8+$0x7D30]  }
0x10c: {  	v10 =	vld [tilespmem:s8+$0x7D80]  }
0x10d: {  	v11 =	vld [tilespmem:s8+$0x5550]  }
0x10e: {  	v13 =	vld [tilespmem:s8+$0x5560];
	v5 =	vadd.f32 v5, v6  }
0x10f: {  	v14 =	vld [tilespmem:s8+$0x5570]  }
0x110: {  	v15 =	vld [tilespmem:s8+$0x55D0];
	v12 =	vmul.f32 $2.000000030e-01, v5  }
0x111: {  	v6 =	vld [tilespmem:s8+$0x7D90]  }
0x112: {  	v5 =	vmax.f32 v5, v12;
	v12 =	vld [tilespmem:s8+$0x55C0];
	_ =	sdelay $0x1  }
0x113: {  	v7 =	vadd.f32 v7, v11;
	v5 =	vsub.f32 v5, v1  }
0x114: {  	v18 =	vld [tilespmem:s8+$0x55F0];
	v8 =	vadd.f32 v8, v13  }
0x115: {  	v20 =	vld [tilespmem:s8+$0x5660];
	v9 =	vadd.f32 v9, v14;
	v16 =	vmul.f32 $2.000000030e-01, v7;
	v5 =	vmul.f32 $1.442695020e+00, v5  }
0x116: {  	v11 =	vld [tilespmem:s8+$0x7DA0];
	v17 =	vmul.f32 $2.000000030e-01, v8;
	v6 =	vadd.f32 v6, v15;
	v10 =	vadd.f32 v10, v12  }
0x117: {  	v13 =	vld [tilespmem:s8+$0x7DB0];
	(erf) = vpow2.f32 v5;
	v5 =	vmax.f32 v7, v16;
	v7 =	vmul.f32 $2.000000030e-01, v9  }
0x118: {  	v8 =	vmax.f32 v8, v17;
	v17 =	vld [tilespmem:s8+$0x55E0];
	v5 =	vsub.f32 v5, v2;
	v16 =	vmul.f32 $2.000000030e-01, v10  }
0x119: {  	v14 =	vld [tilespmem:s8+$0x7E00];
	v8 =	vsub.f32 v8, v3;
	v7 =	vmax.f32 v9, v7;
	v9 =	vmul.f32 $2.000000030e-01, v6  }
0x11a: {  	v12 =	vld [tilespmem:s8+$0x7E10];
	v5 =	vmul.f32 $1.442695020e+00, v5;
	v7 =	vsub.f32 v7, v4;
	v10 =	vmax.f32 v10, v16  }
0x11b: {  	v8 =	vmul.f32 $1.442695020e+00, v8;
	v16 =	vld [tilespmem:s8+$0x5640];
	v6 =	vmax.f32 v6, v9;
	v10 =	vsub.f32 v10, v1  }
0x11c: {  	v9 =	vld [tilespmem:s8+$0x5650];
	v19 =	vmul.f32 $1.442695020e+00, v7;
	v7 =	vsub.f32 v6, v2;
	(erf) = vpow2.f32 v5  }
0x11d: {  	v15 =	vld [tilespmem:s8+$0x7E20];
	v11 =	vadd.f32 v11, v17;
	(erf) = vpow2.f32 v8  }
0x11e: {  	v18 =	vadd.f32 v13, v18;
	v6 =	vld [tilespmem:s8+$0x7E30];
	v5 =	vmul.f32 $1.442695020e+00, v10;
	v17 =	vmul.f32 $1.442695020e+00, v7  }
0x11f: {  	v8 =	vld [tilespmem:s8+$0x7EA0];
	(erf) = vpow2.f32 v19;
	v19 =	vmul.f32 $2.000000030e-01, v11  }
0x120: {  	v7 =	vld [tilespmem:s8+$0x7E80];
	v63 =	vadd.f32 v14, v16;
	(erf) = vpow2.f32 v5;
	v5 =	vmul.f32 $2.000000030e-01, v18  }
0x121: {  	v10 =	vld [tilespmem:s8+$0x7E90];
	v13 =	vadd.f32 v12, v9;
	(erf) = vpow2.f32 v17  }
0x122: {  	v11 =	vmax.f32 v11, v19;
	v14 =	vadd.f32 v15, v20;
	v9 =	vld [tilespmem:s8+$0x7EB0];
	v19 =	vmul.f32 $2.000000030e-01, v63  }
0x123: {  	v12 =	vld [tilespmem:s8+$0x5670];
	v15 =	vsub.f32 v11, v3;
	v11 =	vmax.f32 v18, v5;
	v16 =	vmul.f32 $2.000000030e-01, v13  }
0x124: {  	s9 =	simm.s32 $0x800;
	v18 =	vmul.f32 $2.000000030e-01, v14;
	v17 =	vsub.f32 v11, v4;
	v11 =	vld [tilespmem:s8+$0x56C0];
	v5 =	vpop (erf);
	v19 =	vmax.f32 v63, v19  }
.LBB2_5:
0x125: {  	p1 =	sne.s32 s9, $0x9800;
	v15 =	vmul.f32 $1.442695020e+00, v15;
	v19 =	vsub.f32 v19, v1;
	v13 =	vmax.f32 v13, v16;
	v16 =	vld [tilespmem:s8+$0x56D0]  }
0x126: {  	v17 =	vmul.f32 $1.442695020e+00, v17;
	v13 =	vsub.f32 v13, v2;
	v14 =	vmax.f32 v14, v18;
	v18 =	vld [tilespmem:s8+$0x56E0];
	v20 =	vpop (erf)  }
0x127: {  	s10 =	sshra.s32 s9, $0x2;
	v19 =	vmul.f32 $1.442695020e+00, v19;
	v14 =	vsub.f32 v14, v3;
	v21 =	vld [tilespmem:s8+$0x56F0];
	v22 =	vpop (erf);
	(erf) = vpow2.f32 v15  }
0x128: {  	v15 =	vld [tilespmem:s10+$0x7D00];
	v13 =	vmul.f32 $1.442695020e+00, v13;
	v12 =	vadd.f32 v6, v12;
	v23 =	vpop (erf);
	(erf) = vpow2.f32 v17  }
0x129: {  	v6 =	vld [tilespmem:s10+$0x7D10];
	v14 =	vmul.f32 $1.442695020e+00, v14;
	v7 =	vadd.f32 v7, v11;
	v11 =	vpop (erf);
	(erf) = vpow2.f32 v19  }
0x12a: {  	v17 =	vld [tilespmem:s8+$0x5500];
	v19 =	vmul.f32 $2.000000030e-01, v12;
	v10 =	vadd.f32 v10, v16;
	v16 =	vpop (erf);
	(erf) = vpow2.f32 v13  }
0x12b: {  	v13 =	vld [tilespmem:s8+$0x5510];
	v24 =	vmul.f32 $2.000000030e-01, v7;
	v8 =	vadd.f32 v8, v18;
	(erf) = vpow2.f32 v14  }
0x12c: {  	v14 =	vld [tilespmem:s8+$0x5530];
	v12 =	vmax.f32 v12, v19;
	v18 =	vmul.f32 $2.000000030e-01, v10;
	v9 =	vadd.f32 v9, v21  }
0x12d: {  	v19 =	vld [tilespmem:s8+$0x5590];
	v12 =	vsub.f32 v12, v4;
	v7 =	vmax.f32 v7, v24;
	v21 =	vmul.f32 $2.000000030e-01, v8  }
0x12e: {  	v24 =	vld [tilespmem:s8+$0x55B0];
	v7 =	vsub.f32 v7, v1;
	v10 =	vmax.f32 v10, v18;
	v26 =	vmul.f32 $2.000000030e-01, v9  }
0x12f: {  	v25 =	vld [tilespmem:s8+$0x5610];
	v12 =	vmul.f32 $1.442695020e+00, v12;
	v10 =	vsub.f32 v10, v2;
	v8 =	vmax.f32 v8, v21  }
0x130: {  	[tilespmem:s8+$0x5540] =	vst v5;
	v21 =	vld [tilespmem:s8+$0x5620];
	v7 =	vmul.f32 $1.442695020e+00, v7;
	v8 =	vsub.f32 v8, v3;
	v9 =	vmax.f32 v9, v26;
	v18 =	vpop (erf)  }
0x131: {  	[tilespmem:s8+$0x5550] =	vst v20;
	v26 =	vld [tilespmem:s8+$0x5600];
	v10 =	vmul.f32 $1.442695020e+00, v10;
	v9 =	vsub.f32 v9, v4;
	v27 =	vpop (erf);
	(erf) = vpow2.f32 v12  }
0x132: {  	[tilespmem:s8+$0x5560] =	vst v22;
	v12 =	vld [tilespmem:s8+$0x55A0];
	v8 =	vmul.f32 $1.442695020e+00, v8;
	v28 =	vpop (erf);
	(erf) = vpow2.f32 v7  }
0x133: {  	[tilespmem:s8+$0x5570] =	vst v23;
	v7 =	vld [tilespmem:s8+$0x5580];
	v9 =	vmul.f32 $1.442695020e+00, v9;
	v29 =	vpop (erf);
	(erf) = vpow2.f32 v10  }
0x134: {  	v10 =	vld [tilespmem:s8+$0x5520];
	[tilespmem:s8+$0x55C0] =	vst v11;
	v25 =	vmul.f32 v29, v25;
	v30 =	vpop (erf);
	(erf) = vpow2.f32 v8  }
0x135: {  	[tilespmem:s8+$0x55D0] =	vst v16;
	v8 =	vmul.f32 v30, v21;
	v21 =	vld [tilespmem:s8+$0x5630];
	(erf) = vpow2.f32 v9  }
0x136: {  	v9 =	vmul.f32 v27, v24;
	[tilespmem:s8+$0x55E0] =	vst v18;
	v24 =	vmul.f32 v28, v26;
	v26 =	vld [tilespmem:s8+$0x5680]  }
0x137: {  	v16 =	vmul.f32 v16, v19;
	v12 =	vmul.f32 v18, v12;
	[tilespmem:s8+$0x55F0] =	vst v27;
	v18 =	vld [tilespmem:s8+$0x5690]  }
0x138: {  	v14 =	vmul.f32 v23, v14;
	v7 =	vmul.f32 v11, v7;
	[tilespmem:s8+$0x5640] =	vst v28;
	v11 =	vld [tilespmem:s8+$0x56A0]  }
0x139: {  	v13 =	vmul.f32 v20, v13;
	v19 =	vld [tilespmem:s10+$0x5540];
	v10 =	vmul.f32 v22, v10;
	[tilespmem:s8+$0x5650] =	vst v29  }
0x13a: {  	v5 =	vmul.f32 v5, v17;
	[tilespmem:s8+$0x5660] =	vst v30;
	v17 =	vld [tilespmem:s8+$0x56B0];
	v20 =	vpop (erf)  }
0x13b: {  	v22 =	vld [tilespmem:s10+$0x7D20];
	[tilespmem:s8+$0x5670] =	vst v20;
	v20 =	vmul.f32 v20, v21;
	v21 =	vpop (erf)  }
0x13c: {  	v23 =	vld [tilespmem:s10+$0x7D30];
	[tilespmem:s8+$0x56C0] =	vst v21;
	v21 =	vmul.f32 v21, v26;
	v26 =	vpop (erf)  }
0x13d: {  	v27 =	vld [tilespmem:s10+$0x7D80];
	[tilespmem:s8+$0x56D0] =	vst v26;
	v18 =	vmul.f32 v26, v18;
	v26 =	vpop (erf)  }
0x13e: {  	v15 =	vadd.f32 v15, v19;
	v19 =	vld [tilespmem:s10+$0x7D90];
	[tilespmem:s8+$0x56E0] =	vst v26;
	v11 =	vmul.f32 v26, v11;
	v26 =	vpop (erf)  }
0x13f: {  	v28 =	vld [tilespmem:s10+$0x5550];
	[tilespmem:s8+$0x56F0] =	vst v26;
	v17 =	vmul.f32 v26, v17  }
0x140: {  	v26 =	vmul.f32 $2.000000030e-01, v15;
	v29 =	vld [tilespmem:s10+$0x5560];
	[tilespmem:s8+$0x56A0] =	vst v11  }
0x141: {  	v11 =	vld [tilespmem:s10+$0x5570];
	[tilespmem:s8+$0x56B0] =	vst v17  }
0x142: {  	v15 =	vmax.f32 v15, v26;
	v17 =	vld [tilespmem:s10+$0x55C0];
	[tilespmem:s8+$0x5690] =	vst v18  }
0x143: {  	v15 =	vsub.f32 v15, v1;
	v18 =	vld [tilespmem:s10+$0x55D0];
	[tilespmem:s8+$0x5680] =	vst v21  }
0x144: {  	v6 =	vadd.f32 v6, v28;
	v21 =	vld [tilespmem:s10+$0x7DA0];
	[tilespmem:s8+$0x5630] =	vst v20  }
0x145: {  	v15 =	vmul.f32 $1.442695020e+00, v15;
	v20 =	vadd.f32 v22, v29;
	v22 =	vld [tilespmem:s10+$0x7DB0];
	[tilespmem:s8+$0x5620] =	vst v8  }
0x146: {  	v8 =	vmul.f32 $2.000000030e-01, v6;
	v11 =	vadd.f32 v23, v11;
	v23 =	vld [tilespmem:s10+$0x7E00];
	[tilespmem:s8+$0x5610] =	vst v25  }
0x147: {  	v25 =	vmul.f32 $2.000000030e-01, v20;
	v17 =	vadd.f32 v27, v17;
	v26 =	vld [tilespmem:s10+$0x7E10];
	(erf) = vpow2.f32 v15;
	[tilespmem:s8+$0x5600] =	vst v24  }
0x148: {  	v6 =	vmax.f32 v6, v8;
	v8 =	vmul.f32 $2.000000030e-01, v11;
	v15 =	vadd.f32 v19, v18;
	v18 =	vld [tilespmem:s10+$0x7E20];
	[tilespmem:s8+$0x55B0] =	vst v9  }
0x149: {  	v6 =	vsub.f32 v6, v2;
	v9 =	vmax.f32 v20, v25;
	v19 =	vmul.f32 $2.000000030e-01, v17;
	v20 =	vld [tilespmem:s10+$0x55E0];
	[tilespmem:s8+$0x55A0] =	vst v12  }
0x14a: {  	v9 =	vsub.f32 v9, v3;
	v8 =	vmax.f32 v11, v8;
	v11 =	vmul.f32 $2.000000030e-01, v15;
	v12 =	vld [tilespmem:s10+$0x55F0];
	[tilespmem:s8+$0x5590] =	vst v16  }
0x14b: {  	v6 =	vmul.f32 $1.442695020e+00, v6;
	v8 =	vsub.f32 v8, v4;
	v16 =	vmax.f32 v17, v19;
	v17 =	vld [tilespmem:s10+$0x5640];
	[tilespmem:s8+$0x5580] =	vst v7  }
0x14c: {  	v7 =	vmul.f32 $1.442695020e+00, v9;
	v9 =	vsub.f32 v16, v1;
	v11 =	vmax.f32 v15, v11;
	v15 =	vld [tilespmem:s10+$0x5650];
	[tilespmem:s8+$0x5530] =	vst v14  }
0x14d: {  	v8 =	vmul.f32 $1.442695020e+00, v8;
	v11 =	vsub.f32 v11, v2;
	v14 =	vld [tilespmem:s10+$0x5660];
	(erf) = vpow2.f32 v6;
	[tilespmem:s8+$0x5520] =	vst v10  }
0x14e: {  	v9 =	vmul.f32 $1.442695020e+00, v9;
	v16 =	vadd.f32 v21, v20;
	v6 =	vld [tilespmem:s10+$0x7E30];
	(erf) = vpow2.f32 v7;
	[tilespmem:s8+$0x5510] =	vst v13  }
0x14f: {  	v11 =	vmul.f32 $1.442695020e+00, v11;
	v12 =	vadd.f32 v22, v12;
	v7 =	vld [tilespmem:s10+$0x7E80];
	(erf) = vpow2.f32 v8;
	[tilespmem:s8+$0x5500] =	vst v5;
	s8 =	smov.u32 s10  }
.Ltmp1:
0x150: {  	v19 =	vmul.f32 $2.000000030e-01, v16;
	v20 =	vadd.f32 v23, v17;
	v10 =	vld [tilespmem:s8+$0x7E90];
	v5 =	vpop (erf);
	(erf) = vpow2.f32 v9;
	(pc) =	sbr.rel @p1 .LBB2_5-.Ltmp1, $4  }
0x151: {  	v17 =	vmul.f32 $2.000000030e-01, v12;
	v13 =	vadd.f32 v26, v15;
	v8 =	vld [tilespmem:s8+$0x7EA0];
	(erf) = vpow2.f32 v11  }
0x152: {  	v11 =	vmax.f32 v16, v19;
	v19 =	vmul.f32 $2.000000030e-01, v20;
	v14 =	vadd.f32 v18, v14;
	v9 =	vld [tilespmem:s8+$0x7EB0]  }
0x153: {  	v15 =	vsub.f32 v11, v3;
	v11 =	vmax.f32 v12, v17;
	v16 =	vmul.f32 $2.000000030e-01, v13;
	v12 =	vld [tilespmem:s8+$0x5670]  }
0x154: {  	s9 =	sadd.s32 $0x800, s9;
	v17 =	vsub.f32 v11, v4;
	v19 =	vmax.f32 v20, v19;
	v18 =	vmul.f32 $2.000000030e-01, v14;
	v11 =	vld [tilespmem:s8+$0x56C0]  }
0x155: {  	v20 =	vld [tilespmem:s8+$0x56D0];
	v19 =	vsub.f32 v19, v1;
	v13 =	vmax.f32 v13, v16  }
0x156: {  	v21 =	vld [tilespmem:s8+$0x56E0];
	v15 =	vmul.f32 $1.442695020e+00, v15;
	v13 =	vsub.f32 v13, v2  }
0x157: {  	v22 =	vld [tilespmem:s8+$0x56F0];
	v17 =	vmul.f32 $1.442695020e+00, v17;
	v14 =	vmax.f32 v14, v18;
	v19 =	vmul.f32 $1.442695020e+00, v19  }
0x158: {  	v25 =	vld [tilespmem:s8+$0x5530];
	v40 =	vpop (erf);
	v14 =	vsub.f32 v14, v3;
	(erf) = vpow2.f32 v15;
	v13 =	vmul.f32 $1.442695020e+00, v13  }
0x159: {  	v23 =	vld [tilespmem:s8+$0x5500];
	v6 =	vadd.f32 v6, v12;
	(erf) = vpow2.f32 v17;
	v7 =	vadd.f32 v7, v11  }
0x15a: {  	v42 =	vpop (erf);
	v14 =	vmul.f32 $1.442695020e+00, v14;
	(erf) = vpow2.f32 v19  }
0x15b: {  	[tilespmem:s8+$0x5540] =	vst v5;
	v44 =	vmul.f32 $2.000000030e-01, v6;
	v46 =	vmul.f32 $2.000000030e-01, v7  }
0x15c: {  	[tilespmem:s8+$0x5550] =	vst v40;
	v45 =	vpop (erf);
	v10 =	vadd.f32 v10, v20;
	(erf) = vpow2.f32 v13;
	v8 =	vadd.f32 v8, v21  }
0x15d: {  	v47 =	vld [tilespmem:s8+$0x55A0];
	[tilespmem:s8+$0x5560] =	vst v42;
	v9 =	vadd.f32 v9, v22;
	v63 =	vmul.f32 v45, v25;
	v7 =	vmax.f32 v7, v46  }
0x15e: {  	[tilespmem:s8+$0x5570] =	vst v45;
	v51 =	vpop (erf);
	v5 =	vmul.f32 v5, v23;
	v6 =	vmax.f32 v6, v44;
	v7 =	vsub.f32 v7, v1  }
0x15f: {  	v28 =	vpop (erf);
	[tilespmem:s8+$0x55C0] =	vst v51;
	(erf) = vpow2.f32 v14;
	v48 =	vmul.f32 $2.000000030e-01, v10;
	v6 =	vsub.f32 v6, v4  }
0x160: {  	[tilespmem:s8+$0x55D0] =	vst v28;
	v49 =	vmul.f32 $2.000000030e-01, v8;
	v7 =	vmul.f32 $1.442695020e+00, v7  }
0x161: {  	v27 =	vld [tilespmem:s8+$0x55B0];
	v52 =	vmul.f32 $2.000000030e-01, v9;
	[tilespmem:s8+$0x5530] =	vst v63;
	v10 =	vmax.f32 v10, v48;
	v6 =	vmul.f32 $1.442695020e+00, v6;
	v54 =	vpop (erf)  }
0x162: {  	[tilespmem:s8+$0x5500] =	vst v5;
	v8 =	vmax.f32 v8, v49;
	v10 =	vsub.f32 v10, v2;
	v62 =	vmul.f32 v54, v47  }
0x163: {  	v39 =	vld [tilespmem:s8+$0x5610];
	v8 =	vsub.f32 v8, v3;
	(erf) = vpow2.f32 v6;
	[tilespmem:s8+$0x55E0] =	vst v54  }
0x164: {  	v50 =	vld [tilespmem:s8+$0x5580];
	v9 =	vmax.f32 v9, v52;
	v10 =	vmul.f32 $1.442695020e+00, v10;
	(erf) = vpow2.f32 v7;
	[tilespmem:s8+$0x55A0] =	vst v62;
	v7 =	vpop (erf)  }
0x165: {  	v41 =	vld [tilespmem:s8+$0x5620];
	v9 =	vsub.f32 v9, v4;
	v8 =	vmul.f32 $1.442695020e+00, v8;
	[tilespmem:s8+$0x55F0] =	vst v7;
	v56 =	vpop (erf)  }
0x166: {  	(erf) = vpow2.f32 v10;
	v7 =	vmul.f32 v7, v27;
	[tilespmem:s8+$0x5640] =	vst v56;
	v58 =	vpop (erf)  }
0x167: {  	v24 =	vld [tilespmem:s8+$0x5510];
	v9 =	vmul.f32 $1.442695020e+00, v9;
	[tilespmem:s8+$0x5650] =	vst v58  }
0x168: {  	(erf) = vpow2.f32 v8;
	v30 =	vpop (erf);
	v61 =	vmul.f32 v58, v39;
	[tilespmem:s8+$0x55B0] =	vst v7  }
0x169: {  	v7 =	vmul.f32 v51, v50;
	[tilespmem:s8+$0x5660] =	vst v30  }
0x16a: {  	v6 =	vld [tilespmem:s8+$0x5630];
	(erf) = vpow2.f32 v9;
	v60 =	vmul.f32 v30, v41;
	[tilespmem:s8+$0x5610] =	vst v61  }
0x16b: {  	[tilespmem:s8+$0x5580] =	vst v7  }
0x16c: {  	v55 =	vld [tilespmem:s8+$0x5680];
	v7 =	vmul.f32 v40, v24;
	v32 =	vpop (erf);
	[tilespmem:s8+$0x5620] =	vst v60  }
0x16d: {  	[tilespmem:s8+$0x5670] =	vst v32  }
0x16e: {  	v57 =	vld [tilespmem:s8+$0x5690];
	v33 =	vpop (erf);
	[tilespmem:s8+$0x5510] =	vst v7  }
0x16f: {  	v43 =	vld [tilespmem:s8+$0x5600];
	v6 =	vmul.f32 v32, v6;
	[tilespmem:s8+$0x56C0] =	vst v33;
	v34 =	vpop (erf)  }
0x170: {  	v29 =	vld [tilespmem:s8+$0x56A0];
	[tilespmem:s8+$0x56D0] =	vst v34  }
0x171: {  	v26 =	vld [tilespmem:s8+$0x5590];
	v10 =	vmul.f32 v33, v55;
	v35 =	vpop (erf);
	[tilespmem:s8+$0x5630] =	vst v6  }
0x172: {  	v31 =	vld [tilespmem:s8+$0x56B0];
	[tilespmem:s8+$0x56E0] =	vst v35  }
0x173: {  	v53 =	vld [tilespmem:s8+$0x5520];
	v9 =	vmul.f32 v34, v57;
	v59 =	vpop (erf);
	[tilespmem:s8+$0x5680] =	vst v10  }
0x174: {  	v6 =	vmul.f32 v56, v43;
	[tilespmem:s8+$0x56F0] =	vst v59  }
0x175: {  	v29 =	vmul.f32 v35, v29;
	[tilespmem:s8+$0x5690] =	vst v9  }
0x176: {  	[tilespmem:s8+$0x5600] =	vst v6;
	v6 =	vmul.f32 v28, v26  }
0x177: {  	v31 =	vmul.f32 v59, v31;
	[tilespmem:s8+$0x56A0] =	vst v29  }
0x178: {  	s7 =	sadd.s32 $0x1, s7;
	[tilespmem:s8+$0x5590] =	vst v6;
	v6 =	vmul.f32 v42, v53  }
0x179: {  	p1 =	sne.s32 s7, $0x7D;
	[tilespmem:s8+$0x56B0] =	vst v31  }
.Ltmp2:
0x17a: {  	[tilespmem:s8+$0x5520] =	vst v6;
	(pc) =	sbr.rel @p1 .LBB2_2-.Ltmp2, $4  }
0x17b: {  	[spmem:s1] =	stream.indirect.scatter.add.f32 [tilespmem:s31], [sflag:$0x5], $0x80, s26, s23, $0xb8;
	[tilespmem:$0x1DE00] =	vst v63  }
0x17c: {  	_ =	swait.ge [sflag:s21], $0x2800  }
0x17d: {  	[sflag:s21] =	ssyncset.done $0x0  }
0x17e: {  	[sflag:s21] =	ssyncadd.s32 $0xFFFFD800  }
0x17f: {  	[bflag:$0x0] =	sbarrier.arrive $0xFFFF;
	s7 =	simm.s32 @p0 $0x1FC5  }
0x180: {  	[hbm:s15], [sflag:s7] =	dma.local @p0 [spmem:s17], $0x2080  }
0x181: {  	s7 =	simm.s32 @p0 $0x5  }
0x182: {  	s28 =	sadd.s32 $0x1, s28;
	_ =	swait.ge @p0 [sflag:s7], $0x2080  }
0x183: {  	p1 =	sne.s32 s28, s16;
	[sflag:s7] =	ssyncset.done @p0 $0x0  }
.Ltmp3:
0x184: {  	[sflag:s7] =	ssyncadd.s32 @p0 $0xFFFFDF80;
	s7 =	simm.s32 @!p0 $0x5;
	(pc) =	sbr.rel @p1 .LBB2_1-.Ltmp3, $4  }
0x185: {  	[hbm:s14], [sflag:s18] =	dma.local @!p0 [spmem:s19], $0x2780  }
0x186: {  	_ =	swait.ge @!p0 [sflag:s7], $0x2780  }
0x187: {  	[sflag:s7] =	ssyncset.done @!p0 $0x0  }
0x188: {  	[sflag:s7] =	ssyncadd.s32 @!p0 $0xFFFFD880  }
0x189: {  	_ =	sfence.sel $0x180000  }
0x18a: {  	[bflag:$0x0] =	sbarrier.arrive $0xFFFF  }
0x18b: {  	_ =	strace $0x9000004A  }
0x18c: {  	s0 =	stileid.u32;
	[bflag:$0x2] =	sbarrier.arrive $0xFFFF  }
0x18d: {  	p0 =	sne.s32 s0, $0x0;
	s0 =	rddreg [dreg:$0x3]  }
0x18e: {  	s0 =	sadd.s32 @!p0 $0x100000, s0  }
0x18f: {  	[sflag:s0] =	ssyncadd.tile.s32 @!p0 $0x1;
	_ =	shalt  }
.Lfunc_end2:
_tile_overlayer_lowered:
.L_overlay_start_2:
0x190: {  	(tag) =	ssettag $0x2  }
0x191: {  	s0 =	rddreg [dreg:$0x0];
	s2 =	stileid.u32  }
0x192: {  	s1 =	rddreg [dreg:$0x1];
	p0 =	sne.s32 s2, $0x0  }
0x193: {  	s3 =	rddreg [dreg:$0x2];
	[bflag:$0x3] =	sbarrier.arrive $0xFFFF;
	s2 =	simm.s32 @!p0 $0x1C05  }
0x194: {  	[timem:s3], [sflag:s2] =	dma.local @!p0 [hbm:s0], s1  }
0x195: {  	s0 =	simm.s32 @!p0 $0x5  }
0x196: {  	_ =	swait.ge @!p0 [sflag:s0], s1  }
0x197: {  	s1 =	ssub.s32 @!p0 $0x0, s1;
	[sflag:s0] =	ssyncset.done @!p0 $0x0  }
0x198: {  	[sflag:s0] =	ssyncadd.s32 @!p0 s1  }
0x199: {  	[bflag:$0x3] =	sbarrier.arrive $0xFFFF  }
0x19a: {  	_ =	shalt  }

// kernel: kernel.8.cloned.1.call-start
scs
__scs_entry_jumppad:
0x0: {  	(pc) =	sbr.rel $0x88, $3  }
0x1: {  	(tag) =	ssettag $0x0;
	lr =	simm.s32 $0x1  }
0x2: {  	[smem:$0x3F97] =	sst lr;
	_ =	strace $0xD0000000  }
0x3: {  	_ = 	snop  }
0x4: {  	_ = 	snop  }
0x5: {  	_ = 	snop  }
0x6: {  	_ = 	snop  }
0x7: {  	_ = 	snop  }
__scs_overlays_trampoline_lowered:
0x8: {  	[smem:$0x3FA6] =	sst s0  }
0x9: {  	[smem:$0x3FA7] =	sst s1  }
0xa: {  	[smem:$0x3FA8] =	sst s2  }
0xb: {  	[smem:$0x3FA9] =	sst s3  }
0xc: {  	[smem:$0x3FAA] =	sst s4  }
0xd: {  	[smem:$0x3FAB] =	sst s5  }
0xe: {  	[smem:$0x3FAC] =	sst s6  }
0xf: {  	[smem:$0x3FAD] =	sst s7  }
0x10: {  	[smem:$0x3FAE] =	sst s8  }
0x11: {  	[smem:$0x3FAF] =	sst s9;
	s0 =	simm.s32 @!p0 $0x0  }
0x12: {  	s1 =	sld [smem:$0x3F95];
	s0 =	simm.s32 @p0 $0x1  }
0x13: {  	[smem:$0x3FB0] =	sst s0;
	s0 =	simm.s32 @!p1 $0x0  }
0x14: {  	s2 =	sld [smem:$0x3F94];
	s0 =	simm.s32 @p1 $0x1  }
0x15: {  	[smem:$0x3FB1] =	sst s0;
	s0 =	simm.s32 @!p2 $0x0  }
0x16: {  	s3 =	sld [smem:$0x3FDB];
	s0 =	simm.s32 @p2 $0x1  }
0x17: {  	s4 =	simm.s32 $0x1BF5;
	[smem:$0x3FB3] =	sst s0  }
0x18: {  	s0 =	sld [smem:$0x3F96];
	_ =	swait.ge [sflag:s4], $0x0  }
0x19: {  	s7 =	sld [smem:$0x3F97]  }
0x1a: {  	s8 =	sadd.s32 $0xFFFFE003, lr  }
0x1b: {  	s9 =	sadd.s32 $0xFFFFFEF7, lr;
	s5 =	simm.s32 $0xFFFFFFFF;
	p2 =	slt.u32 s8, $0xFFFFF086  }
0x1c: {  	p1 =	slt.u32 s9, $0xF7A;
	s5 =	simm.s32 @!p2 $0x0  }
0x1d: {  	s5 =	simm.s32 @p1 $0x1;
	p0 =	seq.s32 s7, s2  }
0x1e: {  	s7 =	smul.u32 @!p0 $0xF7A, s2;
	p2 =	seq.s32 @!p0 s5, $0x0  }
0x1f: {  	s9 =	smul.u32 $0xF7A, s1;
	s8 =	simm.s32 @!p0 $0x1BF5;
	p2 =	por !p2, p0  }
0x20: {  	[sflag:s8] =	ssyncset.s32 @!p0 $0xFFFFF086;
	s6 =	sadd.s32 @!p0 s3, s7;
	s7 =	simm.s32 @!p0 $0x108  }
0x21: {  	s3 =	sadd.s32 s3, s9;
	s6 =	sadd.s32 @!p0 $0x88, s6;
	s7 =	simm.s32 @p2 $0x1082  }
0x22: {  	[simem:s7], [sflag:s8] =	dma.local @!p0 [hbm:s6], $0xF7A  }
0x23: {  	s9 =	sor.u32 $0xD0000000, s2;
	s6 =	simm.s32 $0x108;
	_ =	swait.ge @!p0 [sflag:s8], $0x0  }
0x24: {  	s3 =	sadd.s32 $0x88, s3;
	s6 =	simm.s32 @!p1 $0x1082;
	[sflag:s4] =	ssyncset.s32 $0xFFFFF086  }
0x25: {  	[simem:s6], [sflag:s4] =	dma.local [hbm:s3], $0xF7A  }
0x26: {  	[smem:$0x3F97] =	sst s1;
	(tag) =	ssettag s2;
	_ =	strace s9  }
0x27: {  	s1 =	sld [smem:$0x3FA7]  }
0x28: {  	s2 =	sld [smem:$0x3FA8]  }
0x29: {  	s4 =	sld [smem:$0x3FAA]  }
0x2a: {  	p0 =	seq.s32 s5, $0x0;
	s5 =	sld [smem:$0x3FAB]  }
0x2b: {  	s6 =	sld [smem:$0x3FAC]  }
0x2c: {  	s7 =	sld [smem:$0x3FAD]  }
0x2d: {  	s3 =	simm.s32 $0x108;
	s8 =	sld [smem:$0x3FAE]  }
0x2e: {  	s3 =	simm.s32 @!p0 $0x1082;
	s9 =	sld [smem:$0x3FAF]  }
0x2f: {  	lr =	sadd.s32 s0, s3;
	s0 =	sld [smem:$0x3FA6]  }
0x30: {  	s3 =	sld [smem:$0x3FA9]  }
0x31: {  	[smem:$0x3FB2] =	sst s10  }
0x32: {  	s10 =	sld [smem:$0x3FB0];
	_ =	sdelay $0x3  }
0x33: {  	p0 =	seq.s32 s10, $0x1;
	s10 =	sld [smem:$0x3FB2];
	_ =	sdelay $0x3  }
0x34: {  	[smem:$0x3FB2] =	sst s10  }
0x35: {  	s10 =	sld [smem:$0x3FB1];
	_ =	sdelay $0x3  }
0x36: {  	p1 =	seq.s32 s10, $0x1;
	s10 =	sld [smem:$0x3FB2];
	_ =	sdelay $0x3  }
0x37: {  	[smem:$0x3FB2] =	sst s10  }
0x38: {  	s10 =	sld [smem:$0x3FB3]  }
0x39: {  	_ = 	snop;
	(pc) =	sbr.ind lr, $3  }
0x3a: {  	_ = 	snop  }
0x3b: {  	_ = 	snop  }
0x3c: {  	p2 =	seq.s32 s10, $0x1;
	s10 =	sld [smem:$0x3FB2]  }
0x3d: {  	_ =	shalt  }
0x3e: {  	_ =	shalt  }
0x3f: {  	_ =	shalt  }
0x40: {  	_ =	shalt  }
0x41: {  	_ =	shalt  }
0x42: {  	_ =	shalt  }
0x43: {  	_ =	shalt  }
0x44: {  	_ =	shalt  }
0x45: {  	_ =	shalt  }
0x46: {  	_ =	shalt  }
0x47: {  	_ =	shalt  }
0x48: {  	_ =	shalt  }
0x49: {  	_ =	shalt  }
0x4a: {  	_ =	shalt  }
0x4b: {  	_ =	shalt  }
0x4c: {  	_ =	shalt  }
0x4d: {  	_ =	shalt  }
0x4e: {  	_ =	shalt  }
0x4f: {  	_ =	shalt  }
0x50: {  	_ =	shalt  }
0x51: {  	_ =	shalt  }
0x52: {  	_ =	shalt  }
0x53: {  	_ =	shalt  }
0x54: {  	_ =	shalt  }
0x55: {  	_ =	shalt  }
0x56: {  	_ =	shalt  }
0x57: {  	_ =	shalt  }
0x58: {  	_ =	shalt  }
0x59: {  	_ =	shalt  }
0x5a: {  	_ =	shalt  }
0x5b: {  	_ =	shalt  }
0x5c: {  	_ =	shalt  }
0x5d: {  	_ =	shalt  }
0x5e: {  	_ =	shalt  }
0x5f: {  	_ =	shalt  }
0x60: {  	_ =	shalt  }
0x61: {  	_ =	shalt  }
0x62: {  	_ =	shalt  }
0x63: {  	_ =	shalt  }
0x64: {  	_ =	shalt  }
0x65: {  	_ =	shalt  }
0x66: {  	_ =	shalt  }
0x67: {  	_ =	shalt  }
0x68: {  	_ =	shalt  }
0x69: {  	_ =	shalt  }
0x6a: {  	_ =	shalt  }
0x6b: {  	_ =	shalt  }
0x6c: {  	_ =	shalt  }
0x6d: {  	_ =	shalt  }
0x6e: {  	_ =	shalt  }
0x6f: {  	_ =	shalt  }
0x70: {  	_ =	shalt  }
0x71: {  	_ =	shalt  }
0x72: {  	_ =	shalt  }
0x73: {  	_ =	shalt  }
0x74: {  	_ =	shalt  }
0x75: {  	_ =	shalt  }
0x76: {  	_ =	shalt  }
0x77: {  	_ =	shalt  }
0x78: {  	_ =	shalt  }
0x79: {  	_ =	shalt  }
0x7a: {  	_ =	shalt  }
0x7b: {  	_ =	shalt  }
0x7c: {  	_ =	shalt  }
0x7d: {  	_ =	shalt  }
0x7e: {  	_ =	shalt  }
0x7f: {  	_ =	shalt  }
0x80: {  	_ =	shalt  }
0x81: {  	_ =	shalt  }
0x82: {  	_ =	shalt  }
0x83: {  	_ =	shalt  }
0x84: {  	_ =	shalt  }
0x85: {  	_ =	shalt  }
0x86: {  	_ =	shalt  }
0x87: {  	_ =	shalt  }
.Lfunc_end0:
.L_simem_size_0:
called_computation_lowered:
.L_overlay_start_0:
0x88: {  	s2 =	sld [smem:$0x3FD9]  }
0x89: {  	s3 =	sld [smem:$0x3FFE];
	_ =	sdelay $0x1  }
0x8a: {  	s1 =	srdreg.scid  }
0x8b: {  	s0 =	sand.u32 $0x1, s1  }
0x8c: {  	s17 =	sshll.u32 s0, $0xA;
	s2 =	sadd.s32 s3, s2  }
0x8d: {  	s2 =	sadd.s32 s2, s17  }
0x8e: {  	[smem:$0x3FBE] =	sst s2  }
0x8f: {  	_ = 	snop  }
0x90: {  	s2 =	sld [smem:$0x3FD0];
	(tm) =	ssettm $0x1  }
0x91: {  	s18 =	sld [smem:$0x3FFB];
	_ =	sdelay $0x3  }
0x92: {  	_ =	strace s18  }
0x93: {  	s3 =	sld [smem:$0x3FFC];
	_ =	sdelay $0x3  }
0x94: {  	_ =	strace s3  }
0x95: {  	s3 =	sld [smem:$0x3FFD];
	_ =	sdelay $0x3  }
0x96: {  	_ =	strace s3  }
0x97: {  	_ =	strace $0x8FFFFFFF  }
0x98: {  	s19 =	sld [smem:$0x3FDB];
	_ =	sdelay $0x1  }
0x99: {  	s4 =	simm.s32 $_scs_section_size  }
0x9a: {  	s5 =	simm.s32 $_size__tile_overlayer_lowered;
	s6 =	simm.s32 $_tile_overlayer_lowered  }
0x9b: {  	s22 =	simm.s32 $0x1BFF;
	s21 =	sshll.u32 s6, $0x1;
	s3 =	sadd.s32 s4, s19  }
0x9c: {  	s7 =	simm.s32 $0x0;
	s20 =	sshll.u32 s5, $0x1;
	s5 =	sadd.s32 s21, s3  }
0x9d: {  	[timem:s7], [sflag:s22] =	dma.local [hbm:s5], s20  }
0x9e: {  	_ =	swait.ge [sflag:s22], s20  }
0x9f: {  	s4 =	ssub.s32 $0x0, s20;
	[sflag:s22] =	ssyncset.done $0x0  }
0xa0: {  	[sflag:s22] =	ssyncadd.s32 s4;
	_ =	sdelay $0x1  }
0xa1: {  	s23 =	simm.s32 $0x1B8B  }
0xa2: {  	_ =	swait.ge [sflag:s23], $0x1  }
0xa3: {  	[sflag:s23] =	ssyncset.done $0x0  }
0xa4: {  	s25 =	simm.s32 $0x1B8E;
	s24 =	sld [smem:$0x3FFE];
	[sflag:s23] =	ssyncadd.s32 $0xFFFFFFFF  }
0xa5: {  	s26 =	simm.s32 $execute0_lowered;
	[smem:$0x3FD2] =	sst s25  }
0xa6: {  	s5 =	sshll.u32 s26, $0x1;
	_ =	strace $0x80000046;
	[dreg:$0x1] =	wrdreg $0xFFFFFFFF  }
0xa7: {  	s28 =	simm.s32 $_size_execute0_lowered;
	s3 =	sadd.s32 s3, s5;
	[dreg:$0x0] =	wrdreg $0x0  }
0xa8: {  	s5 =	sshll.u32 s28, $0x1;
	[dreg:$0x2] =	wrdreg s3  }
0xa9: {  	[dreg:$0x3] =	wrdreg s5  }
0xaa: {  	[dreg:$0x4] =	wrdreg $0xC0  }
0xab: {  	_ =	task [dreg:s7], $0x5FFFF  }
0xac: {  	[dreg:$0x1] =	wrdreg $0xFFFFFFFF  }
0xad: {  	[dreg:$0x0] =	wrdreg $0x60  }
0xae: {  	[dreg:$0x2] =	wrdreg s24  }
0xaf: {  	[dreg:$0x3] =	wrdreg s2  }
0xb0: {  	[dreg:$0x4] =	wrdreg $0xA5800  }
0xb1: {  	[dreg:$0x5] =	wrdreg $0x9  }
0xb2: {  	_ =	task.clear_ibuf [dreg:s7], $0x6FFFF;
	_ =	strace $0x90000046  }
0xb3: {  	s29 =	simm.s32 $0x9;
	_ =	strace $0x80000048  }
0xb4: {  	_ =	swait.ge [sflag:s29], $0x1  }
0xb5: {  	[sflag:s29] =	ssyncadd.s32 $0xFFFFFFFF  }
0xb6: {  	_ =	strace $0x90000048  }
0xb7: {  	_ =	sfence  }
0xb8: {  	s30 =	sld [smem:$0x0];
	_ =	sdelay $0x2  }
0xb9: {  	s31 =	sshll.u32 s1, $0xD;
	s1 =	sshrl.u32 s1, $0x2  }
0xba: {  	s3 =	sand.u32 $0x4000, s31;
	s1 =	sadd.s32 s1, s30  }
0xbb: {  	s0 =	sor.u32 s3, s0;
	s1 =	sshll.u32 s1, $0x11  }
0xbc: {  	s0 =	sor.u32 s1, s0  }
0xbd: {  	s0 =	sadd.s32 $0x8F2B, s0  }
0xbe: {  	[sflag:s0] =	ssyncadd.remote.s32 $0x1  }
0xbf: {  	_ =	sfence.sel $0xFFFF  }
0xc0: {  	[dreg:$0x0] =	wrdreg $0xFFFFFFFF;
	(pc) =	sbr.abs _section_cstart, $3  }
0xc1: {  	[dreg:$0x1] =	wrdreg $0xFFFFFFFF  }
0xc2: {  	_ =	task.clear_ibuf [dreg:s7], $0x2FFFF;
	_ =	strace $0x9FFFFFFF  }
0xc3: {  	(tm) =	ssettm $0x7FFFFFFF  }
tec
execute0_lowered:
.L_overlay_start_1:
0x0: {  	(tag) =	ssettag $0x1  }
0x1: {  	s0 =	rddreg [dreg:$0x0]  }
0x2: {  	s2 =	rddreg [dreg:$0x1]  }
0x3: {  	s1 =	rddreg [dreg:$0x2];
	s3 =	simm.s32 $0x0  }
0x4: {  	s16 =	srdreg.scid;
	s18 =	stileid.u32;
	s28 =	simm.s32 $0x2D00  }
0x5: {  	s29 =	simm.s32 $0x2;
	s30 =	simm.s32 $0x380;
	s31 =	simm.s32 $0x5500  }
0x6: {  	[smem:$0x7FF] =	sst s3;
	s4 =	sadd.s32 $0x64600, s0;
	s5 =	sadd.s32 $0x8B800, s0  }
0x7: {  	s6 =	sadd.s32 $0x2A00, s0;
	s3 =	sand.u32 $0x1, s16;
	s7 =	smul.u32 $0x278, s18  }
0x8: {  	s8 =	sadd.s32 $0x16400, s0;
	s10 =	smul.u32 $0x4F000, s18;
	s15 =	sadd.s32 $0x128400, s1  }
0x9: {  	s0 =	sadd.s32 $0xB2A00, s0;
	p0 =	seq.s32 s18, $0xF;
	_ =	strace $0x80000047  }
0xa: {  	s9 =	ssub.s32 $0x2, s3;
	s12 =	sshll.u32 s3, $0x4;
	s13 =	smul.u32 $0x2710, s3  }
0xb: {  	s19 =	smul.u32 $0x138800, s3;
	s3 =	sshll.u32 s3, $0x3;
	s11 =	sshrl.u32 s9, $0x1  }
0xc: {  	s17 =	sor.u32 s18, s12;
	s10 =	sshrl.u32 s10, $0x2;
	s2 =	sadd.s32 s2, s3  }
0xd: {  	s3 =	simm.s32 $0x7D00;
	s9 =	ssub.s32 s9, s11;
	s20 =	smul.u32 $0x7D, s17  }
0xe: {  	s7 =	sadd.s32 s7, s13;
	s10 =	sadd.s32 s10, s1;
	s21 =	smul.u32 $0x4E20, s17  }
0xf: {  	s12 =	sshrl.u32 s19, $0x3;
	s11 =	smul.u32 $0x9C4, s17;
	[dreg:$0x6] =	wrdreg s2  }
0x10: {  	s17 =	sshrl.u32 @p0 s15, $0x3;
	s7 =	sshll.u32 s7, $0x4;
	s16 =	sadd.s32 $0x25080, s12  }
0x11: {  	s26 =	smax.u32 s9, $0x1;
	s19 =	sshrl.u32 @!p0 s10, $0x3;
	s9 =	simm.s32 $0x480  }
0x12: {  	s10 =	simm.s32 $0x0;
	s14 =	sadd.s32 s8, s7;
	s8 =	sadd.s32 s8, s16  }
0x13: {  	s22 =	sshrl.u32 s21, $0x3;
	s23 =	sadd.s32 s6, s11;
	[dreg:$0xb] =	wrdreg s26  }
0x14: {  	s12 =	sadd.s32 $0x2, s20;
	s13 =	sadd.s32 $0x3, s20;
	[dreg:$0x4] =	wrdreg s14  }
0x15: {  	s25 =	sadd.s32 s0, s7;
	s0 =	sadd.s32 s0, s16;
	[dreg:$0x5] =	wrdreg s8  }
0x16: {  	s21 =	simm.s32 $0x5;
	s26 =	simm.s32 $0x280;
	[dreg:$0x7] =	wrdreg s23  }
0x17: {  	s20 =	simm.s32 $0x3;
	s7 =	simm.s32 $0x1;
	[dreg:$0x9] =	wrdreg s25  }
0x18: {  	s24 =	sadd.s32 s6, s22;
	[dreg:$0xa] =	wrdreg s0;
	s0 =	sshll.u32 @!p0 s18, $0x6  }
0x19: {  	s23 =	simm.s32 $0x50;
	s25 =	simm.s32 $0x500;
	s22 =	simm.s32 $0x300  }
0x1a: {  	s8 =	simm.s32 $0x4;
	s2 =	sadd.s32 $0x14, s24;
	s18 =	sor.u32 @!p0 $0x1C05, s0  }
0x1b: {  	s24 =	simm.s32 $0x200;
	s0 =	simm.s32 $0x400;
	[dreg:$0x8] =	wrdreg s2  }
.LBB2_1:
0x1c: {  	s2 =	simm.s32 @p0 $0x1FC5;
	s11 =	rddreg [dreg:$0x5]  }
0x1d: {  	[spmem:s17], [sflag:s2] =	dma.local @p0 [hbm:s11], $0x2080  }
0x1e: {  	s2 =	simm.s32 @p0 $0x5  }
0x1f: {  	_ =	swait.ge @p0 [sflag:s2], $0x2080  }
0x20: {  	[sflag:s2] =	ssyncset.done @p0 $0x0  }
0x21: {  	[sflag:s2] =	ssyncadd.s32 @p0 $0xFFFFDF80;
	s2 =	rddreg [dreg:$0x4]  }
0x22: {  	[spmem:s19], [sflag:s18] =	dma.local @!p0 [hbm:s2], $0x2780  }
0x23: {  	s2 =	simm.s32 @!p0 $0x5  }
0x24: {  	_ =	swait.ge @!p0 [sflag:s2], $0x2780  }
0x25: {  	[sflag:s2] =	ssyncset.done @!p0 $0x0  }
0x26: {  	[sflag:s2] =	ssyncadd.s32 @!p0 $0xFFFFD880  }
0x27: {  	[bflag:$0x0] =	sbarrier.arrive $0xFFFF  }
0x28: {  	s14 =	simm.s32 $0xA500;
	s2 =	simm.s32 $0x0;
	s16 =	rddreg [dreg:$0x6]  }
0x29: {  	[tilespmem:s14], [sflag:$0x5] =	stream.linear.gather [hbm4b:s16+s2], $0x40, $0x38;
	[tilespmem:$0x1DE00] =	vst v63  }
0x2a: {  	_ =	swait.ge [sflag:s21], $0x40  }
0x2b: {  	[sflag:s21] =	ssyncset.done $0x0  }
0x2c: {  	[sflag:s21] =	ssyncadd.s32 $0xFFFFFFC0  }
0x2d: {  	v3 =	vld [tilespmem:$0xA500]  }
0x2e: {  	v2 =	vld [tilespmem:$0xA510]  }
0x2f: {  	s14 =	rddreg [dreg:$0x7];
	v1 =	vld [tilespmem:$0xA520]  }
0x30: {  	v0 =	vld [tilespmem:$0xA530];
	[tilespmem:s2], [sflag:$0x5] =	stream.linear.gather [hbm4b:s14+s2], $0xA0, $0x38  }
0x31: {  	_ =	swait.ge [sflag:s21], $0xA0  }
0x32: {  	[sflag:s21] =	ssyncset.done $0x0  }
0x33: {  	[sflag:s21] =	ssyncadd.s32 $0xFFFFFF60  }
0x34: {  	v4 =	vld [tilespmem:$0x50]  }
0x35: {  	v5 =	vld [tilespmem:$0x0];
	_ =	sdelay $0x1  }
0x36: {  	v6 =	vld [tilespmem:$0x60]  }
0x37: {  	v7 =	vld [tilespmem:$0x10]  }
0x38: {  	[tilespmem:$0x300] =	vst v4  }
0x39: {  	[tilespmem:$0x200] =	vst v5;
	v5 =	vld [tilespmem:$0x70]  }
0x3a: {  	[tilespmem:$0x280] =	vst v4;
	v4 =	vld [tilespmem:$0x20]  }
0x3b: {  	[tilespmem:$0x310] =	vst v6  }
0x3c: {  	v62 =	vld [tilespmem:$0x30];
	[tilespmem:$0x210] =	vst v7  }
0x3d: {  	v63 =	vld [tilespmem:$0x80];
	[tilespmem:$0x290] =	vst v6  }
0x3e: {  	[tilespmem:$0x320] =	vst v5  }
0x3f: {  	[tilespmem:$0x220] =	vst v4;
	v4 =	vld [tilespmem:$0x90]  }
0x40: {  	[tilespmem:$0x2A0] =	vst v5;
	v5 =	vld [tilespmem:$0x40]  }
0x41: {  	[tilespmem:$0x230] =	vst v62  }
0x42: {  	[tilespmem:$0x330] =	vst v63  }
0x43: {  	[tilespmem:$0x2B0] =	vst v63  }
0x44: {  	[tilespmem:$0x340] =	vst v4  }
0x45: {  	[tilespmem:$0x240] =	vst v5  }
0x46: {  	s16 =	simm.s32 $0x100;
	s15 =	rddreg [dreg:$0x8];
	[tilespmem:$0x2C0] =	vst v4  }
0x47: {  	[tilespmem:s16], [sflag:$0x2] =	stream.linear.gather [hbm4b:s15+s2], $0xA0, $0x38;
	[tilespmem:$0x1DE00] =	vst v63  }
0x48: {  	_ = 	snop  }
0x49: {  	[tilespmem:s25], [sflag:$0x3] =	stream.indirect.gather [hbm4b:s4+s23], $0x80, s24, s23, $0xb8;
	[tilespmem:$0x1DE00] =	vst v63  }
0x4a: {  	s11 =	simm.s32 $0x0  }
0x4b: {  	[tilespmem:s28], [sflag:$0x3] =	stream.indirect.gather [hbm4b:s5+s23], $0x80, s26, s23, $0xb8;
	[tilespmem:$0x1DE00] =	vst v63  }
.LBB2_2:
0x4c: {  	_ =	swait.ge [sflag:s29], $0xA0  }
0x4d: {  	[sflag:s29] =	ssyncset.done $0x0  }
0x4e: {  	[sflag:s29] =	ssyncadd.s32 $0xFFFFFF60  }
0x4f: {  	v4 =	vld [tilespmem:$0x150]  }
0x50: {  	v5 =	vld [tilespmem:$0x100];
	_ =	sdelay $0x1  }
0x51: {  	v6 =	vld [tilespmem:$0x160]  }
0x52: {  	v7 =	vld [tilespmem:$0x110]  }
0x53: {  	[tilespmem:$0x480] =	vst v4  }
0x54: {  	[tilespmem:$0x380] =	vst v5;
	v5 =	vld [tilespmem:$0x170]  }
0x55: {  	[tilespmem:$0x400] =	vst v4;
	v4 =	vld [tilespmem:$0x120]  }
0x56: {  	[tilespmem:$0x490] =	vst v6  }
0x57: {  	[tilespmem:$0x390] =	vst v7;
	v7 =	vld [tilespmem:$0x180]  }
0x58: {  	[tilespmem:$0x410] =	vst v6;
	v6 =	vld [tilespmem:$0x130]  }
0x59: {  	[tilespmem:$0x4A0] =	vst v5  }
0x5a: {  	[tilespmem:$0x3A0] =	vst v4;
	v4 =	vld [tilespmem:$0x190]  }
0x5b: {  	[tilespmem:$0x420] =	vst v5;
	v5 =	vld [tilespmem:$0x140]  }
0x5c: {  	[tilespmem:$0x4B0] =	vst v7  }
0x5d: {  	s14 =	sshll.u32 s11, $0x1;
	[tilespmem:$0x3B0] =	vst v6  }
0x5e: {  	s2 =	sadd.s32 s14, s12;
	[tilespmem:$0x430] =	vst v7  }
0x5f: {  	s2 =	smul.u32 $0x14, s2;
	[tilespmem:$0x4C0] =	vst v4  }
0x60: {  	[tilespmem:$0x3C0] =	vst v5  }
0x61: {  	s15 =	simm.s32 $0x0;
	s2 =	sadd.s32 s6, s2;
	[tilespmem:$0x440] =	vst v4  }
0x62: {  	[tilespmem:s15], [sflag:$0x1] =	stream.linear.gather [hbm4b:s2+s15], $0xA0, $0x38;
	[tilespmem:$0x1DE00] =	vst v63  }
0x63: {  	_ = 	snop  }
0x64: {  	[tilespmem:s31], [sflag:$0x4] =	stream.indirect.gather [hbm4b:s4+s23], $0x80, s30, s23, $0xb8;
	[tilespmem:$0x1DE00] =	vst v63  }
0x65: {  	_ = 	snop  }
0x66: {  	[tilespmem:s3], [sflag:$0x4] =	stream.indirect.gather [hbm4b:s5+s23], $0x80, s0, s23, $0xb8;
	[tilespmem:$0x1DE00] =	vst v63  }
0x67: {  	_ =	swait.ge [sflag:s20], $0x2800  }
0x68: {  	[sflag:s20] =	ssyncset.done $0x0  }
0x69: {  	[sflag:s20] =	ssyncadd.s32 $0xFFFFD800  }
0x6a: {  	_ =	swait.ge [sflag:s20], $0x2800  }
0x6b: {  	[sflag:s20] =	ssyncset.done $0x0  }
0x6c: {  	s15 =	simm.s32 $0x0;
	[sflag:s20] =	ssyncadd.s32 $0xFFFFD800  }
0x6d: {  	v4 =	vld [tilespmem:s15+$0x2D00]  }
0x6e: {  	v5 =	vld [tilespmem:s15+$0x540]  }
0x6f: {  	v6 =	vld [tilespmem:s15+$0x2D10]  }
0x70: {  	v7 =	vld [tilespmem:s15+$0x2D20]  }
0x71: {  	v8 =	vld [tilespmem:s15+$0x2D30]  }
0x72: {  	v9 =	vld [tilespmem:s15+$0x2D80]  }
0x73: {  	v10 =	vld [tilespmem:s15+$0x550]  }
0x74: {  	v12 =	vld [tilespmem:s15+$0x560];
	v4 =	vadd.f32 v4, v5  }
0x75: {  	v13 =	vld [tilespmem:s15+$0x570]  }
0x76: {  	v14 =	vld [tilespmem:s15+$0x5D0];
	v11 =	vmul.f32 $2.000000030e-01, v4  }
0x77: {  	v5 =	vld [tilespmem:s15+$0x2D90]  }
0x78: {  	v4 =	vmax.f32 v4, v11;
	v11 =	vld [tilespmem:s15+$0x5C0];
	_ =	sdelay $0x1  }
0x79: {  	v6 =	vadd.f32 v6, v10;
	v4 =	vsub.f32 v4, v3  }
0x7a: {  	v17 =	vld [tilespmem:s15+$0x5F0];
	v7 =	vadd.f32 v7, v12  }
0x7b: {  	v19 =	vld [tilespmem:s15+$0x660];
	v8 =	vadd.f32 v8, v13;
	v15 =	vmul.f32 $2.000000030e-01, v6;
	v4 =	vmul.f32 $1.442695020e+00, v4  }
0x7c: {  	v10 =	vld [tilespmem:s15+$0x2DA0];
	v16 =	vmul.f32 $2.000000030e-01, v7;
	v5 =	vadd.f32 v5, v14;
	v9 =	vadd.f32 v9, v11  }
0x7d: {  	v12 =	vld [tilespmem:s15+$0x2DB0];
	(erf) = vpow2.f32 v4;
	v4 =	vmax.f32 v6, v15;
	v6 =	vmul.f32 $2.000000030e-01, v8  }
0x7e: {  	v7 =	vmax.f32 v7, v16;
	v16 =	vld [tilespmem:s15+$0x5E0];
	v4 =	vsub.f32 v4, v2;
	v15 =	vmul.f32 $2.000000030e-01, v9  }
0x7f: {  	v13 =	vld [tilespmem:s15+$0x2E00];
	v7 =	vsub.f32 v7, v1;
	v6 =	vmax.f32 v8, v6;
	v8 =	vmul.f32 $2.000000030e-01, v5  }
0x80: {  	v11 =	vld [tilespmem:s15+$0x2E10];
	v4 =	vmul.f32 $1.442695020e+00, v4;
	v6 =	vsub.f32 v6, v0;
	v9 =	vmax.f32 v9, v15  }
0x81: {  	v7 =	vmul.f32 $1.442695020e+00, v7;
	v15 =	vld [tilespmem:s15+$0x640];
	v5 =	vmax.f32 v5, v8;
	v9 =	vsub.f32 v9, v3  }
0x82: {  	v8 =	vld [tilespmem:s15+$0x650];
	v18 =	vmul.f32 $1.442695020e+00, v6;
	v6 =	vsub.f32 v5, v2;
	(erf) = vpow2.f32 v4  }
0x83: {  	v14 =	vld [tilespmem:s15+$0x2E20];
	v10 =	vadd.f32 v10, v16;
	(erf) = vpow2.f32 v7  }
0x84: {  	v17 =	vadd.f32 v12, v17;
	v5 =	vld [tilespmem:s15+$0x2E30];
	v4 =	vmul.f32 $1.442695020e+00, v9;
	v16 =	vmul.f32 $1.442695020e+00, v6  }
0x85: {  	v7 =	vld [tilespmem:s15+$0x2EA0];
	(erf) = vpow2.f32 v18;
	v18 =	vmul.f32 $2.000000030e-01, v10  }
0x86: {  	v6 =	vld [tilespmem:s15+$0x2E80];
	v20 =	vadd.f32 v13, v15;
	(erf) = vpow2.f32 v4;
	v4 =	vmul.f32 $2.000000030e-01, v17  }
0x87: {  	v9 =	vld [tilespmem:s15+$0x2E90];
	v12 =	vadd.f32 v11, v8;
	(erf) = vpow2.f32 v16  }
0x88: {  	v10 =	vmax.f32 v10, v18;
	v13 =	vadd.f32 v14, v19;
	v8 =	vld [tilespmem:s15+$0x2EB0];
	v18 =	vmul.f32 $2.000000030e-01, v20  }
0x89: {  	v11 =	vld [tilespmem:s15+$0x670];
	v14 =	vsub.f32 v10, v1;
	v10 =	vmax.f32 v17, v4;
	v15 =	vmul.f32 $2.000000030e-01, v12  }
0x8a: {  	s16 =	simm.s32 $0x800;
	v17 =	vmul.f32 $2.000000030e-01, v13;
	v16 =	vsub.f32 v10, v0;
	v10 =	vld [tilespmem:s15+$0x6C0];
	v4 =	vpop (erf);
	v18 =	vmax.f32 v20, v18  }
.LBB2_3:
0x8b: {  	p1 =	sne.s32 s16, $0x9800;
	v14 =	vmul.f32 $1.442695020e+00, v14;
	v18 =	vsub.f32 v18, v3;
	v12 =	vmax.f32 v12, v15;
	v15 =	vld [tilespmem:s15+$0x6D0]  }
0x8c: {  	v16 =	vmul.f32 $1.442695020e+00, v16;
	v12 =	vsub.f32 v12, v2;
	v13 =	vmax.f32 v13, v17;
	v17 =	vld [tilespmem:s15+$0x6E0];
	v19 =	vpop (erf)  }
0x8d: {  	s2 =	sshra.s32 s16, $0x2;
	v18 =	vmul.f32 $1.442695020e+00, v18;
	v13 =	vsub.f32 v13, v1;
	v20 =	vld [tilespmem:s15+$0x6F0];
	v21 =	vpop (erf);
	(erf) = vpow2.f32 v14  }
0x8e: {  	v14 =	vld [tilespmem:s2+$0x2D00];
	v12 =	vmul.f32 $1.442695020e+00, v12;
	v11 =	vadd.f32 v5, v11;
	v22 =	vpop (erf);
	(erf) = vpow2.f32 v16  }
0x8f: {  	v5 =	vld [tilespmem:s2+$0x2D10];
	v13 =	vmul.f32 $1.442695020e+00, v13;
	v6 =	vadd.f32 v6, v10;
	v10 =	vpop (erf);
	(erf) = vpow2.f32 v18  }
0x90: {  	v16 =	vld [tilespmem:s15+$0x500];
	v18 =	vmul.f32 $2.000000030e-01, v11;
	v9 =	vadd.f32 v9, v15;
	v15 =	vpop (erf);
	(erf) = vpow2.f32 v12  }
0x91: {  	v12 =	vld [tilespmem:s15+$0x510];
	v23 =	vmul.f32 $2.000000030e-01, v6;
	v7 =	vadd.f32 v7, v17;
	(erf) = vpow2.f32 v13  }
0x92: {  	v13 =	vld [tilespmem:s15+$0x530];
	v11 =	vmax.f32 v11, v18;
	v17 =	vmul.f32 $2.000000030e-01, v9;
	v8 =	vadd.f32 v8, v20  }
0x93: {  	v18 =	vld [tilespmem:s15+$0x590];
	v11 =	vsub.f32 v11, v0;
	v6 =	vmax.f32 v6, v23;
	v20 =	vmul.f32 $2.000000030e-01, v7  }
0x94: {  	v23 =	vld [tilespmem:s15+$0x5B0];
	v6 =	vsub.f32 v6, v3;
	v9 =	vmax.f32 v9, v17;
	v25 =	vmul.f32 $2.000000030e-01, v8  }
0x95: {  	v24 =	vld [tilespmem:s15+$0x610];
	v11 =	vmul.f32 $1.442695020e+00, v11;
	v9 =	vsub.f32 v9, v2;
	v7 =	vmax.f32 v7, v20  }
0x96: {  	[tilespmem:s15+$0x540] =	vst v4;
	v20 =	vld [tilespmem:s15+$0x620];
	v6 =	vmul.f32 $1.442695020e+00, v6;
	v7 =	vsub.f32 v7, v1;
	v8 =	vmax.f32 v8, v25;
	v17 =	vpop (erf)  }
0x97: {  	[tilespmem:s15+$0x550] =	vst v19;
	v25 =	vld [tilespmem:s15+$0x600];
	v9 =	vmul.f32 $1.442695020e+00, v9;
	v8 =	vsub.f32 v8, v0;
	v26 =	vpop (erf);
	(erf) = vpow2.f32 v11  }
0x98: {  	[tilespmem:s15+$0x560] =	vst v21;
	v11 =	vld [tilespmem:s15+$0x5A0];
	v7 =	vmul.f32 $1.442695020e+00, v7;
	v27 =	vpop (erf);
	(erf) = vpow2.f32 v6  }
0x99: {  	[tilespmem:s15+$0x570] =	vst v22;
	v6 =	vld [tilespmem:s15+$0x580];
	v8 =	vmul.f32 $1.442695020e+00, v8;
	v28 =	vpop (erf);
	(erf) = vpow2.f32 v9  }
0x9a: {  	v9 =	vld [tilespmem:s15+$0x520];
	[tilespmem:s15+$0x5C0] =	vst v10;
	v24 =	vmul.f32 v28, v24;
	v29 =	vpop (erf);
	(erf) = vpow2.f32 v7  }
0x9b: {  	[tilespmem:s15+$0x5D0] =	vst v15;
	v7 =	vmul.f32 v29, v20;
	v20 =	vld [tilespmem:s15+$0x630];
	(erf) = vpow2.f32 v8  }
0x9c: {  	v8 =	vmul.f32 v26, v23;
	[tilespmem:s15+$0x5E0] =	vst v17;
	v23 =	vmul.f32 v27, v25;
	v25 =	vld [tilespmem:s15+$0x680]  }
0x9d: {  	v15 =	vmul.f32 v15, v18;
	v11 =	vmul.f32 v17, v11;
	[tilespmem:s15+$0x5F0] =	vst v26;
	v17 =	vld [tilespmem:s15+$0x690]  }
0x9e: {  	v13 =	vmul.f32 v22, v13;
	v6 =	vmul.f32 v10, v6;
	[tilespmem:s15+$0x640] =	vst v27;
	v10 =	vld [tilespmem:s15+$0x6A0]  }
0x9f: {  	v12 =	vmul.f32 v19, v12;
	v18 =	vld [tilespmem:s2+$0x540];
	v9 =	vmul.f32 v21, v9;
	[tilespmem:s15+$0x650] =	vst v28  }
0xa0: {  	v4 =	vmul.f32 v4, v16;
	[tilespmem:s15+$0x660] =	vst v29;
	v16 =	vld [tilespmem:s15+$0x6B0];
	v19 =	vpop (erf)  }
0xa1: {  	v21 =	vld [tilespmem:s2+$0x2D20];
	[tilespmem:s15+$0x670] =	vst v19;
	v19 =	vmul.f32 v19, v20;
	v20 =	vpop (erf)  }
0xa2: {  	v22 =	vld [tilespmem:s2+$0x2D30];
	[tilespmem:s15+$0x6C0] =	vst v20;
	v20 =	vmul.f32 v20, v25;
	v25 =	vpop (erf)  }
0xa3: {  	v26 =	vld [tilespmem:s2+$0x2D80];
	[tilespmem:s15+$0x6D0] =	vst v25;
	v17 =	vmul.f32 v25, v17;
	v25 =	vpop (erf)  }
0xa4: {  	v14 =	vadd.f32 v14, v18;
	v18 =	vld [tilespmem:s2+$0x2D90];
	[tilespmem:s15+$0x6E0] =	vst v25;
	v10 =	vmul.f32 v25, v10;
	v25 =	vpop (erf)  }
0xa5: {  	v27 =	vld [tilespmem:s2+$0x550];
	[tilespmem:s15+$0x6F0] =	vst v25;
	v16 =	vmul.f32 v25, v16  }
0xa6: {  	v25 =	vmul.f32 $2.000000030e-01, v14;
	v28 =	vld [tilespmem:s2+$0x560];
	[tilespmem:s15+$0x6A0] =	vst v10  }
0xa7: {  	v10 =	vld [tilespmem:s2+$0x570];
	[tilespmem:s15+$0x6B0] =	vst v16  }
0xa8: {  	v14 =	vmax.f32 v14, v25;
	v16 =	vld [tilespmem:s2+$0x5C0];
	[tilespmem:s15+$0x690] =	vst v17  }
0xa9: {  	v14 =	vsub.f32 v14, v3;
	v17 =	vld [tilespmem:s2+$0x5D0];
	[tilespmem:s15+$0x680] =	vst v20  }
0xaa: {  	v5 =	vadd.f32 v5, v27;
	v20 =	vld [tilespmem:s2+$0x2DA0];
	[tilespmem:s15+$0x630] =	vst v19  }
0xab: {  	v14 =	vmul.f32 $1.442695020e+00, v14;
	v19 =	vadd.f32 v21, v28;
	v21 =	vld [tilespmem:s2+$0x2DB0];
	[tilespmem:s15+$0x620] =	vst v7  }
0xac: {  	v7 =	vmul.f32 $2.000000030e-01, v5;
	v10 =	vadd.f32 v22, v10;
	v22 =	vld [tilespmem:s2+$0x2E00];
	[tilespmem:s15+$0x610] =	vst v24  }
0xad: {  	v24 =	vmul.f32 $2.000000030e-01, v19;
	v16 =	vadd.f32 v26, v16;
	v25 =	vld [tilespmem:s2+$0x2E10];
	(erf) = vpow2.f32 v14;
	[tilespmem:s15+$0x600] =	vst v23  }
0xae: {  	v5 =	vmax.f32 v5, v7;
	v7 =	vmul.f32 $2.000000030e-01, v10;
	v14 =	vadd.f32 v18, v17;
	v17 =	vld [tilespmem:s2+$0x2E20];
	[tilespmem:s15+$0x5B0] =	vst v8  }
0xaf: {  	v5 =	vsub.f32 v5, v2;
	v8 =	vmax.f32 v19, v24;
	v18 =	vmul.f32 $2.000000030e-01, v16;
	v19 =	vld [tilespmem:s2+$0x5E0];
	[tilespmem:s15+$0x5A0] =	vst v11  }
0xb0: {  	v8 =	vsub.f32 v8, v1;
	v7 =	vmax.f32 v10, v7;
	v10 =	vmul.f32 $2.000000030e-01, v14;
	v11 =	vld [tilespmem:s2+$0x5F0];
	[tilespmem:s15+$0x590] =	vst v15  }
0xb1: {  	v5 =	vmul.f32 $1.442695020e+00, v5;
	v7 =	vsub.f32 v7, v0;
	v15 =	vmax.f32 v16, v18;
	v16 =	vld [tilespmem:s2+$0x640];
	[tilespmem:s15+$0x580] =	vst v6  }
0xb2: {  	v6 =	vmul.f32 $1.442695020e+00, v8;
	v8 =	vsub.f32 v15, v3;
	v10 =	vmax.f32 v14, v10;
	v14 =	vld [tilespmem:s2+$0x650];
	[tilespmem:s15+$0x530] =	vst v13  }
0xb3: {  	v7 =	vmul.f32 $1.442695020e+00, v7;
	v10 =	vsub.f32 v10, v2;
	v13 =	vld [tilespmem:s2+$0x660];
	(erf) = vpow2.f32 v5;
	[tilespmem:s15+$0x520] =	vst v9  }
0xb4: {  	v8 =	vmul.f32 $1.442695020e+00, v8;
	v15 =	vadd.f32 v20, v19;
	v5 =	vld [tilespmem:s2+$0x2E30];
	(erf) = vpow2.f32 v6;
	[tilespmem:s15+$0x510] =	vst v12  }
0xb5: {  	v10 =	vmul.f32 $1.442695020e+00, v10;
	v11 =	vadd.f32 v21, v11;
	v6 =	vld [tilespmem:s2+$0x2E80];
	(erf) = vpow2.f32 v7;
	[tilespmem:s15+$0x500] =	vst v4;
	s15 =	smov.u32 s2  }
.Ltmp0:
0xb6: {  	v18 =	vmul.f32 $2.000000030e-01, v15;
	v19 =	vadd.f32 v22, v16;
	v9 =	vld [tilespmem:s15+$0x2E90];
	v4 =	vpop (erf);
	(erf) = vpow2.f32 v8;
	(pc) =	sbr.rel @p1 .LBB2_3-.Ltmp0, $4  }
0xb7: {  	v16 =	vmul.f32 $2.000000030e-01, v11;
	v12 =	vadd.f32 v25, v14;
	v7 =	vld [tilespmem:s15+$0x2EA0];
	(erf) = vpow2.f32 v10  }
0xb8: {  	v10 =	vmax.f32 v15, v18;
	v18 =	vmul.f32 $2.000000030e-01, v19;
	v13 =	vadd.f32 v17, v13;
	v8 =	vld [tilespmem:s15+$0x2EB0]  }
0xb9: {  	v14 =	vsub.f32 v10, v1;
	v10 =	vmax.f32 v11, v16;
	v15 =	vmul.f32 $2.000000030e-01, v12;
	v11 =	vld [tilespmem:s15+$0x670]  }
0xba: {  	s16 =	sadd.s32 $0x800, s16;
	v16 =	vsub.f32 v10, v0;
	v18 =	vmax.f32 v19, v18;
	v17 =	vmul.f32 $2.000000030e-01, v13;
	v10 =	vld [tilespmem:s15+$0x6C0]  }
0xbb: {  	v19 =	vld [tilespmem:s15+$0x6D0];
	v18 =	vsub.f32 v18, v3;
	v12 =	vmax.f32 v12, v15  }
0xbc: {  	v20 =	vld [tilespmem:s15+$0x6E0];
	v14 =	vmul.f32 $1.442695020e+00, v14;
	v12 =	vsub.f32 v12, v2;
	v13 =	vmax.f32 v13, v17  }
0xbd: {  	v21 =	vld [tilespmem:s15+$0x6F0];
	v16 =	vmul.f32 $1.442695020e+00, v16;
	v18 =	vmul.f32 $1.442695020e+00, v18;
	v13 =	vsub.f32 v13, v1  }
0xbe: {  	v17 =	vpop (erf);
	(erf) = vpow2.f32 v14;
	v12 =	vmul.f32 $1.442695020e+00, v12;
	v5 =	vadd.f32 v5, v11  }
0xbf: {  	v22 =	vld [tilespmem:s15+$0x500];
	(erf) = vpow2.f32 v16;
	v13 =	vmul.f32 $1.442695020e+00, v13;
	v6 =	vadd.f32 v6, v10  }
0xc0: {  	v11 =	vpop (erf);
	(erf) = vpow2.f32 v18;
	v16 =	vmul.f32 $2.000000030e-01, v5  }
0xc1: {  	v9 =	vadd.f32 v9, v19;
	v7 =	vadd.f32 v7, v20;
	v18 =	vmul.f32 $2.000000030e-01, v6  }
0xc2: {  	(erf) = vpow2.f32 v12;
	v8 =	vadd.f32 v8, v21;
	v5 =	vmax.f32 v5, v16  }
0xc3: {  	v16 =	vmul.f32 $2.000000030e-01, v9;
	v6 =	vmax.f32 v6, v18;
	v18 =	vmul.f32 $2.000000030e-01, v7  }
0xc4: {  	[tilespmem:s15+$0x540] =	vst v4;
	v4 =	vmul.f32 v4, v22;
	v12 =	vpop (erf);
	(erf) = vpow2.f32 v13;
	v5 =	vsub.f32 v5, v0  }
0xc5: {  	[tilespmem:s15+$0x550] =	vst v17;
	v6 =	vsub.f32 v6, v3;
	v9 =	vmax.f32 v9, v16;
	v7 =	vmax.f32 v7, v18  }
0xc6: {  	[tilespmem:s15+$0x560] =	vst v11;
	v16 =	vmul.f32 $2.000000030e-01, v8;
	v5 =	vmul.f32 $1.442695020e+00, v5;
	v7 =	vsub.f32 v7, v1  }
0xc7: {  	v26 =	vld [tilespmem:s15+$0x5B0];
	[tilespmem:s15+$0x500] =	vst v4;
	v20 =	vpop (erf);
	v9 =	vsub.f32 v9, v2;
	v6 =	vmul.f32 $1.442695020e+00, v6  }
0xc8: {  	[tilespmem:s15+$0x570] =	vst v12;
	v27 =	vpop (erf);
	(erf) = vpow2.f32 v5;
	v7 =	vmul.f32 $1.442695020e+00, v7  }
0xc9: {  	[tilespmem:s15+$0x5C0] =	vst v20;
	v9 =	vmul.f32 $1.442695020e+00, v9  }
0xca: {  	v19 =	vld [tilespmem:s15+$0x580];
	[tilespmem:s15+$0x5D0] =	vst v27;
	v8 =	vmax.f32 v8, v16;
	v16 =	vpop (erf);
	(erf) = vpow2.f32 v6  }
0xcb: {  	[tilespmem:s15+$0x5E0] =	vst v16;
	(erf) = vpow2.f32 v9;
	v6 =	vpop (erf)  }
0xcc: {  	v23 =	vld [tilespmem:s15+$0x510];
	(erf) = vpow2.f32 v7;
	[tilespmem:s15+$0x5F0] =	vst v6;
	v6 =	vmul.f32 v6, v26;
	v7 =	vpop (erf)  }
0xcd: {  	[tilespmem:s15+$0x640] =	vst v7  }
0xce: {  	v8 =	vsub.f32 v8, v0;
	v18 =	vpop (erf);
	[tilespmem:s15+$0x5B0] =	vst v6  }
0xcf: {  	v5 =	vld [tilespmem:s15+$0x630];
	v6 =	vmul.f32 v20, v19;
	v29 =	vpop (erf);
	[tilespmem:s15+$0x650] =	vst v18  }
0xd0: {  	v8 =	vmul.f32 $1.442695020e+00, v8;
	[tilespmem:s15+$0x660] =	vst v29  }
0xd1: {  	v9 =	vld [tilespmem:s15+$0x680];
	[tilespmem:s15+$0x580] =	vst v6;
	v6 =	vmul.f32 v17, v23;
	v31 =	vpop (erf)  }
0xd2: {  	(erf) = vpow2.f32 v8;
	v8 =	vld [tilespmem:s15+$0x690];
	[tilespmem:s15+$0x670] =	vst v31  }
0xd3: {  	v10 =	vld [tilespmem:s15+$0x600];
	v32 =	vpop (erf);
	[tilespmem:s15+$0x510] =	vst v6  }
0xd4: {  	v13 =	vld [tilespmem:s15+$0x5A0];
	v5 =	vmul.f32 v31, v5;
	[tilespmem:s15+$0x6C0] =	vst v32;
	v33 =	vpop (erf)  }
0xd5: {  	[tilespmem:s15+$0x6D0] =	vst v33  }
0xd6: {  	v28 =	vld [tilespmem:s15+$0x6A0];
	v9 =	vmul.f32 v32, v9;
	v34 =	vpop (erf);
	[tilespmem:s15+$0x630] =	vst v5  }
0xd7: {  	v15 =	vld [tilespmem:s15+$0x610];
	v8 =	vmul.f32 v33, v8;
	[tilespmem:s15+$0x6E0] =	vst v34  }
0xd8: {  	v14 =	vld [tilespmem:s15+$0x620];
	v5 =	vmul.f32 v7, v10;
	[tilespmem:s15+$0x680] =	vst v9  }
0xd9: {  	v25 =	vld [tilespmem:s15+$0x590];
	v7 =	vmul.f32 v16, v13;
	[tilespmem:s15+$0x690] =	vst v8  }
0xda: {  	v24 =	vld [tilespmem:s15+$0x530];
	[tilespmem:s15+$0x600] =	vst v5  }
0xdb: {  	v30 =	vld [tilespmem:s15+$0x6B0];
	v28 =	vmul.f32 v34, v28;
	v63 =	vpop (erf);
	[tilespmem:s15+$0x5A0] =	vst v7  }
0xdc: {  	v62 =	vld [tilespmem:s15+$0x520];
	v9 =	vmul.f32 v18, v15;
	[tilespmem:s15+$0x6F0] =	vst v63  }
0xdd: {  	v8 =	vmul.f32 v29, v14;
	[tilespmem:s15+$0x6A0] =	vst v28  }
0xde: {  	v5 =	vmul.f32 v27, v25;
	[tilespmem:s15+$0x610] =	vst v9  }
0xdf: {  	v7 =	vmul.f32 v12, v24;
	[tilespmem:s15+$0x620] =	vst v8  }
0xe0: {  	v30 =	vmul.f32 v63, v30;
	[tilespmem:s15+$0x590] =	vst v5  }
0xe1: {  	v5 =	vmul.f32 v11, v62;
	[tilespmem:s15+$0x530] =	vst v7  }
0xe2: {  	[tilespmem:s15+$0x6B0] =	vst v30  }
0xe3: {  	[tilespmem:s15+$0x520] =	vst v5  }
0xe4: {  	[spmem:s1] =	stream.indirect.scatter.add.f32 [tilespmem:s25], [sflag:$0x5], $0x80, s22, s23, $0xb8;
	[tilespmem:$0x1DE00] =	vst v63  }
0xe5: {  	_ =	swait.ge [sflag:s21], $0x2800  }
0xe6: {  	[sflag:s21] =	ssyncset.done $0x0  }
0xe7: {  	[sflag:s21] =	ssyncadd.s32 $0xFFFFD800  }
0xe8: {  	_ =	swait.ge [sflag:s7], $0xA0  }
0xe9: {  	[sflag:s7] =	ssyncset.done $0x0  }
0xea: {  	[sflag:s7] =	ssyncadd.s32 $0xFFFFFF60  }
0xeb: {  	v4 =	vld [tilespmem:$0x50]  }
0xec: {  	v5 =	vld [tilespmem:$0x0];
	_ =	sdelay $0x1  }
0xed: {  	v6 =	vld [tilespmem:$0x60]  }
0xee: {  	v7 =	vld [tilespmem:$0x10]  }
0xef: {  	[tilespmem:$0x300] =	vst v4  }
0xf0: {  	[tilespmem:$0x200] =	vst v5;
	v5 =	vld [tilespmem:$0x70]  }
0xf1: {  	[tilespmem:$0x280] =	vst v4;
	v4 =	vld [tilespmem:$0x20]  }
0xf2: {  	[tilespmem:$0x310] =	vst v6  }
0xf3: {  	[tilespmem:$0x210] =	vst v7;
	v7 =	vld [tilespmem:$0x80]  }
0xf4: {  	[tilespmem:$0x290] =	vst v6;
	v6 =	vld [tilespmem:$0x30]  }
0xf5: {  	[tilespmem:$0x320] =	vst v5  }
0xf6: {  	[tilespmem:$0x220] =	vst v4;
	v4 =	vld [tilespmem:$0x90]  }
0xf7: {  	[tilespmem:$0x2A0] =	vst v5;
	v5 =	vld [tilespmem:$0x40]  }
0xf8: {  	[tilespmem:$0x330] =	vst v7  }
0xf9: {  	p1 =	seq.s32 s11, $0x3D;
	[tilespmem:$0x230] =	vst v6  }
0xfa: {  	s2 =	sadd.s32 @!p1 s14, s13;
	[tilespmem:$0x2B0] =	vst v7  }
0xfb: {  	s2 =	smul.u32 @!p1 $0x14, s2;
	[tilespmem:$0x340] =	vst v4  }
0xfc: {  	[tilespmem:$0x240] =	vst v5  }
0xfd: {  	s14 =	simm.s32 @!p1 $0x0;
	s2 =	sadd.s32 @!p1 s6, s2;
	s15 =	simm.s32 @!p1 $0x100;
	[tilespmem:$0x2C0] =	vst v4  }
0xfe: {  	[tilespmem:s15], [sflag:$0x2] =	stream.linear.gather @!p1 [hbm4b:s2+s14], $0xA0, $0x38;
	[tilespmem:$0x1DE00] =	vst v63  }
0xff: {  	_ = 	snop  }
0x100: {  	[tilespmem:s25], [sflag:$0x3] =	stream.indirect.gather [hbm4b:s4+s23], $0x80, s24, s23, $0xb8;
	[tilespmem:$0x1DE00] =	vst v63  }
0x101: {  	_ = 	snop  }
0x102: {  	[tilespmem:s28], [sflag:$0x3] =	stream.indirect.gather [hbm4b:s5+s23], $0x80, s26, s23, $0xb8;
	[tilespmem:$0x1DE00] =	vst v63  }
0x103: {  	_ =	swait.ge [sflag:s8], $0x2800  }
0x104: {  	[sflag:s8] =	ssyncset.done $0x0  }
0x105: {  	[sflag:s8] =	ssyncadd.s32 $0xFFFFD800  }
0x106: {  	_ =	swait.ge [sflag:s8], $0x2800  }
0x107: {  	[sflag:s8] =	ssyncset.done $0x0  }
0x108: {  	s14 =	simm.s32 $0x0;
	[sflag:s8] =	ssyncadd.s32 $0xFFFFD800  }
0x109: {  	v4 =	vld [tilespmem:s14+$0x7D00]  }
0x10a: {  	v5 =	vld [tilespmem:s14+$0x5540]  }
0x10b: {  	v6 =	vld [tilespmem:s14+$0x7D10]  }
0x10c: {  	v7 =	vld [tilespmem:s14+$0x7D20]  }
0x10d: {  	v8 =	vld [tilespmem:s14+$0x7D30]  }
0x10e: {  	v9 =	vld [tilespmem:s14+$0x7D80]  }
0x10f: {  	v10 =	vld [tilespmem:s14+$0x5550]  }
0x110: {  	v12 =	vld [tilespmem:s14+$0x5560];
	v4 =	vadd.f32 v4, v5  }
0x111: {  	v13 =	vld [tilespmem:s14+$0x5570]  }
0x112: {  	v14 =	vld [tilespmem:s14+$0x55D0];
	v11 =	vmul.f32 $2.000000030e-01, v4  }
0x113: {  	v5 =	vld [tilespmem:s14+$0x7D90]  }
0x114: {  	v4 =	vmax.f32 v4, v11;
	v11 =	vld [tilespmem:s14+$0x55C0];
	_ =	sdelay $0x1  }
0x115: {  	v6 =	vadd.f32 v6, v10;
	v4 =	vsub.f32 v4, v3  }
0x116: {  	v17 =	vld [tilespmem:s14+$0x55F0];
	v7 =	vadd.f32 v7, v12  }
0x117: {  	v19 =	vld [tilespmem:s14+$0x5660];
	v8 =	vadd.f32 v8, v13;
	v15 =	vmul.f32 $2.000000030e-01, v6;
	v4 =	vmul.f32 $1.442695020e+00, v4  }
0x118: {  	v10 =	vld [tilespmem:s14+$0x7DA0];
	v16 =	vmul.f32 $2.000000030e-01, v7;
	v5 =	vadd.f32 v5, v14;
	v9 =	vadd.f32 v9, v11  }
0x119: {  	v12 =	vld [tilespmem:s14+$0x7DB0];
	(erf) = vpow2.f32 v4;
	v4 =	vmax.f32 v6, v15;
	v6 =	vmul.f32 $2.000000030e-01, v8  }
0x11a: {  	v7 =	vmax.f32 v7, v16;
	v16 =	vld [tilespmem:s14+$0x55E0];
	v4 =	vsub.f32 v4, v2;
	v15 =	vmul.f32 $2.000000030e-01, v9  }
0x11b: {  	v13 =	vld [tilespmem:s14+$0x7E00];
	v7 =	vsub.f32 v7, v1;
	v6 =	vmax.f32 v8, v6;
	v8 =	vmul.f32 $2.000000030e-01, v5  }
0x11c: {  	v11 =	vld [tilespmem:s14+$0x7E10];
	v4 =	vmul.f32 $1.442695020e+00, v4;
	v6 =	vsub.f32 v6, v0;
	v9 =	vmax.f32 v9, v15  }
0x11d: {  	v7 =	vmul.f32 $1.442695020e+00, v7;
	v15 =	vld [tilespmem:s14+$0x5640];
	v5 =	vmax.f32 v5, v8;
	v9 =	vsub.f32 v9, v3  }
0x11e: {  	v8 =	vld [tilespmem:s14+$0x5650];
	v18 =	vmul.f32 $1.442695020e+00, v6;
	v6 =	vsub.f32 v5, v2;
	(erf) = vpow2.f32 v4  }
0x11f: {  	v14 =	vld [tilespmem:s14+$0x7E20];
	v10 =	vadd.f32 v10, v16;
	(erf) = vpow2.f32 v7  }
0x120: {  	v17 =	vadd.f32 v12, v17;
	v5 =	vld [tilespmem:s14+$0x7E30];
	v4 =	vmul.f32 $1.442695020e+00, v9;
	v16 =	vmul.f32 $1.442695020e+00, v6  }
0x121: {  	v7 =	vld [tilespmem:s14+$0x7EA0];
	(erf) = vpow2.f32 v18;
	v18 =	vmul.f32 $2.000000030e-01, v10  }
0x122: {  	v6 =	vld [tilespmem:s14+$0x7E80];
	v20 =	vadd.f32 v13, v15;
	(erf) = vpow2.f32 v4;
	v4 =	vmul.f32 $2.000000030e-01, v17  }
0x123: {  	v9 =	vld [tilespmem:s14+$0x7E90];
	v12 =	vadd.f32 v11, v8;
	(erf) = vpow2.f32 v16  }
0x124: {  	v10 =	vmax.f32 v10, v18;
	v13 =	vadd.f32 v14, v19;
	v8 =	vld [tilespmem:s14+$0x7EB0];
	v18 =	vmul.f32 $2.000000030e-01, v20  }
0x125: {  	v11 =	vld [tilespmem:s14+$0x5670];
	v14 =	vsub.f32 v10, v1;
	v10 =	vmax.f32 v17, v4;
	v15 =	vmul.f32 $2.000000030e-01, v12  }
0x126: {  	s15 =	simm.s32 $0x800;
	v17 =	vmul.f32 $2.000000030e-01, v13;
	v16 =	vsub.f32 v10, v0;
	v10 =	vld [tilespmem:s14+$0x56C0];
	v4 =	vpop (erf);
	v18 =	vmax.f32 v20, v18  }
.LBB2_5:
0x127: {  	p1 =	sne.s32 s15, $0x9800;
	v14 =	vmul.f32 $1.442695020e+00, v14;
	v18 =	vsub.f32 v18, v3;
	v12 =	vmax.f32 v12, v15;
	v15 =	vld [tilespmem:s14+$0x56D0]  }
0x128: {  	v16 =	vmul.f32 $1.442695020e+00, v16;
	v12 =	vsub.f32 v12, v2;
	v13 =	vmax.f32 v13, v17;
	v17 =	vld [tilespmem:s14+$0x56E0];
	v19 =	vpop (erf)  }
0x129: {  	s2 =	sshra.s32 s15, $0x2;
	v18 =	vmul.f32 $1.442695020e+00, v18;
	v13 =	vsub.f32 v13, v1;
	v20 =	vld [tilespmem:s14+$0x56F0];
	v21 =	vpop (erf);
	(erf) = vpow2.f32 v14  }
0x12a: {  	v14 =	vld [tilespmem:s2+$0x7D00];
	v12 =	vmul.f32 $1.442695020e+00, v12;
	v11 =	vadd.f32 v5, v11;
	v22 =	vpop (erf);
	(erf) = vpow2.f32 v16  }
0x12b: {  	v5 =	vld [tilespmem:s2+$0x7D10];
	v13 =	vmul.f32 $1.442695020e+00, v13;
	v6 =	vadd.f32 v6, v10;
	v10 =	vpop (erf);
	(erf) = vpow2.f32 v18  }
0x12c: {  	v16 =	vld [tilespmem:s14+$0x5500];
	v18 =	vmul.f32 $2.000000030e-01, v11;
	v9 =	vadd.f32 v9, v15;
	v15 =	vpop (erf);
	(erf) = vpow2.f32 v12  }
0x12d: {  	v12 =	vld [tilespmem:s14+$0x5510];
	v23 =	vmul.f32 $2.000000030e-01, v6;
	v7 =	vadd.f32 v7, v17;
	(erf) = vpow2.f32 v13  }
0x12e: {  	v13 =	vld [tilespmem:s14+$0x5530];
	v11 =	vmax.f32 v11, v18;
	v17 =	vmul.f32 $2.000000030e-01, v9;
	v8 =	vadd.f32 v8, v20  }
0x12f: {  	v18 =	vld [tilespmem:s14+$0x5590];
	v11 =	vsub.f32 v11, v0;
	v6 =	vmax.f32 v6, v23;
	v20 =	vmul.f32 $2.000000030e-01, v7  }
0x130: {  	v23 =	vld [tilespmem:s14+$0x55B0];
	v6 =	vsub.f32 v6, v3;
	v9 =	vmax.f32 v9, v17;
	v25 =	vmul.f32 $2.000000030e-01, v8  }
0x131: {  	v24 =	vld [tilespmem:s14+$0x5610];
	v11 =	vmul.f32 $1.442695020e+00, v11;
	v9 =	vsub.f32 v9, v2;
	v7 =	vmax.f32 v7, v20  }
0x132: {  	[tilespmem:s14+$0x5540] =	vst v4;
	v20 =	vld [tilespmem:s14+$0x5620];
	v6 =	vmul.f32 $1.442695020e+00, v6;
	v7 =	vsub.f32 v7, v1;
	v8 =	vmax.f32 v8, v25;
	v17 =	vpop (erf)  }
0x133: {  	[tilespmem:s14+$0x5550] =	vst v19;
	v25 =	vld [tilespmem:s14+$0x5600];
	v9 =	vmul.f32 $1.442695020e+00, v9;
	v8 =	vsub.f32 v8, v0;
	v26 =	vpop (erf);
	(erf) = vpow2.f32 v11  }
0x134: {  	[tilespmem:s14+$0x5560] =	vst v21;
	v11 =	vld [tilespmem:s14+$0x55A0];
	v7 =	vmul.f32 $1.442695020e+00, v7;
	v27 =	vpop (erf);
	(erf) = vpow2.f32 v6  }
0x135: {  	[tilespmem:s14+$0x5570] =	vst v22;
	v6 =	vld [tilespmem:s14+$0x5580];
	v8 =	vmul.f32 $1.442695020e+00, v8;
	v28 =	vpop (erf);
	(erf) = vpow2.f32 v9  }
0x136: {  	v9 =	vld [tilespmem:s14+$0x5520];
	[tilespmem:s14+$0x55C0] =	vst v10;
	v24 =	vmul.f32 v28, v24;
	v29 =	vpop (erf);
	(erf) = vpow2.f32 v7  }
0x137: {  	[tilespmem:s14+$0x55D0] =	vst v15;
	v7 =	vmul.f32 v29, v20;
	v20 =	vld [tilespmem:s14+$0x5630];
	(erf) = vpow2.f32 v8  }
0x138: {  	v8 =	vmul.f32 v26, v23;
	[tilespmem:s14+$0x55E0] =	vst v17;
	v23 =	vmul.f32 v27, v25;
	v25 =	vld [tilespmem:s14+$0x5680]  }
0x139: {  	v15 =	vmul.f32 v15, v18;
	v11 =	vmul.f32 v17, v11;
	[tilespmem:s14+$0x55F0] =	vst v26;
	v17 =	vld [tilespmem:s14+$0x5690]  }
0x13a: {  	v13 =	vmul.f32 v22, v13;
	v6 =	vmul.f32 v10, v6;
	[tilespmem:s14+$0x5640] =	vst v27;
	v10 =	vld [tilespmem:s14+$0x56A0]  }
0x13b: {  	v12 =	vmul.f32 v19, v12;
	v18 =	vld [tilespmem:s2+$0x5540];
	v9 =	vmul.f32 v21, v9;
	[tilespmem:s14+$0x5650] =	vst v28  }
0x13c: {  	v4 =	vmul.f32 v4, v16;
	[tilespmem:s14+$0x5660] =	vst v29;
	v16 =	vld [tilespmem:s14+$0x56B0];
	v19 =	vpop (erf)  }
0x13d: {  	v21 =	vld [tilespmem:s2+$0x7D20];
	[tilespmem:s14+$0x5670] =	vst v19;
	v19 =	vmul.f32 v19, v20;
	v20 =	vpop (erf)  }
0x13e: {  	v22 =	vld [tilespmem:s2+$0x7D30];
	[tilespmem:s14+$0x56C0] =	vst v20;
	v20 =	vmul.f32 v20, v25;
	v25 =	vpop (erf)  }
0x13f: {  	v26 =	vld [tilespmem:s2+$0x7D80];
	[tilespmem:s14+$0x56D0] =	vst v25;
	v17 =	vmul.f32 v25, v17;
	v25 =	vpop (erf)  }
0x140: {  	v14 =	vadd.f32 v14, v18;
	v18 =	vld [tilespmem:s2+$0x7D90];
	[tilespmem:s14+$0x56E0] =	vst v25;
	v10 =	vmul.f32 v25, v10;
	v25 =	vpop (erf)  }
0x141: {  	v27 =	vld [tilespmem:s2+$0x5550];
	[tilespmem:s14+$0x56F0] =	vst v25;
	v16 =	vmul.f32 v25, v16  }
0x142: {  	v25 =	vmul.f32 $2.000000030e-01, v14;
	v28 =	vld [tilespmem:s2+$0x5560];
	[tilespmem:s14+$0x56A0] =	vst v10  }
0x143: {  	v10 =	vld [tilespmem:s2+$0x5570];
	[tilespmem:s14+$0x56B0] =	vst v16  }
0x144: {  	v14 =	vmax.f32 v14, v25;
	v16 =	vld [tilespmem:s2+$0x55C0];
	[tilespmem:s14+$0x5690] =	vst v17  }
0x145: {  	v14 =	vsub.f32 v14, v3;
	v17 =	vld [tilespmem:s2+$0x55D0];
	[tilespmem:s14+$0x5680] =	vst v20  }
0x146: {  	v5 =	vadd.f32 v5, v27;
	v20 =	vld [tilespmem:s2+$0x7DA0];
	[tilespmem:s14+$0x5630] =	vst v19  }
0x147: {  	v14 =	vmul.f32 $1.442695020e+00, v14;
	v19 =	vadd.f32 v21, v28;
	v21 =	vld [tilespmem:s2+$0x7DB0];
	[tilespmem:s14+$0x5620] =	vst v7  }
0x148: {  	v7 =	vmul.f32 $2.000000030e-01, v5;
	v10 =	vadd.f32 v22, v10;
	v22 =	vld [tilespmem:s2+$0x7E00];
	[tilespmem:s14+$0x5610] =	vst v24  }
0x149: {  	v24 =	vmul.f32 $2.000000030e-01, v19;
	v16 =	vadd.f32 v26, v16;
	v25 =	vld [tilespmem:s2+$0x7E10];
	(erf) = vpow2.f32 v14;
	[tilespmem:s14+$0x5600] =	vst v23  }
0x14a: {  	v5 =	vmax.f32 v5, v7;
	v7 =	vmul.f32 $2.000000030e-01, v10;
	v14 =	vadd.f32 v18, v17;
	v17 =	vld [tilespmem:s2+$0x7E20];
	[tilespmem:s14+$0x55B0] =	vst v8  }
0x14b: {  	v5 =	vsub.f32 v5, v2;
	v8 =	vmax.f32 v19, v24;
	v18 =	vmul.f32 $2.000000030e-01, v16;
	v19 =	vld [tilespmem:s2+$0x55E0];
	[tilespmem:s14+$0x55A0] =	vst v11  }
0x14c: {  	v8 =	vsub.f32 v8, v1;
	v7 =	vmax.f32 v10, v7;
	v10 =	vmul.f32 $2.000000030e-01, v14;
	v11 =	vld [tilespmem:s2+$0x55F0];
	[tilespmem:s14+$0x5590] =	vst v15  }
0x14d: {  	v5 =	vmul.f32 $1.442695020e+00, v5;
	v7 =	vsub.f32 v7, v0;
	v15 =	vmax.f32 v16, v18;
	v16 =	vld [tilespmem:s2+$0x5640];
	[tilespmem:s14+$0x5580] =	vst v6  }
0x14e: {  	v6 =	vmul.f32 $1.442695020e+00, v8;
	v8 =	vsub.f32 v15, v3;
	v10 =	vmax.f32 v14, v10;
	v14 =	vld [tilespmem:s2+$0x5650];
	[tilespmem:s14+$0x5530] =	vst v13  }
0x14f: {  	v7 =	vmul.f32 $1.442695020e+00, v7;
	v10 =	vsub.f32 v10, v2;
	v13 =	vld [tilespmem:s2+$0x5660];
	(erf) = vpow2.f32 v5;
	[tilespmem:s14+$0x5520] =	vst v9  }
0x150: {  	v8 =	vmul.f32 $1.442695020e+00, v8;
	v15 =	vadd.f32 v20, v19;
	v5 =	vld [tilespmem:s2+$0x7E30];
	(erf) = vpow2.f32 v6;
	[tilespmem:s14+$0x5510] =	vst v12  }
0x151: {  	v10 =	vmul.f32 $1.442695020e+00, v10;
	v11 =	vadd.f32 v21, v11;
	v6 =	vld [tilespmem:s2+$0x7E80];
	(erf) = vpow2.f32 v7;
	[tilespmem:s14+$0x5500] =	vst v4;
	s14 =	smov.u32 s2  }
.Ltmp1:
0x152: {  	v18 =	vmul.f32 $2.000000030e-01, v15;
	v19 =	vadd.f32 v22, v16;
	v9 =	vld [tilespmem:s14+$0x7E90];
	v4 =	vpop (erf);
	(erf) = vpow2.f32 v8;
	(pc) =	sbr.rel @p1 .LBB2_5-.Ltmp1, $4  }
0x153: {  	v16 =	vmul.f32 $2.000000030e-01, v11;
	v12 =	vadd.f32 v25, v14;
	v7 =	vld [tilespmem:s14+$0x7EA0];
	(erf) = vpow2.f32 v10  }
0x154: {  	v10 =	vmax.f32 v15, v18;
	v18 =	vmul.f32 $2.000000030e-01, v19;
	v13 =	vadd.f32 v17, v13;
	v8 =	vld [tilespmem:s14+$0x7EB0]  }
0x155: {  	v14 =	vsub.f32 v10, v1;
	v10 =	vmax.f32 v11, v16;
	v15 =	vmul.f32 $2.000000030e-01, v12;
	v11 =	vld [tilespmem:s14+$0x5670]  }
0x156: {  	s15 =	sadd.s32 $0x800, s15;
	v16 =	vsub.f32 v10, v0;
	v18 =	vmax.f32 v19, v18;
	v17 =	vmul.f32 $2.000000030e-01, v13;
	v10 =	vld [tilespmem:s14+$0x56C0]  }
0x157: {  	v19 =	vld [tilespmem:s14+$0x56D0]  }
0x158: {  	v20 =	vld [tilespmem:s14+$0x56E0]  }
0x159: {  	v21 =	vld [tilespmem:s14+$0x56F0]  }
0x15a: {  	v23 =	vld [tilespmem:s14+$0x5510];
	v18 =	vsub.f32 v18, v3;
	v12 =	vmax.f32 v12, v15  }
0x15b: {  	v14 =	vmul.f32 $1.442695020e+00, v14;
	v47 =	vld [tilespmem:s14+$0x5580];
	v12 =	vsub.f32 v12, v2;
	v13 =	vmax.f32 v13, v17  }
0x15c: {  	v24 =	vld [tilespmem:s14+$0x5530];
	v16 =	vmul.f32 $1.442695020e+00, v16;
	v37 =	vpop (erf);
	v18 =	vmul.f32 $1.442695020e+00, v18;
	v13 =	vsub.f32 v13, v1  }
0x15d: {  	v22 =	vld [tilespmem:s14+$0x5500];
	(erf) = vpow2.f32 v14;
	v39 =	vpop (erf);
	v12 =	vmul.f32 $1.442695020e+00, v12;
	v5 =	vadd.f32 v5, v11  }
0x15e: {  	(erf) = vpow2.f32 v16;
	v42 =	vpop (erf);
	v13 =	vmul.f32 $1.442695020e+00, v13  }
0x15f: {  	[tilespmem:s14+$0x5540] =	vst v4;
	v6 =	vadd.f32 v6, v10;
	(erf) = vpow2.f32 v18;
	v48 =	vpop (erf);
	v41 =	vmul.f32 $2.000000030e-01, v5  }
0x160: {  	[tilespmem:s14+$0x5550] =	vst v37;
	v9 =	vadd.f32 v9, v19;
	(erf) = vpow2.f32 v12;
	v61 =	vmul.f32 v48, v47  }
0x161: {  	[tilespmem:s14+$0x5560] =	vst v39;
	v7 =	vadd.f32 v7, v20;
	v62 =	vmul.f32 v42, v24;
	v63 =	vmul.f32 v37, v23  }
0x162: {  	[tilespmem:s14+$0x5570] =	vst v42;
	v8 =	vadd.f32 v8, v21;
	v4 =	vmul.f32 v4, v22;
	v43 =	vmul.f32 $2.000000030e-01, v6  }
0x163: {  	v27 =	vpop (erf);
	[tilespmem:s14+$0x55C0] =	vst v48;
	(erf) = vpow2.f32 v13;
	v5 =	vmax.f32 v5, v41;
	v45 =	vmul.f32 $2.000000030e-01, v9  }
0x164: {  	[tilespmem:s14+$0x55D0] =	vst v27;
	v46 =	vmul.f32 $2.000000030e-01, v7;
	v5 =	vsub.f32 v5, v0;
	v6 =	vmax.f32 v6, v43  }
0x165: {  	v44 =	vld [tilespmem:s14+$0x55A0];
	v49 =	vmul.f32 $2.000000030e-01, v8;
	[tilespmem:s14+$0x5580] =	vst v61;
	v6 =	vsub.f32 v6, v3;
	v9 =	vmax.f32 v9, v45  }
0x166: {  	[tilespmem:s14+$0x5530] =	vst v62;
	v7 =	vmax.f32 v7, v46;
	v5 =	vmul.f32 $1.442695020e+00, v5;
	v9 =	vsub.f32 v9, v2  }
0x167: {  	v26 =	vld [tilespmem:s14+$0x55B0];
	[tilespmem:s14+$0x5510] =	vst v63;
	v7 =	vsub.f32 v7, v1;
	v6 =	vmul.f32 $1.442695020e+00, v6  }
0x168: {  	[tilespmem:s14+$0x5500] =	vst v4;
	v8 =	vmax.f32 v8, v49;
	v51 =	vpop (erf);
	v9 =	vmul.f32 $1.442695020e+00, v9;
	(erf) = vpow2.f32 v5  }
0x169: {  	v36 =	vld [tilespmem:s14+$0x5610];
	v8 =	vsub.f32 v8, v0;
	v7 =	vmul.f32 $1.442695020e+00, v7;
	[tilespmem:s14+$0x55E0] =	vst v51;
	v52 =	vpop (erf);
	(erf) = vpow2.f32 v6  }
0x16a: {  	v38 =	vld [tilespmem:s14+$0x5620];
	v60 =	vmul.f32 v51, v44;
	[tilespmem:s14+$0x55F0] =	vst v52;
	v54 =	vpop (erf);
	(erf) = vpow2.f32 v9  }
0x16b: {  	v8 =	vmul.f32 $1.442695020e+00, v8;
	[tilespmem:s14+$0x5640] =	vst v54  }
0x16c: {  	v6 =	vmul.f32 v52, v26;
	v56 =	vpop (erf);
	[tilespmem:s14+$0x55A0] =	vst v60;
	(erf) = vpow2.f32 v7  }
0x16d: {  	[tilespmem:s14+$0x5650] =	vst v56  }
0x16e: {  	v5 =	vld [tilespmem:s14+$0x5630];
	v29 =	vpop (erf);
	v59 =	vmul.f32 v56, v36;
	[tilespmem:s14+$0x55B0] =	vst v6;
	(erf) = vpow2.f32 v8  }
0x16f: {  	[tilespmem:s14+$0x5660] =	vst v29;
	v58 =	vmul.f32 v29, v38  }
0x170: {  	v53 =	vld [tilespmem:s14+$0x5680];
	[tilespmem:s14+$0x5610] =	vst v59  }
0x171: {  	[tilespmem:s14+$0x5620] =	vst v58;
	v31 =	vpop (erf)  }
0x172: {  	v55 =	vld [tilespmem:s14+$0x5690];
	[tilespmem:s14+$0x5670] =	vst v31;
	v32 =	vpop (erf)  }
0x173: {  	v40 =	vld [tilespmem:s14+$0x5600];
	v5 =	vmul.f32 v31, v5;
	[tilespmem:s14+$0x56C0] =	vst v32;
	v33 =	vpop (erf)  }
0x174: {  	v28 =	vld [tilespmem:s14+$0x56A0];
	[tilespmem:s14+$0x56D0] =	vst v33  }
0x175: {  	v25 =	vld [tilespmem:s14+$0x5590];
	v9 =	vmul.f32 v32, v53;
	v34 =	vpop (erf);
	[tilespmem:s14+$0x5630] =	vst v5  }
0x176: {  	v30 =	vld [tilespmem:s14+$0x56B0];
	[tilespmem:s14+$0x56E0] =	vst v34  }
0x177: {  	v50 =	vld [tilespmem:s14+$0x5520];
	v8 =	vmul.f32 v33, v55;
	v57 =	vpop (erf);
	[tilespmem:s14+$0x5680] =	vst v9  }
0x178: {  	v5 =	vmul.f32 v54, v40;
	[tilespmem:s14+$0x56F0] =	vst v57  }
0x179: {  	v28 =	vmul.f32 v34, v28;
	[tilespmem:s14+$0x5690] =	vst v8  }
0x17a: {  	[tilespmem:s14+$0x5600] =	vst v5;
	v5 =	vmul.f32 v27, v25  }
0x17b: {  	v30 =	vmul.f32 v57, v30;
	[tilespmem:s14+$0x56A0] =	vst v28  }
0x17c: {  	s11 =	sadd.s32 $0x1, s11;
	[tilespmem:s14+$0x5590] =	vst v5;
	v5 =	vmul.f32 v39, v50  }
0x17d: {  	p1 =	sne.s32 s11, $0x3E;
	[tilespmem:s14+$0x56B0] =	vst v30  }
.Ltmp2:
0x17e: {  	[tilespmem:s14+$0x5520] =	vst v5;
	(pc) =	sbr.rel @p1 .LBB2_2-.Ltmp2, $4  }
0x17f: {  	[spmem:s1] =	stream.indirect.scatter.add.f32 [tilespmem:s31], [sflag:$0x5], $0x80, s9, s23, $0xb8;
	[tilespmem:$0x1DE00] =	vst v63  }
0x180: {  	_ =	swait.ge [sflag:s21], $0x2800  }
0x181: {  	[sflag:s21] =	ssyncset.done $0x0  }
0x182: {  	[sflag:s21] =	ssyncadd.s32 $0xFFFFD800  }
0x183: {  	_ =	swait.ge [sflag:s20], $0x2800  }
0x184: {  	[sflag:s20] =	ssyncset.done $0x0  }
0x185: {  	[sflag:s20] =	ssyncadd.s32 $0xFFFFD800  }
0x186: {  	_ =	swait.ge [sflag:s20], $0x2800  }
0x187: {  	[sflag:s20] =	ssyncset.done $0x0  }
0x188: {  	s11 =	simm.s32 $0x0;
	[sflag:s20] =	ssyncadd.s32 $0xFFFFD800  }
0x189: {  	v4 =	vld [tilespmem:s11+$0x2D00]  }
0x18a: {  	v5 =	vld [tilespmem:s11+$0x540]  }
0x18b: {  	v6 =	vld [tilespmem:s11+$0x2D10]  }
0x18c: {  	v7 =	vld [tilespmem:s11+$0x2D20]  }
0x18d: {  	v8 =	vld [tilespmem:s11+$0x2D30]  }
0x18e: {  	v9 =	vld [tilespmem:s11+$0x2D80]  }
0x18f: {  	v10 =	vld [tilespmem:s11+$0x550]  }
0x190: {  	v12 =	vld [tilespmem:s11+$0x560];
	v4 =	vadd.f32 v4, v5  }
0x191: {  	v13 =	vld [tilespmem:s11+$0x570]  }
0x192: {  	v14 =	vld [tilespmem:s11+$0x5D0];
	v11 =	vmul.f32 $2.000000030e-01, v4  }
0x193: {  	v5 =	vld [tilespmem:s11+$0x2D90]  }
0x194: {  	v4 =	vmax.f32 v4, v11;
	v11 =	vld [tilespmem:s11+$0x5C0];
	_ =	sdelay $0x1  }
0x195: {  	v6 =	vadd.f32 v6, v10;
	v4 =	vsub.f32 v4, v3  }
0x196: {  	v17 =	vld [tilespmem:s11+$0x5F0];
	v7 =	vadd.f32 v7, v12  }
0x197: {  	v19 =	vld [tilespmem:s11+$0x660];
	v8 =	vadd.f32 v8, v13;
	v15 =	vmul.f32 $2.000000030e-01, v6;
	v4 =	vmul.f32 $1.442695020e+00, v4  }
0x198: {  	v10 =	vld [tilespmem:s11+$0x2DA0];
	v16 =	vmul.f32 $2.000000030e-01, v7;
	v5 =	vadd.f32 v5, v14;
	v9 =	vadd.f32 v9, v11  }
0x199: {  	v12 =	vld [tilespmem:s11+$0x2DB0];
	(erf) = vpow2.f32 v4;
	v4 =	vmax.f32 v6, v15;
	v6 =	vmul.f32 $2.000000030e-01, v8  }
0x19a: {  	v7 =	vmax.f32 v7, v16;
	v16 =	vld [tilespmem:s11+$0x5E0];
	v4 =	vsub.f32 v4, v2;
	v15 =	vmul.f32 $2.000000030e-01, v9  }
0x19b: {  	v13 =	vld [tilespmem:s11+$0x2E00];
	v7 =	vsub.f32 v7, v1;
	v6 =	vmax.f32 v8, v6;
	v8 =	vmul.f32 $2.000000030e-01, v5  }
0x19c: {  	v11 =	vld [tilespmem:s11+$0x2E10];
	v4 =	vmul.f32 $1.442695020e+00, v4;
	v6 =	vsub.f32 v6, v0;
	v9 =	vmax.f32 v9, v15  }
0x19d: {  	v7 =	vmul.f32 $1.442695020e+00, v7;
	v15 =	vld [tilespmem:s11+$0x640];
	v5 =	vmax.f32 v5, v8;
	v9 =	vsub.f32 v9, v3  }
0x19e: {  	v8 =	vld [tilespmem:s11+$0x650];
	v18 =	vmul.f32 $1.442695020e+00, v6;
	v6 =	vsub.f32 v5, v2;
	(erf) = vpow2.f32 v4  }
0x19f: {  	v14 =	vld [tilespmem:s11+$0x2E20];
	v10 =	vadd.f32 v10, v16;
	(erf) = vpow2.f32 v7  }
0x1a0: {  	v17 =	vadd.f32 v12, v17;
	v5 =	vld [tilespmem:s11+$0x2E30];
	v4 =	vmul.f32 $1.442695020e+00, v9;
	v16 =	vmul.f32 $1.442695020e+00, v6  }
0x1a1: {  	v7 =	vld [tilespmem:s11+$0x2EA0];
	(erf) = vpow2.f32 v18;
	v18 =	vmul.f32 $2.000000030e-01, v10  }
0x1a2: {  	v6 =	vld [tilespmem:s11+$0x2E80];
	v20 =	vadd.f32 v13, v15;
	(erf) = vpow2.f32 v4;
	v4 =	vmul.f32 $2.000000030e-01, v17  }
0x1a3: {  	v9 =	vld [tilespmem:s11+$0x2E90];
	v12 =	vadd.f32 v11, v8;
	(erf) = vpow2.f32 v16  }
0x1a4: {  	v10 =	vmax.f32 v10, v18;
	v13 =	vadd.f32 v14, v19;
	v8 =	vld [tilespmem:s11+$0x2EB0];
	v18 =	vmul.f32 $2.000000030e-01, v20  }
0x1a5: {  	v11 =	vld [tilespmem:s11+$0x670];
	v14 =	vsub.f32 v10, v1;
	v10 =	vmax.f32 v17, v4;
	v15 =	vmul.f32 $2.000000030e-01, v12  }
0x1a6: {  	s14 =	simm.s32 $0x800;
	v17 =	vmul.f32 $2.000000030e-01, v13;
	v16 =	vsub.f32 v10, v0;
	v10 =	vld [tilespmem:s11+$0x6C0];
	v4 =	vpop (erf);
	v18 =	vmax.f32 v20, v18  }
.LBB2_8:
0x1a7: {  	p1 =	sne.s32 s14, $0x9800;
	v14 =	vmul.f32 $1.442695020e+00, v14;
	v18 =	vsub.f32 v18, v3;
	v12 =	vmax.f32 v12, v15;
	v15 =	vld [tilespmem:s11+$0x6D0]  }
0x1a8: {  	v16 =	vmul.f32 $1.442695020e+00, v16;
	v12 =	vsub.f32 v12, v2;
	v13 =	vmax.f32 v13, v17;
	v17 =	vld [tilespmem:s11+$0x6E0];
	v19 =	vpop (erf)  }
0x1a9: {  	s2 =	sshra.s32 s14, $0x2;
	v18 =	vmul.f32 $1.442695020e+00, v18;
	v13 =	vsub.f32 v13, v1;
	v20 =	vld [tilespmem:s11+$0x6F0];
	v21 =	vpop (erf);
	(erf) = vpow2.f32 v14  }
0x1aa: {  	v14 =	vld [tilespmem:s2+$0x2D00];
	v12 =	vmul.f32 $1.442695020e+00, v12;
	v11 =	vadd.f32 v5, v11;
	v22 =	vpop (erf);
	(erf) = vpow2.f32 v16  }
0x1ab: {  	v5 =	vld [tilespmem:s2+$0x2D10];
	v13 =	vmul.f32 $1.442695020e+00, v13;
	v6 =	vadd.f32 v6, v10;
	v10 =	vpop (erf);
	(erf) = vpow2.f32 v18  }
0x1ac: {  	v16 =	vld [tilespmem:s11+$0x500];
	v18 =	vmul.f32 $2.000000030e-01, v11;
	v9 =	vadd.f32 v9, v15;
	v15 =	vpop (erf);
	(erf) = vpow2.f32 v12  }
0x1ad: {  	v12 =	vld [tilespmem:s11+$0x510];
	v23 =	vmul.f32 $2.000000030e-01, v6;
	v7 =	vadd.f32 v7, v17;
	(erf) = vpow2.f32 v13  }
0x1ae: {  	v13 =	vld [tilespmem:s11+$0x530];
	v11 =	vmax.f32 v11, v18;
	v17 =	vmul.f32 $2.000000030e-01, v9;
	v8 =	vadd.f32 v8, v20  }
0x1af: {  	v18 =	vld [tilespmem:s11+$0x590];
	v11 =	vsub.f32 v11, v0;
	v6 =	vmax.f32 v6, v23;
	v20 =	vmul.f32 $2.000000030e-01, v7  }
0x1b0: {  	v23 =	vld [tilespmem:s11+$0x5B0];
	v6 =	vsub.f32 v6, v3;
	v9 =	vmax.f32 v9, v17;
	v25 =	vmul.f32 $2.000000030e-01, v8  }
0x1b1: {  	v24 =	vld [tilespmem:s11+$0x610];
	v11 =	vmul.f32 $1.442695020e+00, v11;
	v9 =	vsub.f32 v9, v2;
	v7 =	vmax.f32 v7, v20  }
0x1b2: {  	[tilespmem:s11+$0x540] =	vst v4;
	v20 =	vld [tilespmem:s11+$0x620];
	v6 =	vmul.f32 $1.442695020e+00, v6;
	v7 =	vsub.f32 v7, v1;
	v8 =	vmax.f32 v8, v25;
	v17 =	vpop (erf)  }
0x1b3: {  	[tilespmem:s11+$0x550] =	vst v19;
	v25 =	vld [tilespmem:s11+$0x600];
	v9 =	vmul.f32 $1.442695020e+00, v9;
	v8 =	vsub.f32 v8, v0;
	v26 =	vpop (erf);
	(erf) = vpow2.f32 v11  }
0x1b4: {  	[tilespmem:s11+$0x560] =	vst v21;
	v11 =	vld [tilespmem:s11+$0x5A0];
	v7 =	vmul.f32 $1.442695020e+00, v7;
	v27 =	vpop (erf);
	(erf) = vpow2.f32 v6  }
0x1b5: {  	[tilespmem:s11+$0x570] =	vst v22;
	v6 =	vld [tilespmem:s11+$0x580];
	v8 =	vmul.f32 $1.442695020e+00, v8;
	v28 =	vpop (erf);
	(erf) = vpow2.f32 v9  }
0x1b6: {  	v9 =	vld [tilespmem:s11+$0x520];
	[tilespmem:s11+$0x5C0] =	vst v10;
	v24 =	vmul.f32 v28, v24;
	v29 =	vpop (erf);
	(erf) = vpow2.f32 v7  }
0x1b7: {  	[tilespmem:s11+$0x5D0] =	vst v15;
	v7 =	vmul.f32 v29, v20;
	v20 =	vld [tilespmem:s11+$0x630];
	(erf) = vpow2.f32 v8  }
0x1b8: {  	v8 =	vmul.f32 v26, v23;
	[tilespmem:s11+$0x5E0] =	vst v17;
	v23 =	vmul.f32 v27, v25;
	v25 =	vld [tilespmem:s11+$0x680]  }
0x1b9: {  	v15 =	vmul.f32 v15, v18;
	v11 =	vmul.f32 v17, v11;
	[tilespmem:s11+$0x5F0] =	vst v26;
	v17 =	vld [tilespmem:s11+$0x690]  }
0x1ba: {  	v13 =	vmul.f32 v22, v13;
	v6 =	vmul.f32 v10, v6;
	[tilespmem:s11+$0x640] =	vst v27;
	v10 =	vld [tilespmem:s11+$0x6A0]  }
0x1bb: {  	v12 =	vmul.f32 v19, v12;
	v18 =	vld [tilespmem:s2+$0x540];
	v9 =	vmul.f32 v21, v9;
	[tilespmem:s11+$0x650] =	vst v28  }
0x1bc: {  	v4 =	vmul.f32 v4, v16;
	[tilespmem:s11+$0x660] =	vst v29;
	v16 =	vld [tilespmem:s11+$0x6B0];
	v19 =	vpop (erf)  }
0x1bd: {  	v21 =	vld [tilespmem:s2+$0x2D20];
	[tilespmem:s11+$0x670] =	vst v19;
	v19 =	vmul.f32 v19, v20;
	v20 =	vpop (erf)  }
0x1be: {  	v22 =	vld [tilespmem:s2+$0x2D30];
	[tilespmem:s11+$0x6C0] =	vst v20;
	v20 =	vmul.f32 v20, v25;
	v25 =	vpop (erf)  }
0x1bf: {  	v26 =	vld [tilespmem:s2+$0x2D80];
	[tilespmem:s11+$0x6D0] =	vst v25;
	v17 =	vmul.f32 v25, v17;
	v25 =	vpop (erf)  }
0x1c0: {  	v14 =	vadd.f32 v14, v18;
	v18 =	vld [tilespmem:s2+$0x2D90];
	[tilespmem:s11+$0x6E0] =	vst v25;
	v10 =	vmul.f32 v25, v10;
	v25 =	vpop (erf)  }
0x1c1: {  	v27 =	vld [tilespmem:s2+$0x550];
	[tilespmem:s11+$0x6F0] =	vst v25;
	v16 =	vmul.f32 v25, v16  }
0x1c2: {  	v25 =	vmul.f32 $2.000000030e-01, v14;
	v28 =	vld [tilespmem:s2+$0x560];
	[tilespmem:s11+$0x6A0] =	vst v10  }
0x1c3: {  	v10 =	vld [tilespmem:s2+$0x570];
	[tilespmem:s11+$0x6B0] =	vst v16  }
0x1c4: {  	v14 =	vmax.f32 v14, v25;
	v16 =	vld [tilespmem:s2+$0x5C0];
	[tilespmem:s11+$0x690] =	vst v17  }
0x1c5: {  	v14 =	vsub.f32 v14, v3;
	v17 =	vld [tilespmem:s2+$0x5D0];
	[tilespmem:s11+$0x680] =	vst v20  }
0x1c6: {  	v5 =	vadd.f32 v5, v27;
	v20 =	vld [tilespmem:s2+$0x2DA0];
	[tilespmem:s11+$0x630] =	vst v19  }
0x1c7: {  	v14 =	vmul.f32 $1.442695020e+00, v14;
	v19 =	vadd.f32 v21, v28;
	v21 =	vld [tilespmem:s2+$0x2DB0];
	[tilespmem:s11+$0x620] =	vst v7  }
0x1c8: {  	v7 =	vmul.f32 $2.000000030e-01, v5;
	v10 =	vadd.f32 v22, v10;
	v22 =	vld [tilespmem:s2+$0x2E00];
	[tilespmem:s11+$0x610] =	vst v24  }
0x1c9: {  	v24 =	vmul.f32 $2.000000030e-01, v19;
	v16 =	vadd.f32 v26, v16;
	v25 =	vld [tilespmem:s2+$0x2E10];
	(erf) = vpow2.f32 v14;
	[tilespmem:s11+$0x600] =	vst v23  }
0x1ca: {  	v5 =	vmax.f32 v5, v7;
	v7 =	vmul.f32 $2.000000030e-01, v10;
	v14 =	vadd.f32 v18, v17;
	v17 =	vld [tilespmem:s2+$0x2E20];
	[tilespmem:s11+$0x5B0] =	vst v8  }
0x1cb: {  	v5 =	vsub.f32 v5, v2;
	v8 =	vmax.f32 v19, v24;
	v18 =	vmul.f32 $2.000000030e-01, v16;
	v19 =	vld [tilespmem:s2+$0x5E0];
	[tilespmem:s11+$0x5A0] =	vst v11  }
0x1cc: {  	v8 =	vsub.f32 v8, v1;
	v7 =	vmax.f32 v10, v7;
	v10 =	vmul.f32 $2.000000030e-01, v14;
	v11 =	vld [tilespmem:s2+$0x5F0];
	[tilespmem:s11+$0x590] =	vst v15  }
0x1cd: {  	v5 =	vmul.f32 $1.442695020e+00, v5;
	v7 =	vsub.f32 v7, v0;
	v15 =	vmax.f32 v16, v18;
	v16 =	vld [tilespmem:s2+$0x640];
	[tilespmem:s11+$0x580] =	vst v6  }
0x1ce: {  	v6 =	vmul.f32 $1.442695020e+00, v8;
	v8 =	vsub.f32 v15, v3;
	v10 =	vmax.f32 v14, v10;
	v14 =	vld [tilespmem:s2+$0x650];
	[tilespmem:s11+$0x530] =	vst v13  }
0x1cf: {  	v7 =	vmul.f32 $1.442695020e+00, v7;
	v10 =	vsub.f32 v10, v2;
	v13 =	vld [tilespmem:s2+$0x660];
	(erf) = vpow2.f32 v5;
	[tilespmem:s11+$0x520] =	vst v9  }
0x1d0: {  	v8 =	vmul.f32 $1.442695020e+00, v8;
	v15 =	vadd.f32 v20, v19;
	v5 =	vld [tilespmem:s2+$0x2E30];
	(erf) = vpow2.f32 v6;
	[tilespmem:s11+$0x510] =	vst v12  }
0x1d1: {  	v10 =	vmul.f32 $1.442695020e+00, v10;
	v11 =	vadd.f32 v21, v11;
	v6 =	vld [tilespmem:s2+$0x2E80];
	(erf) = vpow2.f32 v7;
	[tilespmem:s11+$0x500] =	vst v4;
	s11 =	smov.u32 s2  }
.Ltmp3:
0x1d2: {  	v18 =	vmul.f32 $2.000000030e-01, v15;
	v19 =	vadd.f32 v22, v16;
	v9 =	vld [tilespmem:s11+$0x2E90];
	v4 =	vpop (erf);
	(erf) = vpow2.f32 v8;
	(pc) =	sbr.rel @p1 .LBB2_8-.Ltmp3, $4  }
0x1d3: {  	v16 =	vmul.f32 $2.000000030e-01, v11;
	v12 =	vadd.f32 v25, v14;
	v7 =	vld [tilespmem:s11+$0x2EA0];
	(erf) = vpow2.f32 v10  }
0x1d4: {  	v10 =	vmax.f32 v15, v18;
	v18 =	vmul.f32 $2.000000030e-01, v19;
	v13 =	vadd.f32 v17, v13;
	v8 =	vld [tilespmem:s11+$0x2EB0]  }
0x1d5: {  	v14 =	vsub.f32 v10, v1;
	v10 =	vmax.f32 v11, v16;
	v15 =	vmul.f32 $2.000000030e-01, v12;
	v11 =	vld [tilespmem:s11+$0x670]  }
0x1d6: {  	s14 =	sadd.s32 $0x800, s14;
	v16 =	vsub.f32 v10, v0;
	v18 =	vmax.f32 v19, v18;
	v17 =	vmul.f32 $2.000000030e-01, v13;
	v10 =	vld [tilespmem:s11+$0x6C0]  }
0x1d7: {  	v19 =	vld [tilespmem:s11+$0x6D0];
	v12 =	vmax.f32 v12, v15  }
0x1d8: {  	v20 =	vld [tilespmem:s11+$0x6E0];
	v14 =	vmul.f32 $1.442695020e+00, v14;
	v12 =	vsub.f32 v12, v2  }
0x1d9: {  	v18 =	vsub.f32 v18, v3;
	v16 =	vmul.f32 $1.442695020e+00, v16  }
0x1da: {  	v13 =	vmax.f32 v13, v17;
	v17 =	vpop (erf);
	(erf) = vpow2.f32 v14;
	v12 =	vmul.f32 $1.442695020e+00, v12  }
0x1db: {  	v24 =	vld [tilespmem:s11+$0x530];
	v18 =	vmul.f32 $1.442695020e+00, v18  }
0x1dc: {  	[tilespmem:s11+$0x540] =	vst v4;
	v36 =	vld [tilespmem:s11+$0x520];
	v13 =	vsub.f32 v13, v1;
	(erf) = vpow2.f32 v16;
	v9 =	vadd.f32 v9, v19  }
0x1dd: {  	v21 =	vld [tilespmem:s11+$0x6F0];
	[tilespmem:s11+$0x550] =	vst v17;
	v5 =	vadd.f32 v5, v11;
	v11 =	vpop (erf);
	(erf) = vpow2.f32 v18;
	v7 =	vadd.f32 v7, v20  }
0x1de: {  	v25 =	vld [tilespmem:s11+$0x590];
	[tilespmem:s11+$0x560] =	vst v11;
	(erf) = vpow2.f32 v12;
	v12 =	vpop (erf);
	v60 =	vmul.f32 $2.000000030e-01, v9  }
0x1df: {  	v13 =	vmul.f32 $1.442695020e+00, v13;
	v6 =	vadd.f32 v6, v10;
	v61 =	vmul.f32 $2.000000030e-01, v7;
	[tilespmem:s11+$0x570] =	vst v12;
	v63 =	vpop (erf)  }
0x1e0: {  	v57 =	vmul.f32 $2.000000030e-01, v5;
	v34 =	vmax.f32 v9, v60;
	v37 =	vpop (erf);
	[tilespmem:s11+$0x5C0] =	vst v63;
	v60 =	vmul.f32 v12, v24  }
0x1e1: {  	v59 =	vld [tilespmem:s11+$0x5A0];
	v58 =	vmul.f32 $2.000000030e-01, v6;
	v39 =	vmax.f32 v7, v61;
	v61 =	vmul.f32 v11, v36;
	[tilespmem:s11+$0x5D0] =	vst v37  }
0x1e2: {  	v62 =	vld [tilespmem:s11+$0x580];
	v8 =	vadd.f32 v8, v21;
	(erf) = vpow2.f32 v13;
	v5 =	vmax.f32 v5, v57;
	[tilespmem:s11+$0x530] =	vst v60  }
0x1e3: {  	v23 =	vld [tilespmem:s11+$0x510];
	v5 =	vsub.f32 v5, v0;
	v6 =	vmax.f32 v6, v58;
	v58 =	vmul.f32 v37, v25;
	v42 =	vpop (erf);
	[tilespmem:s11+$0x520] =	vst v61  }
0x1e4: {  	v22 =	vld [tilespmem:s11+$0x500];
	v33 =	vsub.f32 v6, v3;
	[tilespmem:s11+$0x5E0] =	vst v42  }
0x1e5: {  	v35 =	vmul.f32 $2.000000030e-01, v8;
	v5 =	vmul.f32 $1.442695020e+00, v5;
	v38 =	vsub.f32 v34, v2;
	v45 =	vpop (erf);
	[tilespmem:s11+$0x590] =	vst v58  }
0x1e6: {  	v3 =	vmul.f32 $1.442695020e+00, v33;
	v57 =	vmul.f32 v42, v59;
	[tilespmem:s11+$0x5F0] =	vst v45;
	v47 =	vpop (erf)  }
0x1e7: {  	v56 =	vld [tilespmem:s11+$0x600];
	v41 =	vmax.f32 v8, v35;
	v2 =	vmul.f32 $1.442695020e+00, v38;
	v59 =	vmul.f32 v63, v62;
	[tilespmem:s11+$0x640] =	vst v47  }
0x1e8: {  	v26 =	vld [tilespmem:s11+$0x5B0];
	v40 =	vsub.f32 v39, v1;
	(erf) = vpow2.f32 v5;
	v62 =	vmul.f32 v17, v23;
	[tilespmem:s11+$0x5A0] =	vst v57  }
0x1e9: {  	v55 =	vld [tilespmem:s11+$0x620];
	v43 =	vsub.f32 v41, v0;
	v63 =	vmul.f32 v4, v22;
	(erf) = vpow2.f32 v3;
	[tilespmem:s11+$0x580] =	vst v59  }
0x1ea: {  	v15 =	vld [tilespmem:s11+$0x610];
	v1 =	vmul.f32 $1.442695020e+00, v40;
	(erf) = vpow2.f32 v2;
	[tilespmem:s11+$0x510] =	vst v62  }
0x1eb: {  	v0 =	vmul.f32 $1.442695020e+00, v43;
	v49 =	vpop (erf);
	[tilespmem:s11+$0x500] =	vst v63  }
0x1ec: {  	(erf) = vpow2.f32 v1;
	[tilespmem:s11+$0x650] =	vst v49;
	v1 =	vmul.f32 v47, v56;
	v51 =	vpop (erf)  }
0x1ed: {  	v56 =	vmul.f32 v45, v26;
	[tilespmem:s11+$0x660] =	vst v51  }
0x1ee: {  	v44 =	vld [tilespmem:s11+$0x630];
	(erf) = vpow2.f32 v0;
	v54 =	vmul.f32 v51, v55;
	[tilespmem:s11+$0x600] =	vst v1  }
0x1ef: {  	v55 =	vmul.f32 v49, v15;
	[tilespmem:s11+$0x5B0] =	vst v56  }
0x1f0: {  	v46 =	vld [tilespmem:s11+$0x680];
	[tilespmem:s11+$0x620] =	vst v54  }
0x1f1: {  	[tilespmem:s11+$0x610] =	vst v55;
	v27 =	vpop (erf)  }
0x1f2: {  	v48 =	vld [tilespmem:s11+$0x690];
	[tilespmem:s11+$0x670] =	vst v27;
	v28 =	vpop (erf)  }
0x1f3: {  	v50 =	vld [tilespmem:s11+$0x6A0];
	v5 =	vmul.f32 v27, v44;
	[tilespmem:s11+$0x6C0] =	vst v28;
	v29 =	vpop (erf)  }
0x1f4: {  	v52 =	vld [tilespmem:s11+$0x6B0];
	[tilespmem:s11+$0x6D0] =	vst v29  }
0x1f5: {  	v2 =	vmul.f32 v28, v46;
	v30 =	vpop (erf);
	[tilespmem:s11+$0x630] =	vst v5  }
0x1f6: {  	[tilespmem:s11+$0x6E0] =	vst v30  }
0x1f7: {  	v0 =	vmul.f32 v29, v48;
	v53 =	vpop (erf);
	[tilespmem:s11+$0x680] =	vst v2  }
0x1f8: {  	v8 =	vmul.f32 v30, v50;
	[tilespmem:s11+$0x6F0] =	vst v53  }
0x1f9: {  	v18 =	vmul.f32 v53, v52;
	[tilespmem:s11+$0x690] =	vst v0  }
0x1fa: {  	[tilespmem:s11+$0x6A0] =	vst v8  }
0x1fb: {  	[tilespmem:s11+$0x6B0] =	vst v18  }
0x1fc: {  	[spmem:s1] =	stream.indirect.scatter.add.f32 [tilespmem:s25], [sflag:$0x5], $0x80, s22, s23, $0xb8;
	[tilespmem:$0x1DE00] =	vst v63  }
0x1fd: {  	_ =	swait.ge [sflag:s21], $0x2800  }
0x1fe: {  	[sflag:s21] =	ssyncset.done $0x0  }
0x1ff: {  	[sflag:s21] =	ssyncadd.s32 $0xFFFFD800  }
0x200: {  	[bflag:$0x0] =	sbarrier.arrive $0xFFFF  }
0x201: {  	s2 =	simm.s32 @p0 $0x1FC5;
	s11 =	rddreg [dreg:$0xa]  }
0x202: {  	[hbm:s11], [sflag:s2] =	dma.local @p0 [spmem:s17], $0x2080  }
0x203: {  	s2 =	simm.s32 @p0 $0x5  }
0x204: {  	_ =	swait.ge @p0 [sflag:s2], $0x2080  }
0x205: {  	[sflag:s2] =	ssyncset.done @p0 $0x0  }
0x206: {  	[sflag:s2] =	ssyncadd.s32 @p0 $0xFFFFDF80;
	s2 =	rddreg [dreg:$0x9]  }
0x207: {  	[hbm:s2], [sflag:s18] =	dma.local @!p0 [spmem:s19], $0x2780  }
0x208: {  	s2 =	simm.s32 @!p0 $0x5  }
0x209: {  	_ =	swait.ge @!p0 [sflag:s2], $0x2780  }
0x20a: {  	s10 =	sadd.s32 $0x1, s10;
	s16 =	rddreg [dreg:$0xb]  }
0x20b: {  	p1 =	sne.s32 s10, s16  }
.Ltmp4:
0x20c: {  	_ = 	snop;
	(pc) =	sbr.rel @p1 .LBB2_1-.Ltmp4, $3  }
0x20d: {  	_ =	sdelay $0x1  }
0x20e: {  	[sflag:s2] =	ssyncset.done @!p0 $0x0  }
0x20f: {  	[sflag:s2] =	ssyncadd.s32 @!p0 $0xFFFFD880  }
0x210: {  	_ =	sfence.sel $0x180000  }
0x211: {  	[bflag:$0x0] =	sbarrier.arrive $0xFFFF  }
0x212: {  	_ =	strace $0x90000047  }
0x213: {  	s0 =	stileid.u32;
	[bflag:$0x2] =	sbarrier.arrive $0xFFFF  }
0x214: {  	p0 =	sne.s32 s0, $0x0;
	s0 =	rddreg [dreg:$0x3]  }
0x215: {  	s0 =	sadd.s32 @!p0 $0x100000, s0  }
0x216: {  	[sflag:s0] =	ssyncadd.tile.s32 @!p0 $0x1;
	_ =	shalt  }
.Lfunc_end2:
_tile_overlayer_lowered:
.L_overlay_start_2:
0x217: {  	(tag) =	ssettag $0x2  }
0x218: {  	s0 =	rddreg [dreg:$0x0];
	s2 =	stileid.u32  }
0x219: {  	s1 =	rddreg [dreg:$0x1];
	p0 =	sne.s32 s2, $0x0  }
0x21a: {  	s3 =	rddreg [dreg:$0x2];
	[bflag:$0x3] =	sbarrier.arrive $0xFFFF;
	s2 =	simm.s32 @!p0 $0x1C05  }
0x21b: {  	[timem:s3], [sflag:s2] =	dma.local @!p0 [hbm:s0], s1  }
0x21c: {  	s0 =	simm.s32 @!p0 $0x5  }
0x21d: {  	_ =	swait.ge @!p0 [sflag:s0], s1  }
0x21e: {  	s1 =	ssub.s32 @!p0 $0x0, s1;
	[sflag:s0] =	ssyncset.done @!p0 $0x0  }
0x21f: {  	[sflag:s0] =	ssyncadd.s32 @!p0 s1  }
0x220: {  	[bflag:$0x3] =	sbarrier.arrive $0xFFFF  }
0x221: {  	_ =	shalt  }

</sc_bundles>
